<compile_context>
chip_gen: v7x
topology: tpu7x:2x2x1
jax: 0.10.2.dev20260603
libtpu: 0.0.44.dev20260713+nightly
codegen_flags: <defaults>
</compile_context>

<pallas_src>
import jax
import jax.numpy as jnp
from jax import lax
from jax.experimental import pallas as pl
from jax.experimental.pallas import tpu as pltpu
from jax.experimental.pallas import tpu_sc as plsc

S = 2048
H = 2048
NE = 64
TOPK = 2
DFF = 512
SFF = 1024

TM = 64
PAIRS = S * TOPK
NT = PAIRS // TM + NE
PADDED = NT * TM
_LANES = 16

TOK_TILE = 256
_VMEM = pltpu.CompilerParams(vmem_limit_bytes=100 * 1024 * 1024)


def _gate_kernel(x_ref, gw_ref, w_ref, i_ref):
    x = x_ref[...]
    logits = jax.lax.dot_general(
        x, gw_ref[...], (((1,), (1,)), ((), ())),
        preferred_element_type=jnp.float32)
    m = jnp.max(logits, axis=1, keepdims=True)
    e = jnp.exp(logits - m)
    p = e / jnp.sum(e, axis=1, keepdims=True)
    ii = jax.lax.broadcasted_iota(jnp.int32, p.shape, 1)
    m1 = jnp.max(p, axis=1, keepdims=True)
    i1 = jnp.min(jnp.where(p == m1, ii, NE), axis=1, keepdims=True)
    p2 = jnp.where(ii == i1, -1.0, p)
    m2 = jnp.max(p2, axis=1, keepdims=True)
    i2 = jnp.min(jnp.where(p2 == m2, ii, NE), axis=1, keepdims=True)
    denom = m1 + m2 + 1e-20
    w_ref[...] = jnp.concatenate([m1 / denom, m2 / denom], axis=1)
    i_ref[...] = jnp.concatenate([i1, i2], axis=1)


def _sc_at(ref, i):
    return ref[pl.ds(i, _LANES)][0]


def _layout_sc(tok_hbm, w_hbm, cnt_hbm, roff_hbm, poff_hbm,
               st_out, sw_out,
               tsv, wsv, stv, swv, cntv, roffv, poffv):
    c = lax.axis_index("c")
    s_ = lax.axis_index("s")

    @pl.when(jnp.logical_and(c == 0, s_ == 0))
    def _():
        pltpu.sync_copy(tok_hbm, tsv.at[pl.ds(0, PAIRS)])
        pltpu.sync_copy(w_hbm, wsv.at[pl.ds(0, PAIRS)])
        pltpu.sync_copy(cnt_hbm, cntv.at[pl.ds(0, NE)])
        pltpu.sync_copy(roff_hbm, roffv.at[pl.ds(0, NE)])
        pltpu.sync_copy(poff_hbm, poffv.at[pl.ds(0, NE)])

        def per_expert(e, _):
            ce = _sc_at(cntv, e)
            s0 = _sc_at(roffv, e)
            d0 = _sc_at(poffv, e)
            nfull = ce // _LANES

            def cp(k, _2):
                o = k * _LANES
                stv[pl.ds(d0 + o, _LANES)] = tsv[pl.ds(s0 + o, _LANES)]
                swv[pl.ds(d0 + o, _LANES)] = wsv[pl.ds(s0 + o, _LANES)]
                return 0
            lax.fori_loop(0, nfull, cp, 0)

            rem = ce - nfull * _LANES

            @pl.when(jnp.logical_and(rem > 0, ce >= _LANES))
            def _t1():
                o = ce - _LANES
                stv[pl.ds(d0 + o, _LANES)] = tsv[pl.ds(s0 + o, _LANES)]
                swv[pl.ds(d0 + o, _LANES)] = wsv[pl.ds(s0 + o, _LANES)]

            @pl.when(jnp.logical_and(rem > 0, ce < _LANES))
            def _t2():
                stv[pl.ds(d0, _LANES)] = tsv[pl.ds(s0, _LANES)]
                swv[pl.ds(d0, _LANES)] = wsv[pl.ds(s0, _LANES)]
            return 0

        lax.fori_loop(0, NE, per_expert, 0)

        pltpu.sync_copy(stv.at[pl.ds(0, PADDED)], st_out)
        pltpu.sync_copy(swv.at[pl.ds(0, PADDED)], sw_out)


def _moe_kernel(nu_ref, te_ref, se_ref, st_ref, sw_ref,
                x_ref, g_ref, u_ref, d_ref, out_ref, xs, ys):
    i = pl.program_id(0)

    @pl.when(i == 0)
    def _():
        out_ref[...] = jnp.zeros_like(out_ref)

    @pl.when(i < nu_ref[0])
    def _():
        base = i * TM
        send = se_ref[i]
        for j in range(TM):
            tok = jnp.clip(st_ref[base + j], 0, S - 1)
            xs[j, :] = x_ref[tok, :]
        xv = xs[...]
        a = jax.lax.dot_general(xv, g_ref[0], (((1,), (1,)), ((), ())),
                                preferred_element_type=jnp.float32)
        b = jax.lax.dot_general(xv, u_ref[0], (((1,), (1,)), ((), ())),
                                preferred_element_type=jnp.float32)
        h1 = (a * jax.nn.sigmoid(a)) * b
        ys[...] = jax.lax.dot_general(h1, d_ref[0], (((1,), (1,)), ((), ())),
                                      preferred_element_type=jnp.float32)
        for j in range(TM):
            tok = jnp.clip(st_ref[base + j], 0, S - 1)
            w = jnp.where(base + j < send, sw_ref[base + j], 0.0)
            out_ref[tok, :] = out_ref[tok, :] + w * ys[j, :]


def _shared_up_kernel(x_ref, sg_ref, su_ref, h_ref):
    x = x_ref[...]
    a = jax.lax.dot_general(x, sg_ref[...], (((1,), (1,)), ((), ())),
                            preferred_element_type=jnp.float32)
    b = jax.lax.dot_general(x, su_ref[...], (((1,), (1,)), ((), ())),
                            preferred_element_type=jnp.float32)
    h_ref[...] = (a * jax.nn.sigmoid(a)) * b


def _shared_down_kernel(h_ref, r_ref, sd_ref, o_ref):
    o_ref[...] = r_ref[...] + jax.lax.dot_general(
        h_ref[...], sd_ref[...], (((1,), (1,)), ((), ())),
        preferred_element_type=jnp.float32)


def kernel(hidden_states, gate_weight, expert_gate, expert_up, expert_down,
           shared_gate, shared_up, shared_down):
    b, s, h = hidden_states.shape
    x = hidden_states.reshape(s, h)

    n_tok_tiles = s // TOK_TILE
    topk_w, topk_idx = pl.pallas_call(
        _gate_kernel,
        grid=(n_tok_tiles,),
        in_specs=[
            pl.BlockSpec((TOK_TILE, H), lambda i: (i, 0)),
            pl.BlockSpec((NE, H), lambda i: (0, 0)),
        ],
        out_specs=[
            pl.BlockSpec((TOK_TILE, TOPK), lambda i: (i, 0)),
            pl.BlockSpec((TOK_TILE, TOPK), lambda i: (i, 0)),
        ],
        out_shape=[
            jax.ShapeDtypeStruct((S, TOPK), jnp.float32),
            jax.ShapeDtypeStruct((S, TOPK), jnp.int32),
        ],
    )(x, gate_weight)

    h_shared = pl.pallas_call(
        _shared_up_kernel,
        grid=(n_tok_tiles,),
        in_specs=[
            pl.BlockSpec((TOK_TILE, H), lambda i: (i, 0)),
            pl.BlockSpec((SFF, H), lambda i: (0, 0)),
            pl.BlockSpec((SFF, H), lambda i: (0, 0)),
        ],
        out_specs=pl.BlockSpec((TOK_TILE, SFF), lambda i: (i, 0)),
        out_shape=jax.ShapeDtypeStruct((S, SFF), jnp.float32),
        compiler_params=_VMEM,
    )(x, shared_gate, shared_up)

    e_flat = topk_idx.reshape(-1)
    w_flat = topk_w.reshape(-1)
    order = jnp.argsort(e_flat)
    tok_sorted = (order // TOPK).astype(jnp.int32)
    w_sorted = w_flat[order]
    counts = jnp.bincount(e_flat, length=NE).astype(jnp.int32)
    raw_off = jnp.concatenate(
        [jnp.zeros((1,), jnp.int32), jnp.cumsum(counts)[:-1].astype(jnp.int32)])
    pad_counts = ((counts + TM - 1) // TM) * TM
    pad_off = jnp.concatenate(
        [jnp.zeros((1,), jnp.int32),
         jnp.cumsum(pad_counts)[:-1].astype(jnp.int32)])
    n_used = (jnp.sum(pad_counts) // TM).astype(jnp.int32).reshape(1)
    tile_expert = jnp.clip(
        jnp.searchsorted(pad_off, jnp.arange(NT, dtype=jnp.int32) * TM,
                         side='right') - 1, 0, NE - 1).astype(jnp.int32)
    seg_end = pad_off[tile_expert] + counts[tile_expert]
    last_e = tile_expert[jnp.maximum(n_used[0] - 1, 0)]
    tile_idx = jnp.arange(NT, dtype=jnp.int32)
    tile_expert = jnp.where(tile_idx < n_used[0], tile_expert, last_e)

    slot_token, slot_w = pl.kernel(
        _layout_sc,
        out_type=[
            jax.ShapeDtypeStruct((PADDED,), jnp.int32),
            jax.ShapeDtypeStruct((PADDED,), jnp.float32),
        ],
        mesh=plsc.VectorSubcoreMesh(core_axis_name="c", subcore_axis_name="s",
                                    num_cores=2, num_subcores=16),
        scratch_types=[
            pltpu.VMEM((PAIRS + 128,), jnp.int32),
            pltpu.VMEM((PAIRS + 128,), jnp.float32),
            pltpu.VMEM((PADDED + 128,), jnp.int32),
            pltpu.VMEM((PADDED + 128,), jnp.float32),
            pltpu.VMEM((128,), jnp.int32),
            pltpu.VMEM((128,), jnp.int32),
            pltpu.VMEM((128,), jnp.int32),
        ],
    )(tok_sorted, w_sorted, counts, raw_off, pad_off)

    routed = pl.pallas_call(
        _moe_kernel,
        grid_spec=pltpu.PrefetchScalarGridSpec(
            num_scalar_prefetch=5,
            grid=(NT,),
            in_specs=[
                pl.BlockSpec((S, H), lambda i, nu, te, se, st, sw: (0, 0)),
                pl.BlockSpec((1, DFF, H),
                             lambda i, nu, te, se, st, sw: (te[i], 0, 0)),
                pl.BlockSpec((1, DFF, H),
                             lambda i, nu, te, se, st, sw: (te[i], 0, 0)),
                pl.BlockSpec((1, H, DFF),
                             lambda i, nu, te, se, st, sw: (te[i], 0, 0)),
            ],
            out_specs=pl.BlockSpec((S, H),
                                   lambda i, nu, te, se, st, sw: (0, 0)),
            scratch_shapes=[
                pltpu.VMEM((TM, H), jnp.float32),
                pltpu.VMEM((TM, H), jnp.float32),
            ],
        ),
        out_shape=jax.ShapeDtypeStruct((S, H), jnp.float32),
        compiler_params=_VMEM,
    )(n_used, tile_expert, seg_end, slot_token, slot_w, x,
      expert_gate, expert_up, expert_down)

    y = pl.pallas_call(
        _shared_down_kernel,
        grid=(n_tok_tiles,),
        in_specs=[
            pl.BlockSpec((TOK_TILE, SFF), lambda i: (i, 0)),
            pl.BlockSpec((TOK_TILE, H), lambda i: (i, 0)),
            pl.BlockSpec((H, SFF), lambda i: (0, 0)),
        ],
        out_specs=pl.BlockSpec((TOK_TILE, H), lambda i: (i, 0)),
        out_shape=jax.ShapeDtypeStruct((S, H), jnp.float32),
        compiler_params=_VMEM,
    )(h_shared, routed, shared_down)

    return y.reshape(b, s, h)

# --- scband reference (transcript-rebuilt; emitter-appended) ---
"""Pipeline reference for scband-deepseek-mo-e-16587163697435 (READ-ONLY COPY).

The authoritative reference and input builder live on the scoring server;
editing this copy changes nothing except your own understanding.
"""

import jax, jax.numpy as jnp
import numpy as np

B, S, H = 1, 2048, 2048
NE, TOPK = 64, 2
DFF, SFF = 512, 1024


def setup_inputs(seed: int = 0) -> dict:
    key = jax.random.key(seed)
    ks = jax.random.split(key, 8)
    return {
        "hidden_states": jax.random.normal(ks[0], (B, S, H), dtype=jnp.float32),
        "gate_weight": jax.random.normal(ks[1], (NE, H), dtype=jnp.float32) * 0.02,
        "expert_gate": jax.random.normal(ks[2], (NE, DFF, H), dtype=jnp.float32) * 0.02,
        "expert_up": jax.random.normal(ks[3], (NE, DFF, H), dtype=jnp.float32) * 0.02,
        "expert_down": jax.random.normal(ks[4], (NE, H, DFF), dtype=jnp.float32) * 0.02,
        "shared_gate": jax.random.normal(ks[5], (SFF, H), dtype=jnp.float32) * 0.02,
        "shared_up": jax.random.normal(ks[6], (SFF, H), dtype=jnp.float32) * 0.02,
        "shared_down": jax.random.normal(ks[7], (H, SFF), dtype=jnp.float32) * 0.02,
    }


def _mlp(x, gw, uw, dw):
    # F.linear(F.silu(F.linear(x, gate)) * F.linear(x, up), down)
    return (jax.nn.silu(x @ gw.T) * (x @ uw.T)) @ dw.T


def reference(hidden_states, gate_weight, expert_gate, expert_up, expert_down,
              shared_gate, shared_up, shared_down):
    b, s, h = hidden_states.shape
    identity = hidden_states
    x = hidden_states.reshape(-1, h)
    # MoEGate
    logits = x @ gate_weight.T
    scores = jax.nn.softmax(logits, axis=-1)
    topk_weight, topk_idx = jax.lax.top_k(scores, TOPK)
    denominator = topk_weight.sum(axis=-1, keepdims=True) + 1e-20
    topk_weight = topk_weight / denominator
    # moe_infer
    combine_weights = (
        jax.nn.one_hot(topk_idx, NE, dtype=topk_weight.dtype)
        * topk_weight[..., None]
    ).sum(axis=1)

    def body(cache, inputs):
        gw, uw, dw, w = inputs
        expert_out = _mlp(x, gw, uw, dw) * w[:, None]
        return cache + expert_out, None

    expert_cache, _ = jax.lax.scan(
        body,
        jnp.zeros_like(x),
        (expert_gate, expert_up, expert_down, combine_weights.T),
    )
    y = expert_cache.reshape(b, s, h)
    y = y + _mlp(identity.reshape(-1, h), shared_gate, shared_up, shared_down).reshape(b, s, h)
    return y

if __name__ == "__main__":
    import jax
    _d = setup_inputs()
    print(jax.jit(kernel)(*tuple(_d.values())))

</pallas_src>

<mosaic_0001>
#map = affine_map<(d0, d1) -> (0)>
module attributes {stable_mosaic.version = 14 : i64} {
  func.func @_layout_sc(%arg0: i32, %arg1: i32, %arg2: memref<4096xi32, #tpu.memory_space<hbm>>, %arg3: memref<4096xf32, #tpu.memory_space<hbm>>, %arg4: memref<64xi32, #tpu.memory_space<hbm>>, %arg5: memref<64xi32, #tpu.memory_space<hbm>>, %arg6: memref<64xi32, #tpu.memory_space<hbm>>, %arg7: memref<8192xi32, #tpu.memory_space<hbm>>, %arg8: memref<8192xf32, #tpu.memory_space<hbm>>, %arg9: memref<4224xi32, #tpu.memory_space<vmem>>, %arg10: memref<4224xf32, #tpu.memory_space<vmem>>, %arg11: memref<8320xi32, #tpu.memory_space<vmem>>, %arg12: memref<8320xf32, #tpu.memory_space<vmem>>, %arg13: memref<128xi32, #tpu.memory_space<vmem>>, %arg14: memref<128xi32, #tpu.memory_space<vmem>>, %arg15: memref<128xi32, #tpu.memory_space<vmem>>) attributes {dimension_semantics = [#tpu.dimension_semantics<core_parallel>, #tpu.dimension_semantics<subcore_parallel>], iteration_bounds = array<i64: 2, 16>, scalar_prefetch = 0 : i64, scratch_operands = 7 : i64, tpu.core_type = #tpu.core_type<sc_vector_subcore>, window_params = [{transform_indices = #map}, {transform_indices = #map}, {transform_indices = #map}, {transform_indices = #map}, {transform_indices = #map}, {transform_indices = #map}, {transform_indices = #map}]} {
    %eq3A = arith.constant 0 : i32
    %eq3A_0 = arith.cmpi eq, %arg0, %eq3A : i32
    %eq3A_1 = arith.constant 0 : i32
    %eq3A_2 = arith.cmpi eq, %arg1, %eq3A_1 : i32
    %and3A = arith.andi %eq3A_0, %eq3A_2 : i1
    %convert_element_type3A = arith.extui %and3A : i1 to i32
    %cond3A = arith.constant 0 : i32
    %cond3A_3 = arith.cmpi ne, %convert_element_type3A, %cond3A : i32
    scf.if %cond3A_3 {
      "tpu.region"() ({
        %run_scoped3A = tpu.sem_alloc : memref<!tpu.dma_semaphore, #tpu.memory_space<semaphore_mem>>
        %dma_start3A = arith.constant 0 : i32
        %dma_start3A_10 = tpu.memref_slice %arg9[%dma_start3A] : memref<4224xi32, #tpu.memory_space<vmem>> -> memref<4096xi32, #tpu.memory_space<vmem>>
        %dma_start3A_11 = arith.constant 0 : i32
        %dma_start3A_12 = tpu.memref_slice %arg9[%dma_start3A_11] : memref<4224xi32, #tpu.memory_space<vmem>> -> memref<4096xi32, #tpu.memory_space<vmem>>
        tpu.enqueue_dma source(%arg2 : memref<4096xi32, #tpu.memory_space<hbm>>) target(%dma_start3A_12 : memref<4096xi32, #tpu.memory_space<vmem>>) target_semaphore(%run_scoped3A : memref<!tpu.dma_semaphore, #tpu.memory_space<semaphore_mem>>)
        %dma_wait3A = arith.constant 0 : i32
        %dma_wait3A_13 = tpu.memref_slice %arg9[%dma_wait3A] : memref<4224xi32, #tpu.memory_space<vmem>> -> memref<4096xi32, #tpu.memory_space<vmem>>
        %dma_wait3A_14 = arith.constant 0 : i32
        %dma_wait3A_15 = tpu.memref_slice %arg9[%dma_wait3A_14] : memref<4224xi32, #tpu.memory_space<vmem>> -> memref<4096xi32, #tpu.memory_space<vmem>>
        tpu.wait_dma2 semaphore(%run_scoped3A : memref<!tpu.dma_semaphore, #tpu.memory_space<semaphore_mem>>) src(%arg2 : memref<4096xi32, #tpu.memory_space<hbm>>) dst(%dma_wait3A_15 : memref<4096xi32, #tpu.memory_space<vmem>>)
        tpu.yield
      }) : () -> ()
      "tpu.region"() ({
        %run_scoped3A = tpu.sem_alloc : memref<!tpu.dma_semaphore, #tpu.memory_space<semaphore_mem>>
        %dma_start3A = arith.constant 0 : i32
        %dma_start3A_10 = tpu.memref_slice %arg10[%dma_start3A] : memref<4224xf32, #tpu.memory_space<vmem>> -> memref<4096xf32, #tpu.memory_space<vmem>>
        %dma_start3A_11 = arith.constant 0 : i32
        %dma_start3A_12 = tpu.memref_slice %arg10[%dma_start3A_11] : memref<4224xf32, #tpu.memory_space<vmem>> -> memref<4096xf32, #tpu.memory_space<vmem>>
        tpu.enqueue_dma source(%arg3 : memref<4096xf32, #tpu.memory_space<hbm>>) target(%dma_start3A_12 : memref<4096xf32, #tpu.memory_space<vmem>>) target_semaphore(%run_scoped3A : memref<!tpu.dma_semaphore, #tpu.memory_space<semaphore_mem>>)
        %dma_wait3A = arith.constant 0 : i32
        %dma_wait3A_13 = tpu.memref_slice %arg10[%dma_wait3A] : memref<4224xf32, #tpu.memory_space<vmem>> -> memref<4096xf32, #tpu.memory_space<vmem>>
        %dma_wait3A_14 = arith.constant 0 : i32
        %dma_wait3A_15 = tpu.memref_slice %arg10[%dma_wait3A_14] : memref<4224xf32, #tpu.memory_space<vmem>> -> memref<4096xf32, #tpu.memory_space<vmem>>
        tpu.wait_dma2 semaphore(%run_scoped3A : memref<!tpu.dma_semaphore, #tpu.memory_space<semaphore_mem>>) src(%arg3 : memref<4096xf32, #tpu.memory_space<hbm>>) dst(%dma_wait3A_15 : memref<4096xf32, #tpu.memory_space<vmem>>)
        tpu.yield
      }) : () -> ()
      "tpu.region"() ({
        %run_scoped3A = tpu.sem_alloc : memref<!tpu.dma_semaphore, #tpu.memory_space<semaphore_mem>>
        %dma_start3A = arith.constant 0 : i32
        %dma_start3A_10 = tpu.memref_slice %arg13[%dma_start3A] : memref<128xi32, #tpu.memory_space<vmem>> -> memref<64xi32, #tpu.memory_space<vmem>>
        %dma_start3A_11 = arith.constant 0 : i32
        %dma_start3A_12 = tpu.memref_slice %arg13[%dma_start3A_11] : memref<128xi32, #tpu.memory_space<vmem>> -> memref<64xi32, #tpu.memory_space<vmem>>
        tpu.enqueue_dma source(%arg4 : memref<64xi32, #tpu.memory_space<hbm>>) target(%dma_start3A_12 : memref<64xi32, #tpu.memory_space<vmem>>) target_semaphore(%run_scoped3A : memref<!tpu.dma_semaphore, #tpu.memory_space<semaphore_mem>>)
        %dma_wait3A = arith.constant 0 : i32
        %dma_wait3A_13 = tpu.memref_slice %arg13[%dma_wait3A] : memref<128xi32, #tpu.memory_space<vmem>> -> memref<64xi32, #tpu.memory_space<vmem>>
        %dma_wait3A_14 = arith.constant 0 : i32
        %dma_wait3A_15 = tpu.memref_slice %arg13[%dma_wait3A_14] : memref<128xi32, #tpu.memory_space<vmem>> -> memref<64xi32, #tpu.memory_space<vmem>>
        tpu.wait_dma2 semaphore(%run_scoped3A : memref<!tpu.dma_semaphore, #tpu.memory_space<semaphore_mem>>) src(%arg4 : memref<64xi32, #tpu.memory_space<hbm>>) dst(%dma_wait3A_15 : memref<64xi32, #tpu.memory_space<vmem>>)
        tpu.yield
      }) : () -> ()
      "tpu.region"() ({
        %run_scoped3A = tpu.sem_alloc : memref<!tpu.dma_semaphore, #tpu.memory_space<semaphore_mem>>
        %dma_start3A = arith.constant 0 : i32
        %dma_start3A_10 = tpu.memref_slice %arg14[%dma_start3A] : memref<128xi32, #tpu.memory_space<vmem>> -> memref<64xi32, #tpu.memory_space<vmem>>
        %dma_start3A_11 = arith.constant 0 : i32
        %dma_start3A_12 = tpu.memref_slice %arg14[%dma_start3A_11] : memref<128xi32, #tpu.memory_space<vmem>> -> memref<64xi32, #tpu.memory_space<vmem>>
        tpu.enqueue_dma source(%arg5 : memref<64xi32, #tpu.memory_space<hbm>>) target(%dma_start3A_12 : memref<64xi32, #tpu.memory_space<vmem>>) target_semaphore(%run_scoped3A : memref<!tpu.dma_semaphore, #tpu.memory_space<semaphore_mem>>)
        %dma_wait3A = arith.constant 0 : i32
        %dma_wait3A_13 = tpu.memref_slice %arg14[%dma_wait3A] : memref<128xi32, #tpu.memory_space<vmem>> -> memref<64xi32, #tpu.memory_space<vmem>>
        %dma_wait3A_14 = arith.constant 0 : i32
        %dma_wait3A_15 = tpu.memref_slice %arg14[%dma_wait3A_14] : memref<128xi32, #tpu.memory_space<vmem>> -> memref<64xi32, #tpu.memory_space<vmem>>
        tpu.wait_dma2 semaphore(%run_scoped3A : memref<!tpu.dma_semaphore, #tpu.memory_space<semaphore_mem>>) src(%arg5 : memref<64xi32, #tpu.memory_space<hbm>>) dst(%dma_wait3A_15 : memref<64xi32, #tpu.memory_space<vmem>>)
        tpu.yield
      }) : () -> ()
      "tpu.region"() ({
        %run_scoped3A = tpu.sem_alloc : memref<!tpu.dma_semaphore, #tpu.memory_space<semaphore_mem>>
        %dma_start3A = arith.constant 0 : i32
        %dma_start3A_10 = tpu.memref_slice %arg15[%dma_start3A] : memref<128xi32, #tpu.memory_space<vmem>> -> memref<64xi32, #tpu.memory_space<vmem>>
        %dma_start3A_11 = arith.constant 0 : i32
        %dma_start3A_12 = tpu.memref_slice %arg15[%dma_start3A_11] : memref<128xi32, #tpu.memory_space<vmem>> -> memref<64xi32, #tpu.memory_space<vmem>>
        tpu.enqueue_dma source(%arg6 : memref<64xi32, #tpu.memory_space<hbm>>) target(%dma_start3A_12 : memref<64xi32, #tpu.memory_space<vmem>>) target_semaphore(%run_scoped3A : memref<!tpu.dma_semaphore, #tpu.memory_space<semaphore_mem>>)
        %dma_wait3A = arith.constant 0 : i32
        %dma_wait3A_13 = tpu.memref_slice %arg15[%dma_wait3A] : memref<128xi32, #tpu.memory_space<vmem>> -> memref<64xi32, #tpu.memory_space<vmem>>
        %dma_wait3A_14 = arith.constant 0 : i32
        %dma_wait3A_15 = tpu.memref_slice %arg15[%dma_wait3A_14] : memref<128xi32, #tpu.memory_space<vmem>> -> memref<64xi32, #tpu.memory_space<vmem>>
        tpu.wait_dma2 semaphore(%run_scoped3A : memref<!tpu.dma_semaphore, #tpu.memory_space<semaphore_mem>>) src(%arg6 : memref<64xi32, #tpu.memory_space<hbm>>) dst(%dma_wait3A_15 : memref<64xi32, #tpu.memory_space<vmem>>)
        tpu.yield
      }) : () -> ()
      %scan3A = arith.constant 0 : i32
      %scan3A_4 = arith.constant 0 : i32
      %scan3A_5 = arith.constant 64 : i32
      %scan3A_6 = arith.addi %scan3A_4, %scan3A_5 : i32
      %scan3A_7 = arith.constant 1 : i32
      %scan3A_8 = scf.for %scan3A_10 = %scan3A_4 to %scan3A_6 step %scan3A_7 iter_args(%scan3A_11 = %scan3A) -> (i32)  : i32 {
        %get3A = arith.index_cast %scan3A_10 : i32 to index
        %get3A_12 = tpu.vector_load %arg13[%get3A] {strides = array<i32>} : memref<128xi32, #tpu.memory_space<vmem>>, vector<16xi32>,
        %get3A_13 = vector.shape_cast %get3A_12 : vector<16xi32> to vector<16xi32>
        %slice3A = vector.extract_strided_slice %get3A_13 {offsets = [0], sizes = [1], strides = [1]} : vector<16xi32> to vector<1xi32>
        %squeeze3A = vector.extract %slice3A[0] : i32 from vector<1xi32>
        %get3A_14 = arith.index_cast %scan3A_10 : i32 to index
        %get3A_15 = tpu.vector_load %arg14[%get3A_14] {strides = array<i32>} : memref<128xi32, #tpu.memory_space<vmem>>, vector<16xi32>,
        %get3A_16 = vector.shape_cast %get3A_15 : vector<16xi32> to vector<16xi32>
        %slice3A_17 = vector.extract_strided_slice %get3A_16 {offsets = [0], sizes = [1], strides = [1]} : vector<16xi32> to vector<1xi32>
        %squeeze3A_18 = vector.extract %slice3A_17[0] : i32 from vector<1xi32>
        %get3A_19 = arith.index_cast %scan3A_10 : i32 to index
        %get3A_20 = tpu.vector_load %arg15[%get3A_19] {strides = array<i32>} : memref<128xi32, #tpu.memory_space<vmem>>, vector<16xi32>,
        %get3A_21 = vector.shape_cast %get3A_20 : vector<16xi32> to vector<16xi32>
        %slice3A_22 = vector.extract_strided_slice %get3A_21 {offsets = [0], sizes = [1], strides = [1]} : vector<16xi32> to vector<1xi32>
        %squeeze3A_23 = vector.extract %slice3A_22[0] : i32 from vector<1xi32>
        %jit3A = arith.constant 16 : i32
        %div3A = arith.divsi %squeeze3A, %jit3A : i32
        %sign3A = arith.constant 0 : i32
        %sign3A_24 = arith.cmpi sgt, %squeeze3A, %sign3A : i32
        %sign3A_25 = arith.extui %sign3A_24 : i1 to i32
        %sign3A_26 = arith.constant 0 : i32
        %sign3A_27 = arith.cmpi slt, %squeeze3A, %sign3A_26 : i32
        %sign3A_28 = arith.extui %sign3A_27 : i1 to i32
        %sign3A_29 = arith.subi %sign3A_25, %sign3A_28 : i32
        %sign3A_30 = arith.constant 0 : i32
        %sign3A_31 = arith.cmpi sgt, %jit3A, %sign3A_30 : i32
        %sign3A_32 = arith.extui %sign3A_31 : i1 to i32
        %sign3A_33 = arith.constant 0 : i32
        %sign3A_34 = arith.cmpi slt, %jit3A, %sign3A_33 : i32
        %sign3A_35 = arith.extui %sign3A_34 : i1 to i32
        %sign3A_36 = arith.subi %sign3A_32, %sign3A_35 : i32
        %ne3A = arith.cmpi ne, %sign3A_29, %sign3A_36 : i32
        %rem3A = arith.remsi %squeeze3A, %jit3A : i32
        %ne3A_37 = arith.constant 0 : i32
        %ne3A_38 = arith.cmpi ne, %rem3A, %ne3A_37 : i32
        %and3A_39 = arith.andi %ne3A, %ne3A_38 : i1
        %sub3A = arith.constant 1 : i32
        %sub3A_40 = arith.subi %div3A, %sub3A : i32
        %select_n3A = arith.select %and3A_39, %sub3A_40, %div3A : i32
        %while3A = arith.constant 0 : i32
        %while3A_41 = arith.constant 0 : i32
        %while3A_42 = arith.subi %select_n3A, %while3A : i32
        %while3A_43 = arith.addi %while3A, %while3A_42 : i32
        %while3A_44 = arith.constant 1 : i32
        %while3A_45 = arith.divsi %while3A_42, %while3A_44 : i32
        %while3A_46 = arith.muli %while3A_45, %while3A_44 : i32
        %while3A_47 = arith.addi %while3A, %while3A_46 : i32
        %while3A_48 = arith.constant 1 : i32
        %while3A_49 = scf.for %while3A_68 = %while3A to %while3A_47 step %while3A_48 iter_args(%while3A_69 = %while3A_41) -> (i32)  : i32 {
          %mul3A_70 = arith.constant 16 : i32
          %mul3A_71 = arith.muli %while3A_68, %mul3A_70 : i32
          %add3A = arith.addi %squeeze3A_18, %mul3A_71 : i32
          %get3A_72 = arith.index_cast %add3A : i32 to index
          %get3A_73 = tpu.vector_load %arg9[%get3A_72] {strides = array<i32>} : memref<4224xi32, #tpu.memory_space<vmem>>, vector<16xi32>,
          %get3A_74 = vector.shape_cast %get3A_73 : vector<16xi32> to vector<16xi32>
          %add3A_75 = arith.addi %squeeze3A_23, %mul3A_71 : i32
          %swap3A = arith.index_cast %add3A_75 : i32 to index
          %swap3A_76 = tpu.vector_load %arg11[%swap3A] {strides = array<i32>} : memref<8320xi32, #tpu.memory_space<vmem>>, vector<16xi32>,
          %swap3A_77 = vector.shape_cast %swap3A_76 : vector<16xi32> to vector<16xi32>
          %swap3A_78 = vector.shape_cast %get3A_74 : vector<16xi32> to vector<16xi32>
          tpu.vector_store %arg11[%swap3A], %swap3A_78 {strides = array<i32>} : memref<8320xi32, #tpu.memory_space<vmem>>, vector<16xi32>,
          %add3A_79 = arith.addi %squeeze3A_18, %mul3A_71 : i32
          %get3A_80 = arith.index_cast %add3A_79 : i32 to index
          %get3A_81 = tpu.vector_load %arg10[%get3A_80] {strides = array<i32>} : memref<4224xf32, #tpu.memory_space<vmem>>, vector<16xf32>,
          %get3A_82 = vector.shape_cast %get3A_81 : vector<16xf32> to vector<16xf32>
          %add3A_83 = arith.addi %squeeze3A_23, %mul3A_71 : i32
          %swap3A_84 = arith.index_cast %add3A_83 : i32 to index
          %swap3A_85 = tpu.vector_load %arg12[%swap3A_84] {strides = array<i32>} : memref<8320xf32, #tpu.memory_space<vmem>>, vector<16xf32>,
          %swap3A_86 = vector.shape_cast %swap3A_85 : vector<16xf32> to vector<16xf32>
          %swap3A_87 = vector.shape_cast %get3A_82 : vector<16xf32> to vector<16xf32>
          tpu.vector_store %arg12[%swap3A_84], %swap3A_87 {strides = array<i32>} : memref<8320xf32, #tpu.memory_space<vmem>>, vector<16xf32>,
          %while3A_88 = arith.constant 0 : i32
          scf.yield %while3A_88 : i32
        }
        %while3A_50 = arith.constant 1 : i32
        %while3A_51 = scf.for %while3A_68 = %while3A_47 to %while3A_43 step %while3A_50 iter_args(%while3A_69 = %while3A_49) -> (i32)  : i32 {
          %mul3A_70 = arith.constant 16 : i32
          %mul3A_71 = arith.muli %while3A_68, %mul3A_70 : i32
          %add3A = arith.addi %squeeze3A_18, %mul3A_71 : i32
          %get3A_72 = arith.index_cast %add3A : i32 to index
          %get3A_73 = tpu.vector_load %arg9[%get3A_72] {strides = array<i32>} : memref<4224xi32, #tpu.memory_space<vmem>>, vector<16xi32>,
          %get3A_74 = vector.shape_cast %get3A_73 : vector<16xi32> to vector<16xi32>
          %add3A_75 = arith.addi %squeeze3A_23, %mul3A_71 : i32
          %swap3A = arith.index_cast %add3A_75 : i32 to index
          %swap3A_76 = tpu.vector_load %arg11[%swap3A] {strides = array<i32>} : memref<8320xi32, #tpu.memory_space<vmem>>, vector<16xi32>,
          %swap3A_77 = vector.shape_cast %swap3A_76 : vector<16xi32> to vector<16xi32>
          %swap3A_78 = vector.shape_cast %get3A_74 : vector<16xi32> to vector<16xi32>
          tpu.vector_store %arg11[%swap3A], %swap3A_78 {strides = array<i32>} : memref<8320xi32, #tpu.memory_space<vmem>>, vector<16xi32>,
          %add3A_79 = arith.addi %squeeze3A_18, %mul3A_71 : i32
          %get3A_80 = arith.index_cast %add3A_79 : i32 to index
          %get3A_81 = tpu.vector_load %arg10[%get3A_80] {strides = array<i32>} : memref<4224xf32, #tpu.memory_space<vmem>>, vector<16xf32>,
          %get3A_82 = vector.shape_cast %get3A_81 : vector<16xf32> to vector<16xf32>
          %add3A_83 = arith.addi %squeeze3A_23, %mul3A_71 : i32
          %swap3A_84 = arith.index_cast %add3A_83 : i32 to index
          %swap3A_85 = tpu.vector_load %arg12[%swap3A_84] {strides = array<i32>} : memref<8320xf32, #tpu.memory_space<vmem>>, vector<16xf32>,
          %swap3A_86 = vector.shape_cast %swap3A_85 : vector<16xf32> to vector<16xf32>
          %swap3A_87 = vector.shape_cast %get3A_82 : vector<16xf32> to vector<16xf32>
          tpu.vector_store %arg12[%swap3A_84], %swap3A_87 {strides = array<i32>} : memref<8320xf32, #tpu.memory_space<vmem>>, vector<16xf32>,
          %while3A_88 = arith.constant 0 : i32
          scf.yield %while3A_88 : i32
        }
        %mul3A = arith.constant 16 : i32
        %mul3A_52 = arith.muli %select_n3A, %mul3A : i32
        %sub3A_53 = arith.subi %squeeze3A, %mul3A_52 : i32
        %gt3A = arith.constant 0 : i32
        %gt3A_54 = arith.cmpi sgt, %sub3A_53, %gt3A : i32
        %ge3A = arith.constant 16 : i32
        %ge3A_55 = arith.cmpi sge, %squeeze3A, %ge3A : i32
        %and3A_56 = arith.andi %gt3A_54, %ge3A_55 : i1
        %convert_element_type3A_57 = arith.extui %and3A_56 : i1 to i32
        %cond3A_58 = arith.constant 0 : i32
        %cond3A_59 = arith.cmpi ne, %convert_element_type3A_57, %cond3A_58 : i32
        scf.if %cond3A_59 {
          %sub3A_68 = arith.constant 16 : i32
          %sub3A_69 = arith.subi %squeeze3A, %sub3A_68 : i32
          %add3A = arith.addi %squeeze3A_18, %sub3A_69 : i32
          %get3A_70 = arith.index_cast %add3A : i32 to index
          %get3A_71 = tpu.vector_load %arg9[%get3A_70] {strides = array<i32>} : memref<4224xi32, #tpu.memory_space<vmem>>, vector<16xi32>,
          %get3A_72 = vector.shape_cast %get3A_71 : vector<16xi32> to vector<16xi32>
          %add3A_73 = arith.addi %squeeze3A_23, %sub3A_69 : i32
          %swap3A = arith.index_cast %add3A_73 : i32 to index
          %swap3A_74 = tpu.vector_load %arg11[%swap3A] {strides = array<i32>} : memref<8320xi32, #tpu.memory_space<vmem>>, vector<16xi32>,
          %swap3A_75 = vector.shape_cast %swap3A_74 : vector<16xi32> to vector<16xi32>
          %swap3A_76 = vector.shape_cast %get3A_72 : vector<16xi32> to vector<16xi32>
          tpu.vector_store %arg11[%swap3A], %swap3A_76 {strides = array<i32>} : memref<8320xi32, #tpu.memory_space<vmem>>, vector<16xi32>,
          %add3A_77 = arith.addi %squeeze3A_18, %sub3A_69 : i32
          %get3A_78 = arith.index_cast %add3A_77 : i32 to index
          %get3A_79 = tpu.vector_load %arg10[%get3A_78] {strides = array<i32>} : memref<4224xf32, #tpu.memory_space<vmem>>, vector<16xf32>,
          %get3A_80 = vector.shape_cast %get3A_79 : vector<16xf32> to vector<16xf32>
          %add3A_81 = arith.addi %squeeze3A_23, %sub3A_69 : i32
          %swap3A_82 = arith.index_cast %add3A_81 : i32 to index
          %swap3A_83 = tpu.vector_load %arg12[%swap3A_82] {strides = array<i32>} : memref<8320xf32, #tpu.memory_space<vmem>>, vector<16xf32>,
          %swap3A_84 = vector.shape_cast %swap3A_83 : vector<16xf32> to vector<16xf32>
          %swap3A_85 = vector.shape_cast %get3A_80 : vector<16xf32> to vector<16xf32>
          tpu.vector_store %arg12[%swap3A_82], %swap3A_85 {strides = array<i32>} : memref<8320xf32, #tpu.memory_space<vmem>>, vector<16xf32>,
        } else {
        }
        %gt3A_60 = arith.constant 0 : i32
        %gt3A_61 = arith.cmpi sgt, %sub3A_53, %gt3A_60 : i32
        %lt3A = arith.constant 16 : i32
        %lt3A_62 = arith.cmpi slt, %squeeze3A, %lt3A : i32
        %and3A_63 = arith.andi %gt3A_61, %lt3A_62 : i1
        %convert_element_type3A_64 = arith.extui %and3A_63 : i1 to i32
        %cond3A_65 = arith.constant 0 : i32
        %cond3A_66 = arith.cmpi ne, %convert_element_type3A_64, %cond3A_65 : i32
        scf.if %cond3A_66 {
          %get3A_68 = arith.index_cast %squeeze3A_18 : i32 to index
          %get3A_69 = tpu.vector_load %arg9[%get3A_68] {strides = array<i32>} : memref<4224xi32, #tpu.memory_space<vmem>>, vector<16xi32>,
          %get3A_70 = vector.shape_cast %get3A_69 : vector<16xi32> to vector<16xi32>
          %swap3A = arith.index_cast %squeeze3A_23 : i32 to index
          %swap3A_71 = tpu.vector_load %arg11[%swap3A] {strides = array<i32>} : memref<8320xi32, #tpu.memory_space<vmem>>, vector<16xi32>,
          %swap3A_72 = vector.shape_cast %swap3A_71 : vector<16xi32> to vector<16xi32>
          %swap3A_73 = vector.shape_cast %get3A_70 : vector<16xi32> to vector<16xi32>
          tpu.vector_store %arg11[%swap3A], %swap3A_73 {strides = array<i32>} : memref<8320xi32, #tpu.memory_space<vmem>>, vector<16xi32>,
          %get3A_74 = arith.index_cast %squeeze3A_18 : i32 to index
          %get3A_75 = tpu.vector_load %arg10[%get3A_74] {strides = array<i32>} : memref<4224xf32, #tpu.memory_space<vmem>>, vector<16xf32>,
          %get3A_76 = vector.shape_cast %get3A_75 : vector<16xf32> to vector<16xf32>
          %swap3A_77 = arith.index_cast %squeeze3A_23 : i32 to index
          %swap3A_78 = tpu.vector_load %arg12[%swap3A_77] {strides = array<i32>} : memref<8320xf32, #tpu.memory_space<vmem>>, vector<16xf32>,
          %swap3A_79 = vector.shape_cast %swap3A_78 : vector<16xf32> to vector<16xf32>
          %swap3A_80 = vector.shape_cast %get3A_76 : vector<16xf32> to vector<16xf32>
          tpu.vector_store %arg12[%swap3A_77], %swap3A_80 {strides = array<i32>} : memref<8320xf32, #tpu.memory_space<vmem>>, vector<16xf32>,
        } else {
        }
        %scan3A_67 = arith.constant 0 : i32
        scf.yield %scan3A_67 : i32
      }
      %scan3A_9 = arith.constant 64 : i32
      "tpu.region"() ({
        %run_scoped3A = tpu.sem_alloc : memref<!tpu.dma_semaphore, #tpu.memory_space<semaphore_mem>>
        %dma_start3A = arith.constant 0 : i32
        %dma_start3A_10 = tpu.memref_slice %arg11[%dma_start3A] : memref<8320xi32, #tpu.memory_space<vmem>> -> memref<8192xi32, #tpu.memory_space<vmem>>
        %dma_start3A_11 = arith.constant 0 : i32
        %dma_start3A_12 = tpu.memref_slice %arg11[%dma_start3A_11] : memref<8320xi32, #tpu.memory_space<vmem>> -> memref<8192xi32, #tpu.memory_space<vmem>>
        tpu.enqueue_dma source(%dma_start3A_12 : memref<8192xi32, #tpu.memory_space<vmem>>) target(%arg7 : memref<8192xi32, #tpu.memory_space<hbm>>) target_semaphore(%run_scoped3A : memref<!tpu.dma_semaphore, #tpu.memory_space<semaphore_mem>>)
        %dma_wait3A = arith.constant 0 : i32
        %dma_wait3A_13 = tpu.memref_slice %arg11[%dma_wait3A] : memref<8320xi32, #tpu.memory_space<vmem>> -> memref<8192xi32, #tpu.memory_space<vmem>>
        %dma_wait3A_14 = arith.constant 0 : i32
        %dma_wait3A_15 = tpu.memref_slice %arg11[%dma_wait3A_14] : memref<8320xi32, #tpu.memory_space<vmem>> -> memref<8192xi32, #tpu.memory_space<vmem>>
        tpu.wait_dma2 semaphore(%run_scoped3A : memref<!tpu.dma_semaphore, #tpu.memory_space<semaphore_mem>>) src(%dma_wait3A_15 : memref<8192xi32, #tpu.memory_space<vmem>>) dst(%arg7 : memref<8192xi32, #tpu.memory_space<hbm>>)
        tpu.yield
      }) : () -> ()
      "tpu.region"() ({
        %run_scoped3A = tpu.sem_alloc : memref<!tpu.dma_semaphore, #tpu.memory_space<semaphore_mem>>
        %dma_start3A = arith.constant 0 : i32
        %dma_start3A_10 = tpu.memref_slice %arg12[%dma_start3A] : memref<8320xf32, #tpu.memory_space<vmem>> -> memref<8192xf32, #tpu.memory_space<vmem>>
        %dma_start3A_11 = arith.constant 0 : i32
        %dma_start3A_12 = tpu.memref_slice %arg12[%dma_start3A_11] : memref<8320xf32, #tpu.memory_space<vmem>> -> memref<8192xf32, #tpu.memory_space<vmem>>
        tpu.enqueue_dma source(%dma_start3A_12 : memref<8192xf32, #tpu.memory_space<vmem>>) target(%arg8 : memref<8192xf32, #tpu.memory_space<hbm>>) target_semaphore(%run_scoped3A : memref<!tpu.dma_semaphore, #tpu.memory_space<semaphore_mem>>)
        %dma_wait3A = arith.constant 0 : i32
        %dma_wait3A_13 = tpu.memref_slice %arg12[%dma_wait3A] : memref<8320xf32, #tpu.memory_space<vmem>> -> memref<8192xf32, #tpu.memory_space<vmem>>
        %dma_wait3A_14 = arith.constant 0 : i32
        %dma_wait3A_15 = tpu.memref_slice %arg12[%dma_wait3A_14] : memref<8320xf32, #tpu.memory_space<vmem>> -> memref<8192xf32, #tpu.memory_space<vmem>>
        tpu.wait_dma2 semaphore(%run_scoped3A : memref<!tpu.dma_semaphore, #tpu.memory_space<semaphore_mem>>) src(%dma_wait3A_15 : memref<8192xf32, #tpu.memory_space<vmem>>) dst(%arg8 : memref<8192xf32, #tpu.memory_space<hbm>>)
        tpu.yield
      }) : () -> ()
    } else {
    }
    return
  }
}

module attributes {stable_mosaic.version = 14 : i64} {
  func.func @_gate_kernel(%arg0: i32, %arg1: memref<256x2048xf32, #tpu.memory_space<vmem>>, %arg2: memref<64x2048xf32, #tpu.memory_space<vmem>>, %arg3: memref<256x2xf32, #tpu.memory_space<vmem>>, %arg4: memref<256x2xi32, #tpu.memory_space<vmem>>) attributes {dimension_semantics = [#tpu.dimension_semantics<arbitrary>], iteration_bounds = array<i64: 8>, scalar_prefetch = 0 : i64, scratch_operands = 0 : i64, tpu.core_type = #tpu.core_type<tc>, window_params = [{transform_indices = @transform_0, window_bounds = array<i64: 256, 2048>}, {pipeline_mode = #tpu.pipeline_mode<synchronous>, transform_indices = @transform_1, window_bounds = array<i64: 64, 2048>}, {transform_indices = @transform_2, window_bounds = array<i64: 256, 2>}, {transform_indices = @transform_3, window_bounds = array<i64: 256, 2>}]} {
    %get3A = arith.constant 0 : index
    %get3A_0 = arith.constant 0 : index
    %get3A_1 = vector.load %arg1[%get3A, %get3A_0] : memref<256x2048xf32, #tpu.memory_space<vmem>>, vector<256x2048xf32>
    %get3A_2 = arith.constant 0 : index
    %get3A_3 = arith.constant 0 : index
    %get3A_4 = vector.load %arg2[%get3A_2, %get3A_3] : memref<64x2048xf32, #tpu.memory_space<vmem>>, vector<64x2048xf32>
    %dot_general3A = arith.constant dense<0.000000e+00> : vector<256x64xf32>
    %dot_general3A_5 = tpu.matmul %get3A_1, %get3A_4, %dot_general3A {dimension_numbers = #tpu.dot_dimension_numbers<[1], [1], [0], [0], [0, 0, 1, 0], [], []>, transpose_lhs_hint = false} : vector<256x2048xf32>, vector<64x2048xf32>, vector<256x64xf32> -> vector<256x64xf32>
    %reduce_max3A = arith.constant dense<0xFF800000> : vector<256xf32>
    %reduce_max3A_6 = vector.multi_reduction <maximumf>, %dot_general3A_5, %reduce_max3A [1] : vector<256x64xf32> to vector<256xf32>
    %broadcast_in_dim3A = vector.shape_cast %reduce_max3A_6 : vector<256xf32> to vector<256x1xf32>
    %sub3A = vector.broadcast %broadcast_in_dim3A : vector<256x1xf32> to vector<256x64xf32>
    %sub3A_7 = arith.subf %dot_general3A_5, %sub3A : vector<256x64xf32>
    %exp3A = math.exp %sub3A_7 : vector<256x64xf32>
    %reduce_sum3A = arith.constant dense<0.000000e+00> : vector<256xf32>
    %reduce_sum3A_8 = vector.multi_reduction <add>, %exp3A, %reduce_sum3A [1] : vector<256x64xf32> to vector<256xf32>
    %broadcast_in_dim3A_9 = vector.shape_cast %reduce_sum3A_8 : vector<256xf32> to vector<256x1xf32>
    %div3A = vector.broadcast %broadcast_in_dim3A_9 : vector<256x1xf32> to vector<256x64xf32>
    %div3A_10 = arith.divf %exp3A, %div3A : vector<256x64xf32>
    %iota3A = tpu.iota {dimensions = array<i32: 1>} : vector<256x64xi32>
    %reduce_max3A_11 = arith.constant dense<0xFF800000> : vector<256xf32>
    %reduce_max3A_12 = vector.multi_reduction <maximumf>, %div3A_10, %reduce_max3A_11 [1] : vector<256x64xf32> to vector<256xf32>
    %broadcast_in_dim3A_13 = vector.shape_cast %reduce_max3A_12 : vector<256xf32> to vector<256x1xf32>
    %eq3A = vector.broadcast %broadcast_in_dim3A_13 : vector<256x1xf32> to vector<256x64xf32>
    %eq3A_14 = arith.cmpf oeq, %div3A_10, %eq3A : vector<256x64xf32>
    %jit3A = arith.constant 64 : i32
    %broadcast_in_dim3A_15 = vector.broadcast %jit3A : i32 to vector<256x64xi32>
    %select_n3A = arith.select %eq3A_14, %iota3A, %broadcast_in_dim3A_15 : vector<256x64xi1>, vector<256x64xi32>
    %reduce_min3A = arith.constant dense<2147483647> : vector<256xi32>
    %reduce_min3A_16 = vector.multi_reduction <minsi>, %select_n3A, %reduce_min3A [1] : vector<256x64xi32> to vector<256xi32>
    %broadcast_in_dim3A_17 = vector.shape_cast %reduce_min3A_16 : vector<256xi32> to vector<256x1xi32>
    %eq3A_18 = vector.broadcast %broadcast_in_dim3A_17 : vector<256x1xi32> to vector<256x64xi32>
    %eq3A_19 = arith.cmpi eq, %iota3A, %eq3A_18 : vector<256x64xi32>
    %jit3A_20 = arith.constant -1.000000e+00 : f32
    %broadcast_in_dim3A_21 = vector.broadcast %jit3A_20 : f32 to vector<256x64xf32>
    %select_n3A_22 = arith.select %eq3A_19, %broadcast_in_dim3A_21, %div3A_10 : vector<256x64xi1>, vector<256x64xf32>
    %reduce_max3A_23 = arith.constant dense<0xFF800000> : vector<256xf32>
    %reduce_max3A_24 = vector.multi_reduction <maximumf>, %select_n3A_22, %reduce_max3A_23 [1] : vector<256x64xf32> to vector<256xf32>
    %broadcast_in_dim3A_25 = vector.shape_cast %reduce_max3A_24 : vector<256xf32> to vector<256x1xf32>
    %eq3A_26 = vector.broadcast %broadcast_in_dim3A_25 : vector<256x1xf32> to vector<256x64xf32>
    %eq3A_27 = arith.cmpf oeq, %select_n3A_22, %eq3A_26 : vector<256x64xf32>
    %jit3A_28 = arith.constant 64 : i32
    %broadcast_in_dim3A_29 = vector.broadcast %jit3A_28 : i32 to vector<256x64xi32>
    %select_n3A_30 = arith.select %eq3A_27, %iota3A, %broadcast_in_dim3A_29 : vector<256x64xi1>, vector<256x64xi32>
    %reduce_min3A_31 = arith.constant dense<2147483647> : vector<256xi32>
    %reduce_min3A_32 = vector.multi_reduction <minsi>, %select_n3A_30, %reduce_min3A_31 [1] : vector<256x64xi32> to vector<256xi32>
    %broadcast_in_dim3A_33 = vector.shape_cast %reduce_min3A_32 : vector<256xi32> to vector<256x1xi32>
    %add3A = arith.addf %broadcast_in_dim3A_13, %broadcast_in_dim3A_25 : vector<256x1xf32>
    %add3A_34 = arith.constant 9.99999968E-21 : f32
    %add3A_35 = vector.broadcast %add3A_34 : f32 to vector<256x1xf32>
    %add3A_36 = arith.addf %add3A, %add3A_35 : vector<256x1xf32>
    %div3A_37 = arith.divf %broadcast_in_dim3A_13, %add3A_36 : vector<256x1xf32>
    %div3A_38 = arith.divf %broadcast_in_dim3A_25, %add3A_36 : vector<256x1xf32>
    %concatenate3A = tpu.concatenate %div3A_37, %div3A_38 in 1 : vector<256x1xf32>, vector<256x1xf32> -> vector<256x2xf32>
    %swap3A = arith.constant 0 : index
    %swap3A_39 = arith.constant 0 : index
    %swap3A_40 = vector.load %arg3[%swap3A, %swap3A_39] : memref<256x2xf32, #tpu.memory_space<vmem>>, vector<256x2xf32>
    tpu.vector_store %arg3[%swap3A, %swap3A_39], %concatenate3A {strides = array<i32>} : memref<256x2xf32, #tpu.memory_space<vmem>>, vector<256x2xf32>,
    %concatenate3A_41 = tpu.concatenate %broadcast_in_dim3A_17, %broadcast_in_dim3A_33 in 1 : vector<256x1xi32>, vector<256x1xi32> -> vector<256x2xi32>
    %swap3A_42 = arith.constant 0 : index
    %swap3A_43 = arith.constant 0 : index
    %swap3A_44 = vector.load %arg4[%swap3A_42, %swap3A_43] : memref<256x2xi32, #tpu.memory_space<vmem>>, vector<256x2xi32>
    tpu.vector_store %arg4[%swap3A_42, %swap3A_43], %concatenate3A_41 {strides = array<i32>} : memref<256x2xi32, #tpu.memory_space<vmem>>, vector<256x2xi32>,
    return
  }
  func.func @transform_0(%arg0: i32) -> (i32, i32) {
    %c0_i32 = arith.constant 0 : i32
    %c0_i32_0 = arith.constant 0 : i32
    return %arg0, %c0_i32 : i32, i32
  }
  func.func @transform_1(%arg0: i32) -> (i32, i32) {
    %c0_i32 = arith.constant 0 : i32
    %c0_i32_0 = arith.constant 0 : i32
    %c0_i32_1 = arith.constant 0 : i32
    return %c0_i32, %c0_i32_0 : i32, i32
  }
  func.func @transform_2(%arg0: i32) -> (i32, i32) {
    %c0_i32 = arith.constant 0 : i32
    %c0_i32_0 = arith.constant 0 : i32
    return %arg0, %c0_i32 : i32, i32
  }
  func.func @transform_3(%arg0: i32) -> (i32, i32) {
    %c0_i32 = arith.constant 0 : i32
    %c0_i32_0 = arith.constant 0 : i32
    return %arg0, %c0_i32 : i32, i32
  }
}

module attributes {stable_mosaic.version = 14 : i64} {
  func.func @_shared_up_kernel(%arg0: i32, %arg1: memref<256x2048xf32, #tpu.memory_space<vmem>>, %arg2: memref<1024x2048xf32, #tpu.memory_space<vmem>>, %arg3: memref<1024x2048xf32, #tpu.memory_space<vmem>>, %arg4: memref<256x1024xf32, #tpu.memory_space<vmem>>) attributes {dimension_semantics = [#tpu.dimension_semantics<arbitrary>], iteration_bounds = array<i64: 8>, scalar_prefetch = 0 : i64, scratch_operands = 0 : i64, tpu.core_type = #tpu.core_type<tc>, window_params = [{transform_indices = @transform_0, window_bounds = array<i64: 256, 2048>}, {pipeline_mode = #tpu.pipeline_mode<synchronous>, transform_indices = @transform_1, window_bounds = array<i64: 1024, 2048>}, {pipeline_mode = #tpu.pipeline_mode<synchronous>, transform_indices = @transform_2, window_bounds = array<i64: 1024, 2048>}, {transform_indices = @transform_3, window_bounds = array<i64: 256, 1024>}]} {
    %get3A = arith.constant 0 : index
    %get3A_0 = arith.constant 0 : index
    %get3A_1 = vector.load %arg1[%get3A, %get3A_0] : memref<256x2048xf32, #tpu.memory_space<vmem>>, vector<256x2048xf32>
    %get3A_2 = arith.constant 0 : index
    %get3A_3 = arith.constant 0 : index
    %get3A_4 = vector.load %arg2[%get3A_2, %get3A_3] : memref<1024x2048xf32, #tpu.memory_space<vmem>>, vector<1024x2048xf32>
    %dot_general3A = arith.constant dense<0.000000e+00> : vector<256x1024xf32>
    %dot_general3A_5 = tpu.matmul %get3A_1, %get3A_4, %dot_general3A {dimension_numbers = #tpu.dot_dimension_numbers<[1], [1], [0], [0], [0, 0, 1, 0], [], []>, transpose_lhs_hint = false} : vector<256x2048xf32>, vector<1024x2048xf32>, vector<256x1024xf32> -> vector<256x1024xf32>
    %get3A_6 = arith.constant 0 : index
    %get3A_7 = arith.constant 0 : index
    %get3A_8 = vector.load %arg3[%get3A_6, %get3A_7] : memref<1024x2048xf32, #tpu.memory_space<vmem>>, vector<1024x2048xf32>
    %dot_general3A_9 = arith.constant dense<0.000000e+00> : vector<256x1024xf32>
    %dot_general3A_10 = tpu.matmul %get3A_1, %get3A_8, %dot_general3A_9 {dimension_numbers = #tpu.dot_dimension_numbers<[1], [1], [0], [0], [0, 0, 1, 0], [], []>, transpose_lhs_hint = false} : vector<256x2048xf32>, vector<1024x2048xf32>, vector<256x1024xf32> -> vector<256x1024xf32>
    %logistic3A = arith.negf %dot_general3A_5 : vector<256x1024xf32>
    %logistic3A_11 = math.exp %logistic3A : vector<256x1024xf32>
    %logistic3A_12 = arith.constant 1.000000e+00 : f32
    %logistic3A_13 = vector.broadcast %logistic3A_12 : f32 to vector<256x1024xf32>
    %logistic3A_14 = arith.addf %logistic3A_13, %logistic3A_11 : vector<256x1024xf32>
    %logistic3A_15 = arith.divf %logistic3A_13, %logistic3A_14 : vector<256x1024xf32>
    %mul3A = arith.mulf %dot_general3A_5, %logistic3A_15 : vector<256x1024xf32>
    %mul3A_16 = arith.mulf %mul3A, %dot_general3A_10 : vector<256x1024xf32>
    %swap3A = arith.constant 0 : index
    %swap3A_17 = arith.constant 0 : index
    %swap3A_18 = vector.load %arg4[%swap3A, %swap3A_17] : memref<256x1024xf32, #tpu.memory_space<vmem>>, vector<256x1024xf32>
    tpu.vector_store %arg4[%swap3A, %swap3A_17], %mul3A_16 {strides = array<i32>} : memref<256x1024xf32, #tpu.memory_space<vmem>>, vector<256x1024xf32>,
    return
  }
  func.func @transform_0(%arg0: i32) -> (i32, i32) {
    %c0_i32 = arith.constant 0 : i32
    %c0_i32_0 = arith.constant 0 : i32
    return %arg0, %c0_i32 : i32, i32
  }
  func.func @transform_1(%arg0: i32) -> (i32, i32) {
    %c0_i32 = arith.constant 0 : i32
    %c0_i32_0 = arith.constant 0 : i32
    %c0_i32_1 = arith.constant 0 : i32
    return %c0_i32, %c0_i32_0 : i32, i32
  }
  func.func @transform_2(%arg0: i32) -> (i32, i32) {
    %c0_i32 = arith.constant 0 : i32
    %c0_i32_0 = arith.constant 0 : i32
    %c0_i32_1 = arith.constant 0 : i32
    return %c0_i32, %c0_i32_0 : i32, i32
  }
  func.func @transform_3(%arg0: i32) -> (i32, i32) {
    %c0_i32 = arith.constant 0 : i32
    %c0_i32_0 = arith.constant 0 : i32
    return %arg0, %c0_i32 : i32, i32
  }
}

module attributes {stable_mosaic.version = 14 : i64} {
  func.func @_moe_kernel(%arg0: i32, %arg1: memref<1xi32, #tpu.memory_space<smem>>, %arg2: memref<128xi32, #tpu.memory_space<smem>>, %arg3: memref<128xi32, #tpu.memory_space<smem>>, %arg4: memref<8192xi32, #tpu.memory_space<smem>>, %arg5: memref<8192xf32, #tpu.memory_space<smem>>, %arg6: memref<2048x2048xf32, #tpu.memory_space<vmem>>, %arg7: memref<1x512x2048xf32, #tpu.memory_space<vmem>>, %arg8: memref<1x512x2048xf32, #tpu.memory_space<vmem>>, %arg9: memref<1x2048x512xf32, #tpu.memory_space<vmem>>, %arg10: memref<2048x2048xf32, #tpu.memory_space<vmem>>, %arg11: memref<64x2048xf32, #tpu.memory_space<vmem>>, %arg12: memref<64x2048xf32, #tpu.memory_space<vmem>>) attributes {dimension_semantics = [#tpu.dimension_semantics<arbitrary>], iteration_bounds = array<i64: 128>, scalar_prefetch = 5 : i64, scratch_operands = 2 : i64, tpu.core_type = #tpu.core_type<tc>, window_params = [{pipeline_mode = #tpu.pipeline_mode<synchronous>, transform_indices = @transform_0, window_bounds = array<i64: 2048, 2048>}, {transform_indices = @transform_1, window_bounds = array<i64: 1, 512, 2048>}, {transform_indices = @transform_2, window_bounds = array<i64: 1, 512, 2048>}, {transform_indices = @transform_3, window_bounds = array<i64: 1, 2048, 512>}, {pipeline_mode = #tpu.pipeline_mode<synchronous>, transform_indices = @transform_4, window_bounds = array<i64: 2048, 2048>}]} {
    %eq3A = arith.constant 0 : i32
    %eq3A_0 = arith.cmpi eq, %arg0, %eq3A : i32
    %convert_element_type3A = arith.extui %eq3A_0 : i1 to i32
    %cond3A = arith.constant 0 : i32
    %cond3A_1 = arith.cmpi ne, %convert_element_type3A, %cond3A : i32
    scf.if %cond3A_1 {
      %broadcast_in_dim3A = arith.constant 0.000000e+00 : f32
      %broadcast_in_dim3A_6 = vector.broadcast %broadcast_in_dim3A : f32 to vector<2048x2048xf32>
      %swap3A = arith.constant 0 : index
      %swap3A_7 = arith.constant 0 : index
      %swap3A_8 = vector.load %arg10[%swap3A, %swap3A_7] : memref<2048x2048xf32, #tpu.memory_space<vmem>>, vector<2048x2048xf32>
      tpu.vector_store %arg10[%swap3A, %swap3A_7], %broadcast_in_dim3A_6 {strides = array<i32>} : memref<2048x2048xf32, #tpu.memory_space<vmem>>, vector<2048x2048xf32>,
    } else {
    }
    %get3A = arith.constant 0 : index
    %get3A_2 = memref.load %arg1[%get3A] : memref<1xi32, #tpu.memory_space<smem>>
    %lt3A = arith.cmpi slt, %arg0, %get3A_2 : i32
    %convert_element_type3A_3 = arith.extui %lt3A : i1 to i32
    %cond3A_4 = arith.constant 0 : i32
    %cond3A_5 = arith.cmpi ne, %convert_element_type3A_3, %cond3A_4 : i32
    scf.if %cond3A_5 {
      %mul3A = arith.constant 64 : i32
      %mul3A_6 = arith.muli %arg0, %mul3A : i32
      %get3A_7 = arith.index_cast %arg0 : i32 to index
      %get3A_8 = memref.load %arg3[%get3A_7] : memref<128xi32, #tpu.memory_space<smem>>
      %add3A = arith.constant 0 : i32
      %add3A_9 = arith.addi %mul3A_6, %add3A : i32
      %get3A_10 = arith.index_cast %add3A_9 : i32 to index
      %get3A_11 = memref.load %arg4[%get3A_10] : memref<8192xi32, #tpu.memory_space<smem>>
      %jit3A = arith.constant 0 : i32
      %jit3A_12 = arith.constant 2047 : i32
      %max3A = arith.maxsi %jit3A, %get3A_11 : i32
      %min3A = arith.minsi %jit3A_12, %max3A : i32
      %get3A_13 = arith.index_cast %min3A : i32 to index
      %get3A_14 = arith.constant 0 : index
      %get3A_15 = vector.load %arg6[%get3A_13, %get3A_14] : memref<2048x2048xf32, #tpu.memory_space<vmem>>, vector<1x2048xf32>
      %get3A_16 = vector.shape_cast %get3A_15 : vector<1x2048xf32> to vector<2048xf32>
      %swap3A = arith.constant 0 : index
      %swap3A_17 = arith.constant 0 : index
      %swap3A_18 = vector.load %arg11[%swap3A, %swap3A_17] : memref<64x2048xf32, #tpu.memory_space<vmem>>, vector<1x2048xf32>
      %swap3A_19 = vector.shape_cast %swap3A_18 : vector<1x2048xf32> to vector<2048xf32>
      %swap3A_20 = vector.shape_cast %get3A_16 : vector<2048xf32> to vector<1x2048xf32>
      tpu.vector_store %arg11[%swap3A, %swap3A_17], %swap3A_20 {strides = array<i32>} : memref<64x2048xf32, #tpu.memory_space<vmem>>, vector<1x2048xf32>,
      %add3A_21 = arith.constant 1 : i32
      %add3A_22 = arith.addi %mul3A_6, %add3A_21 : i32
      %get3A_23 = arith.index_cast %add3A_22 : i32 to index
      %get3A_24 = memref.load %arg4[%get3A_23] : memref<8192xi32, #tpu.memory_space<smem>>
      %jit3A_25 = arith.constant 0 : i32
      %jit3A_26 = arith.constant 2047 : i32
      %max3A_27 = arith.maxsi %jit3A_25, %get3A_24 : i32
      %min3A_28 = arith.minsi %jit3A_26, %max3A_27 : i32
      %get3A_29 = arith.index_cast %min3A_28 : i32 to index
      %get3A_30 = arith.constant 0 : index
      %get3A_31 = vector.load %arg6[%get3A_29, %get3A_30] : memref<2048x2048xf32, #tpu.memory_space<vmem>>, vector<1x2048xf32>
      %get3A_32 = vector.shape_cast %get3A_31 : vector<1x2048xf32> to vector<2048xf32>
      %swap3A_33 = arith.constant 1 : index
      %swap3A_34 = arith.constant 0 : index
      %swap3A_35 = vector.load %arg11[%swap3A_33, %swap3A_34] : memref<64x2048xf32, #tpu.memory_space<vmem>>, vector<1x2048xf32>
      %swap3A_36 = vector.shape_cast %swap3A_35 : vector<1x2048xf32> to vector<2048xf32>
      %swap3A_37 = vector.shape_cast %get3A_32 : vector<2048xf32> to vector<1x2048xf32>
      tpu.vector_store %arg11[%swap3A_33, %swap3A_34], %swap3A_37 {strides = array<i32>} : memref<64x2048xf32, #tpu.memory_space<vmem>>, vector<1x2048xf32>,
      %add3A_38 = arith.constant 2 : i32
      %add3A_39 = arith.addi %mul3A_6, %add3A_38 : i32
      %get3A_40 = arith.index_cast %add3A_39 : i32 to index
      %get3A_41 = memref.load %arg4[%get3A_40] : memref<8192xi32, #tpu.memory_space<smem>>
      %jit3A_42 = arith.constant 0 : i32
      %jit3A_43 = arith.constant 2047 : i32
      %max3A_44 = arith.maxsi %jit3A_42, %get3A_41 : i32
      %min3A_45 = arith.minsi %jit3A_43, %max3A_44 : i32
      %get3A_46 = arith.index_cast %min3A_45 : i32 to index
      %get3A_47 = arith.constant 0 : index
      %get3A_48 = vector.load %arg6[%get3A_46, %get3A_47] : memref<2048x2048xf32, #tpu.memory_space<vmem>>, vector<1x2048xf32>
      %get3A_49 = vector.shape_cast %get3A_48 : vector<1x2048xf32> to vector<2048xf32>
      %swap3A_50 = arith.constant 2 : index
      %swap3A_51 = arith.constant 0 : index
      %swap3A_52 = vector.load %arg11[%swap3A_50, %swap3A_51] : memref<64x2048xf32, #tpu.memory_space<vmem>>, vector<1x2048xf32>
      %swap3A_53 = vector.shape_cast %swap3A_52 : vector<1x2048xf32> to vector<2048xf32>
      %swap3A_54 = vector.shape_cast %get3A_49 : vector<2048xf32> to vector<1x2048xf32>
      tpu.vector_store %arg11[%swap3A_50, %swap3A_51], %swap3A_54 {strides = array<i32>} : memref<64x2048xf32, #tpu.memory_space<vmem>>, vector<1x2048xf32>,
      %add3A_55 = arith.constant 3 : i32
      %add3A_56 = arith.addi %mul3A_6, %add3A_55 : i32
      %get3A_57 = arith.index_cast %add3A_56 : i32 to index
      %get3A_58 = memref.load %arg4[%get3A_57] : memref<8192xi32, #tpu.memory_space<smem>>
      %jit3A_59 = arith.constant 0 : i32
      %jit3A_60 = arith.constant 2047 : i32
      %max3A_61 = arith.maxsi %jit3A_59, %get3A_58 : i32
      %min3A_62 = arith.minsi %jit3A_60, %max3A_61 : i32
      %get3A_63 = arith.index_cast %min3A_62 : i32 to index
      %get3A_64 = arith.constant 0 : index
      %get3A_65 = vector.load %arg6[%get3A_63, %get3A_64] : memref<2048x2048xf32, #tpu.memory_space<vmem>>, vector<1x2048xf32>
      %get3A_66 = vector.shape_cast %get3A_65 : vector<1x2048xf32> to vector<2048xf32>
      %swap3A_67 = arith.constant 3 : index
      %swap3A_68 = arith.constant 0 : index
      %swap3A_69 = vector.load %arg11[%swap3A_67, %swap3A_68] : memref<64x2048xf32, #tpu.memory_space<vmem>>, vector<1x2048xf32>
      %swap3A_70 = vector.shape_cast %swap3A_69 : vector<1x2048xf32> to vector<2048xf32>
      %swap3A_71 = vector.shape_cast %get3A_66 : vector<2048xf32> to vector<1x2048xf32>
      tpu.vector_store %arg11[%swap3A_67, %swap3A_68], %swap3A_71 {strides = array<i32>} : memref<64x2048xf32, #tpu.memory_space<vmem>>, vector<1x2048xf32>,
      %add3A_72 = arith.constant 4 : i32
      %add3A_73 = arith.addi %mul3A_6, %add3A_72 : i32
      %get3A_74 = arith.index_cast %add3A_73 : i32 to index
      %get3A_75 = memref.load %arg4[%get3A_74] : memref<8192xi32, #tpu.memory_space<smem>>
      %jit3A_76 = arith.constant 0 : i32
      %jit3A_77 = arith.constant 2047 : i32
      %max3A_78 = arith.maxsi %jit3A_76, %get3A_75 : i32
      %min3A_79 = arith.minsi %jit3A_77, %max3A_78 : i32
      %get3A_80 = arith.index_cast %min3A_79 : i32 to index
      %get3A_81 = arith.constant 0 : index
      %get3A_82 = vector.load %arg6[%get3A_80, %get3A_81] : memref<2048x2048xf32, #tpu.memory_space<vmem>>, vector<1x2048xf32>
      %get3A_83 = vector.shape_cast %get3A_82 : vector<1x2048xf32> to vector<2048xf32>
      %swap3A_84 = arith.constant 4 : index
      %swap3A_85 = arith.constant 0 : index
      %swap3A_86 = vector.load %arg11[%swap3A_84, %swap3A_85] : memref<64x2048xf32, #tpu.memory_space<vmem>>, vector<1x2048xf32>
      %swap3A_87 = vector.shape_cast %swap3A_86 : vector<1x2048xf32> to vector<2048xf32>
      %swap3A_88 = vector.shape_cast %get3A_83 : vector<2048xf32> to vector<1x2048xf32>
      tpu.vector_store %arg11[%swap3A_84, %swap3A_85], %swap3A_88 {strides = array<i32>} : memref<64x2048xf32, #tpu.memory_space<vmem>>, vector<1x2048xf32>,
      %add3A_89 = arith.constant 5 : i32
      %add3A_90 = arith.addi %mul3A_6, %add3A_89 : i32
      %get3A_91 = arith.index_cast %add3A_90 : i32 to index
      %get3A_92 = memref.load %arg4[%get3A_91] : memref<8192xi32, #tpu.memory_space<smem>>
      %jit3A_93 = arith.constant 0 : i32
      %jit3A_94 = arith.constant 2047 : i32
      %max3A_95 = arith.maxsi %jit3A_93, %get3A_92 : i32
      %min3A_96 = arith.minsi %jit3A_94, %max3A_95 : i32
      %get3A_97 = arith.index_cast %min3A_96 : i32 to index
      %get3A_98 = arith.constant 0 : index
      %get3A_99 = vector.load %arg6[%get3A_97, %get3A_98] : memref<2048x2048xf32, #tpu.memory_space<vmem>>, vector<1x2048xf32>
      %get3A_100 = vector.shape_cast %get3A_99 : vector<1x2048xf32> to vector<2048xf32>
      %swap3A_101 = arith.constant 5 : index
      %swap3A_102 = arith.constant 0 : index
      %swap3A_103 = vector.load %arg11[%swap3A_101, %swap3A_102] : memref<64x2048xf32, #tpu.memory_space<vmem>>, vector<1x2048xf32>
      %swap3A_104 = vector.shape_cast %swap3A_103 : vector<1x2048xf32> to vector<2048xf32>
      %swap3A_105 = vector.shape_cast %get3A_100 : vector<2048xf32> to vector<1x2048xf32>
      tpu.vector_store %arg11[%swap3A_101, %swap3A_102], %swap3A_105 {strides = array<i32>} : memref<64x2048xf32, #tpu.memory_space<vmem>>, vector<1x2048xf32>,
      %add3A_106 = arith.constant 6 : i32
      %add3A_107 = arith.addi %mul3A_6, %add3A_106 : i32
      %get3A_108 = arith.index_cast %add3A_107 : i32 to index
      %get3A_109 = memref.load %arg4[%get3A_108] : memref<8192xi32, #tpu.memory_space<smem>>
      %jit3A_110 = arith.constant 0 : i32
      %jit3A_111 = arith.constant 2047 : i32
      %max3A_112 = arith.maxsi %jit3A_110, %get3A_109 : i32
      %min3A_113 = arith.minsi %jit3A_111, %max3A_112 : i32
      %get3A_114 = arith.index_cast %min3A_113 : i32 to index
      %get3A_115 = arith.constant 0 : index
      %get3A_116 = vector.load %arg6[%get3A_114, %get3A_115] : memref<2048x2048xf32, #tpu.memory_space<vmem>>, vector<1x2048xf32>
      %get3A_117 = vector.shape_cast %get3A_116 : vector<1x2048xf32> to vector<2048xf32>
      %swap3A_118 = arith.constant 6 : index
      %swap3A_119 = arith.constant 0 : index
      %swap3A_120 = vector.load %arg11[%swap3A_118, %swap3A_119] : memref<64x2048xf32, #tpu.memory_space<vmem>>, vector<1x2048xf32>
      %swap3A_121 = vector.shape_cast %swap3A_120 : vector<1x2048xf32> to vector<2048xf32>
      %swap3A_122 = vector.shape_cast %get3A_117 : vector<2048xf32> to vector<1x2048xf32>
      tpu.vector_store %arg11[%swap3A_118, %swap3A_119], %swap3A_122 {strides = array<i32>} : memref<64x2048xf32, #tpu.memory_space<vmem>>, vector<1x2048xf32>,
      %add3A_123 = arith.constant 7 : i32
      %add3A_124 = arith.addi %mul3A_6, %add3A_123 : i32
      %get3A_125 = arith.index_cast %add3A_124 : i32 to index
      %get3A_126 = memref.load %arg4[%get3A_125] : memref<8192xi32, #tpu.memory_space<smem>>
      %jit3A_127 = arith.constant 0 : i32
      %jit3A_128 = arith.constant 2047 : i32
      %max3A_129 = arith.maxsi %jit3A_127, %get3A_126 : i32
      %min3A_130 = arith.minsi %jit3A_128, %max3A_129 : i32
      %get3A_131 = arith.index_cast %min3A_130 : i32 to index
      %get3A_132 = arith.constant 0 : index
      %get3A_133 = vector.load %arg6[%get3A_131, %get3A_132] : memref<2048x2048xf32, #tpu.memory_space<vmem>>, vector<1x2048xf32>
      %get3A_134 = vector.shape_cast %get3A_133 : vector<1x2048xf32> to vector<2048xf32>
      %swap3A_135 = arith.constant 7 : index
      %swap3A_136 = arith.constant 0 : index
      %swap3A_137 = vector.load %arg11[%swap3A_135, %swap3A_136] : memref<64x2048xf32, #tpu.memory_space<vmem>>, vector<1x2048xf32>
      %swap3A_138 = vector.shape_cast %swap3A_137 : vector<1x2048xf32> to vector<2048xf32>
      %swap3A_139 = vector.shape_cast %get3A_134 : vector<2048xf32> to vector<1x2048xf32>
      tpu.vector_store %arg11[%swap3A_135, %swap3A_136], %swap3A_139 {strides = array<i32>} : memref<64x2048xf32, #tpu.memory_space<vmem>>, vector<1x2048xf32>,
      %add3A_140 = arith.constant 8 : i32
      %add3A_141 = arith.addi %mul3A_6, %add3A_140 : i32
      %get3A_142 = arith.index_cast %add3A_141 : i32 to index
      %get3A_143 = memref.load %arg4[%get3A_142] : memref<8192xi32, #tpu.memory_space<smem>>
      %jit3A_144 = arith.constant 0 : i32
      %jit3A_145 = arith.constant 2047 : i32
      %max3A_146 = arith.maxsi %jit3A_144, %get3A_143 : i32
      %min3A_147 = arith.minsi %jit3A_145, %max3A_146 : i32
      %get3A_148 = arith.index_cast %min3A_147 : i32 to index
      %get3A_149 = arith.constant 0 : index
      %get3A_150 = vector.load %arg6[%get3A_148, %get3A_149] : memref<2048x2048xf32, #tpu.memory_space<vmem>>, vector<1x2048xf32>
      %get3A_151 = vector.shape_cast %get3A_150 : vector<1x2048xf32> to vector<2048xf32>
      %swap3A_152 = arith.constant 8 : index
      %swap3A_153 = arith.constant 0 : index
      %swap3A_154 = vector.load %arg11[%swap3A_152, %swap3A_153] : memref<64x2048xf32, #tpu.memory_space<vmem>>, vector<1x2048xf32>
      %swap3A_155 = vector.shape_cast %swap3A_154 : vector<1x2048xf32> to vector<2048xf32>
      %swap3A_156 = vector.shape_cast %get3A_151 : vector<2048xf32> to vector<1x2048xf32>
      tpu.vector_store %arg11[%swap3A_152, %swap3A_153], %swap3A_156 {strides = array<i32>} : memref<64x2048xf32, #tpu.memory_space<vmem>>, vector<1x2048xf32>,
      %add3A_157 = arith.constant 9 : i32
      %add3A_158 = arith.addi %mul3A_6, %add3A_157 : i32
      %get3A_159 = arith.index_cast %add3A_158 : i32 to index
      %get3A_160 = memref.load %arg4[%get3A_159] : memref<8192xi32, #tpu.memory_space<smem>>
      %jit3A_161 = arith.constant 0 : i32
      %jit3A_162 = arith.constant 2047 : i32
      %max3A_163 = arith.maxsi %jit3A_161, %get3A_160 : i32
      %min3A_164 = arith.minsi %jit3A_162, %max3A_163 : i32
      %get3A_165 = arith.index_cast %min3A_164 : i32 to index
      %get3A_166 = arith.constant 0 : index
      %get3A_167 = vector.load %arg6[%get3A_165, %get3A_166] : memref<2048x2048xf32, #tpu.memory_space<vmem>>, vector<1x2048xf32>
      %get3A_168 = vector.shape_cast %get3A_167 : vector<1x2048xf32> to vector<2048xf32>
      %swap3A_169 = arith.constant 9 : index
      %swap3A_170 = arith.constant 0 : index
      %swap3A_171 = vector.load %arg11[%swap3A_169, %swap3A_170] : memref<64x2048xf32, #tpu.memory_space<vmem>>, vector<1x2048xf32>
      %swap3A_172 = vector.shape_cast %swap3A_171 : vector<1x2048xf32> to vector<2048xf32>
      %swap3A_173 = vector.shape_cast %get3A_168 : vector<2048xf32> to vector<1x2048xf32>
      tpu.vector_store %arg11[%swap3A_169, %swap3A_170], %swap3A_173 {strides = array<i32>} : memref<64x2048xf32, #tpu.memory_space<vmem>>, vector<1x2048xf32>,
      %add3A_174 = arith.constant 10 : i32
      %add3A_175 = arith.addi %mul3A_6, %add3A_174 : i32
      %get3A_176 = arith.index_cast %add3A_175 : i32 to index
      %get3A_177 = memref.load %arg4[%get3A_176] : memref<8192xi32, #tpu.memory_space<smem>>
      %jit3A_178 = arith.constant 0 : i32
      %jit3A_179 = arith.constant 2047 : i32
      %max3A_180 = arith.maxsi %jit3A_178, %get3A_177 : i32
      %min3A_181 = arith.minsi %jit3A_179, %max3A_180 : i32
      %get3A_182 = arith.index_cast %min3A_181 : i32 to index
      %get3A_183 = arith.constant 0 : index
      %get3A_184 = vector.load %arg6[%get3A_182, %get3A_183] : memref<2048x2048xf32, #tpu.memory_space<vmem>>, vector<1x2048xf32>
      %get3A_185 = vector.shape_cast %get3A_184 : vector<1x2048xf32> to vector<2048xf32>
      %swap3A_186 = arith.constant 10 : index
      %swap3A_187 = arith.constant 0 : index
      %swap3A_188 = vector.load %arg11[%swap3A_186, %swap3A_187] : memref<64x2048xf32, #tpu.memory_space<vmem>>, vector<1x2048xf32>
      %swap3A_189 = vector.shape_cast %swap3A_188 : vector<1x2048xf32> to vector<2048xf32>
      %swap3A_190 = vector.shape_cast %get3A_185 : vector<2048xf32> to vector<1x2048xf32>
      tpu.vector_store %arg11[%swap3A_186, %swap3A_187], %swap3A_190 {strides = array<i32>} : memref<64x2048xf32, #tpu.memory_space<vmem>>, vector<1x2048xf32>,
      %add3A_191 = arith.constant 11 : i32
      %add3A_192 = arith.addi %mul3A_6, %add3A_191 : i32
      %get3A_193 = arith.index_cast %add3A_192 : i32 to index
      %get3A_194 = memref.load %arg4[%get3A_193] : memref<8192xi32, #tpu.memory_space<smem>>
      %jit3A_195 = arith.constant 0 : i32
      %jit3A_196 = arith.constant 2047 : i32
      %max3A_197 = arith.maxsi %jit3A_195, %get3A_194 : i32
      %min3A_198 = arith.minsi %jit3A_196, %max3A_197 : i32
      %get3A_199 = arith.index_cast %min3A_198 : i32 to index
      %get3A_200 = arith.constant 0 : index
      %get3A_201 = vector.load %arg6[%get3A_199, %get3A_200] : memref<2048x2048xf32, #tpu.memory_space<vmem>>, vector<1x2048xf32>
      %get3A_202 = vector.shape_cast %get3A_201 : vector<1x2048xf32> to vector<2048xf32>
      %swap3A_203 = arith.constant 11 : index
      %swap3A_204 = arith.constant 0 : index
      %swap3A_205 = vector.load %arg11[%swap3A_203, %swap3A_204] : memref<64x2048xf32, #tpu.memory_space<vmem>>, vector<1x2048xf32>
      %swap3A_206 = vector.shape_cast %swap3A_205 : vector<1x2048xf32> to vector<2048xf32>
      %swap3A_207 = vector.shape_cast %get3A_202 : vector<2048xf32> to vector<1x2048xf32>
      tpu.vector_store %arg11[%swap3A_203, %swap3A_204], %swap3A_207 {strides = array<i32>} : memref<64x2048xf32, #tpu.memory_space<vmem>>, vector<1x2048xf32>,
      %add3A_208 = arith.constant 12 : i32
      %add3A_209 = arith.addi %mul3A_6, %add3A_208 : i32
      %get3A_210 = arith.index_cast %add3A_209 : i32 to index
      %get3A_211 = memref.load %arg4[%get3A_210] : memref<8192xi32, #tpu.memory_space<smem>>
      %jit3A_212 = arith.constant 0 : i32
      %jit3A_213 = arith.constant 2047 : i32
      %max3A_214 = arith.maxsi %jit3A_212, %get3A_211 : i32
      %min3A_215 = arith.minsi %jit3A_213, %max3A_214 : i32
      %get3A_216 = arith.index_cast %min3A_215 : i32 to index
      %get3A_217 = arith.constant 0 : index
      %get3A_218 = vector.load %arg6[%get3A_216, %get3A_217] : memref<2048x2048xf32, #tpu.memory_space<vmem>>, vector<1x2048xf32>
      %get3A_219 = vector.shape_cast %get3A_218 : vector<1x2048xf32> to vector<2048xf32>
      %swap3A_220 = arith.constant 12 : index
      %swap3A_221 = arith.constant 0 : index
      %swap3A_222 = vector.load %arg11[%swap3A_220, %swap3A_221] : memref<64x2048xf32, #tpu.memory_space<vmem>>, vector<1x2048xf32>
      %swap3A_223 = vector.shape_cast %swap3A_222 : vector<1x2048xf32> to vector<2048xf32>
      %swap3A_224 = vector.shape_cast %get3A_219 : vector<2048xf32> to vector<1x2048xf32>
      tpu.vector_store %arg11[%swap3A_220, %swap3A_221], %swap3A_224 {strides = array<i32>} : memref<64x2048xf32, #tpu.memory_space<vmem>>, vector<1x2048xf32>,
      %add3A_225 = arith.constant 13 : i32
      %add3A_226 = arith.addi %mul3A_6, %add3A_225 : i32
      %get3A_227 = arith.index_cast %add3A_226 : i32 to index
      %get3A_228 = memref.load %arg4[%get3A_227] : memref<8192xi32, #tpu.memory_space<smem>>
      %jit3A_229 = arith.constant 0 : i32
      %jit3A_230 = arith.constant 2047 : i32
      %max3A_231 = arith.maxsi %jit3A_229, %get3A_228 : i32
      %min3A_232 = arith.minsi %jit3A_230, %max3A_231 : i32
      %get3A_233 = arith.index_cast %min3A_232 : i32 to index
      %get3A_234 = arith.constant 0 : index
      %get3A_235 = vector.load %arg6[%get3A_233, %get3A_234] : memref<2048x2048xf32, #tpu.memory_space<vmem>>, vector<1x2048xf32>
      %get3A_236 = vector.shape_cast %get3A_235 : vector<1x2048xf32> to vector<2048xf32>
      %swap3A_237 = arith.constant 13 : index
      %swap3A_238 = arith.constant 0 : index
      %swap3A_239 = vector.load %arg11[%swap3A_237, %swap3A_238] : memref<64x2048xf32, #tpu.memory_space<vmem>>, vector<1x2048xf32>
      %swap3A_240 = vector.shape_cast %swap3A_239 : vector<1x2048xf32> to vector<2048xf32>
      %swap3A_241 = vector.shape_cast %get3A_236 : vector<2048xf32> to vector<1x2048xf32>
      tpu.vector_store %arg11[%swap3A_237, %swap3A_238], %swap3A_241 {strides = array<i32>} : memref<64x2048xf32, #tpu.memory_space<vmem>>, vector<1x2048xf32>,
      %add3A_242 = arith.constant 14 : i32
      %add3A_243 = arith.addi %mul3A_6, %add3A_242 : i32
      %get3A_244 = arith.index_cast %add3A_243 : i32 to index
      %get3A_245 = memref.load %arg4[%get3A_244] : memref<8192xi32, #tpu.memory_space<smem>>
      %jit3A_246 = arith.constant 0 : i32
      %jit3A_247 = arith.constant 2047 : i32
      %max3A_248 = arith.maxsi %jit3A_246, %get3A_245 : i32
      %min3A_249 = arith.minsi %jit3A_247, %max3A_248 : i32
      %get3A_250 = arith.index_cast %min3A_249 : i32 to index
      %get3A_251 = arith.constant 0 : index
      %get3A_252 = vector.load %arg6[%get3A_250, %get3A_251] : memref<2048x2048xf32, #tpu.memory_space<vmem>>, vector<1x2048xf32>
      %get3A_253 = vector.shape_cast %get3A_252 : vector<1x2048xf32> to vector<2048xf32>
      %swap3A_254 = arith.constant 14 : index
      %swap3A_255 = arith.constant 0 : index
      %swap3A_256 = vector.load %arg11[%swap3A_254, %swap3A_255] : memref<64x2048xf32, #tpu.memory_space<vmem>>, vector<1x2048xf32>
      %swap3A_257 = vector.shape_cast %swap3A_256 : vector<1x2048xf32> to vector<2048xf32>
      %swap3A_258 = vector.shape_cast %get3A_253 : vector<2048xf32> to vector<1x2048xf32>
      tpu.vector_store %arg11[%swap3A_254, %swap3A_255], %swap3A_258 {strides = array<i32>} : memref<64x2048xf32, #tpu.memory_space<vmem>>, vector<1x2048xf32>,
      %add3A_259 = arith.constant 15 : i32
      %add3A_260 = arith.addi %mul3A_6, %add3A_259 : i32
      %get3A_261 = arith.index_cast %add3A_260 : i32 to index
      %get3A_262 = memref.load %arg4[%get3A_261] : memref<8192xi32, #tpu.memory_space<smem>>
      %jit3A_263 = arith.constant 0 : i32
      %jit3A_264 = arith.constant 2047 : i32
      %max3A_265 = arith.maxsi %jit3A_263, %get3A_262 : i32
      %min3A_266 = arith.minsi %jit3A_264, %max3A_265 : i32
      %get3A_267 = arith.index_cast %min3A_266 : i32 to index
      %get3A_268 = arith.constant 0 : index
      %get3A_269 = vector.load %arg6[%get3A_267, %get3A_268] : memref<2048x2048xf32, #tpu.memory_space<vmem>>, vector<1x2048xf32>
      %get3A_270 = vector.shape_cast %get3A_269 : vector<1x2048xf32> to vector<2048xf32>
      %swap3A_271 = arith.constant 15 : index
      %swap3A_272 = arith.constant 0 : index
      %swap3A_273 = vector.load %arg11[%swap3A_271, %swap3A_272] : memref<64x2048xf32, #tpu.memory_space<vmem>>, vector<1x2048xf32>
      %swap3A_274 = vector.shape_cast %swap3A_273 : vector<1x2048xf32> to vector<2048xf32>
      %swap3A_275 = vector.shape_cast %get3A_270 : vector<2048xf32> to vector<1x2048xf32>
      tpu.vector_store %arg11[%swap3A_271, %swap3A_272], %swap3A_275 {strides = array<i32>} : memref<64x2048xf32, #tpu.memory_space<vmem>>, vector<1x2048xf32>,
      %add3A_276 = arith.constant 16 : i32
      %add3A_277 = arith.addi %mul3A_6, %add3A_276 : i32
      %get3A_278 = arith.index_cast %add3A_277 : i32 to index
      %get3A_279 = memref.load %arg4[%get3A_278] : memref<8192xi32, #tpu.memory_space<smem>>
      %jit3A_280 = arith.constant 0 : i32
      %jit3A_281 = arith.constant 2047 : i32
      %max3A_282 = arith.maxsi %jit3A_280, %get3A_279 : i32
      %min3A_283 = arith.minsi %jit3A_281, %max3A_282 : i32
      %get3A_284 = arith.index_cast %min3A_283 : i32 to index
      %get3A_285 = arith.constant 0 : index
      %get3A_286 = vector.load %arg6[%get3A_284, %get3A_285] : memref<2048x2048xf32, #tpu.memory_space<vmem>>, vector<1x2048xf32>
      %get3A_287 = vector.shape_cast %get3A_286 : vector<1x2048xf32> to vector<2048xf32>
      %swap3A_288 = arith.constant 16 : index
      %swap3A_289 = arith.constant 0 : index
      %swap3A_290 = vector.load %arg11[%swap3A_288, %swap3A_289] : memref<64x2048xf32, #tpu.memory_space<vmem>>, vector<1x2048xf32>
      %swap3A_291 = vector.shape_cast %swap3A_290 : vector<1x2048xf32> to vector<2048xf32>
      %swap3A_292 = vector.shape_cast %get3A_287 : vector<2048xf32> to vector<1x2048xf32>
      tpu.vector_store %arg11[%swap3A_288, %swap3A_289], %swap3A_292 {strides = array<i32>} : memref<64x2048xf32, #tpu.memory_space<vmem>>, vector<1x2048xf32>,
      %add3A_293 = arith.constant 17 : i32
      %add3A_294 = arith.addi %mul3A_6, %add3A_293 : i32
      %get3A_295 = arith.index_cast %add3A_294 : i32 to index
      %get3A_296 = memref.load %arg4[%get3A_295] : memref<8192xi32, #tpu.memory_space<smem>>
      %jit3A_297 = arith.constant 0 : i32
      %jit3A_298 = arith.constant 2047 : i32
      %max3A_299 = arith.maxsi %jit3A_297, %get3A_296 : i32
      %min3A_300 = arith.minsi %jit3A_298, %max3A_299 : i32
      %get3A_301 = arith.index_cast %min3A_300 : i32 to index
      %get3A_302 = arith.constant 0 : index
      %get3A_303 = vector.load %arg6[%get3A_301, %get3A_302] : memref<2048x2048xf32, #tpu.memory_space<vmem>>, vector<1x2048xf32>
      %get3A_304 = vector.shape_cast %get3A_303 : vector<1x2048xf32> to vector<2048xf32>
      %swap3A_305 = arith.constant 17 : index
      %swap3A_306 = arith.constant 0 : index
      %swap3A_307 = vector.load %arg11[%swap3A_305, %swap3A_306] : memref<64x2048xf32, #tpu.memory_space<vmem>>, vector<1x2048xf32>
      %swap3A_308 = vector.shape_cast %swap3A_307 : vector<1x2048xf32> to vector<2048xf32>
      %swap3A_309 = vector.shape_cast %get3A_304 : vector<2048xf32> to vector<1x2048xf32>
      tpu.vector_store %arg11[%swap3A_305, %swap3A_306], %swap3A_309 {strides = array<i32>} : memref<64x2048xf32, #tpu.memory_space<vmem>>, vector<1x2048xf32>,
      %add3A_310 = arith.constant 18 : i32
      %add3A_311 = arith.addi %mul3A_6, %add3A_310 : i32
      %get3A_312 = arith.index_cast %add3A_311 : i32 to index
      %get3A_313 = memref.load %arg4[%get3A_312] : memref<8192xi32, #tpu.memory_space<smem>>
      %jit3A_314 = arith.constant 0 : i32
      %jit3A_315 = arith.constant 2047 : i32
      %max3A_316 = arith.maxsi %jit3A_314, %get3A_313 : i32
      %min3A_317 = arith.minsi %jit3A_315, %max3A_316 : i32
      %get3A_318 = arith.index_cast %min3A_317 : i32 to index
      %get3A_319 = arith.constant 0 : index
      %get3A_320 = vector.load %arg6[%get3A_318, %get3A_319] : memref<2048x2048xf32, #tpu.memory_space<vmem>>, vector<1x2048xf32>
      %get3A_321 = vector.shape_cast %get3A_320 : vector<1x2048xf32> to vector<2048xf32>
      %swap3A_322 = arith.constant 18 : index
      %swap3A_323 = arith.constant 0 : index
      %swap3A_324 = vector.load %arg11[%swap3A_322, %swap3A_323] : memref<64x2048xf32, #tpu.memory_space<vmem>>, vector<1x2048xf32>
      %swap3A_325 = vector.shape_cast %swap3A_324 : vector<1x2048xf32> to vector<2048xf32>
      %swap3A_326 = vector.shape_cast %get3A_321 : vector<2048xf32> to vector<1x2048xf32>
      tpu.vector_store %arg11[%swap3A_322, %swap3A_323], %swap3A_326 {strides = array<i32>} : memref<64x2048xf32, #tpu.memory_space<vmem>>, vector<1x2048xf32>,
      %add3A_327 = arith.constant 19 : i32
      %add3A_328 = arith.addi %mul3A_6, %add3A_327 : i32
      %get3A_329 = arith.index_cast %add3A_328 : i32 to index
      %get3A_330 = memref.load %arg4[%get3A_329] : memref<8192xi32, #tpu.memory_space<smem>>
      %jit3A_331 = arith.constant 0 : i32
      %jit3A_332 = arith.constant 2047 : i32
      %max3A_333 = arith.maxsi %jit3A_331, %get3A_330 : i32
      %min3A_334 = arith.minsi %jit3A_332, %max3A_333 : i32
      %get3A_335 = arith.index_cast %min3A_334 : i32 to index
      %get3A_336 = arith.constant 0 : index
      %get3A_337 = vector.load %arg6[%get3A_335, %get3A_336] : memref<2048x2048xf32, #tpu.memory_space<vmem>>, vector<1x2048xf32>
      %get3A_338 = vector.shape_cast %get3A_337 : vector<1x2048xf32> to vector<2048xf32>
      %swap3A_339 = arith.constant 19 : index
      %swap3A_340 = arith.constant 0 : index
      %swap3A_341 = vector.load %arg11[%swap3A_339, %swap3A_340] : memref<64x2048xf32, #tpu.memory_space<vmem>>, vector<1x2048xf32>
      %swap3A_342 = vector.shape_cast %swap3A_341 : vector<1x2048xf32> to vector<2048xf32>
      %swap3A_343 = vector.shape_cast %get3A_338 : vector<2048xf32> to vector<1x2048xf32>
      tpu.vector_store %arg11[%swap3A_339, %swap3A_340], %swap3A_343 {strides = array<i32>} : memref<64x2048xf32, #tpu.memory_space<vmem>>, vector<1x2048xf32>,
      %add3A_344 = arith.constant 20 : i32
      %add3A_345 = arith.addi %mul3A_6, %add3A_344 : i32
      %get3A_346 = arith.index_cast %add3A_345 : i32 to index
      %get3A_347 = memref.load %arg4[%get3A_346] : memref<8192xi32, #tpu.memory_space<smem>>
      %jit3A_348 = arith.constant 0 : i32
      %jit3A_349 = arith.constant 2047 : i32
      %max3A_350 = arith.maxsi %jit3A_348, %get3A_347 : i32
      %min3A_351 = arith.minsi %jit3A_349, %max3A_350 : i32
      %get3A_352 = arith.index_cast %min3A_351 : i32 to index
      %get3A_353 = arith.constant 0 : index
      %get3A_354 = vector.load %arg6[%get3A_352, %get3A_353] : memref<2048x2048xf32, #tpu.memory_space<vmem>>, vector<1x2048xf32>
      %get3A_355 = vector.shape_cast %get3A_354 : vector<1x2048xf32> to vector<2048xf32>
      %swap3A_356 = arith.constant 20 : index
      %swap3A_357 = arith.constant 0 : index
      %swap3A_358 = vector.load %arg11[%swap3A_356, %swap3A_357] : memref<64x2048xf32, #tpu.memory_space<vmem>>, vector<1x2048xf32>
      %swap3A_359 = vector.shape_cast %swap3A_358 : vector<1x2048xf32> to vector<2048xf32>
      %swap3A_360 = vector.shape_cast %get3A_355 : vector<2048xf32> to vector<1x2048xf32>
      tpu.vector_store %arg11[%swap3A_356, %swap3A_357], %swap3A_360 {strides = array<i32>} : memref<64x2048xf32, #tpu.memory_space<vmem>>, vector<1x2048xf32>,
      %add3A_361 = arith.constant 21 : i32
      %add3A_362 = arith.addi %mul3A_6, %add3A_361 : i32
      %get3A_363 = arith.index_cast %add3A_362 : i32 to index
      %get3A_364 = memref.load %arg4[%get3A_363] : memref<8192xi32, #tpu.memory_space<smem>>
      %jit3A_365 = arith.constant 0 : i32
      %jit3A_366 = arith.constant 2047 : i32
      %max3A_367 = arith.maxsi %jit3A_365, %get3A_364 : i32
      %min3A_368 = arith.minsi %jit3A_366, %max3A_367 : i32
      %get3A_369 = arith.index_cast %min3A_368 : i32 to index
      %get3A_370 = arith.constant 0 : index
      %get3A_371 = vector.load %arg6[%get3A_369, %get3A_370] : memref<2048x2048xf32, #tpu.memory_space<vmem>>, vector<1x2048xf32>
      %get3A_372 = vector.shape_cast %get3A_371 : vector<1x2048xf32> to vector<2048xf32>
      %swap3A_373 = arith.constant 21 : index
      %swap3A_374 = arith.constant 0 : index
      %swap3A_375 = vector.load %arg11[%swap3A_373, %swap3A_374] : memref<64x2048xf32, #tpu.memory_space<vmem>>, vector<1x2048xf32>
      %swap3A_376 = vector.shape_cast %swap3A_375 : vector<1x2048xf32> to vector<2048xf32>
      %swap3A_377 = vector.shape_cast %get3A_372 : vector<2048xf32> to vector<1x2048xf32>
      tpu.vector_store %arg11[%swap3A_373, %swap3A_374], %swap3A_377 {strides = array<i32>} : memref<64x2048xf32, #tpu.memory_space<vmem>>, vector<1x2048xf32>,
      %add3A_378 = arith.constant 22 : i32
      %add3A_379 = arith.addi %mul3A_6, %add3A_378 : i32
      %get3A_380 = arith.index_cast %add3A_379 : i32 to index
      %get3A_381 = memref.load %arg4[%get3A_380] : memref<8192xi32, #tpu.memory_space<smem>>
      %jit3A_382 = arith.constant 0 : i32
      %jit3A_383 = arith.constant 2047 : i32
      %max3A_384 = arith.maxsi %jit3A_382, %get3A_381 : i32
      %min3A_385 = arith.minsi %jit3A_383, %max3A_384 : i32
      %get3A_386 = arith.index_cast %min3A_385 : i32 to index
      %get3A_387 = arith.constant 0 : index
      %get3A_388 = vector.load %arg6[%get3A_386, %get3A_387] : memref<2048x2048xf32, #tpu.memory_space<vmem>>, vector<1x2048xf32>
      %get3A_389 = vector.shape_cast %get3A_388 : vector<1x2048xf32> to vector<2048xf32>
      %swap3A_390 = arith.constant 22 : index
      %swap3A_391 = arith.constant 0 : index
      %swap3A_392 = vector.load %arg11[%swap3A_390, %swap3A_391] : memref<64x2048xf32, #tpu.memory_space<vmem>>, vector<1x2048xf32>
      %swap3A_393 = vector.shape_cast %swap3A_392 : vector<1x2048xf32> to vector<2048xf32>
      %swap3A_394 = vector.shape_cast %get3A_389 : vector<2048xf32> to vector<1x2048xf32>
      tpu.vector_store %arg11[%swap3A_390, %swap3A_391], %swap3A_394 {strides = array<i32>} : memref<64x2048xf32, #tpu.memory_space<vmem>>, vector<1x2048xf32>,
      %add3A_395 = arith.constant 23 : i32
      %add3A_396 = arith.addi %mul3A_6, %add3A_395 : i32
      %get3A_397 = arith.index_cast %add3A_396 : i32 to index
      %get3A_398 = memref.load %arg4[%get3A_397] : memref<8192xi32, #tpu.memory_space<smem>>
      %jit3A_399 = arith.constant 0 : i32
      %jit3A_400 = arith.constant 2047 : i32
      %max3A_401 = arith.maxsi %jit3A_399, %get3A_398 : i32
      %min3A_402 = arith.minsi %jit3A_400, %max3A_401 : i32
      %get3A_403 = arith.index_cast %min3A_402 : i32 to index
      %get3A_404 = arith.constant 0 : index
      %get3A_405 = vector.load %arg6[%get3A_403, %get3A_404] : memref<2048x2048xf32, #tpu.memory_space<vmem>>, vector<1x2048xf32>
      %get3A_406 = vector.shape_cast %get3A_405 : vector<1x2048xf32> to vector<2048xf32>
      %swap3A_407 = arith.constant 23 : index
      %swap3A_408 = arith.constant 0 : index
      %swap3A_409 = vector.load %arg11[%swap3A_407, %swap3A_408] : memref<64x2048xf32, #tpu.memory_space<vmem>>, vector<1x2048xf32>
      %swap3A_410 = vector.shape_cast %swap3A_409 : vector<1x2048xf32> to vector<2048xf32>
      %swap3A_411 = vector.shape_cast %get3A_406 : vector<2048xf32> to vector<1x2048xf32>
      tpu.vector_store %arg11[%swap3A_407, %swap3A_408], %swap3A_411 {strides = array<i32>} : memref<64x2048xf32, #tpu.memory_space<vmem>>, vector<1x2048xf32>,
      %add3A_412 = arith.constant 24 : i32
      %add3A_413 = arith.addi %mul3A_6, %add3A_412 : i32
      %get3A_414 = arith.index_cast %add3A_413 : i32 to index
      %get3A_415 = memref.load %arg4[%get3A_414] : memref<8192xi32, #tpu.memory_space<smem>>
      %jit3A_416 = arith.constant 0 : i32
      %jit3A_417 = arith.constant 2047 : i32
      %max3A_418 = arith.maxsi %jit3A_416, %get3A_415 : i32
      %min3A_419 = arith.minsi %jit3A_417, %max3A_418 : i32
      %get3A_420 = arith.index_cast %min3A_419 : i32 to index
      %get3A_421 = arith.constant 0 : index
      %get3A_422 = vector.load %arg6[%get3A_420, %get3A_421] : memref<2048x2048xf32, #tpu.memory_space<vmem>>, vector<1x2048xf32>
      %get3A_423 = vector.shape_cast %get3A_422 : vector<1x2048xf32> to vector<2048xf32>
      %swap3A_424 = arith.constant 24 : index
      %swap3A_425 = arith.constant 0 : index
      %swap3A_426 = vector.load %arg11[%swap3A_424, %swap3A_425] : memref<64x2048xf32, #tpu.memory_space<vmem>>, vector<1x2048xf32>
      %swap3A_427 = vector.shape_cast %swap3A_426 : vector<1x2048xf32> to vector<2048xf32>
      %swap3A_428 = vector.shape_cast %get3A_423 : vector<2048xf32> to vector<1x2048xf32>
      tpu.vector_store %arg11[%swap3A_424, %swap3A_425], %swap3A_428 {strides = array<i32>} : memref<64x2048xf32, #tpu.memory_space<vmem>>, vector<1x2048xf32>,
      %add3A_429 = arith.constant 25 : i32
      %add3A_430 = arith.addi %mul3A_6, %add3A_429 : i32
      %get3A_431 = arith.index_cast %add3A_430 : i32 to index
      %get3A_432 = memref.load %arg4[%get3A_431] : memref<8192xi32, #tpu.memory_space<smem>>
      %jit3A_433 = arith.constant 0 : i32
      %jit3A_434 = arith.constant 2047 : i32
      %max3A_435 = arith.maxsi %jit3A_433, %get3A_432 : i32
      %min3A_436 = arith.minsi %jit3A_434, %max3A_435 : i32
      %get3A_437 = arith.index_cast %min3A_436 : i32 to index
      %get3A_438 = arith.constant 0 : index
      %get3A_439 = vector.load %arg6[%get3A_437, %get3A_438] : memref<2048x2048xf32, #tpu.memory_space<vmem>>, vector<1x2048xf32>
      %get3A_440 = vector.shape_cast %get3A_439 : vector<1x2048xf32> to vector<2048xf32>
      %swap3A_441 = arith.constant 25 : index
      %swap3A_442 = arith.constant 0 : index
      %swap3A_443 = vector.load %arg11[%swap3A_441, %swap3A_442] : memref<64x2048xf32, #tpu.memory_space<vmem>>, vector<1x2048xf32>
      %swap3A_444 = vector.shape_cast %swap3A_443 : vector<1x2048xf32> to vector<2048xf32>
      %swap3A_445 = vector.shape_cast %get3A_440 : vector<2048xf32> to vector<1x2048xf32>
      tpu.vector_store %arg11[%swap3A_441, %swap3A_442], %swap3A_445 {strides = array<i32>} : memref<64x2048xf32, #tpu.memory_space<vmem>>, vector<1x2048xf32>,
      %add3A_446 = arith.constant 26 : i32
      %add3A_447 = arith.addi %mul3A_6, %add3A_446 : i32
      %get3A_448 = arith.index_cast %add3A_447 : i32 to index
      %get3A_449 = memref.load %arg4[%get3A_448] : memref<8192xi32, #tpu.memory_space<smem>>
      %jit3A_450 = arith.constant 0 : i32
      %jit3A_451 = arith.constant 2047 : i32
      %max3A_452 = arith.maxsi %jit3A_450, %get3A_449 : i32
      %min3A_453 = arith.minsi %jit3A_451, %max3A_452 : i32
      %get3A_454 = arith.index_cast %min3A_453 : i32 to index
      %get3A_455 = arith.constant 0 : index
      %get3A_456 = vector.load %arg6[%get3A_454, %get3A_455] : memref<2048x2048xf32, #tpu.memory_space<vmem>>, vector<1x2048xf32>
      %get3A_457 = vector.shape_cast %get3A_456 : vector<1x2048xf32> to vector<2048xf32>
      %swap3A_458 = arith.constant 26 : index
      %swap3A_459 = arith.constant 0 : index
      %swap3A_460 = vector.load %arg11[%swap3A_458, %swap3A_459] : memref<64x2048xf32, #tpu.memory_space<vmem>>, vector<1x2048xf32>
      %swap3A_461 = vector.shape_cast %swap3A_460 : vector<1x2048xf32> to vector<2048xf32>
      %swap3A_462 = vector.shape_cast %get3A_457 : vector<2048xf32> to vector<1x2048xf32>
      tpu.vector_store %arg11[%swap3A_458, %swap3A_459], %swap3A_462 {strides = array<i32>} : memref<64x2048xf32, #tpu.memory_space<vmem>>, vector<1x2048xf32>,
      %add3A_463 = arith.constant 27 : i32
      %add3A_464 = arith.addi %mul3A_6, %add3A_463 : i32
      %get3A_465 = arith.index_cast %add3A_464 : i32 to index
      %get3A_466 = memref.load %arg4[%get3A_465] : memref<8192xi32, #tpu.memory_space<smem>>
      %jit3A_467 = arith.constant 0 : i32
      %jit3A_468 = arith.constant 2047 : i32
      %max3A_469 = arith.maxsi %jit3A_467, %get3A_466 : i32
      %min3A_470 = arith.minsi %jit3A_468, %max3A_469 : i32
      %get3A_471 = arith.index_cast %min3A_470 : i32 to index
      %get3A_472 = arith.constant 0 : index
      %get3A_473 = vector.load %arg6[%get3A_471, %get3A_472] : memref<2048x2048xf32, #tpu.memory_space<vmem>>, vector<1x2048xf32>
      %get3A_474 = vector.shape_cast %get3A_473 : vector<1x2048xf32> to vector<2048xf32>
      %swap3A_475 = arith.constant 27 : index
      %swap3A_476 = arith.constant 0 : index
      %swap3A_477 = vector.load %arg11[%swap3A_475, %swap3A_476] : memref<64x2048xf32, #tpu.memory_space<vmem>>, vector<1x2048xf32>
      %swap3A_478 = vector.shape_cast %swap3A_477 : vector<1x2048xf32> to vector<2048xf32>
      %swap3A_479 = vector.shape_cast %get3A_474 : vector<2048xf32> to vector<1x2048xf32>
      tpu.vector_store %arg11[%swap3A_475, %swap3A_476], %swap3A_479 {strides = array<i32>} : memref<64x2048xf32, #tpu.memory_space<vmem>>, vector<1x2048xf32>,
      %add3A_480 = arith.constant 28 : i32
      %add3A_481 = arith.addi %mul3A_6, %add3A_480 : i32
      %get3A_482 = arith.index_cast %add3A_481 : i32 to index
      %get3A_483 = memref.load %arg4[%get3A_482] : memref<8192xi32, #tpu.memory_space<smem>>
      %jit3A_484 = arith.constant 0 : i32
      %jit3A_485 = arith.constant 2047 : i32
      %max3A_486 = arith.maxsi %jit3A_484, %get3A_483 : i32
      %min3A_487 = arith.minsi %jit3A_485, %max3A_486 : i32
      %get3A_488 = arith.index_cast %min3A_487 : i32 to index
      %get3A_489 = arith.constant 0 : index
      %get3A_490 = vector.load %arg6[%get3A_488, %get3A_489] : memref<2048x2048xf32, #tpu.memory_space<vmem>>, vector<1x2048xf32>
      %get3A_491 = vector.shape_cast %get3A_490 : vector<1x2048xf32> to vector<2048xf32>
      %swap3A_492 = arith.constant 28 : index
      %swap3A_493 = arith.constant 0 : index
      %swap3A_494 = vector.load %arg11[%swap3A_492, %swap3A_493] : memref<64x2048xf32, #tpu.memory_space<vmem>>, vector<1x2048xf32>
      %swap3A_495 = vector.shape_cast %swap3A_494 : vector<1x2048xf32> to vector<2048xf32>
      %swap3A_496 = vector.shape_cast %get3A_491 : vector<2048xf32> to vector<1x2048xf32>
      tpu.vector_store %arg11[%swap3A_492, %swap3A_493], %swap3A_496 {strides = array<i32>} : memref<64x2048xf32, #tpu.memory_space<vmem>>, vector<1x2048xf32>,
      %add3A_497 = arith.constant 29 : i32
      %add3A_498 = arith.addi %mul3A_6, %add3A_497 : i32
      %get3A_499 = arith.index_cast %add3A_498 : i32 to index
      %get3A_500 = memref.load %arg4[%get3A_499] : memref<8192xi32, #tpu.memory_space<smem>>
      %jit3A_501 = arith.constant 0 : i32
      %jit3A_502 = arith.constant 2047 : i32
      %max3A_503 = arith.maxsi %jit3A_501, %get3A_500 : i32
      %min3A_504 = arith.minsi %jit3A_502, %max3A_503 : i32
      %get3A_505 = arith.index_cast %min3A_504 : i32 to index
      %get3A_506 = arith.constant 0 : index
      %get3A_507 = vector.load %arg6[%get3A_505, %get3A_506] : memref<2048x2048xf32, #tpu.memory_space<vmem>>, vector<1x2048xf32>
      %get3A_508 = vector.shape_cast %get3A_507 : vector<1x2048xf32> to vector<2048xf32>
      %swap3A_509 = arith.constant 29 : index
      %swap3A_510 = arith.constant 0 : index
      %swap3A_511 = vector.load %arg11[%swap3A_509, %swap3A_510] : memref<64x2048xf32, #tpu.memory_space<vmem>>, vector<1x2048xf32>
      %swap3A_512 = vector.shape_cast %swap3A_511 : vector<1x2048xf32> to vector<2048xf32>
      %swap3A_513 = vector.shape_cast %get3A_508 : vector<2048xf32> to vector<1x2048xf32>
      tpu.vector_store %arg11[%swap3A_509, %swap3A_510], %swap3A_513 {strides = array<i32>} : memref<64x2048xf32, #tpu.memory_space<vmem>>, vector<1x2048xf32>,
      %add3A_514 = arith.constant 30 : i32
      %add3A_515 = arith.addi %mul3A_6, %add3A_514 : i32
      %get3A_516 = arith.index_cast %add3A_515 : i32 to index
      %get3A_517 = memref.load %arg4[%get3A_516] : memref<8192xi32, #tpu.memory_space<smem>>
      %jit3A_518 = arith.constant 0 : i32
      %jit3A_519 = arith.constant 2047 : i32
      %max3A_520 = arith.maxsi %jit3A_518, %get3A_517 : i32
      %min3A_521 = arith.minsi %jit3A_519, %max3A_520 : i32
      %get3A_522 = arith.index_cast %min3A_521 : i32 to index
      %get3A_523 = arith.constant 0 : index
      %get3A_524 = vector.load %arg6[%get3A_522, %get3A_523] : memref<2048x2048xf32, #tpu.memory_space<vmem>>, vector<1x2048xf32>
      %get3A_525 = vector.shape_cast %get3A_524 : vector<1x2048xf32> to vector<2048xf32>
      %swap3A_526 = arith.constant 30 : index
      %swap3A_527 = arith.constant 0 : index
      %swap3A_528 = vector.load %arg11[%swap3A_526, %swap3A_527] : memref<64x2048xf32, #tpu.memory_space<vmem>>, vector<1x2048xf32>
      %swap3A_529 = vector.shape_cast %swap3A_528 : vector<1x2048xf32> to vector<2048xf32>
      %swap3A_530 = vector.shape_cast %get3A_525 : vector<2048xf32> to vector<1x2048xf32>
      tpu.vector_store %arg11[%swap3A_526, %swap3A_527], %swap3A_530 {strides = array<i32>} : memref<64x2048xf32, #tpu.memory_space<vmem>>, vector<1x2048xf32>,
      %add3A_531 = arith.constant 31 : i32
      %add3A_532 = arith.addi %mul3A_6, %add3A_531 : i32
      %get3A_533 = arith.index_cast %add3A_532 : i32 to index
      %get3A_534 = memref.load %arg4[%get3A_533] : memref<8192xi32, #tpu.memory_space<smem>>
      %jit3A_535 = arith.constant 0 : i32
      %jit3A_536 = arith.constant 2047 : i32
      %max3A_537 = arith.maxsi %jit3A_535, %get3A_534 : i32
      %min3A_538 = arith.minsi %jit3A_536, %max3A_537 : i32
      %get3A_539 = arith.index_cast %min3A_538 : i32 to index
      %get3A_540 = arith.constant 0 : index
      %get3A_541 = vector.load %arg6[%get3A_539, %get3A_540] : memref<2048x2048xf32, #tpu.memory_space<vmem>>, vector<1x2048xf32>
      %get3A_542 = vector.shape_cast %get3A_541 : vector<1x2048xf32> to vector<2048xf32>
      %swap3A_543 = arith.constant 31 : index
      %swap3A_544 = arith.constant 0 : index
      %swap3A_545 = vector.load %arg11[%swap3A_543, %swap3A_544] : memref<64x2048xf32, #tpu.memory_space<vmem>>, vector<1x2048xf32>
      %swap3A_546 = vector.shape_cast %swap3A_545 : vector<1x2048xf32> to vector<2048xf32>
      %swap3A_547 = vector.shape_cast %get3A_542 : vector<2048xf32> to vector<1x2048xf32>
      tpu.vector_store %arg11[%swap3A_543, %swap3A_544], %swap3A_547 {strides = array<i32>} : memref<64x2048xf32, #tpu.memory_space<vmem>>, vector<1x2048xf32>,
      %add3A_548 = arith.constant 32 : i32
      %add3A_549 = arith.addi %mul3A_6, %add3A_548 : i32
      %get3A_550 = arith.index_cast %add3A_549 : i32 to index
      %get3A_551 = memref.load %arg4[%get3A_550] : memref<8192xi32, #tpu.memory_space<smem>>
      %jit3A_552 = arith.constant 0 : i32
      %jit3A_553 = arith.constant 2047 : i32
      %max3A_554 = arith.maxsi %jit3A_552, %get3A_551 : i32
      %min3A_555 = arith.minsi %jit3A_553, %max3A_554 : i32
      %get3A_556 = arith.index_cast %min3A_555 : i32 to index
      %get3A_557 = arith.constant 0 : index
      %get3A_558 = vector.load %arg6[%get3A_556, %get3A_557] : memref<2048x2048xf32, #tpu.memory_space<vmem>>, vector<1x2048xf32>
      %get3A_559 = vector.shape_cast %get3A_558 : vector<1x2048xf32> to vector<2048xf32>
      %swap3A_560 = arith.constant 32 : index
      %swap3A_561 = arith.constant 0 : index
      %swap3A_562 = vector.load %arg11[%swap3A_560, %swap3A_561] : memref<64x2048xf32, #tpu.memory_space<vmem>>, vector<1x2048xf32>
      %swap3A_563 = vector.shape_cast %swap3A_562 : vector<1x2048xf32> to vector<2048xf32>
      %swap3A_564 = vector.shape_cast %get3A_559 : vector<2048xf32> to vector<1x2048xf32>
      tpu.vector_store %arg11[%swap3A_560, %swap3A_561], %swap3A_564 {strides = array<i32>} : memref<64x2048xf32, #tpu.memory_space<vmem>>, vector<1x2048xf32>,
      %add3A_565 = arith.constant 33 : i32
      %add3A_566 = arith.addi %mul3A_6, %add3A_565 : i32
      %get3A_567 = arith.index_cast %add3A_566 : i32 to index
      %get3A_568 = memref.load %arg4[%get3A_567] : memref<8192xi32, #tpu.memory_space<smem>>
      %jit3A_569 = arith.constant 0 : i32
      %jit3A_570 = arith.constant 2047 : i32
      %max3A_571 = arith.maxsi %jit3A_569, %get3A_568 : i32
      %min3A_572 = arith.minsi %jit3A_570, %max3A_571 : i32
      %get3A_573 = arith.index_cast %min3A_572 : i32 to index
      %get3A_574 = arith.constant 0 : index
      %get3A_575 = vector.load %arg6[%get3A_573, %get3A_574] : memref<2048x2048xf32, #tpu.memory_space<vmem>>, vector<1x2048xf32>
      %get3A_576 = vector.shape_cast %get3A_575 : vector<1x2048xf32> to vector<2048xf32>
      %swap3A_577 = arith.constant 33 : index
      %swap3A_578 = arith.constant 0 : index
      %swap3A_579 = vector.load %arg11[%swap3A_577, %swap3A_578] : memref<64x2048xf32, #tpu.memory_space<vmem>>, vector<1x2048xf32>
      %swap3A_580 = vector.shape_cast %swap3A_579 : vector<1x2048xf32> to vector<2048xf32>
      %swap3A_581 = vector.shape_cast %get3A_576 : vector<2048xf32> to vector<1x2048xf32>
      tpu.vector_store %arg11[%swap3A_577, %swap3A_578], %swap3A_581 {strides = array<i32>} : memref<64x2048xf32, #tpu.memory_space<vmem>>, vector<1x2048xf32>,
      %add3A_582 = arith.constant 34 : i32
      %add3A_583 = arith.addi %mul3A_6, %add3A_582 : i32
      %get3A_584 = arith.index_cast %add3A_583 : i32 to index
      %get3A_585 = memref.load %arg4[%get3A_584] : memref<8192xi32, #tpu.memory_space<smem>>
      %jit3A_586 = arith.constant 0 : i32
      %jit3A_587 = arith.constant 2047 : i32
      %max3A_588 = arith.maxsi %jit3A_586, %get3A_585 : i32
      %min3A_589 = arith.minsi %jit3A_587, %max3A_588 : i32
      %get3A_590 = arith.index_cast %min3A_589 : i32 to index
      %get3A_591 = arith.constant 0 : index
      %get3A_592 = vector.load %arg6[%get3A_590, %get3A_591] : memref<2048x2048xf32, #tpu.memory_space<vmem>>, vector<1x2048xf32>
      %get3A_593 = vector.shape_cast %get3A_592 : vector<1x2048xf32> to vector<2048xf32>
      %swap3A_594 = arith.constant 34 : index
      %swap3A_595 = arith.constant 0 : index
      %swap3A_596 = vector.load %arg11[%swap3A_594, %swap3A_595] : memref<64x2048xf32, #tpu.memory_space<vmem>>, vector<1x2048xf32>
      %swap3A_597 = vector.shape_cast %swap3A_596 : vector<1x2048xf32> to vector<2048xf32>
      %swap3A_598 = vector.shape_cast %get3A_593 : vector<2048xf32> to vector<1x2048xf32>
      tpu.vector_store %arg11[%swap3A_594, %swap3A_595], %swap3A_598 {strides = array<i32>} : memref<64x2048xf32, #tpu.memory_space<vmem>>, vector<1x2048xf32>,
      %add3A_599 = arith.constant 35 : i32
      %add3A_600 = arith.addi %mul3A_6, %add3A_599 : i32
      %get3A_601 = arith.index_cast %add3A_600 : i32 to index
      %get3A_602 = memref.load %arg4[%get3A_601] : memref<8192xi32, #tpu.memory_space<smem>>
      %jit3A_603 = arith.constant 0 : i32
      %jit3A_604 = arith.constant 2047 : i32
      %max3A_605 = arith.maxsi %jit3A_603, %get3A_602 : i32
      %min3A_606 = arith.minsi %jit3A_604, %max3A_605 : i32
      %get3A_607 = arith.index_cast %min3A_606 : i32 to index
      %get3A_608 = arith.constant 0 : index
      %get3A_609 = vector.load %arg6[%get3A_607, %get3A_608] : memref<2048x2048xf32, #tpu.memory_space<vmem>>, vector<1x2048xf32>
      %get3A_610 = vector.shape_cast %get3A_609 : vector<1x2048xf32> to vector<2048xf32>
      %swap3A_611 = arith.constant 35 : index
      %swap3A_612 = arith.constant 0 : index
      %swap3A_613 = vector.load %arg11[%swap3A_611, %swap3A_612] : memref<64x2048xf32, #tpu.memory_space<vmem>>, vector<1x2048xf32>
      %swap3A_614 = vector.shape_cast %swap3A_613 : vector<1x2048xf32> to vector<2048xf32>
      %swap3A_615 = vector.shape_cast %get3A_610 : vector<2048xf32> to vector<1x2048xf32>
      tpu.vector_store %arg11[%swap3A_611, %swap3A_612], %swap3A_615 {strides = array<i32>} : memref<64x2048xf32, #tpu.memory_space<vmem>>, vector<1x2048xf32>,
      %add3A_616 = arith.constant 36 : i32
      %add3A_617 = arith.addi %mul3A_6, %add3A_616 : i32
      %get3A_618 = arith.index_cast %add3A_617 : i32 to index
      %get3A_619 = memref.load %arg4[%get3A_618] : memref<8192xi32, #tpu.memory_space<smem>>
      %jit3A_620 = arith.constant 0 : i32
      %jit3A_621 = arith.constant 2047 : i32
      %max3A_622 = arith.maxsi %jit3A_620, %get3A_619 : i32
      %min3A_623 = arith.minsi %jit3A_621, %max3A_622 : i32
      %get3A_624 = arith.index_cast %min3A_623 : i32 to index
      %get3A_625 = arith.constant 0 : index
      %get3A_626 = vector.load %arg6[%get3A_624, %get3A_625] : memref<2048x2048xf32, #tpu.memory_space<vmem>>, vector<1x2048xf32>
      %get3A_627 = vector.shape_cast %get3A_626 : vector<1x2048xf32> to vector<2048xf32>
      %swap3A_628 = arith.constant 36 : index
      %swap3A_629 = arith.constant 0 : index
      %swap3A_630 = vector.load %arg11[%swap3A_628, %swap3A_629] : memref<64x2048xf32, #tpu.memory_space<vmem>>, vector<1x2048xf32>
      %swap3A_631 = vector.shape_cast %swap3A_630 : vector<1x2048xf32> to vector<2048xf32>
      %swap3A_632 = vector.shape_cast %get3A_627 : vector<2048xf32> to vector<1x2048xf32>
      tpu.vector_store %arg11[%swap3A_628, %swap3A_629], %swap3A_632 {strides = array<i32>} : memref<64x2048xf32, #tpu.memory_space<vmem>>, vector<1x2048xf32>,
      %add3A_633 = arith.constant 37 : i32
      %add3A_634 = arith.addi %mul3A_6, %add3A_633 : i32
      %get3A_635 = arith.index_cast %add3A_634 : i32 to index
      %get3A_636 = memref.load %arg4[%get3A_635] : memref<8192xi32, #tpu.memory_space<smem>>
      %jit3A_637 = arith.constant 0 : i32
      %jit3A_638 = arith.constant 2047 : i32
      %max3A_639 = arith.maxsi %jit3A_637, %get3A_636 : i32
      %min3A_640 = arith.minsi %jit3A_638, %max3A_639 : i32
      %get3A_641 = arith.index_cast %min3A_640 : i32 to index
      %get3A_642 = arith.constant 0 : index
      %get3A_643 = vector.load %arg6[%get3A_641, %get3A_642] : memref<2048x2048xf32, #tpu.memory_space<vmem>>, vector<1x2048xf32>
      %get3A_644 = vector.shape_cast %get3A_643 : vector<1x2048xf32> to vector<2048xf32>
      %swap3A_645 = arith.constant 37 : index
      %swap3A_646 = arith.constant 0 : index
      %swap3A_647 = vector.load %arg11[%swap3A_645, %swap3A_646] : memref<64x2048xf32, #tpu.memory_space<vmem>>, vector<1x2048xf32>
      %swap3A_648 = vector.shape_cast %swap3A_647 : vector<1x2048xf32> to vector<2048xf32>
      %swap3A_649 = vector.shape_cast %get3A_644 : vector<2048xf32> to vector<1x2048xf32>
      tpu.vector_store %arg11[%swap3A_645, %swap3A_646], %swap3A_649 {strides = array<i32>} : memref<64x2048xf32, #tpu.memory_space<vmem>>, vector<1x2048xf32>,
      %add3A_650 = arith.constant 38 : i32
      %add3A_651 = arith.addi %mul3A_6, %add3A_650 : i32
      %get3A_652 = arith.index_cast %add3A_651 : i32 to index
      %get3A_653 = memref.load %arg4[%get3A_652] : memref<8192xi32, #tpu.memory_space<smem>>
      %jit3A_654 = arith.constant 0 : i32
      %jit3A_655 = arith.constant 2047 : i32
      %max3A_656 = arith.maxsi %jit3A_654, %get3A_653 : i32
      %min3A_657 = arith.minsi %jit3A_655, %max3A_656 : i32
      %get3A_658 = arith.index_cast %min3A_657 : i32 to index
      %get3A_659 = arith.constant 0 : index
      %get3A_660 = vector.load %arg6[%get3A_658, %get3A_659] : memref<2048x2048xf32, #tpu.memory_space<vmem>>, vector<1x2048xf32>
      %get3A_661 = vector.shape_cast %get3A_660 : vector<1x2048xf32> to vector<2048xf32>
      %swap3A_662 = arith.constant 38 : index
      %swap3A_663 = arith.constant 0 : index
      %swap3A_664 = vector.load %arg11[%swap3A_662, %swap3A_663] : memref<64x2048xf32, #tpu.memory_space<vmem>>, vector<1x2048xf32>
      %swap3A_665 = vector.shape_cast %swap3A_664 : vector<1x2048xf32> to vector<2048xf32>
      %swap3A_666 = vector.shape_cast %get3A_661 : vector<2048xf32> to vector<1x2048xf32>
      tpu.vector_store %arg11[%swap3A_662, %swap3A_663], %swap3A_666 {strides = array<i32>} : memref<64x2048xf32, #tpu.memory_space<vmem>>, vector<1x2048xf32>,
      %add3A_667 = arith.constant 39 : i32
      %add3A_668 = arith.addi %mul3A_6, %add3A_667 : i32
      %get3A_669 = arith.index_cast %add3A_668 : i32 to index
      %get3A_670 = memref.load %arg4[%get3A_669] : memref<8192xi32, #tpu.memory_space<smem>>
      %jit3A_671 = arith.constant 0 : i32
      %jit3A_672 = arith.constant 2047 : i32
      %max3A_673 = arith.maxsi %jit3A_671, %get3A_670 : i32
      %min3A_674 = arith.minsi %jit3A_672, %max3A_673 : i32
      %get3A_675 = arith.index_cast %min3A_674 : i32 to index
      %get3A_676 = arith.constant 0 : index
      %get3A_677 = vector.load %arg6[%get3A_675, %get3A_676] : memref<2048x2048xf32, #tpu.memory_space<vmem>>, vector<1x2048xf32>
      %get3A_678 = vector.shape_cast %get3A_677 : vector<1x2048xf32> to vector<2048xf32>
      %swap3A_679 = arith.constant 39 : index
      %swap3A_680 = arith.constant 0 : index
      %swap3A_681 = vector.load %arg11[%swap3A_679, %swap3A_680] : memref<64x2048xf32, #tpu.memory_space<vmem>>, vector<1x2048xf32>
      %swap3A_682 = vector.shape_cast %swap3A_681 : vector<1x2048xf32> to vector<2048xf32>
      %swap3A_683 = vector.shape_cast %get3A_678 : vector<2048xf32> to vector<1x2048xf32>
      tpu.vector_store %arg11[%swap3A_679, %swap3A_680], %swap3A_683 {strides = array<i32>} : memref<64x2048xf32, #tpu.memory_space<vmem>>, vector<1x2048xf32>,
      %add3A_684 = arith.constant 40 : i32
      %add3A_685 = arith.addi %mul3A_6, %add3A_684 : i32
      %get3A_686 = arith.index_cast %add3A_685 : i32 to index
      %get3A_687 = memref.load %arg4[%get3A_686] : memref<8192xi32, #tpu.memory_space<smem>>
      %jit3A_688 = arith.constant 0 : i32
      %jit3A_689 = arith.constant 2047 : i32
      %max3A_690 = arith.maxsi %jit3A_688, %get3A_687 : i32
      %min3A_691 = arith.minsi %jit3A_689, %max3A_690 : i32
      %get3A_692 = arith.index_cast %min3A_691 : i32 to index
      %get3A_693 = arith.constant 0 : index
      %get3A_694 = vector.load %arg6[%get3A_692, %get3A_693] : memref<2048x2048xf32, #tpu.memory_space<vmem>>, vector<1x2048xf32>
      %get3A_695 = vector.shape_cast %get3A_694 : vector<1x2048xf32> to vector<2048xf32>
      %swap3A_696 = arith.constant 40 : index
      %swap3A_697 = arith.constant 0 : index
      %swap3A_698 = vector.load %arg11[%swap3A_696, %swap3A_697] : memref<64x2048xf32, #tpu.memory_space<vmem>>, vector<1x2048xf32>
      %swap3A_699 = vector.shape_cast %swap3A_698 : vector<1x2048xf32> to vector<2048xf32>
      %swap3A_700 = vector.shape_cast %get3A_695 : vector<2048xf32> to vector<1x2048xf32>
      tpu.vector_store %arg11[%swap3A_696, %swap3A_697], %swap3A_700 {strides = array<i32>} : memref<64x2048xf32, #tpu.memory_space<vmem>>, vector<1x2048xf32>,
      %add3A_701 = arith.constant 41 : i32
      %add3A_702 = arith.addi %mul3A_6, %add3A_701 : i32
      %get3A_703 = arith.index_cast %add3A_702 : i32 to index
      %get3A_704 = memref.load %arg4[%get3A_703] : memref<8192xi32, #tpu.memory_space<smem>>
      %jit3A_705 = arith.constant 0 : i32
      %jit3A_706 = arith.constant 2047 : i32
      %max3A_707 = arith.maxsi %jit3A_705, %get3A_704 : i32
      %min3A_708 = arith.minsi %jit3A_706, %max3A_707 : i32
      %get3A_709 = arith.index_cast %min3A_708 : i32 to index
      %get3A_710 = arith.constant 0 : index
      %get3A_711 = vector.load %arg6[%get3A_709, %get3A_710] : memref<2048x2048xf32, #tpu.memory_space<vmem>>, vector<1x2048xf32>
      %get3A_712 = vector.shape_cast %get3A_711 : vector<1x2048xf32> to vector<2048xf32>
      %swap3A_713 = arith.constant 41 : index
      %swap3A_714 = arith.constant 0 : index
      %swap3A_715 = vector.load %arg11[%swap3A_713, %swap3A_714] : memref<64x2048xf32, #tpu.memory_space<vmem>>, vector<1x2048xf32>
      %swap3A_716 = vector.shape_cast %swap3A_715 : vector<1x2048xf32> to vector<2048xf32>
      %swap3A_717 = vector.shape_cast %get3A_712 : vector<2048xf32> to vector<1x2048xf32>
      tpu.vector_store %arg11[%swap3A_713, %swap3A_714], %swap3A_717 {strides = array<i32>} : memref<64x2048xf32, #tpu.memory_space<vmem>>, vector<1x2048xf32>,
      %add3A_718 = arith.constant 42 : i32
      %add3A_719 = arith.addi %mul3A_6, %add3A_718 : i32
      %get3A_720 = arith.index_cast %add3A_719 : i32 to index
      %get3A_721 = memref.load %arg4[%get3A_720] : memref<8192xi32, #tpu.memory_space<smem>>
      %jit3A_722 = arith.constant 0 : i32
      %jit3A_723 = arith.constant 2047 : i32
      %max3A_724 = arith.maxsi %jit3A_722, %get3A_721 : i32
      %min3A_725 = arith.minsi %jit3A_723, %max3A_724 : i32
      %get3A_726 = arith.index_cast %min3A_725 : i32 to index
      %get3A_727 = arith.constant 0 : index
      %get3A_728 = vector.load %arg6[%get3A_726, %get3A_727] : memref<2048x2048xf32, #tpu.memory_space<vmem>>, vector<1x2048xf32>
      %get3A_729 = vector.shape_cast %get3A_728 : vector<1x2048xf32> to vector<2048xf32>
      %swap3A_730 = arith.constant 42 : index
      %swap3A_731 = arith.constant 0 : index
      %swap3A_732 = vector.load %arg11[%swap3A_730, %swap3A_731] : memref<64x2048xf32, #tpu.memory_space<vmem>>, vector<1x2048xf32>
      %swap3A_733 = vector.shape_cast %swap3A_732 : vector<1x2048xf32> to vector<2048xf32>
      %swap3A_734 = vector.shape_cast %get3A_729 : vector<2048xf32> to vector<1x2048xf32>
      tpu.vector_store %arg11[%swap3A_730, %swap3A_731], %swap3A_734 {strides = array<i32>} : memref<64x2048xf32, #tpu.memory_space<vmem>>, vector<1x2048xf32>,
      %add3A_735 = arith.constant 43 : i32
      %add3A_736 = arith.addi %mul3A_6, %add3A_735 : i32
      %get3A_737 = arith.index_cast %add3A_736 : i32 to index
      %get3A_738 = memref.load %arg4[%get3A_737] : memref<8192xi32, #tpu.memory_space<smem>>
      %jit3A_739 = arith.constant 0 : i32
      %jit3A_740 = arith.constant 2047 : i32
      %max3A_741 = arith.maxsi %jit3A_739, %get3A_738 : i32
      %min3A_742 = arith.minsi %jit3A_740, %max3A_741 : i32
      %get3A_743 = arith.index_cast %min3A_742 : i32 to index
      %get3A_744 = arith.constant 0 : index
      %get3A_745 = vector.load %arg6[%get3A_743, %get3A_744] : memref<2048x2048xf32, #tpu.memory_space<vmem>>, vector<1x2048xf32>
      %get3A_746 = vector.shape_cast %get3A_745 : vector<1x2048xf32> to vector<2048xf32>
      %swap3A_747 = arith.constant 43 : index
      %swap3A_748 = arith.constant 0 : index
      %swap3A_749 = vector.load %arg11[%swap3A_747, %swap3A_748] : memref<64x2048xf32, #tpu.memory_space<vmem>>, vector<1x2048xf32>
      %swap3A_750 = vector.shape_cast %swap3A_749 : vector<1x2048xf32> to vector<2048xf32>
      %swap3A_751 = vector.shape_cast %get3A_746 : vector<2048xf32> to vector<1x2048xf32>
      tpu.vector_store %arg11[%swap3A_747, %swap3A_748], %swap3A_751 {strides = array<i32>} : memref<64x2048xf32, #tpu.memory_space<vmem>>, vector<1x2048xf32>,
      %add3A_752 = arith.constant 44 : i32
      %add3A_753 = arith.addi %mul3A_6, %add3A_752 : i32
      %get3A_754 = arith.index_cast %add3A_753 : i32 to index
      %get3A_755 = memref.load %arg4[%get3A_754] : memref<8192xi32, #tpu.memory_space<smem>>
      %jit3A_756 = arith.constant 0 : i32
      %jit3A_757 = arith.constant 2047 : i32
      %max3A_758 = arith.maxsi %jit3A_756, %get3A_755 : i32
      %min3A_759 = arith.minsi %jit3A_757, %max3A_758 : i32
      %get3A_760 = arith.index_cast %min3A_759 : i32 to index
      %get3A_761 = arith.constant 0 : index
      %get3A_762 = vector.load %arg6[%get3A_760, %get3A_761] : memref<2048x2048xf32, #tpu.memory_space<vmem>>, vector<1x2048xf32>
      %get3A_763 = vector.shape_cast %get3A_762 : vector<1x2048xf32> to vector<2048xf32>
      %swap3A_764 = arith.constant 44 : index
      %swap3A_765 = arith.constant 0 : index
      %swap3A_766 = vector.load %arg11[%swap3A_764, %swap3A_765] : memref<64x2048xf32, #tpu.memory_space<vmem>>, vector<1x2048xf32>
      %swap3A_767 = vector.shape_cast %swap3A_766 : vector<1x2048xf32> to vector<2048xf32>
      %swap3A_768 = vector.shape_cast %get3A_763 : vector<2048xf32> to vector<1x2048xf32>
      tpu.vector_store %arg11[%swap3A_764, %swap3A_765], %swap3A_768 {strides = array<i32>} : memref<64x2048xf32, #tpu.memory_space<vmem>>, vector<1x2048xf32>,
      %add3A_769 = arith.constant 45 : i32
      %add3A_770 = arith.addi %mul3A_6, %add3A_769 : i32
      %get3A_771 = arith.index_cast %add3A_770 : i32 to index
      %get3A_772 = memref.load %arg4[%get3A_771] : memref<8192xi32, #tpu.memory_space<smem>>
      %jit3A_773 = arith.constant 0 : i32
      %jit3A_774 = arith.constant 2047 : i32
      %max3A_775 = arith.maxsi %jit3A_773, %get3A_772 : i32
      %min3A_776 = arith.minsi %jit3A_774, %max3A_775 : i32
      %get3A_777 = arith.index_cast %min3A_776 : i32 to index
      %get3A_778 = arith.constant 0 : index
      %get3A_779 = vector.load %arg6[%get3A_777, %get3A_778] : memref<2048x2048xf32, #tpu.memory_space<vmem>>, vector<1x2048xf32>
      %get3A_780 = vector.shape_cast %get3A_779 : vector<1x2048xf32> to vector<2048xf32>
      %swap3A_781 = arith.constant 45 : index
      %swap3A_782 = arith.constant 0 : index
      %swap3A_783 = vector.load %arg11[%swap3A_781, %swap3A_782] : memref<64x2048xf32, #tpu.memory_space<vmem>>, vector<1x2048xf32>
      %swap3A_784 = vector.shape_cast %swap3A_783 : vector<1x2048xf32> to vector<2048xf32>
      %swap3A_785 = vector.shape_cast %get3A_780 : vector<2048xf32> to vector<1x2048xf32>
      tpu.vector_store %arg11[%swap3A_781, %swap3A_782], %swap3A_785 {strides = array<i32>} : memref<64x2048xf32, #tpu.memory_space<vmem>>, vector<1x2048xf32>,
      %add3A_786 = arith.constant 46 : i32
      %add3A_787 = arith.addi %mul3A_6, %add3A_786 : i32
      %get3A_788 = arith.index_cast %add3A_787 : i32 to index
      %get3A_789 = memref.load %arg4[%get3A_788] : memref<8192xi32, #tpu.memory_space<smem>>
      %jit3A_790 = arith.constant 0 : i32
      %jit3A_791 = arith.constant 2047 : i32
      %max3A_792 = arith.maxsi %jit3A_790, %get3A_789 : i32
      %min3A_793 = arith.minsi %jit3A_791, %max3A_792 : i32
      %get3A_794 = arith.index_cast %min3A_793 : i32 to index
      %get3A_795 = arith.constant 0 : index
      %get3A_796 = vector.load %arg6[%get3A_794, %get3A_795] : memref<2048x2048xf32, #tpu.memory_space<vmem>>, vector<1x2048xf32>
      %get3A_797 = vector.shape_cast %get3A_796 : vector<1x2048xf32> to vector<2048xf32>
      %swap3A_798 = arith.constant 46 : index
      %swap3A_799 = arith.constant 0 : index
      %swap3A_800 = vector.load %arg11[%swap3A_798, %swap3A_799] : memref<64x2048xf32, #tpu.memory_space<vmem>>, vector<1x2048xf32>
      %swap3A_801 = vector.shape_cast %swap3A_800 : vector<1x2048xf32> to vector<2048xf32>
      %swap3A_802 = vector.shape_cast %get3A_797 : vector<2048xf32> to vector<1x2048xf32>
      tpu.vector_store %arg11[%swap3A_798, %swap3A_799], %swap3A_802 {strides = array<i32>} : memref<64x2048xf32, #tpu.memory_space<vmem>>, vector<1x2048xf32>,
      %add3A_803 = arith.constant 47 : i32
      %add3A_804 = arith.addi %mul3A_6, %add3A_803 : i32
      %get3A_805 = arith.index_cast %add3A_804 : i32 to index
      %get3A_806 = memref.load %arg4[%get3A_805] : memref<8192xi32, #tpu.memory_space<smem>>
      %jit3A_807 = arith.constant 0 : i32
      %jit3A_808 = arith.constant 2047 : i32
      %max3A_809 = arith.maxsi %jit3A_807, %get3A_806 : i32
      %min3A_810 = arith.minsi %jit3A_808, %max3A_809 : i32
      %get3A_811 = arith.index_cast %min3A_810 : i32 to index
      %get3A_812 = arith.constant 0 : index
      %get3A_813 = vector.load %arg6[%get3A_811, %get3A_812] : memref<2048x2048xf32, #tpu.memory_space<vmem>>, vector<1x2048xf32>
      %get3A_814 = vector.shape_cast %get3A_813 : vector<1x2048xf32> to vector<2048xf32>
      %swap3A_815 = arith.constant 47 : index
      %swap3A_816 = arith.constant 0 : index
      %swap3A_817 = vector.load %arg11[%swap3A_815, %swap3A_816] : memref<64x2048xf32, #tpu.memory_space<vmem>>, vector<1x2048xf32>
      %swap3A_818 = vector.shape_cast %swap3A_817 : vector<1x2048xf32> to vector<2048xf32>
      %swap3A_819 = vector.shape_cast %get3A_814 : vector<2048xf32> to vector<1x2048xf32>
      tpu.vector_store %arg11[%swap3A_815, %swap3A_816], %swap3A_819 {strides = array<i32>} : memref<64x2048xf32, #tpu.memory_space<vmem>>, vector<1x2048xf32>,
      %add3A_820 = arith.constant 48 : i32
      %add3A_821 = arith.addi %mul3A_6, %add3A_820 : i32
      %get3A_822 = arith.index_cast %add3A_821 : i32 to index
      %get3A_823 = memref.load %arg4[%get3A_822] : memref<8192xi32, #tpu.memory_space<smem>>
      %jit3A_824 = arith.constant 0 : i32
      %jit3A_825 = arith.constant 2047 : i32
      %max3A_826 = arith.maxsi %jit3A_824, %get3A_823 : i32
      %min3A_827 = arith.minsi %jit3A_825, %max3A_826 : i32
      %get3A_828 = arith.index_cast %min3A_827 : i32 to index
      %get3A_829 = arith.constant 0 : index
      %get3A_830 = vector.load %arg6[%get3A_828, %get3A_829] : memref<2048x2048xf32, #tpu.memory_space<vmem>>, vector<1x2048xf32>
      %get3A_831 = vector.shape_cast %get3A_830 : vector<1x2048xf32> to vector<2048xf32>
      %swap3A_832 = arith.constant 48 : index
      %swap3A_833 = arith.constant 0 : index
      %swap3A_834 = vector.load %arg11[%swap3A_832, %swap3A_833] : memref<64x2048xf32, #tpu.memory_space<vmem>>, vector<1x2048xf32>
      %swap3A_835 = vector.shape_cast %swap3A_834 : vector<1x2048xf32> to vector<2048xf32>
      %swap3A_836 = vector.shape_cast %get3A_831 : vector<2048xf32> to vector<1x2048xf32>
      tpu.vector_store %arg11[%swap3A_832, %swap3A_833], %swap3A_836 {strides = array<i32>} : memref<64x2048xf32, #tpu.memory_space<vmem>>, vector<1x2048xf32>,
      %add3A_837 = arith.constant 49 : i32
      %add3A_838 = arith.addi %mul3A_6, %add3A_837 : i32
      %get3A_839 = arith.index_cast %add3A_838 : i32 to index
      %get3A_840 = memref.load %arg4[%get3A_839] : memref<8192xi32, #tpu.memory_space<smem>>
      %jit3A_841 = arith.constant 0 : i32
      %jit3A_842 = arith.constant 2047 : i32
      %max3A_843 = arith.maxsi %jit3A_841, %get3A_840 : i32
      %min3A_844 = arith.minsi %jit3A_842, %max3A_843 : i32
      %get3A_845 = arith.index_cast %min3A_844 : i32 to index
      %get3A_846 = arith.constant 0 : index
      %get3A_847 = vector.load %arg6[%get3A_845, %get3A_846] : memref<2048x2048xf32, #tpu.memory_space<vmem>>, vector<1x2048xf32>
      %get3A_848 = vector.shape_cast %get3A_847 : vector<1x2048xf32> to vector<2048xf32>
      %swap3A_849 = arith.constant 49 : index
      %swap3A_850 = arith.constant 0 : index
      %swap3A_851 = vector.load %arg11[%swap3A_849, %swap3A_850] : memref<64x2048xf32, #tpu.memory_space<vmem>>, vector<1x2048xf32>
      %swap3A_852 = vector.shape_cast %swap3A_851 : vector<1x2048xf32> to vector<2048xf32>
      %swap3A_853 = vector.shape_cast %get3A_848 : vector<2048xf32> to vector<1x2048xf32>
      tpu.vector_store %arg11[%swap3A_849, %swap3A_850], %swap3A_853 {strides = array<i32>} : memref<64x2048xf32, #tpu.memory_space<vmem>>, vector<1x2048xf32>,
      %add3A_854 = arith.constant 50 : i32
      %add3A_855 = arith.addi %mul3A_6, %add3A_854 : i32
      %get3A_856 = arith.index_cast %add3A_855 : i32 to index
      %get3A_857 = memref.load %arg4[%get3A_856] : memref<8192xi32, #tpu.memory_space<smem>>
      %jit3A_858 = arith.constant 0 : i32
      %jit3A_859 = arith.constant 2047 : i32
      %max3A_860 = arith.maxsi %jit3A_858, %get3A_857 : i32
      %min3A_861 = arith.minsi %jit3A_859, %max3A_860 : i32
      %get3A_862 = arith.index_cast %min3A_861 : i32 to index
      %get3A_863 = arith.constant 0 : index
      %get3A_864 = vector.load %arg6[%get3A_862, %get3A_863] : memref<2048x2048xf32, #tpu.memory_space<vmem>>, vector<1x2048xf32>
      %get3A_865 = vector.shape_cast %get3A_864 : vector<1x2048xf32> to vector<2048xf32>
      %swap3A_866 = arith.constant 50 : index
      %swap3A_867 = arith.constant 0 : index
      %swap3A_868 = vector.load %arg11[%swap3A_866, %swap3A_867] : memref<64x2048xf32, #tpu.memory_space<vmem>>, vector<1x2048xf32>
      %swap3A_869 = vector.shape_cast %swap3A_868 : vector<1x2048xf32> to vector<2048xf32>
      %swap3A_870 = vector.shape_cast %get3A_865 : vector<2048xf32> to vector<1x2048xf32>
      tpu.vector_store %arg11[%swap3A_866, %swap3A_867], %swap3A_870 {strides = array<i32>} : memref<64x2048xf32, #tpu.memory_space<vmem>>, vector<1x2048xf32>,
      %add3A_871 = arith.constant 51 : i32
      %add3A_872 = arith.addi %mul3A_6, %add3A_871 : i32
      %get3A_873 = arith.index_cast %add3A_872 : i32 to index
      %get3A_874 = memref.load %arg4[%get3A_873] : memref<8192xi32, #tpu.memory_space<smem>>
      %jit3A_875 = arith.constant 0 : i32
      %jit3A_876 = arith.constant 2047 : i32
      %max3A_877 = arith.maxsi %jit3A_875, %get3A_874 : i32
      %min3A_878 = arith.minsi %jit3A_876, %max3A_877 : i32
      %get3A_879 = arith.index_cast %min3A_878 : i32 to index
      %get3A_880 = arith.constant 0 : index
      %get3A_881 = vector.load %arg6[%get3A_879, %get3A_880] : memref<2048x2048xf32, #tpu.memory_space<vmem>>, vector<1x2048xf32>
      %get3A_882 = vector.shape_cast %get3A_881 : vector<1x2048xf32> to vector<2048xf32>
      %swap3A_883 = arith.constant 51 : index
      %swap3A_884 = arith.constant 0 : index
      %swap3A_885 = vector.load %arg11[%swap3A_883, %swap3A_884] : memref<64x2048xf32, #tpu.memory_space<vmem>>, vector<1x2048xf32>
      %swap3A_886 = vector.shape_cast %swap3A_885 : vector<1x2048xf32> to vector<2048xf32>
      %swap3A_887 = vector.shape_cast %get3A_882 : vector<2048xf32> to vector<1x2048xf32>
      tpu.vector_store %arg11[%swap3A_883, %swap3A_884], %swap3A_887 {strides = array<i32>} : memref<64x2048xf32, #tpu.memory_space<vmem>>, vector<1x2048xf32>,
      %add3A_888 = arith.constant 52 : i32
      %add3A_889 = arith.addi %mul3A_6, %add3A_888 : i32
      %get3A_890 = arith.index_cast %add3A_889 : i32 to index
      %get3A_891 = memref.load %arg4[%get3A_890] : memref<8192xi32, #tpu.memory_space<smem>>
      %jit3A_892 = arith.constant 0 : i32
      %jit3A_893 = arith.constant 2047 : i32
      %max3A_894 = arith.maxsi %jit3A_892, %get3A_891 : i32
      %min3A_895 = arith.minsi %jit3A_893, %max3A_894 : i32
      %get3A_896 = arith.index_cast %min3A_895 : i32 to index
      %get3A_897 = arith.constant 0 : index
      %get3A_898 = vector.load %arg6[%get3A_896, %get3A_897] : memref<2048x2048xf32, #tpu.memory_space<vmem>>, vector<1x2048xf32>
      %get3A_899 = vector.shape_cast %get3A_898 : vector<1x2048xf32> to vector<2048xf32>
      %swap3A_900 = arith.constant 52 : index
      %swap3A_901 = arith.constant 0 : index
      %swap3A_902 = vector.load %arg11[%swap3A_900, %swap3A_901] : memref<64x2048xf32, #tpu.memory_space<vmem>>, vector<1x2048xf32>
      %swap3A_903 = vector.shape_cast %swap3A_902 : vector<1x2048xf32> to vector<2048xf32>
      %swap3A_904 = vector.shape_cast %get3A_899 : vector<2048xf32> to vector<1x2048xf32>
      tpu.vector_store %arg11[%swap3A_900, %swap3A_901], %swap3A_904 {strides = array<i32>} : memref<64x2048xf32, #tpu.memory_space<vmem>>, vector<1x2048xf32>,
      %add3A_905 = arith.constant 53 : i32
      %add3A_906 = arith.addi %mul3A_6, %add3A_905 : i32
      %get3A_907 = arith.index_cast %add3A_906 : i32 to index
      %get3A_908 = memref.load %arg4[%get3A_907] : memref<8192xi32, #tpu.memory_space<smem>>
      %jit3A_909 = arith.constant 0 : i32
      %jit3A_910 = arith.constant 2047 : i32
      %max3A_911 = arith.maxsi %jit3A_909, %get3A_908 : i32
      %min3A_912 = arith.minsi %jit3A_910, %max3A_911 : i32
      %get3A_913 = arith.index_cast %min3A_912 : i32 to index
      %get3A_914 = arith.constant 0 : index
      %get3A_915 = vector.load %arg6[%get3A_913, %get3A_914] : memref<2048x2048xf32, #tpu.memory_space<vmem>>, vector<1x2048xf32>
      %get3A_916 = vector.shape_cast %get3A_915 : vector<1x2048xf32> to vector<2048xf32>
      %swap3A_917 = arith.constant 53 : index
      %swap3A_918 = arith.constant 0 : index
      %swap3A_919 = vector.load %arg11[%swap3A_917, %swap3A_918] : memref<64x2048xf32, #tpu.memory_space<vmem>>, vector<1x2048xf32>
      %swap3A_920 = vector.shape_cast %swap3A_919 : vector<1x2048xf32> to vector<2048xf32>
      %swap3A_921 = vector.shape_cast %get3A_916 : vector<2048xf32> to vector<1x2048xf32>
      tpu.vector_store %arg11[%swap3A_917, %swap3A_918], %swap3A_921 {strides = array<i32>} : memref<64x2048xf32, #tpu.memory_space<vmem>>, vector<1x2048xf32>,
      %add3A_922 = arith.constant 54 : i32
      %add3A_923 = arith.addi %mul3A_6, %add3A_922 : i32
      %get3A_924 = arith.index_cast %add3A_923 : i32 to index
      %get3A_925 = memref.load %arg4[%get3A_924] : memref<8192xi32, #tpu.memory_space<smem>>
      %jit3A_926 = arith.constant 0 : i32
      %jit3A_927 = arith.constant 2047 : i32
      %max3A_928 = arith.maxsi %jit3A_926, %get3A_925 : i32
      %min3A_929 = arith.minsi %jit3A_927, %max3A_928 : i32
      %get3A_930 = arith.index_cast %min3A_929 : i32 to index
      %get3A_931 = arith.constant 0 : index
      %get3A_932 = vector.load %arg6[%get3A_930, %get3A_931] : memref<2048x2048xf32, #tpu.memory_space<vmem>>, vector<1x2048xf32>
      %get3A_933 = vector.shape_cast %get3A_932 : vector<1x2048xf32> to vector<2048xf32>
      %swap3A_934 = arith.constant 54 : index
      %swap3A_935 = arith.constant 0 : index
      %swap3A_936 = vector.load %arg11[%swap3A_934, %swap3A_935] : memref<64x2048xf32, #tpu.memory_space<vmem>>, vector<1x2048xf32>
      %swap3A_937 = vector.shape_cast %swap3A_936 : vector<1x2048xf32> to vector<2048xf32>
      %swap3A_938 = vector.shape_cast %get3A_933 : vector<2048xf32> to vector<1x2048xf32>
      tpu.vector_store %arg11[%swap3A_934, %swap3A_935], %swap3A_938 {strides = array<i32>} : memref<64x2048xf32, #tpu.memory_space<vmem>>, vector<1x2048xf32>,
      %add3A_939 = arith.constant 55 : i32
      %add3A_940 = arith.addi %mul3A_6, %add3A_939 : i32
      %get3A_941 = arith.index_cast %add3A_940 : i32 to index
      %get3A_942 = memref.load %arg4[%get3A_941] : memref<8192xi32, #tpu.memory_space<smem>>
      %jit3A_943 = arith.constant 0 : i32
      %jit3A_944 = arith.constant 2047 : i32
      %max3A_945 = arith.maxsi %jit3A_943, %get3A_942 : i32
      %min3A_946 = arith.minsi %jit3A_944, %max3A_945 : i32
      %get3A_947 = arith.index_cast %min3A_946 : i32 to index
      %get3A_948 = arith.constant 0 : index
      %get3A_949 = vector.load %arg6[%get3A_947, %get3A_948] : memref<2048x2048xf32, #tpu.memory_space<vmem>>, vector<1x2048xf32>
      %get3A_950 = vector.shape_cast %get3A_949 : vector<1x2048xf32> to vector<2048xf32>
      %swap3A_951 = arith.constant 55 : index
      %swap3A_952 = arith.constant 0 : index
      %swap3A_953 = vector.load %arg11[%swap3A_951, %swap3A_952] : memref<64x2048xf32, #tpu.memory_space<vmem>>, vector<1x2048xf32>
      %swap3A_954 = vector.shape_cast %swap3A_953 : vector<1x2048xf32> to vector<2048xf32>
      %swap3A_955 = vector.shape_cast %get3A_950 : vector<2048xf32> to vector<1x2048xf32>
      tpu.vector_store %arg11[%swap3A_951, %swap3A_952], %swap3A_955 {strides = array<i32>} : memref<64x2048xf32, #tpu.memory_space<vmem>>, vector<1x2048xf32>,
      %add3A_956 = arith.constant 56 : i32
      %add3A_957 = arith.addi %mul3A_6, %add3A_956 : i32
      %get3A_958 = arith.index_cast %add3A_957 : i32 to index
      %get3A_959 = memref.load %arg4[%get3A_958] : memref<8192xi32, #tpu.memory_space<smem>>
      %jit3A_960 = arith.constant 0 : i32
      %jit3A_961 = arith.constant 2047 : i32
      %max3A_962 = arith.maxsi %jit3A_960, %get3A_959 : i32
      %min3A_963 = arith.minsi %jit3A_961, %max3A_962 : i32
      %get3A_964 = arith.index_cast %min3A_963 : i32 to index
      %get3A_965 = arith.constant 0 : index
      %get3A_966 = vector.load %arg6[%get3A_964, %get3A_965] : memref<2048x2048xf32, #tpu.memory_space<vmem>>, vector<1x2048xf32>
      %get3A_967 = vector.shape_cast %get3A_966 : vector<1x2048xf32> to vector<2048xf32>
      %swap3A_968 = arith.constant 56 : index
      %swap3A_969 = arith.constant 0 : index
      %swap3A_970 = vector.load %arg11[%swap3A_968, %swap3A_969] : memref<64x2048xf32, #tpu.memory_space<vmem>>, vector<1x2048xf32>
      %swap3A_971 = vector.shape_cast %swap3A_970 : vector<1x2048xf32> to vector<2048xf32>
      %swap3A_972 = vector.shape_cast %get3A_967 : vector<2048xf32> to vector<1x2048xf32>
      tpu.vector_store %arg11[%swap3A_968, %swap3A_969], %swap3A_972 {strides = array<i32>} : memref<64x2048xf32, #tpu.memory_space<vmem>>, vector<1x2048xf32>,
      %add3A_973 = arith.constant 57 : i32
      %add3A_974 = arith.addi %mul3A_6, %add3A_973 : i32
      %get3A_975 = arith.index_cast %add3A_974 : i32 to index
      %get3A_976 = memref.load %arg4[%get3A_975] : memref<8192xi32, #tpu.memory_space<smem>>
      %jit3A_977 = arith.constant 0 : i32
      %jit3A_978 = arith.constant 2047 : i32
      %max3A_979 = arith.maxsi %jit3A_977, %get3A_976 : i32
      %min3A_980 = arith.minsi %jit3A_978, %max3A_979 : i32
      %get3A_981 = arith.index_cast %min3A_980 : i32 to index
      %get3A_982 = arith.constant 0 : index
      %get3A_983 = vector.load %arg6[%get3A_981, %get3A_982] : memref<2048x2048xf32, #tpu.memory_space<vmem>>, vector<1x2048xf32>
      %get3A_984 = vector.shape_cast %get3A_983 : vector<1x2048xf32> to vector<2048xf32>
      %swap3A_985 = arith.constant 57 : index
      %swap3A_986 = arith.constant 0 : index
      %swap3A_987 = vector.load %arg11[%swap3A_985, %swap3A_986] : memref<64x2048xf32, #tpu.memory_space<vmem>>, vector<1x2048xf32>
      %swap3A_988 = vector.shape_cast %swap3A_987 : vector<1x2048xf32> to vector<2048xf32>
      %swap3A_989 = vector.shape_cast %get3A_984 : vector<2048xf32> to vector<1x2048xf32>
      tpu.vector_store %arg11[%swap3A_985, %swap3A_986], %swap3A_989 {strides = array<i32>} : memref<64x2048xf32, #tpu.memory_space<vmem>>, vector<1x2048xf32>,
      %add3A_990 = arith.constant 58 : i32
      %add3A_991 = arith.addi %mul3A_6, %add3A_990 : i32
      %get3A_992 = arith.index_cast %add3A_991 : i32 to index
      %get3A_993 = memref.load %arg4[%get3A_992] : memref<8192xi32, #tpu.memory_space<smem>>
      %jit3A_994 = arith.constant 0 : i32
      %jit3A_995 = arith.constant 2047 : i32
      %max3A_996 = arith.maxsi %jit3A_994, %get3A_993 : i32
      %min3A_997 = arith.minsi %jit3A_995, %max3A_996 : i32
      %get3A_998 = arith.index_cast %min3A_997 : i32 to index
      %get3A_999 = arith.constant 0 : index
      %get3A_1000 = vector.load %arg6[%get3A_998, %get3A_999] : memref<2048x2048xf32, #tpu.memory_space<vmem>>, vector<1x2048xf32>
      %get3A_1001 = vector.shape_cast %get3A_1000 : vector<1x2048xf32> to vector<2048xf32>
      %swap3A_1002 = arith.constant 58 : index
      %swap3A_1003 = arith.constant 0 : index
      %swap3A_1004 = vector.load %arg11[%swap3A_1002, %swap3A_1003] : memref<64x2048xf32, #tpu.memory_space<vmem>>, vector<1x2048xf32>
      %swap3A_1005 = vector.shape_cast %swap3A_1004 : vector<1x2048xf32> to vector<2048xf32>
      %swap3A_1006 = vector.shape_cast %get3A_1001 : vector<2048xf32> to vector<1x2048xf32>
      tpu.vector_store %arg11[%swap3A_1002, %swap3A_1003], %swap3A_1006 {strides = array<i32>} : memref<64x2048xf32, #tpu.memory_space<vmem>>, vector<1x2048xf32>,
      %add3A_1007 = arith.constant 59 : i32
      %add3A_1008 = arith.addi %mul3A_6, %add3A_1007 : i32
      %get3A_1009 = arith.index_cast %add3A_1008 : i32 to index
      %get3A_1010 = memref.load %arg4[%get3A_1009] : memref<8192xi32, #tpu.memory_space<smem>>
      %jit3A_1011 = arith.constant 0 : i32
      %jit3A_1012 = arith.constant 2047 : i32
      %max3A_1013 = arith.maxsi %jit3A_1011, %get3A_1010 : i32
      %min3A_1014 = arith.minsi %jit3A_1012, %max3A_1013 : i32
      %get3A_1015 = arith.index_cast %min3A_1014 : i32 to index
      %get3A_1016 = arith.constant 0 : index
      %get3A_1017 = vector.load %arg6[%get3A_1015, %get3A_1016] : memref<2048x2048xf32, #tpu.memory_space<vmem>>, vector<1x2048xf32>
      %get3A_1018 = vector.shape_cast %get3A_1017 : vector<1x2048xf32> to vector<2048xf32>
      %swap3A_1019 = arith.constant 59 : index
      %swap3A_1020 = arith.constant 0 : index
      %swap3A_1021 = vector.load %arg11[%swap3A_1019, %swap3A_1020] : memref<64x2048xf32, #tpu.memory_space<vmem>>, vector<1x2048xf32>
      %swap3A_1022 = vector.shape_cast %swap3A_1021 : vector<1x2048xf32> to vector<2048xf32>
      %swap3A_1023 = vector.shape_cast %get3A_1018 : vector<2048xf32> to vector<1x2048xf32>
      tpu.vector_store %arg11[%swap3A_1019, %swap3A_1020], %swap3A_1023 {strides = array<i32>} : memref<64x2048xf32, #tpu.memory_space<vmem>>, vector<1x2048xf32>,
      %add3A_1024 = arith.constant 60 : i32
      %add3A_1025 = arith.addi %mul3A_6, %add3A_1024 : i32
      %get3A_1026 = arith.index_cast %add3A_1025 : i32 to index
      %get3A_1027 = memref.load %arg4[%get3A_1026] : memref<8192xi32, #tpu.memory_space<smem>>
      %jit3A_1028 = arith.constant 0 : i32
      %jit3A_1029 = arith.constant 2047 : i32
      %max3A_1030 = arith.maxsi %jit3A_1028, %get3A_1027 : i32
      %min3A_1031 = arith.minsi %jit3A_1029, %max3A_1030 : i32
      %get3A_1032 = arith.index_cast %min3A_1031 : i32 to index
      %get3A_1033 = arith.constant 0 : index
      %get3A_1034 = vector.load %arg6[%get3A_1032, %get3A_1033] : memref<2048x2048xf32, #tpu.memory_space<vmem>>, vector<1x2048xf32>
      %get3A_1035 = vector.shape_cast %get3A_1034 : vector<1x2048xf32> to vector<2048xf32>
      %swap3A_1036 = arith.constant 60 : index
      %swap3A_1037 = arith.constant 0 : index
      %swap3A_1038 = vector.load %arg11[%swap3A_1036, %swap3A_1037] : memref<64x2048xf32, #tpu.memory_space<vmem>>, vector<1x2048xf32>
      %swap3A_1039 = vector.shape_cast %swap3A_1038 : vector<1x2048xf32> to vector<2048xf32>
      %swap3A_1040 = vector.shape_cast %get3A_1035 : vector<2048xf32> to vector<1x2048xf32>
      tpu.vector_store %arg11[%swap3A_1036, %swap3A_1037], %swap3A_1040 {strides = array<i32>} : memref<64x2048xf32, #tpu.memory_space<vmem>>, vector<1x2048xf32>,
      %add3A_1041 = arith.constant 61 : i32
      %add3A_1042 = arith.addi %mul3A_6, %add3A_1041 : i32
      %get3A_1043 = arith.index_cast %add3A_1042 : i32 to index
      %get3A_1044 = memref.load %arg4[%get3A_1043] : memref<8192xi32, #tpu.memory_space<smem>>
      %jit3A_1045 = arith.constant 0 : i32
      %jit3A_1046 = arith.constant 2047 : i32
      %max3A_1047 = arith.maxsi %jit3A_1045, %get3A_1044 : i32
      %min3A_1048 = arith.minsi %jit3A_1046, %max3A_1047 : i32
      %get3A_1049 = arith.index_cast %min3A_1048 : i32 to index
      %get3A_1050 = arith.constant 0 : index
      %get3A_1051 = vector.load %arg6[%get3A_1049, %get3A_1050] : memref<2048x2048xf32, #tpu.memory_space<vmem>>, vector<1x2048xf32>
      %get3A_1052 = vector.shape_cast %get3A_1051 : vector<1x2048xf32> to vector<2048xf32>
      %swap3A_1053 = arith.constant 61 : index
      %swap3A_1054 = arith.constant 0 : index
      %swap3A_1055 = vector.load %arg11[%swap3A_1053, %swap3A_1054] : memref<64x2048xf32, #tpu.memory_space<vmem>>, vector<1x2048xf32>
      %swap3A_1056 = vector.shape_cast %swap3A_1055 : vector<1x2048xf32> to vector<2048xf32>
      %swap3A_1057 = vector.shape_cast %get3A_1052 : vector<2048xf32> to vector<1x2048xf32>
      tpu.vector_store %arg11[%swap3A_1053, %swap3A_1054], %swap3A_1057 {strides = array<i32>} : memref<64x2048xf32, #tpu.memory_space<vmem>>, vector<1x2048xf32>,
      %add3A_1058 = arith.constant 62 : i32
      %add3A_1059 = arith.addi %mul3A_6, %add3A_1058 : i32
      %get3A_1060 = arith.index_cast %add3A_1059 : i32 to index
      %get3A_1061 = memref.load %arg4[%get3A_1060] : memref<8192xi32, #tpu.memory_space<smem>>
      %jit3A_1062 = arith.constant 0 : i32
      %jit3A_1063 = arith.constant 2047 : i32
      %max3A_1064 = arith.maxsi %jit3A_1062, %get3A_1061 : i32
      %min3A_1065 = arith.minsi %jit3A_1063, %max3A_1064 : i32
      %get3A_1066 = arith.index_cast %min3A_1065 : i32 to index
      %get3A_1067 = arith.constant 0 : index
      %get3A_1068 = vector.load %arg6[%get3A_1066, %get3A_1067] : memref<2048x2048xf32, #tpu.memory_space<vmem>>, vector<1x2048xf32>
      %get3A_1069 = vector.shape_cast %get3A_1068 : vector<1x2048xf32> to vector<2048xf32>
      %swap3A_1070 = arith.constant 62 : index
      %swap3A_1071 = arith.constant 0 : index
      %swap3A_1072 = vector.load %arg11[%swap3A_1070, %swap3A_1071] : memref<64x2048xf32, #tpu.memory_space<vmem>>, vector<1x2048xf32>
      %swap3A_1073 = vector.shape_cast %swap3A_1072 : vector<1x2048xf32> to vector<2048xf32>
      %swap3A_1074 = vector.shape_cast %get3A_1069 : vector<2048xf32> to vector<1x2048xf32>
      tpu.vector_store %arg11[%swap3A_1070, %swap3A_1071], %swap3A_1074 {strides = array<i32>} : memref<64x2048xf32, #tpu.memory_space<vmem>>, vector<1x2048xf32>,
      %add3A_1075 = arith.constant 63 : i32
      %add3A_1076 = arith.addi %mul3A_6, %add3A_1075 : i32
      %get3A_1077 = arith.index_cast %add3A_1076 : i32 to index
      %get3A_1078 = memref.load %arg4[%get3A_1077] : memref<8192xi32, #tpu.memory_space<smem>>
      %jit3A_1079 = arith.constant 0 : i32
      %jit3A_1080 = arith.constant 2047 : i32
      %max3A_1081 = arith.maxsi %jit3A_1079, %get3A_1078 : i32
      %min3A_1082 = arith.minsi %jit3A_1080, %max3A_1081 : i32
      %get3A_1083 = arith.index_cast %min3A_1082 : i32 to index
      %get3A_1084 = arith.constant 0 : index
      %get3A_1085 = vector.load %arg6[%get3A_1083, %get3A_1084] : memref<2048x2048xf32, #tpu.memory_space<vmem>>, vector<1x2048xf32>
      %get3A_1086 = vector.shape_cast %get3A_1085 : vector<1x2048xf32> to vector<2048xf32>
      %swap3A_1087 = arith.constant 63 : index
      %swap3A_1088 = arith.constant 0 : index
      %swap3A_1089 = vector.load %arg11[%swap3A_1087, %swap3A_1088] : memref<64x2048xf32, #tpu.memory_space<vmem>>, vector<1x2048xf32>
      %swap3A_1090 = vector.shape_cast %swap3A_1089 : vector<1x2048xf32> to vector<2048xf32>
      %swap3A_1091 = vector.shape_cast %get3A_1086 : vector<2048xf32> to vector<1x2048xf32>
      tpu.vector_store %arg11[%swap3A_1087, %swap3A_1088], %swap3A_1091 {strides = array<i32>} : memref<64x2048xf32, #tpu.memory_space<vmem>>, vector<1x2048xf32>,
      %get3A_1092 = arith.constant 0 : index
      %get3A_1093 = arith.constant 0 : index
      %get3A_1094 = vector.load %arg11[%get3A_1092, %get3A_1093] : memref<64x2048xf32, #tpu.memory_space<vmem>>, vector<64x2048xf32>
      %get3A_1095 = arith.constant 0 : index
      %get3A_1096 = arith.constant 0 : index
      %get3A_1097 = arith.constant 0 : index
      %get3A_1098 = vector.load %arg7[%get3A_1095, %get3A_1096, %get3A_1097] : memref<1x512x2048xf32, #tpu.memory_space<vmem>>, vector<1x512x2048xf32>
      %get3A_1099 = vector.shape_cast %get3A_1098 : vector<1x512x2048xf32> to vector<512x2048xf32>
      %dot_general3A = arith.constant dense<0.000000e+00> : vector<64x512xf32>
      %dot_general3A_1100 = tpu.matmul %get3A_1094, %get3A_1099, %dot_general3A {dimension_numbers = #tpu.dot_dimension_numbers<[1], [1], [0], [0], [0, 0, 1, 0], [], []>, transpose_lhs_hint = false} : vector<64x2048xf32>, vector<512x2048xf32>, vector<64x512xf32> -> vector<64x512xf32>
      %get3A_1101 = arith.constant 0 : index
      %get3A_1102 = arith.constant 0 : index
      %get3A_1103 = arith.constant 0 : index
      %get3A_1104 = vector.load %arg8[%get3A_1101, %get3A_1102, %get3A_1103] : memref<1x512x2048xf32, #tpu.memory_space<vmem>>, vector<1x512x2048xf32>
      %get3A_1105 = vector.shape_cast %get3A_1104 : vector<1x512x2048xf32> to vector<512x2048xf32>
      %dot_general3A_1106 = arith.constant dense<0.000000e+00> : vector<64x512xf32>
      %dot_general3A_1107 = tpu.matmul %get3A_1094, %get3A_1105, %dot_general3A_1106 {dimension_numbers = #tpu.dot_dimension_numbers<[1], [1], [0], [0], [0, 0, 1, 0], [], []>, transpose_lhs_hint = false} : vector<64x2048xf32>, vector<512x2048xf32>, vector<64x512xf32> -> vector<64x512xf32>
      %logistic3A = arith.negf %dot_general3A_1100 : vector<64x512xf32>
      %logistic3A_1108 = math.exp %logistic3A : vector<64x512xf32>
      %logistic3A_1109 = arith.constant 1.000000e+00 : f32
      %logistic3A_1110 = vector.broadcast %logistic3A_1109 : f32 to vector<64x512xf32>
      %logistic3A_1111 = arith.addf %logistic3A_1110, %logistic3A_1108 : vector<64x512xf32>
      %logistic3A_1112 = arith.divf %logistic3A_1110, %logistic3A_1111 : vector<64x512xf32>
      %mul3A_1113 = arith.mulf %dot_general3A_1100, %logistic3A_1112 : vector<64x512xf32>
      %mul3A_1114 = arith.mulf %mul3A_1113, %dot_general3A_1107 : vector<64x512xf32>
      %get3A_1115 = arith.constant 0 : index
      %get3A_1116 = arith.constant 0 : index
      %get3A_1117 = arith.constant 0 : index
      %get3A_1118 = vector.load %arg9[%get3A_1115, %get3A_1116, %get3A_1117] : memref<1x2048x512xf32, #tpu.memory_space<vmem>>, vector<1x2048x512xf32>
      %get3A_1119 = vector.shape_cast %get3A_1118 : vector<1x2048x512xf32> to vector<2048x512xf32>
      %dot_general3A_1120 = arith.constant dense<0.000000e+00> : vector<64x2048xf32>
      %dot_general3A_1121 = tpu.matmul %mul3A_1114, %get3A_1119, %dot_general3A_1120 {dimension_numbers = #tpu.dot_dimension_numbers<[1], [1], [0], [0], [0, 0, 1, 0], [], []>, transpose_lhs_hint = false} : vector<64x512xf32>, vector<2048x512xf32>, vector<64x2048xf32> -> vector<64x2048xf32>
      %swap3A_1122 = arith.constant 0 : index
      %swap3A_1123 = arith.constant 0 : index
      %swap3A_1124 = vector.load %arg12[%swap3A_1122, %swap3A_1123] : memref<64x2048xf32, #tpu.memory_space<vmem>>, vector<64x2048xf32>
      tpu.vector_store %arg12[%swap3A_1122, %swap3A_1123], %dot_general3A_1121 {strides = array<i32>} : memref<64x2048xf32, #tpu.memory_space<vmem>>, vector<64x2048xf32>,
      %add3A_1125 = arith.constant 0 : i32
      %add3A_1126 = arith.addi %mul3A_6, %add3A_1125 : i32
      %get3A_1127 = arith.index_cast %add3A_1126 : i32 to index
      %get3A_1128 = memref.load %arg4[%get3A_1127] : memref<8192xi32, #tpu.memory_space<smem>>
      %jit3A_1129 = arith.constant 0 : i32
      %jit3A_1130 = arith.constant 2047 : i32
      %max3A_1131 = arith.maxsi %jit3A_1129, %get3A_1128 : i32
      %min3A_1132 = arith.minsi %jit3A_1130, %max3A_1131 : i32
      %add3A_1133 = arith.constant 0 : i32
      %add3A_1134 = arith.addi %mul3A_6, %add3A_1133 : i32
      %lt3A_1135 = arith.cmpi slt, %add3A_1134, %get3A_8 : i32
      %add3A_1136 = arith.constant 0 : i32
      %add3A_1137 = arith.addi %mul3A_6, %add3A_1136 : i32
      %get3A_1138 = arith.index_cast %add3A_1137 : i32 to index
      %get3A_1139 = memref.load %arg5[%get3A_1138] : memref<8192xf32, #tpu.memory_space<smem>>
      %jit3A_1140 = arith.constant 0.000000e+00 : f32
      %select_n3A = arith.select %lt3A_1135, %get3A_1139, %jit3A_1140 : f32
      %get3A_1141 = arith.index_cast %min3A_1132 : i32 to index
      %get3A_1142 = arith.constant 0 : index
      %get3A_1143 = vector.load %arg10[%get3A_1141, %get3A_1142] : memref<2048x2048xf32, #tpu.memory_space<vmem>>, vector<1x2048xf32>
      %get3A_1144 = vector.shape_cast %get3A_1143 : vector<1x2048xf32> to vector<2048xf32>
      %get3A_1145 = arith.constant 0 : index
      %get3A_1146 = arith.constant 0 : index
      %get3A_1147 = vector.load %arg12[%get3A_1145, %get3A_1146] : memref<64x2048xf32, #tpu.memory_space<vmem>>, vector<1x2048xf32>
      %get3A_1148 = vector.shape_cast %get3A_1147 : vector<1x2048xf32> to vector<2048xf32>
      %mul3A_1149 = vector.broadcast %select_n3A : f32 to vector<2048xf32>
      %mul3A_1150 = arith.mulf %mul3A_1149, %get3A_1148 : vector<2048xf32>
      %add3A_1151 = arith.addf %get3A_1144, %mul3A_1150 : vector<2048xf32>
      %swap3A_1152 = arith.index_cast %min3A_1132 : i32 to index
      %swap3A_1153 = arith.constant 0 : index
      %swap3A_1154 = vector.load %arg10[%swap3A_1152, %swap3A_1153] : memref<2048x2048xf32, #tpu.memory_space<vmem>>, vector<1x2048xf32>
      %swap3A_1155 = vector.shape_cast %swap3A_1154 : vector<1x2048xf32> to vector<2048xf32>
      %swap3A_1156 = vector.shape_cast %add3A_1151 : vector<2048xf32> to vector<1x2048xf32>
      tpu.vector_store %arg10[%swap3A_1152, %swap3A_1153], %swap3A_1156 {strides = array<i32>} : memref<2048x2048xf32, #tpu.memory_space<vmem>>, vector<1x2048xf32>,
      %add3A_1157 = arith.constant 1 : i32
      %add3A_1158 = arith.addi %mul3A_6, %add3A_1157 : i32
      %get3A_1159 = arith.index_cast %add3A_1158 : i32 to index
      %get3A_1160 = memref.load %arg4[%get3A_1159] : memref<8192xi32, #tpu.memory_space<smem>>
      %jit3A_1161 = arith.constant 0 : i32
      %jit3A_1162 = arith.constant 2047 : i32
      %max3A_1163 = arith.maxsi %jit3A_1161, %get3A_1160 : i32
      %min3A_1164 = arith.minsi %jit3A_1162, %max3A_1163 : i32
      %add3A_1165 = arith.constant 1 : i32
      %add3A_1166 = arith.addi %mul3A_6, %add3A_1165 : i32
      %lt3A_1167 = arith.cmpi slt, %add3A_1166, %get3A_8 : i32
      %add3A_1168 = arith.constant 1 : i32
      %add3A_1169 = arith.addi %mul3A_6, %add3A_1168 : i32
      %get3A_1170 = arith.index_cast %add3A_1169 : i32 to index
      %get3A_1171 = memref.load %arg5[%get3A_1170] : memref<8192xf32, #tpu.memory_space<smem>>
      %jit3A_1172 = arith.constant 0.000000e+00 : f32
      %select_n3A_1173 = arith.select %lt3A_1167, %get3A_1171, %jit3A_1172 : f32
      %get3A_1174 = arith.index_cast %min3A_1164 : i32 to index
      %get3A_1175 = arith.constant 0 : index
      %get3A_1176 = vector.load %arg10[%get3A_1174, %get3A_1175] : memref<2048x2048xf32, #tpu.memory_space<vmem>>, vector<1x2048xf32>
      %get3A_1177 = vector.shape_cast %get3A_1176 : vector<1x2048xf32> to vector<2048xf32>
      %get3A_1178 = arith.constant 1 : index
      %get3A_1179 = arith.constant 0 : index
      %get3A_1180 = vector.load %arg12[%get3A_1178, %get3A_1179] : memref<64x2048xf32, #tpu.memory_space<vmem>>, vector<1x2048xf32>
      %get3A_1181 = vector.shape_cast %get3A_1180 : vector<1x2048xf32> to vector<2048xf32>
      %mul3A_1182 = vector.broadcast %select_n3A_1173 : f32 to vector<2048xf32>
      %mul3A_1183 = arith.mulf %mul3A_1182, %get3A_1181 : vector<2048xf32>
      %add3A_1184 = arith.addf %get3A_1177, %mul3A_1183 : vector<2048xf32>
      %swap3A_1185 = arith.index_cast %min3A_1164 : i32 to index
      %swap3A_1186 = arith.constant 0 : index
      %swap3A_1187 = vector.load %arg10[%swap3A_1185, %swap3A_1186] : memref<2048x2048xf32, #tpu.memory_space<vmem>>, vector<1x2048xf32>
      %swap3A_1188 = vector.shape_cast %swap3A_1187 : vector<1x2048xf32> to vector<2048xf32>
      %swap3A_1189 = vector.shape_cast %add3A_1184 : vector<2048xf32> to vector<1x2048xf32>
      tpu.vector_store %arg10[%swap3A_1185, %swap3A_1186], %swap3A_1189 {strides = array<i32>} : memref<2048x2048xf32, #tpu.memory_space<vmem>>, vector<1x2048xf32>,
      %add3A_1190 = arith.constant 2 : i32
      %add3A_1191 = arith.addi %mul3A_6, %add3A_1190 : i32
      %get3A_1192 = arith.index_cast %add3A_1191 : i32 to index
      %get3A_1193 = memref.load %arg4[%get3A_1192] : memref<8192xi32, #tpu.memory_space<smem>>
      %jit3A_1194 = arith.constant 0 : i32
      %jit3A_1195 = arith.constant 2047 : i32
      %max3A_1196 = arith.maxsi %jit3A_1194, %get3A_1193 : i32
      %min3A_1197 = arith.minsi %jit3A_1195, %max3A_1196 : i32
      %add3A_1198 = arith.constant 2 : i32
      %add3A_1199 = arith.addi %mul3A_6, %add3A_1198 : i32
      %lt3A_1200 = arith.cmpi slt, %add3A_1199, %get3A_8 : i32
      %add3A_1201 = arith.constant 2 : i32
      %add3A_1202 = arith.addi %mul3A_6, %add3A_1201 : i32
      %get3A_1203 = arith.index_cast %add3A_1202 : i32 to index
      %get3A_1204 = memref.load %arg5[%get3A_1203] : memref<8192xf32, #tpu.memory_space<smem>>
      %jit3A_1205 = arith.constant 0.000000e+00 : f32
      %select_n3A_1206 = arith.select %lt3A_1200, %get3A_1204, %jit3A_1205 : f32
      %get3A_1207 = arith.index_cast %min3A_1197 : i32 to index
      %get3A_1208 = arith.constant 0 : index
      %get3A_1209 = vector.load %arg10[%get3A_1207, %get3A_1208] : memref<2048x2048xf32, #tpu.memory_space<vmem>>, vector<1x2048xf32>
      %get3A_1210 = vector.shape_cast %get3A_1209 : vector<1x2048xf32> to vector<2048xf32>
      %get3A_1211 = arith.constant 2 : index
      %get3A_1212 = arith.constant 0 : index
      %get3A_1213 = vector.load %arg12[%get3A_1211, %get3A_1212] : memref<64x2048xf32, #tpu.memory_space<vmem>>, vector<1x2048xf32>
      %get3A_1214 = vector.shape_cast %get3A_1213 : vector<1x2048xf32> to vector<2048xf32>
      %mul3A_1215 = vector.broadcast %select_n3A_1206 : f32 to vector<2048xf32>
      %mul3A_1216 = arith.mulf %mul3A_1215, %get3A_1214 : vector<2048xf32>
      %add3A_1217 = arith.addf %get3A_1210, %mul3A_1216 : vector<2048xf32>
      %swap3A_1218 = arith.index_cast %min3A_1197 : i32 to index
      %swap3A_1219 = arith.constant 0 : index
      %swap3A_1220 = vector.load %arg10[%swap3A_1218, %swap3A_1219] : memref<2048x2048xf32, #tpu.memory_space<vmem>>, vector<1x2048xf32>
      %swap3A_1221 = vector.shape_cast %swap3A_1220 : vector<1x2048xf32> to vector<2048xf32>
      %swap3A_1222 = vector.shape_cast %add3A_1217 : vector<2048xf32> to vector<1x2048xf32>
      tpu.vector_store %arg10[%swap3A_1218, %swap3A_1219], %swap3A_1222 {strides = array<i32>} : memref<2048x2048xf32, #tpu.memory_space<vmem>>, vector<1x2048xf32>,
      %add3A_1223 = arith.constant 3 : i32
      %add3A_1224 = arith.addi %mul3A_6, %add3A_1223 : i32
      %get3A_1225 = arith.index_cast %add3A_1224 : i32 to index
      %get3A_1226 = memref.load %arg4[%get3A_1225] : memref<8192xi32, #tpu.memory_space<smem>>
      %jit3A_1227 = arith.constant 0 : i32
      %jit3A_1228 = arith.constant 2047 : i32
      %max3A_1229 = arith.maxsi %jit3A_1227, %get3A_1226 : i32
      %min3A_1230 = arith.minsi %jit3A_1228, %max3A_1229 : i32
      %add3A_1231 = arith.constant 3 : i32
      %add3A_1232 = arith.addi %mul3A_6, %add3A_1231 : i32
      %lt3A_1233 = arith.cmpi slt, %add3A_1232, %get3A_8 : i32
      %add3A_1234 = arith.constant 3 : i32
      %add3A_1235 = arith.addi %mul3A_6, %add3A_1234 : i32
      %get3A_1236 = arith.index_cast %add3A_1235 : i32 to index
      %get3A_1237 = memref.load %arg5[%get3A_1236] : memref<8192xf32, #tpu.memory_space<smem>>
      %jit3A_1238 = arith.constant 0.000000e+00 : f32
      %select_n3A_1239 = arith.select %lt3A_1233, %get3A_1237, %jit3A_1238 : f32
      %get3A_1240 = arith.index_cast %min3A_1230 : i32 to index
      %get3A_1241 = arith.constant 0 : index
      %get3A_1242 = vector.load %arg10[%get3A_1240, %get3A_1241] : memref<2048x2048xf32, #tpu.memory_space<vmem>>, vector<1x2048xf32>
      %get3A_1243 = vector.shape_cast %get3A_1242 : vector<1x2048xf32> to vector<2048xf32>
      %get3A_1244 = arith.constant 3 : index
      %get3A_1245 = arith.constant 0 : index
      %get3A_1246 = vector.load %arg12[%get3A_1244, %get3A_1245] : memref<64x2048xf32, #tpu.memory_space<vmem>>, vector<1x2048xf32>
      %get3A_1247 = vector.shape_cast %get3A_1246 : vector<1x2048xf32> to vector<2048xf32>
      %mul3A_1248 = vector.broadcast %select_n3A_1239 : f32 to vector<2048xf32>
      %mul3A_1249 = arith.mulf %mul3A_1248, %get3A_1247 : vector<2048xf32>
      %add3A_1250 = arith.addf %get3A_1243, %mul3A_1249 : vector<2048xf32>
      %swap3A_1251 = arith.index_cast %min3A_1230 : i32 to index
      %swap3A_1252 = arith.constant 0 : index
      %swap3A_1253 = vector.load %arg10[%swap3A_1251, %swap3A_1252] : memref<2048x2048xf32, #tpu.memory_space<vmem>>, vector<1x2048xf32>
      %swap3A_1254 = vector.shape_cast %swap3A_1253 : vector<1x2048xf32> to vector<2048xf32>
      %swap3A_1255 = vector.shape_cast %add3A_1250 : vector<2048xf32> to vector<1x2048xf32>
      tpu.vector_store %arg10[%swap3A_1251, %swap3A_1252], %swap3A_1255 {strides = array<i32>} : memref<2048x2048xf32, #tpu.memory_space<vmem>>, vector<1x2048xf32>,
      %add3A_1256 = arith.constant 4 : i32
      %add3A_1257 = arith.addi %mul3A_6, %add3A_1256 : i32
      %get3A_1258 = arith.index_cast %add3A_1257 : i32 to index
      %get3A_1259 = memref.load %arg4[%get3A_1258] : memref<8192xi32, #tpu.memory_space<smem>>
      %jit3A_1260 = arith.constant 0 : i32
      %jit3A_1261 = arith.constant 2047 : i32
      %max3A_1262 = arith.maxsi %jit3A_1260, %get3A_1259 : i32
      %min3A_1263 = arith.minsi %jit3A_1261, %max3A_1262 : i32
      %add3A_1264 = arith.constant 4 : i32
      %add3A_1265 = arith.addi %mul3A_6, %add3A_1264 : i32
      %lt3A_1266 = arith.cmpi slt, %add3A_1265, %get3A_8 : i32
      %add3A_1267 = arith.constant 4 : i32
      %add3A_1268 = arith.addi %mul3A_6, %add3A_1267 : i32
      %get3A_1269 = arith.index_cast %add3A_1268 : i32 to index
      %get3A_1270 = memref.load %arg5[%get3A_1269] : memref<8192xf32, #tpu.memory_space<smem>>
      %jit3A_1271 = arith.constant 0.000000e+00 : f32
      %select_n3A_1272 = arith.select %lt3A_1266, %get3A_1270, %jit3A_1271 : f32
      %get3A_1273 = arith.index_cast %min3A_1263 : i32 to index
      %get3A_1274 = arith.constant 0 : index
      %get3A_1275 = vector.load %arg10[%get3A_1273, %get3A_1274] : memref<2048x2048xf32, #tpu.memory_space<vmem>>, vector<1x2048xf32>
      %get3A_1276 = vector.shape_cast %get3A_1275 : vector<1x2048xf32> to vector<2048xf32>
      %get3A_1277 = arith.constant 4 : index
      %get3A_1278 = arith.constant 0 : index
      %get3A_1279 = vector.load %arg12[%get3A_1277, %get3A_1278] : memref<64x2048xf32, #tpu.memory_space<vmem>>, vector<1x2048xf32>
      %get3A_1280 = vector.shape_cast %get3A_1279 : vector<1x2048xf32> to vector<2048xf32>
      %mul3A_1281 = vector.broadcast %select_n3A_1272 : f32 to vector<2048xf32>
      %mul3A_1282 = arith.mulf %mul3A_1281, %get3A_1280 : vector<2048xf32>
      %add3A_1283 = arith.addf %get3A_1276, %mul3A_1282 : vector<2048xf32>
      %swap3A_1284 = arith.index_cast %min3A_1263 : i32 to index
      %swap3A_1285 = arith.constant 0 : index
      %swap3A_1286 = vector.load %arg10[%swap3A_1284, %swap3A_1285] : memref<2048x2048xf32, #tpu.memory_space<vmem>>, vector<1x2048xf32>
      %swap3A_1287 = vector.shape_cast %swap3A_1286 : vector<1x2048xf32> to vector<2048xf32>
      %swap3A_1288 = vector.shape_cast %add3A_1283 : vector<2048xf32> to vector<1x2048xf32>
      tpu.vector_store %arg10[%swap3A_1284, %swap3A_1285], %swap3A_1288 {strides = array<i32>} : memref<2048x2048xf32, #tpu.memory_space<vmem>>, vector<1x2048xf32>,
      %add3A_1289 = arith.constant 5 : i32
      %add3A_1290 = arith.addi %mul3A_6, %add3A_1289 : i32
      %get3A_1291 = arith.index_cast %add3A_1290 : i32 to index
      %get3A_1292 = memref.load %arg4[%get3A_1291] : memref<8192xi32, #tpu.memory_space<smem>>
      %jit3A_1293 = arith.constant 0 : i32
      %jit3A_1294 = arith.constant 2047 : i32
      %max3A_1295 = arith.maxsi %jit3A_1293, %get3A_1292 : i32
      %min3A_1296 = arith.minsi %jit3A_1294, %max3A_1295 : i32
      %add3A_1297 = arith.constant 5 : i32
      %add3A_1298 = arith.addi %mul3A_6, %add3A_1297 : i32
      %lt3A_1299 = arith.cmpi slt, %add3A_1298, %get3A_8 : i32
      %add3A_1300 = arith.constant 5 : i32
      %add3A_1301 = arith.addi %mul3A_6, %add3A_1300 : i32
      %get3A_1302 = arith.index_cast %add3A_1301 : i32 to index
      %get3A_1303 = memref.load %arg5[%get3A_1302] : memref<8192xf32, #tpu.memory_space<smem>>
      %jit3A_1304 = arith.constant 0.000000e+00 : f32
      %select_n3A_1305 = arith.select %lt3A_1299, %get3A_1303, %jit3A_1304 : f32
      %get3A_1306 = arith.index_cast %min3A_1296 : i32 to index
      %get3A_1307 = arith.constant 0 : index
      %get3A_1308 = vector.load %arg10[%get3A_1306, %get3A_1307] : memref<2048x2048xf32, #tpu.memory_space<vmem>>, vector<1x2048xf32>
      %get3A_1309 = vector.shape_cast %get3A_1308 : vector<1x2048xf32> to vector<2048xf32>
      %get3A_1310 = arith.constant 5 : index
      %get3A_1311 = arith.constant 0 : index
      %get3A_1312 = vector.load %arg12[%get3A_1310, %get3A_1311] : memref<64x2048xf32, #tpu.memory_space<vmem>>, vector<1x2048xf32>
      %get3A_1313 = vector.shape_cast %get3A_1312 : vector<1x2048xf32> to vector<2048xf32>
      %mul3A_1314 = vector.broadcast %select_n3A_1305 : f32 to vector<2048xf32>
      %mul3A_1315 = arith.mulf %mul3A_1314, %get3A_1313 : vector<2048xf32>
      %add3A_1316 = arith.addf %get3A_1309, %mul3A_1315 : vector<2048xf32>
      %swap3A_1317 = arith.index_cast %min3A_1296 : i32 to index
      %swap3A_1318 = arith.constant 0 : index
      %swap3A_1319 = vector.load %arg10[%swap3A_1317, %swap3A_1318] : memref<2048x2048xf32, #tpu.memory_space<vmem>>, vector<1x2048xf32>
      %swap3A_1320 = vector.shape_cast %swap3A_1319 : vector<1x2048xf32> to vector<2048xf32>
      %swap3A_1321 = vector.shape_cast %add3A_1316 : vector<2048xf32> to vector<1x2048xf32>
      tpu.vector_store %arg10[%swap3A_1317, %swap3A_1318], %swap3A_1321 {strides = array<i32>} : memref<2048x2048xf32, #tpu.memory_space<vmem>>, vector<1x2048xf32>,
      %add3A_1322 = arith.constant 6 : i32
      %add3A_1323 = arith.addi %mul3A_6, %add3A_1322 : i32
      %get3A_1324 = arith.index_cast %add3A_1323 : i32 to index
      %get3A_1325 = memref.load %arg4[%get3A_1324] : memref<8192xi32, #tpu.memory_space<smem>>
      %jit3A_1326 = arith.constant 0 : i32
      %jit3A_1327 = arith.constant 2047 : i32
      %max3A_1328 = arith.maxsi %jit3A_1326, %get3A_1325 : i32
      %min3A_1329 = arith.minsi %jit3A_1327, %max3A_1328 : i32
      %add3A_1330 = arith.constant 6 : i32
      %add3A_1331 = arith.addi %mul3A_6, %add3A_1330 : i32
      %lt3A_1332 = arith.cmpi slt, %add3A_1331, %get3A_8 : i32
      %add3A_1333 = arith.constant 6 : i32
      %add3A_1334 = arith.addi %mul3A_6, %add3A_1333 : i32
      %get3A_1335 = arith.index_cast %add3A_1334 : i32 to index
      %get3A_1336 = memref.load %arg5[%get3A_1335] : memref<8192xf32, #tpu.memory_space<smem>>
      %jit3A_1337 = arith.constant 0.000000e+00 : f32
      %select_n3A_1338 = arith.select %lt3A_1332, %get3A_1336, %jit3A_1337 : f32
      %get3A_1339 = arith.index_cast %min3A_1329 : i32 to index
      %get3A_1340 = arith.constant 0 : index
      %get3A_1341 = vector.load %arg10[%get3A_1339, %get3A_1340] : memref<2048x2048xf32, #tpu.memory_space<vmem>>, vector<1x2048xf32>
      %get3A_1342 = vector.shape_cast %get3A_1341 : vector<1x2048xf32> to vector<2048xf32>
      %get3A_1343 = arith.constant 6 : index
      %get3A_1344 = arith.constant 0 : index
      %get3A_1345 = vector.load %arg12[%get3A_1343, %get3A_1344] : memref<64x2048xf32, #tpu.memory_space<vmem>>, vector<1x2048xf32>
      %get3A_1346 = vector.shape_cast %get3A_1345 : vector<1x2048xf32> to vector<2048xf32>
      %mul3A_1347 = vector.broadcast %select_n3A_1338 : f32 to vector<2048xf32>
      %mul3A_1348 = arith.mulf %mul3A_1347, %get3A_1346 : vector<2048xf32>
      %add3A_1349 = arith.addf %get3A_1342, %mul3A_1348 : vector<2048xf32>
      %swap3A_1350 = arith.index_cast %min3A_1329 : i32 to index
      %swap3A_1351 = arith.constant 0 : index
      %swap3A_1352 = vector.load %arg10[%swap3A_1350, %swap3A_1351] : memref<2048x2048xf32, #tpu.memory_space<vmem>>, vector<1x2048xf32>
      %swap3A_1353 = vector.shape_cast %swap3A_1352 : vector<1x2048xf32> to vector<2048xf32>
      %swap3A_1354 = vector.shape_cast %add3A_1349 : vector<2048xf32> to vector<1x2048xf32>
      tpu.vector_store %arg10[%swap3A_1350, %swap3A_1351], %swap3A_1354 {strides = array<i32>} : memref<2048x2048xf32, #tpu.memory_space<vmem>>, vector<1x2048xf32>,
      %add3A_1355 = arith.constant 7 : i32
      %add3A_1356 = arith.addi %mul3A_6, %add3A_1355 : i32
      %get3A_1357 = arith.index_cast %add3A_1356 : i32 to index
      %get3A_1358 = memref.load %arg4[%get3A_1357] : memref<8192xi32, #tpu.memory_space<smem>>
      %jit3A_1359 = arith.constant 0 : i32
      %jit3A_1360 = arith.constant 2047 : i32
      %max3A_1361 = arith.maxsi %jit3A_1359, %get3A_1358 : i32
      %min3A_1362 = arith.minsi %jit3A_1360, %max3A_1361 : i32
      %add3A_1363 = arith.constant 7 : i32
      %add3A_1364 = arith.addi %mul3A_6, %add3A_1363 : i32
      %lt3A_1365 = arith.cmpi slt, %add3A_1364, %get3A_8 : i32
      %add3A_1366 = arith.constant 7 : i32
      %add3A_1367 = arith.addi %mul3A_6, %add3A_1366 : i32
      %get3A_1368 = arith.index_cast %add3A_1367 : i32 to index
      %get3A_1369 = memref.load %arg5[%get3A_1368] : memref<8192xf32, #tpu.memory_space<smem>>
      %jit3A_1370 = arith.constant 0.000000e+00 : f32
      %select_n3A_1371 = arith.select %lt3A_1365, %get3A_1369, %jit3A_1370 : f32
      %get3A_1372 = arith.index_cast %min3A_1362 : i32 to index
      %get3A_1373 = arith.constant 0 : index
      %get3A_1374 = vector.load %arg10[%get3A_1372, %get3A_1373] : memref<2048x2048xf32, #tpu.memory_space<vmem>>, vector<1x2048xf32>
      %get3A_1375 = vector.shape_cast %get3A_1374 : vector<1x2048xf32> to vector<2048xf32>
      %get3A_1376 = arith.constant 7 : index
      %get3A_1377 = arith.constant 0 : index
      %get3A_1378 = vector.load %arg12[%get3A_1376, %get3A_1377] : memref<64x2048xf32, #tpu.memory_space<vmem>>, vector<1x2048xf32>
      %get3A_1379 = vector.shape_cast %get3A_1378 : vector<1x2048xf32> to vector<2048xf32>
      %mul3A_1380 = vector.broadcast %select_n3A_1371 : f32 to vector<2048xf32>
      %mul3A_1381 = arith.mulf %mul3A_1380, %get3A_1379 : vector<2048xf32>
      %add3A_1382 = arith.addf %get3A_1375, %mul3A_1381 : vector<2048xf32>
      %swap3A_1383 = arith.index_cast %min3A_1362 : i32 to index
      %swap3A_1384 = arith.constant 0 : index
      %swap3A_1385 = vector.load %arg10[%swap3A_1383, %swap3A_1384] : memref<2048x2048xf32, #tpu.memory_space<vmem>>, vector<1x2048xf32>
      %swap3A_1386 = vector.shape_cast %swap3A_1385 : vector<1x2048xf32> to vector<2048xf32>
      %swap3A_1387 = vector.shape_cast %add3A_1382 : vector<2048xf32> to vector<1x2048xf32>
      tpu.vector_store %arg10[%swap3A_1383, %swap3A_1384], %swap3A_1387 {strides = array<i32>} : memref<2048x2048xf32, #tpu.memory_space<vmem>>, vector<1x2048xf32>,
      %add3A_1388 = arith.constant 8 : i32
      %add3A_1389 = arith.addi %mul3A_6, %add3A_1388 : i32
      %get3A_1390 = arith.index_cast %add3A_1389 : i32 to index
      %get3A_1391 = memref.load %arg4[%get3A_1390] : memref<8192xi32, #tpu.memory_space<smem>>
      %jit3A_1392 = arith.constant 0 : i32
      %jit3A_1393 = arith.constant 2047 : i32
      %max3A_1394 = arith.maxsi %jit3A_1392, %get3A_1391 : i32
      %min3A_1395 = arith.minsi %jit3A_1393, %max3A_1394 : i32
      %add3A_1396 = arith.constant 8 : i32
      %add3A_1397 = arith.addi %mul3A_6, %add3A_1396 : i32
      %lt3A_1398 = arith.cmpi slt, %add3A_1397, %get3A_8 : i32
      %add3A_1399 = arith.constant 8 : i32
      %add3A_1400 = arith.addi %mul3A_6, %add3A_1399 : i32
      %get3A_1401 = arith.index_cast %add3A_1400 : i32 to index
      %get3A_1402 = memref.load %arg5[%get3A_1401] : memref<8192xf32, #tpu.memory_space<smem>>
      %jit3A_1403 = arith.constant 0.000000e+00 : f32
      %select_n3A_1404 = arith.select %lt3A_1398, %get3A_1402, %jit3A_1403 : f32
      %get3A_1405 = arith.index_cast %min3A_1395 : i32 to index
      %get3A_1406 = arith.constant 0 : index
      %get3A_1407 = vector.load %arg10[%get3A_1405, %get3A_1406] : memref<2048x2048xf32, #tpu.memory_space<vmem>>, vector<1x2048xf32>
      %get3A_1408 = vector.shape_cast %get3A_1407 : vector<1x2048xf32> to vector<2048xf32>
      %get3A_1409 = arith.constant 8 : index
      %get3A_1410 = arith.constant 0 : index
      %get3A_1411 = vector.load %arg12[%get3A_1409, %get3A_1410] : memref<64x2048xf32, #tpu.memory_space<vmem>>, vector<1x2048xf32>
      %get3A_1412 = vector.shape_cast %get3A_1411 : vector<1x2048xf32> to vector<2048xf32>
      %mul3A_1413 = vector.broadcast %select_n3A_1404 : f32 to vector<2048xf32>
      %mul3A_1414 = arith.mulf %mul3A_1413, %get3A_1412 : vector<2048xf32>
      %add3A_1415 = arith.addf %get3A_1408, %mul3A_1414 : vector<2048xf32>
      %swap3A_1416 = arith.index_cast %min3A_1395 : i32 to index
      %swap3A_1417 = arith.constant 0 : index
      %swap3A_1418 = vector.load %arg10[%swap3A_1416, %swap3A_1417] : memref<2048x2048xf32, #tpu.memory_space<vmem>>, vector<1x2048xf32>
      %swap3A_1419 = vector.shape_cast %swap3A_1418 : vector<1x2048xf32> to vector<2048xf32>
      %swap3A_1420 = vector.shape_cast %add3A_1415 : vector<2048xf32> to vector<1x2048xf32>
      tpu.vector_store %arg10[%swap3A_1416, %swap3A_1417], %swap3A_1420 {strides = array<i32>} : memref<2048x2048xf32, #tpu.memory_space<vmem>>, vector<1x2048xf32>,
      %add3A_1421 = arith.constant 9 : i32
      %add3A_1422 = arith.addi %mul3A_6, %add3A_1421 : i32
      %get3A_1423 = arith.index_cast %add3A_1422 : i32 to index
      %get3A_1424 = memref.load %arg4[%get3A_1423] : memref<8192xi32, #tpu.memory_space<smem>>
      %jit3A_1425 = arith.constant 0 : i32
      %jit3A_1426 = arith.constant 2047 : i32
      %max3A_1427 = arith.maxsi %jit3A_1425, %get3A_1424 : i32
      %min3A_1428 = arith.minsi %jit3A_1426, %max3A_1427 : i32
      %add3A_1429 = arith.constant 9 : i32
      %add3A_1430 = arith.addi %mul3A_6, %add3A_1429 : i32
      %lt3A_1431 = arith.cmpi slt, %add3A_1430, %get3A_8 : i32
      %add3A_1432 = arith.constant 9 : i32
      %add3A_1433 = arith.addi %mul3A_6, %add3A_1432 : i32
      %get3A_1434 = arith.index_cast %add3A_1433 : i32 to index
      %get3A_1435 = memref.load %arg5[%get3A_1434] : memref<8192xf32, #tpu.memory_space<smem>>
      %jit3A_1436 = arith.constant 0.000000e+00 : f32
      %select_n3A_1437 = arith.select %lt3A_1431, %get3A_1435, %jit3A_1436 : f32
      %get3A_1438 = arith.index_cast %min3A_1428 : i32 to index
      %get3A_1439 = arith.constant 0 : index
      %get3A_1440 = vector.load %arg10[%get3A_1438, %get3A_1439] : memref<2048x2048xf32, #tpu.memory_space<vmem>>, vector<1x2048xf32>
      %get3A_1441 = vector.shape_cast %get3A_1440 : vector<1x2048xf32> to vector<2048xf32>
      %get3A_1442 = arith.constant 9 : index
      %get3A_1443 = arith.constant 0 : index
      %get3A_1444 = vector.load %arg12[%get3A_1442, %get3A_1443] : memref<64x2048xf32, #tpu.memory_space<vmem>>, vector<1x2048xf32>
      %get3A_1445 = vector.shape_cast %get3A_1444 : vector<1x2048xf32> to vector<2048xf32>
      %mul3A_1446 = vector.broadcast %select_n3A_1437 : f32 to vector<2048xf32>
      %mul3A_1447 = arith.mulf %mul3A_1446, %get3A_1445 : vector<2048xf32>
      %add3A_1448 = arith.addf %get3A_1441, %mul3A_1447 : vector<2048xf32>
      %swap3A_1449 = arith.index_cast %min3A_1428 : i32 to index
      %swap3A_1450 = arith.constant 0 : index
      %swap3A_1451 = vector.load %arg10[%swap3A_1449, %swap3A_1450] : memref<2048x2048xf32, #tpu.memory_space<vmem>>, vector<1x2048xf32>
      %swap3A_1452 = vector.shape_cast %swap3A_1451 : vector<1x2048xf32> to vector<2048xf32>
      %swap3A_1453 = vector.shape_cast %add3A_1448 : vector<2048xf32> to vector<1x2048xf32>
      tpu.vector_store %arg10[%swap3A_1449, %swap3A_1450], %swap3A_1453 {strides = array<i32>} : memref<2048x2048xf32, #tpu.memory_space<vmem>>, vector<1x2048xf32>,
      %add3A_1454 = arith.constant 10 : i32
      %add3A_1455 = arith.addi %mul3A_6, %add3A_1454 : i32
      %get3A_1456 = arith.index_cast %add3A_1455 : i32 to index
      %get3A_1457 = memref.load %arg4[%get3A_1456] : memref<8192xi32, #tpu.memory_space<smem>>
      %jit3A_1458 = arith.constant 0 : i32
      %jit3A_1459 = arith.constant 2047 : i32
      %max3A_1460 = arith.maxsi %jit3A_1458, %get3A_1457 : i32
      %min3A_1461 = arith.minsi %jit3A_1459, %max3A_1460 : i32
      %add3A_1462 = arith.constant 10 : i32
      %add3A_1463 = arith.addi %mul3A_6, %add3A_1462 : i32
      %lt3A_1464 = arith.cmpi slt, %add3A_1463, %get3A_8 : i32
      %add3A_1465 = arith.constant 10 : i32
      %add3A_1466 = arith.addi %mul3A_6, %add3A_1465 : i32
      %get3A_1467 = arith.index_cast %add3A_1466 : i32 to index
      %get3A_1468 = memref.load %arg5[%get3A_1467] : memref<8192xf32, #tpu.memory_space<smem>>
      %jit3A_1469 = arith.constant 0.000000e+00 : f32
      %select_n3A_1470 = arith.select %lt3A_1464, %get3A_1468, %jit3A_1469 : f32
      %get3A_1471 = arith.index_cast %min3A_1461 : i32 to index
      %get3A_1472 = arith.constant 0 : index
      %get3A_1473 = vector.load %arg10[%get3A_1471, %get3A_1472] : memref<2048x2048xf32, #tpu.memory_space<vmem>>, vector<1x2048xf32>
      %get3A_1474 = vector.shape_cast %get3A_1473 : vector<1x2048xf32> to vector<2048xf32>
      %get3A_1475 = arith.constant 10 : index
      %get3A_1476 = arith.constant 0 : index
      %get3A_1477 = vector.load %arg12[%get3A_1475, %get3A_1476] : memref<64x2048xf32, #tpu.memory_space<vmem>>, vector<1x2048xf32>
      %get3A_1478 = vector.shape_cast %get3A_1477 : vector<1x2048xf32> to vector<2048xf32>
      %mul3A_1479 = vector.broadcast %select_n3A_1470 : f32 to vector<2048xf32>
      %mul3A_1480 = arith.mulf %mul3A_1479, %get3A_1478 : vector<2048xf32>
      %add3A_1481 = arith.addf %get3A_1474, %mul3A_1480 : vector<2048xf32>
      %swap3A_1482 = arith.index_cast %min3A_1461 : i32 to index
      %swap3A_1483 = arith.constant 0 : index
      %swap3A_1484 = vector.load %arg10[%swap3A_1482, %swap3A_1483] : memref<2048x2048xf32, #tpu.memory_space<vmem>>, vector<1x2048xf32>
      %swap3A_1485 = vector.shape_cast %swap3A_1484 : vector<1x2048xf32> to vector<2048xf32>
      %swap3A_1486 = vector.shape_cast %add3A_1481 : vector<2048xf32> to vector<1x2048xf32>
      tpu.vector_store %arg10[%swap3A_1482, %swap3A_1483], %swap3A_1486 {strides = array<i32>} : memref<2048x2048xf32, #tpu.memory_space<vmem>>, vector<1x2048xf32>,
      %add3A_1487 = arith.constant 11 : i32
      %add3A_1488 = arith.addi %mul3A_6, %add3A_1487 : i32
      %get3A_1489 = arith.index_cast %add3A_1488 : i32 to index
      %get3A_1490 = memref.load %arg4[%get3A_1489] : memref<8192xi32, #tpu.memory_space<smem>>
      %jit3A_1491 = arith.constant 0 : i32
      %jit3A_1492 = arith.constant 2047 : i32
      %max3A_1493 = arith.maxsi %jit3A_1491, %get3A_1490 : i32
      %min3A_1494 = arith.minsi %jit3A_1492, %max3A_1493 : i32
      %add3A_1495 = arith.constant 11 : i32
      %add3A_1496 = arith.addi %mul3A_6, %add3A_1495 : i32
      %lt3A_1497 = arith.cmpi slt, %add3A_1496, %get3A_8 : i32
      %add3A_1498 = arith.constant 11 : i32
      %add3A_1499 = arith.addi %mul3A_6, %add3A_1498 : i32
      %get3A_1500 = arith.index_cast %add3A_1499 : i32 to index
      %get3A_1501 = memref.load %arg5[%get3A_1500] : memref<8192xf32, #tpu.memory_space<smem>>
      %jit3A_1502 = arith.constant 0.000000e+00 : f32
      %select_n3A_1503 = arith.select %lt3A_1497, %get3A_1501, %jit3A_1502 : f32
      %get3A_1504 = arith.index_cast %min3A_1494 : i32 to index
      %get3A_1505 = arith.constant 0 : index
      %get3A_1506 = vector.load %arg10[%get3A_1504, %get3A_1505] : memref<2048x2048xf32, #tpu.memory_space<vmem>>, vector<1x2048xf32>
      %get3A_1507 = vector.shape_cast %get3A_1506 : vector<1x2048xf32> to vector<2048xf32>
      %get3A_1508 = arith.constant 11 : index
      %get3A_1509 = arith.constant 0 : index
      %get3A_1510 = vector.load %arg12[%get3A_1508, %get3A_1509] : memref<64x2048xf32, #tpu.memory_space<vmem>>, vector<1x2048xf32>
      %get3A_1511 = vector.shape_cast %get3A_1510 : vector<1x2048xf32> to vector<2048xf32>
      %mul3A_1512 = vector.broadcast %select_n3A_1503 : f32 to vector<2048xf32>
      %mul3A_1513 = arith.mulf %mul3A_1512, %get3A_1511 : vector<2048xf32>
      %add3A_1514 = arith.addf %get3A_1507, %mul3A_1513 : vector<2048xf32>
      %swap3A_1515 = arith.index_cast %min3A_1494 : i32 to index
      %swap3A_1516 = arith.constant 0 : index
      %swap3A_1517 = vector.load %arg10[%swap3A_1515, %swap3A_1516] : memref<2048x2048xf32, #tpu.memory_space<vmem>>, vector<1x2048xf32>
      %swap3A_1518 = vector.shape_cast %swap3A_1517 : vector<1x2048xf32> to vector<2048xf32>
      %swap3A_1519 = vector.shape_cast %add3A_1514 : vector<2048xf32> to vector<1x2048xf32>
      tpu.vector_store %arg10[%swap3A_1515, %swap3A_1516], %swap3A_1519 {strides = array<i32>} : memref<2048x2048xf32, #tpu.memory_space<vmem>>, vector<1x2048xf32>,
      %add3A_1520 = arith.constant 12 : i32
      %add3A_1521 = arith.addi %mul3A_6, %add3A_1520 : i32
      %get3A_1522 = arith.index_cast %add3A_1521 : i32 to index
      %get3A_1523 = memref.load %arg4[%get3A_1522] : memref<8192xi32, #tpu.memory_space<smem>>
      %jit3A_1524 = arith.constant 0 : i32
      %jit3A_1525 = arith.constant 2047 : i32
      %max3A_1526 = arith.maxsi %jit3A_1524, %get3A_1523 : i32
      %min3A_1527 = arith.minsi %jit3A_1525, %max3A_1526 : i32
      %add3A_1528 = arith.constant 12 : i32
      %add3A_1529 = arith.addi %mul3A_6, %add3A_1528 : i32
      %lt3A_1530 = arith.cmpi slt, %add3A_1529, %get3A_8 : i32
      %add3A_1531 = arith.constant 12 : i32
      %add3A_1532 = arith.addi %mul3A_6, %add3A_1531 : i32
      %get3A_1533 = arith.index_cast %add3A_1532 : i32 to index
      %get3A_1534 = memref.load %arg5[%get3A_1533] : memref<8192xf32, #tpu.memory_space<smem>>
      %jit3A_1535 = arith.constant 0.000000e+00 : f32
      %select_n3A_1536 = arith.select %lt3A_1530, %get3A_1534, %jit3A_1535 : f32
      %get3A_1537 = arith.index_cast %min3A_1527 : i32 to index
      %get3A_1538 = arith.constant 0 : index
      %get3A_1539 = vector.load %arg10[%get3A_1537, %get3A_1538] : memref<2048x2048xf32, #tpu.memory_space<vmem>>, vector<1x2048xf32>
      %get3A_1540 = vector.shape_cast %get3A_1539 : vector<1x2048xf32> to vector<2048xf32>
      %get3A_1541 = arith.constant 12 : index
      %get3A_1542 = arith.constant 0 : index
      %get3A_1543 = vector.load %arg12[%get3A_1541, %get3A_1542] : memref<64x2048xf32, #tpu.memory_space<vmem>>, vector<1x2048xf32>
      %get3A_1544 = vector.shape_cast %get3A_1543 : vector<1x2048xf32> to vector<2048xf32>
      %mul3A_1545 = vector.broadcast %select_n3A_1536 : f32 to vector<2048xf32>
      %mul3A_1546 = arith.mulf %mul3A_1545, %get3A_1544 : vector<2048xf32>
      %add3A_1547 = arith.addf %get3A_1540, %mul3A_1546 : vector<2048xf32>
      %swap3A_1548 = arith.index_cast %min3A_1527 : i32 to index
      %swap3A_1549 = arith.constant 0 : index
      %swap3A_1550 = vector.load %arg10[%swap3A_1548, %swap3A_1549] : memref<2048x2048xf32, #tpu.memory_space<vmem>>, vector<1x2048xf32>
      %swap3A_1551 = vector.shape_cast %swap3A_1550 : vector<1x2048xf32> to vector<2048xf32>
      %swap3A_1552 = vector.shape_cast %add3A_1547 : vector<2048xf32> to vector<1x2048xf32>
      tpu.vector_store %arg10[%swap3A_1548, %swap3A_1549], %swap3A_1552 {strides = array<i32>} : memref<2048x2048xf32, #tpu.memory_space<vmem>>, vector<1x2048xf32>,
      %add3A_1553 = arith.constant 13 : i32
      %add3A_1554 = arith.addi %mul3A_6, %add3A_1553 : i32
      %get3A_1555 = arith.index_cast %add3A_1554 : i32 to index
      %get3A_1556 = memref.load %arg4[%get3A_1555] : memref<8192xi32, #tpu.memory_space<smem>>
      %jit3A_1557 = arith.constant 0 : i32
      %jit3A_1558 = arith.constant 2047 : i32
      %max3A_1559 = arith.maxsi %jit3A_1557, %get3A_1556 : i32
      %min3A_1560 = arith.minsi %jit3A_1558, %max3A_1559 : i32
      %add3A_1561 = arith.constant 13 : i32
      %add3A_1562 = arith.addi %mul3A_6, %add3A_1561 : i32
      %lt3A_1563 = arith.cmpi slt, %add3A_1562, %get3A_8 : i32
      %add3A_1564 = arith.constant 13 : i32
      %add3A_1565 = arith.addi %mul3A_6, %add3A_1564 : i32
      %get3A_1566 = arith.index_cast %add3A_1565 : i32 to index
      %get3A_1567 = memref.load %arg5[%get3A_1566] : memref<8192xf32, #tpu.memory_space<smem>>
      %jit3A_1568 = arith.constant 0.000000e+00 : f32
      %select_n3A_1569 = arith.select %lt3A_1563, %get3A_1567, %jit3A_1568 : f32
      %get3A_1570 = arith.index_cast %min3A_1560 : i32 to index
      %get3A_1571 = arith.constant 0 : index
      %get3A_1572 = vector.load %arg10[%get3A_1570, %get3A_1571] : memref<2048x2048xf32, #tpu.memory_space<vmem>>, vector<1x2048xf32>
      %get3A_1573 = vector.shape_cast %get3A_1572 : vector<1x2048xf32> to vector<2048xf32>
      %get3A_1574 = arith.constant 13 : index
      %get3A_1575 = arith.constant 0 : index
      %get3A_1576 = vector.load %arg12[%get3A_1574, %get3A_1575] : memref<64x2048xf32, #tpu.memory_space<vmem>>, vector<1x2048xf32>
      %get3A_1577 = vector.shape_cast %get3A_1576 : vector<1x2048xf32> to vector<2048xf32>
      %mul3A_1578 = vector.broadcast %select_n3A_1569 : f32 to vector<2048xf32>
      %mul3A_1579 = arith.mulf %mul3A_1578, %get3A_1577 : vector<2048xf32>
      %add3A_1580 = arith.addf %get3A_1573, %mul3A_1579 : vector<2048xf32>
      %swap3A_1581 = arith.index_cast %min3A_1560 : i32 to index
      %swap3A_1582 = arith.constant 0 : index
      %swap3A_1583 = vector.load %arg10[%swap3A_1581, %swap3A_1582] : memref<2048x2048xf32, #tpu.memory_space<vmem>>, vector<1x2048xf32>
      %swap3A_1584 = vector.shape_cast %swap3A_1583 : vector<1x2048xf32> to vector<2048xf32>
      %swap3A_1585 = vector.shape_cast %add3A_1580 : vector<2048xf32> to vector<1x2048xf32>
      tpu.vector_store %arg10[%swap3A_1581, %swap3A_1582], %swap3A_1585 {strides = array<i32>} : memref<2048x2048xf32, #tpu.memory_space<vmem>>, vector<1x2048xf32>,
      %add3A_1586 = arith.constant 14 : i32
      %add3A_1587 = arith.addi %mul3A_6, %add3A_1586 : i32
      %get3A_1588 = arith.index_cast %add3A_1587 : i32 to index
      %get3A_1589 = memref.load %arg4[%get3A_1588] : memref<8192xi32, #tpu.memory_space<smem>>
      %jit3A_1590 = arith.constant 0 : i32
      %jit3A_1591 = arith.constant 2047 : i32
      %max3A_1592 = arith.maxsi %jit3A_1590, %get3A_1589 : i32
      %min3A_1593 = arith.minsi %jit3A_1591, %max3A_1592 : i32
      %add3A_1594 = arith.constant 14 : i32
      %add3A_1595 = arith.addi %mul3A_6, %add3A_1594 : i32
      %lt3A_1596 = arith.cmpi slt, %add3A_1595, %get3A_8 : i32
      %add3A_1597 = arith.constant 14 : i32
      %add3A_1598 = arith.addi %mul3A_6, %add3A_1597 : i32
      %get3A_1599 = arith.index_cast %add3A_1598 : i32 to index
      %get3A_1600 = memref.load %arg5[%get3A_1599] : memref<8192xf32, #tpu.memory_space<smem>>
      %jit3A_1601 = arith.constant 0.000000e+00 : f32
      %select_n3A_1602 = arith.select %lt3A_1596, %get3A_1600, %jit3A_1601 : f32
      %get3A_1603 = arith.index_cast %min3A_1593 : i32 to index
      %get3A_1604 = arith.constant 0 : index
      %get3A_1605 = vector.load %arg10[%get3A_1603, %get3A_1604] : memref<2048x2048xf32, #tpu.memory_space<vmem>>, vector<1x2048xf32>
      %get3A_1606 = vector.shape_cast %get3A_1605 : vector<1x2048xf32> to vector<2048xf32>
      %get3A_1607 = arith.constant 14 : index
      %get3A_1608 = arith.constant 0 : index
      %get3A_1609 = vector.load %arg12[%get3A_1607, %get3A_1608] : memref<64x2048xf32, #tpu.memory_space<vmem>>, vector<1x2048xf32>
      %get3A_1610 = vector.shape_cast %get3A_1609 : vector<1x2048xf32> to vector<2048xf32>
      %mul3A_1611 = vector.broadcast %select_n3A_1602 : f32 to vector<2048xf32>
      %mul3A_1612 = arith.mulf %mul3A_1611, %get3A_1610 : vector<2048xf32>
      %add3A_1613 = arith.addf %get3A_1606, %mul3A_1612 : vector<2048xf32>
      %swap3A_1614 = arith.index_cast %min3A_1593 : i32 to index
      %swap3A_1615 = arith.constant 0 : index
      %swap3A_1616 = vector.load %arg10[%swap3A_1614, %swap3A_1615] : memref<2048x2048xf32, #tpu.memory_space<vmem>>, vector<1x2048xf32>
      %swap3A_1617 = vector.shape_cast %swap3A_1616 : vector<1x2048xf32> to vector<2048xf32>
      %swap3A_1618 = vector.shape_cast %add3A_1613 : vector<2048xf32> to vector<1x2048xf32>
      tpu.vector_store %arg10[%swap3A_1614, %swap3A_1615], %swap3A_1618 {strides = array<i32>} : memref<2048x2048xf32, #tpu.memory_space<vmem>>, vector<1x2048xf32>,
      %add3A_1619 = arith.constant 15 : i32
      %add3A_1620 = arith.addi %mul3A_6, %add3A_1619 : i32
      %get3A_1621 = arith.index_cast %add3A_1620 : i32 to index
      %get3A_1622 = memref.load %arg4[%get3A_1621] : memref<8192xi32, #tpu.memory_space<smem>>
      %jit3A_1623 = arith.constant 0 : i32
      %jit3A_1624 = arith.constant 2047 : i32
      %max3A_1625 = arith.maxsi %jit3A_1623, %get3A_1622 : i32
      %min3A_1626 = arith.minsi %jit3A_1624, %max3A_1625 : i32
      %add3A_1627 = arith.constant 15 : i32
      %add3A_1628 = arith.addi %mul3A_6, %add3A_1627 : i32
      %lt3A_1629 = arith.cmpi slt, %add3A_1628, %get3A_8 : i32
      %add3A_1630 = arith.constant 15 : i32
      %add3A_1631 = arith.addi %mul3A_6, %add3A_1630 : i32
      %get3A_1632 = arith.index_cast %add3A_1631 : i32 to index
      %get3A_1633 = memref.load %arg5[%get3A_1632] : memref<8192xf32, #tpu.memory_space<smem>>
      %jit3A_1634 = arith.constant 0.000000e+00 : f32
      %select_n3A_1635 = arith.select %lt3A_1629, %get3A_1633, %jit3A_1634 : f32
      %get3A_1636 = arith.index_cast %min3A_1626 : i32 to index
      %get3A_1637 = arith.constant 0 : index
      %get3A_1638 = vector.load %arg10[%get3A_1636, %get3A_1637] : memref<2048x2048xf32, #tpu.memory_space<vmem>>, vector<1x2048xf32>
      %get3A_1639 = vector.shape_cast %get3A_1638 : vector<1x2048xf32> to vector<2048xf32>
      %get3A_1640 = arith.constant 15 : index
      %get3A_1641 = arith.constant 0 : index
      %get3A_1642 = vector.load %arg12[%get3A_1640, %get3A_1641] : memref<64x2048xf32, #tpu.memory_space<vmem>>, vector<1x2048xf32>
      %get3A_1643 = vector.shape_cast %get3A_1642 : vector<1x2048xf32> to vector<2048xf32>
      %mul3A_1644 = vector.broadcast %select_n3A_1635 : f32 to vector<2048xf32>
      %mul3A_1645 = arith.mulf %mul3A_1644, %get3A_1643 : vector<2048xf32>
      %add3A_1646 = arith.addf %get3A_1639, %mul3A_1645 : vector<2048xf32>
      %swap3A_1647 = arith.index_cast %min3A_1626 : i32 to index
      %swap3A_1648 = arith.constant 0 : index
      %swap3A_1649 = vector.load %arg10[%swap3A_1647, %swap3A_1648] : memref<2048x2048xf32, #tpu.memory_space<vmem>>, vector<1x2048xf32>
      %swap3A_1650 = vector.shape_cast %swap3A_1649 : vector<1x2048xf32> to vector<2048xf32>
      %swap3A_1651 = vector.shape_cast %add3A_1646 : vector<2048xf32> to vector<1x2048xf32>
      tpu.vector_store %arg10[%swap3A_1647, %swap3A_1648], %swap3A_1651 {strides = array<i32>} : memref<2048x2048xf32, #tpu.memory_space<vmem>>, vector<1x2048xf32>,
      %add3A_1652 = arith.constant 16 : i32
      %add3A_1653 = arith.addi %mul3A_6, %add3A_1652 : i32
      %get3A_1654 = arith.index_cast %add3A_1653 : i32 to index
      %get3A_1655 = memref.load %arg4[%get3A_1654] : memref<8192xi32, #tpu.memory_space<smem>>
      %jit3A_1656 = arith.constant 0 : i32
      %jit3A_1657 = arith.constant 2047 : i32
      %max3A_1658 = arith.maxsi %jit3A_1656, %get3A_1655 : i32
      %min3A_1659 = arith.minsi %jit3A_1657, %max3A_1658 : i32
      %add3A_1660 = arith.constant 16 : i32
      %add3A_1661 = arith.addi %mul3A_6, %add3A_1660 : i32
      %lt3A_1662 = arith.cmpi slt, %add3A_1661, %get3A_8 : i32
      %add3A_1663 = arith.constant 16 : i32
      %add3A_1664 = arith.addi %mul3A_6, %add3A_1663 : i32
      %get3A_1665 = arith.index_cast %add3A_1664 : i32 to index
      %get3A_1666 = memref.load %arg5[%get3A_1665] : memref<8192xf32, #tpu.memory_space<smem>>
      %jit3A_1667 = arith.constant 0.000000e+00 : f32
      %select_n3A_1668 = arith.select %lt3A_1662, %get3A_1666, %jit3A_1667 : f32
      %get3A_1669 = arith.index_cast %min3A_1659 : i32 to index
      %get3A_1670 = arith.constant 0 : index
      %get3A_1671 = vector.load %arg10[%get3A_1669, %get3A_1670] : memref<2048x2048xf32, #tpu.memory_space<vmem>>, vector<1x2048xf32>
      %get3A_1672 = vector.shape_cast %get3A_1671 : vector<1x2048xf32> to vector<2048xf32>
      %get3A_1673 = arith.constant 16 : index
      %get3A_1674 = arith.constant 0 : index
      %get3A_1675 = vector.load %arg12[%get3A_1673, %get3A_1674] : memref<64x2048xf32, #tpu.memory_space<vmem>>, vector<1x2048xf32>
      %get3A_1676 = vector.shape_cast %get3A_1675 : vector<1x2048xf32> to vector<2048xf32>
      %mul3A_1677 = vector.broadcast %select_n3A_1668 : f32 to vector<2048xf32>
      %mul3A_1678 = arith.mulf %mul3A_1677, %get3A_1676 : vector<2048xf32>
      %add3A_1679 = arith.addf %get3A_1672, %mul3A_1678 : vector<2048xf32>
      %swap3A_1680 = arith.index_cast %min3A_1659 : i32 to index
      %swap3A_1681 = arith.constant 0 : index
      %swap3A_1682 = vector.load %arg10[%swap3A_1680, %swap3A_1681] : memref<2048x2048xf32, #tpu.memory_space<vmem>>, vector<1x2048xf32>
      %swap3A_1683 = vector.shape_cast %swap3A_1682 : vector<1x2048xf32> to vector<2048xf32>
      %swap3A_1684 = vector.shape_cast %add3A_1679 : vector<2048xf32> to vector<1x2048xf32>
      tpu.vector_store %arg10[%swap3A_1680, %swap3A_1681], %swap3A_1684 {strides = array<i32>} : memref<2048x2048xf32, #tpu.memory_space<vmem>>, vector<1x2048xf32>,
      %add3A_1685 = arith.constant 17 : i32
      %add3A_1686 = arith.addi %mul3A_6, %add3A_1685 : i32
      %get3A_1687 = arith.index_cast %add3A_1686 : i32 to index
      %get3A_1688 = memref.load %arg4[%get3A_1687] : memref<8192xi32, #tpu.memory_space<smem>>
      %jit3A_1689 = arith.constant 0 : i32
      %jit3A_1690 = arith.constant 2047 : i32
      %max3A_1691 = arith.maxsi %jit3A_1689, %get3A_1688 : i32
      %min3A_1692 = arith.minsi %jit3A_1690, %max3A_1691 : i32
      %add3A_1693 = arith.constant 17 : i32
      %add3A_1694 = arith.addi %mul3A_6, %add3A_1693 : i32
      %lt3A_1695 = arith.cmpi slt, %add3A_1694, %get3A_8 : i32
      %add3A_1696 = arith.constant 17 : i32
      %add3A_1697 = arith.addi %mul3A_6, %add3A_1696 : i32
      %get3A_1698 = arith.index_cast %add3A_1697 : i32 to index
      %get3A_1699 = memref.load %arg5[%get3A_1698] : memref<8192xf32, #tpu.memory_space<smem>>
      %jit3A_1700 = arith.constant 0.000000e+00 : f32
      %select_n3A_1701 = arith.select %lt3A_1695, %get3A_1699, %jit3A_1700 : f32
      %get3A_1702 = arith.index_cast %min3A_1692 : i32 to index
      %get3A_1703 = arith.constant 0 : index
      %get3A_1704 = vector.load %arg10[%get3A_1702, %get3A_1703] : memref<2048x2048xf32, #tpu.memory_space<vmem>>, vector<1x2048xf32>
      %get3A_1705 = vector.shape_cast %get3A_1704 : vector<1x2048xf32> to vector<2048xf32>
      %get3A_1706 = arith.constant 17 : index
      %get3A_1707 = arith.constant 0 : index
      %get3A_1708 = vector.load %arg12[%get3A_1706, %get3A_1707] : memref<64x2048xf32, #tpu.memory_space<vmem>>, vector<1x2048xf32>
      %get3A_1709 = vector.shape_cast %get3A_1708 : vector<1x2048xf32> to vector<2048xf32>
      %mul3A_1710 = vector.broadcast %select_n3A_1701 : f32 to vector<2048xf32>
      %mul3A_1711 = arith.mulf %mul3A_1710, %get3A_1709 : vector<2048xf32>
      %add3A_1712 = arith.addf %get3A_1705, %mul3A_1711 : vector<2048xf32>
      %swap3A_1713 = arith.index_cast %min3A_1692 : i32 to index
      %swap3A_1714 = arith.constant 0 : index
      %swap3A_1715 = vector.load %arg10[%swap3A_1713, %swap3A_1714] : memref<2048x2048xf32, #tpu.memory_space<vmem>>, vector<1x2048xf32>
      %swap3A_1716 = vector.shape_cast %swap3A_1715 : vector<1x2048xf32> to vector<2048xf32>
      %swap3A_1717 = vector.shape_cast %add3A_1712 : vector<2048xf32> to vector<1x2048xf32>
      tpu.vector_store %arg10[%swap3A_1713, %swap3A_1714], %swap3A_1717 {strides = array<i32>} : memref<2048x2048xf32, #tpu.memory_space<vmem>>, vector<1x2048xf32>,
      %add3A_1718 = arith.constant 18 : i32
      %add3A_1719 = arith.addi %mul3A_6, %add3A_1718 : i32
      %get3A_1720 = arith.index_cast %add3A_1719 : i32 to index
      %get3A_1721 = memref.load %arg4[%get3A_1720] : memref<8192xi32, #tpu.memory_space<smem>>
      %jit3A_1722 = arith.constant 0 : i32
      %jit3A_1723 = arith.constant 2047 : i32
      %max3A_1724 = arith.maxsi %jit3A_1722, %get3A_1721 : i32
      %min3A_1725 = arith.minsi %jit3A_1723, %max3A_1724 : i32
      %add3A_1726 = arith.constant 18 : i32
      %add3A_1727 = arith.addi %mul3A_6, %add3A_1726 : i32
      %lt3A_1728 = arith.cmpi slt, %add3A_1727, %get3A_8 : i32
      %add3A_1729 = arith.constant 18 : i32
      %add3A_1730 = arith.addi %mul3A_6, %add3A_1729 : i32
      %get3A_1731 = arith.index_cast %add3A_1730 : i32 to index
      %get3A_1732 = memref.load %arg5[%get3A_1731] : memref<8192xf32, #tpu.memory_space<smem>>
      %jit3A_1733 = arith.constant 0.000000e+00 : f32
      %select_n3A_1734 = arith.select %lt3A_1728, %get3A_1732, %jit3A_1733 : f32
      %get3A_1735 = arith.index_cast %min3A_1725 : i32 to index
      %get3A_1736 = arith.constant 0 : index
      %get3A_1737 = vector.load %arg10[%get3A_1735, %get3A_1736] : memref<2048x2048xf32, #tpu.memory_space<vmem>>, vector<1x2048xf32>
      %get3A_1738 = vector.shape_cast %get3A_1737 : vector<1x2048xf32> to vector<2048xf32>
      %get3A_1739 = arith.constant 18 : index
      %get3A_1740 = arith.constant 0 : index
      %get3A_1741 = vector.load %arg12[%get3A_1739, %get3A_1740] : memref<64x2048xf32, #tpu.memory_space<vmem>>, vector<1x2048xf32>
      %get3A_1742 = vector.shape_cast %get3A_1741 : vector<1x2048xf32> to vector<2048xf32>
      %mul3A_1743 = vector.broadcast %select_n3A_1734 : f32 to vector<2048xf32>
      %mul3A_1744 = arith.mulf %mul3A_1743, %get3A_1742 : vector<2048xf32>
      %add3A_1745 = arith.addf %get3A_1738, %mul3A_1744 : vector<2048xf32>
      %swap3A_1746 = arith.index_cast %min3A_1725 : i32 to index
      %swap3A_1747 = arith.constant 0 : index
      %swap3A_1748 = vector.load %arg10[%swap3A_1746, %swap3A_1747] : memref<2048x2048xf32, #tpu.memory_space<vmem>>, vector<1x2048xf32>
      %swap3A_1749 = vector.shape_cast %swap3A_1748 : vector<1x2048xf32> to vector<2048xf32>
      %swap3A_1750 = vector.shape_cast %add3A_1745 : vector<2048xf32> to vector<1x2048xf32>
      tpu.vector_store %arg10[%swap3A_1746, %swap3A_1747], %swap3A_1750 {strides = array<i32>} : memref<2048x2048xf32, #tpu.memory_space<vmem>>, vector<1x2048xf32>,
      %add3A_1751 = arith.constant 19 : i32
      %add3A_1752 = arith.addi %mul3A_6, %add3A_1751 : i32
      %get3A_1753 = arith.index_cast %add3A_1752 : i32 to index
      %get3A_1754 = memref.load %arg4[%get3A_1753] : memref<8192xi32, #tpu.memory_space<smem>>
      %jit3A_1755 = arith.constant 0 : i32
      %jit3A_1756 = arith.constant 2047 : i32
      %max3A_1757 = arith.maxsi %jit3A_1755, %get3A_1754 : i32
      %min3A_1758 = arith.minsi %jit3A_1756, %max3A_1757 : i32
      %add3A_1759 = arith.constant 19 : i32
      %add3A_1760 = arith.addi %mul3A_6, %add3A_1759 : i32
      %lt3A_1761 = arith.cmpi slt, %add3A_1760, %get3A_8 : i32
      %add3A_1762 = arith.constant 19 : i32
      %add3A_1763 = arith.addi %mul3A_6, %add3A_1762 : i32
      %get3A_1764 = arith.index_cast %add3A_1763 : i32 to index
      %get3A_1765 = memref.load %arg5[%get3A_1764] : memref<8192xf32, #tpu.memory_space<smem>>
      %jit3A_1766 = arith.constant 0.000000e+00 : f32
      %select_n3A_1767 = arith.select %lt3A_1761, %get3A_1765, %jit3A_1766 : f32
      %get3A_1768 = arith.index_cast %min3A_1758 : i32 to index
      %get3A_1769 = arith.constant 0 : index
      %get3A_1770 = vector.load %arg10[%get3A_1768, %get3A_1769] : memref<2048x2048xf32, #tpu.memory_space<vmem>>, vector<1x2048xf32>
      %get3A_1771 = vector.shape_cast %get3A_1770 : vector<1x2048xf32> to vector<2048xf32>
      %get3A_1772 = arith.constant 19 : index
      %get3A_1773 = arith.constant 0 : index
      %get3A_1774 = vector.load %arg12[%get3A_1772, %get3A_1773] : memref<64x2048xf32, #tpu.memory_space<vmem>>, vector<1x2048xf32>
      %get3A_1775 = vector.shape_cast %get3A_1774 : vector<1x2048xf32> to vector<2048xf32>
      %mul3A_1776 = vector.broadcast %select_n3A_1767 : f32 to vector<2048xf32>
      %mul3A_1777 = arith.mulf %mul3A_1776, %get3A_1775 : vector<2048xf32>
      %add3A_1778 = arith.addf %get3A_1771, %mul3A_1777 : vector<2048xf32>
      %swap3A_1779 = arith.index_cast %min3A_1758 : i32 to index
      %swap3A_1780 = arith.constant 0 : index
      %swap3A_1781 = vector.load %arg10[%swap3A_1779, %swap3A_1780] : memref<2048x2048xf32, #tpu.memory_space<vmem>>, vector<1x2048xf32>
      %swap3A_1782 = vector.shape_cast %swap3A_1781 : vector<1x2048xf32> to vector<2048xf32>
      %swap3A_1783 = vector.shape_cast %add3A_1778 : vector<2048xf32> to vector<1x2048xf32>
      tpu.vector_store %arg10[%swap3A_1779, %swap3A_1780], %swap3A_1783 {strides = array<i32>} : memref<2048x2048xf32, #tpu.memory_space<vmem>>, vector<1x2048xf32>,
      %add3A_1784 = arith.constant 20 : i32
      %add3A_1785 = arith.addi %mul3A_6, %add3A_1784 : i32
      %get3A_1786 = arith.index_cast %add3A_1785 : i32 to index
      %get3A_1787 = memref.load %arg4[%get3A_1786] : memref<8192xi32, #tpu.memory_space<smem>>
      %jit3A_1788 = arith.constant 0 : i32
      %jit3A_1789 = arith.constant 2047 : i32
      %max3A_1790 = arith.maxsi %jit3A_1788, %get3A_1787 : i32
      %min3A_1791 = arith.minsi %jit3A_1789, %max3A_1790 : i32
      %add3A_1792 = arith.constant 20 : i32
      %add3A_1793 = arith.addi %mul3A_6, %add3A_1792 : i32
      %lt3A_1794 = arith.cmpi slt, %add3A_1793, %get3A_8 : i32
      %add3A_1795 = arith.constant 20 : i32
      %add3A_1796 = arith.addi %mul3A_6, %add3A_1795 : i32
      %get3A_1797 = arith.index_cast %add3A_1796 : i32 to index
      %get3A_1798 = memref.load %arg5[%get3A_1797] : memref<8192xf32, #tpu.memory_space<smem>>
      %jit3A_1799 = arith.constant 0.000000e+00 : f32
      %select_n3A_1800 = arith.select %lt3A_1794, %get3A_1798, %jit3A_1799 : f32
      %get3A_1801 = arith.index_cast %min3A_1791 : i32 to index
      %get3A_1802 = arith.constant 0 : index
      %get3A_1803 = vector.load %arg10[%get3A_1801, %get3A_1802] : memref<2048x2048xf32, #tpu.memory_space<vmem>>, vector<1x2048xf32>
      %get3A_1804 = vector.shape_cast %get3A_1803 : vector<1x2048xf32> to vector<2048xf32>
      %get3A_1805 = arith.constant 20 : index
      %get3A_1806 = arith.constant 0 : index
      %get3A_1807 = vector.load %arg12[%get3A_1805, %get3A_1806] : memref<64x2048xf32, #tpu.memory_space<vmem>>, vector<1x2048xf32>
      %get3A_1808 = vector.shape_cast %get3A_1807 : vector<1x2048xf32> to vector<2048xf32>
      %mul3A_1809 = vector.broadcast %select_n3A_1800 : f32 to vector<2048xf32>
      %mul3A_1810 = arith.mulf %mul3A_1809, %get3A_1808 : vector<2048xf32>
      %add3A_1811 = arith.addf %get3A_1804, %mul3A_1810 : vector<2048xf32>
      %swap3A_1812 = arith.index_cast %min3A_1791 : i32 to index
      %swap3A_1813 = arith.constant 0 : index
      %swap3A_1814 = vector.load %arg10[%swap3A_1812, %swap3A_1813] : memref<2048x2048xf32, #tpu.memory_space<vmem>>, vector<1x2048xf32>
      %swap3A_1815 = vector.shape_cast %swap3A_1814 : vector<1x2048xf32> to vector<2048xf32>
      %swap3A_1816 = vector.shape_cast %add3A_1811 : vector<2048xf32> to vector<1x2048xf32>
      tpu.vector_store %arg10[%swap3A_1812, %swap3A_1813], %swap3A_1816 {strides = array<i32>} : memref<2048x2048xf32, #tpu.memory_space<vmem>>, vector<1x2048xf32>,
      %add3A_1817 = arith.constant 21 : i32
      %add3A_1818 = arith.addi %mul3A_6, %add3A_1817 : i32
      %get3A_1819 = arith.index_cast %add3A_1818 : i32 to index
      %get3A_1820 = memref.load %arg4[%get3A_1819] : memref<8192xi32, #tpu.memory_space<smem>>
      %jit3A_1821 = arith.constant 0 : i32
      %jit3A_1822 = arith.constant 2047 : i32
      %max3A_1823 = arith.maxsi %jit3A_1821, %get3A_1820 : i32
      %min3A_1824 = arith.minsi %jit3A_1822, %max3A_1823 : i32
      %add3A_1825 = arith.constant 21 : i32
      %add3A_1826 = arith.addi %mul3A_6, %add3A_1825 : i32
      %lt3A_1827 = arith.cmpi slt, %add3A_1826, %get3A_8 : i32
      %add3A_1828 = arith.constant 21 : i32
      %add3A_1829 = arith.addi %mul3A_6, %add3A_1828 : i32
      %get3A_1830 = arith.index_cast %add3A_1829 : i32 to index
      %get3A_1831 = memref.load %arg5[%get3A_1830] : memref<8192xf32, #tpu.memory_space<smem>>
      %jit3A_1832 = arith.constant 0.000000e+00 : f32
      %select_n3A_1833 = arith.select %lt3A_1827, %get3A_1831, %jit3A_1832 : f32
      %get3A_1834 = arith.index_cast %min3A_1824 : i32 to index
      %get3A_1835 = arith.constant 0 : index
      %get3A_1836 = vector.load %arg10[%get3A_1834, %get3A_1835] : memref<2048x2048xf32, #tpu.memory_space<vmem>>, vector<1x2048xf32>
      %get3A_1837 = vector.shape_cast %get3A_1836 : vector<1x2048xf32> to vector<2048xf32>
      %get3A_1838 = arith.constant 21 : index
      %get3A_1839 = arith.constant 0 : index
      %get3A_1840 = vector.load %arg12[%get3A_1838, %get3A_1839] : memref<64x2048xf32, #tpu.memory_space<vmem>>, vector<1x2048xf32>
      %get3A_1841 = vector.shape_cast %get3A_1840 : vector<1x2048xf32> to vector<2048xf32>
      %mul3A_1842 = vector.broadcast %select_n3A_1833 : f32 to vector<2048xf32>
      %mul3A_1843 = arith.mulf %mul3A_1842, %get3A_1841 : vector<2048xf32>
      %add3A_1844 = arith.addf %get3A_1837, %mul3A_1843 : vector<2048xf32>
      %swap3A_1845 = arith.index_cast %min3A_1824 : i32 to index
      %swap3A_1846 = arith.constant 0 : index
      %swap3A_1847 = vector.load %arg10[%swap3A_1845, %swap3A_1846] : memref<2048x2048xf32, #tpu.memory_space<vmem>>, vector<1x2048xf32>
      %swap3A_1848 = vector.shape_cast %swap3A_1847 : vector<1x2048xf32> to vector<2048xf32>
      %swap3A_1849 = vector.shape_cast %add3A_1844 : vector<2048xf32> to vector<1x2048xf32>
      tpu.vector_store %arg10[%swap3A_1845, %swap3A_1846], %swap3A_1849 {strides = array<i32>} : memref<2048x2048xf32, #tpu.memory_space<vmem>>, vector<1x2048xf32>,
      %add3A_1850 = arith.constant 22 : i32
      %add3A_1851 = arith.addi %mul3A_6, %add3A_1850 : i32
      %get3A_1852 = arith.index_cast %add3A_1851 : i32 to index
      %get3A_1853 = memref.load %arg4[%get3A_1852] : memref<8192xi32, #tpu.memory_space<smem>>
      %jit3A_1854 = arith.constant 0 : i32
      %jit3A_1855 = arith.constant 2047 : i32
      %max3A_1856 = arith.maxsi %jit3A_1854, %get3A_1853 : i32
      %min3A_1857 = arith.minsi %jit3A_1855, %max3A_1856 : i32
      %add3A_1858 = arith.constant 22 : i32
      %add3A_1859 = arith.addi %mul3A_6, %add3A_1858 : i32
      %lt3A_1860 = arith.cmpi slt, %add3A_1859, %get3A_8 : i32
      %add3A_1861 = arith.constant 22 : i32
      %add3A_1862 = arith.addi %mul3A_6, %add3A_1861 : i32
      %get3A_1863 = arith.index_cast %add3A_1862 : i32 to index
      %get3A_1864 = memref.load %arg5[%get3A_1863] : memref<8192xf32, #tpu.memory_space<smem>>
      %jit3A_1865 = arith.constant 0.000000e+00 : f32
      %select_n3A_1866 = arith.select %lt3A_1860, %get3A_1864, %jit3A_1865 : f32
      %get3A_1867 = arith.index_cast %min3A_1857 : i32 to index
      %get3A_1868 = arith.constant 0 : index
      %get3A_1869 = vector.load %arg10[%get3A_1867, %get3A_1868] : memref<2048x2048xf32, #tpu.memory_space<vmem>>, vector<1x2048xf32>
      %get3A_1870 = vector.shape_cast %get3A_1869 : vector<1x2048xf32> to vector<2048xf32>
      %get3A_1871 = arith.constant 22 : index
      %get3A_1872 = arith.constant 0 : index
      %get3A_1873 = vector.load %arg12[%get3A_1871, %get3A_1872] : memref<64x2048xf32, #tpu.memory_space<vmem>>, vector<1x2048xf32>
      %get3A_1874 = vector.shape_cast %get3A_1873 : vector<1x2048xf32> to vector<2048xf32>
      %mul3A_1875 = vector.broadcast %select_n3A_1866 : f32 to vector<2048xf32>
      %mul3A_1876 = arith.mulf %mul3A_1875, %get3A_1874 : vector<2048xf32>
      %add3A_1877 = arith.addf %get3A_1870, %mul3A_1876 : vector<2048xf32>
      %swap3A_1878 = arith.index_cast %min3A_1857 : i32 to index
      %swap3A_1879 = arith.constant 0 : index
      %swap3A_1880 = vector.load %arg10[%swap3A_1878, %swap3A_1879] : memref<2048x2048xf32, #tpu.memory_space<vmem>>, vector<1x2048xf32>
      %swap3A_1881 = vector.shape_cast %swap3A_1880 : vector<1x2048xf32> to vector<2048xf32>
      %swap3A_1882 = vector.shape_cast %add3A_1877 : vector<2048xf32> to vector<1x2048xf32>
      tpu.vector_store %arg10[%swap3A_1878, %swap3A_1879], %swap3A_1882 {strides = array<i32>} : memref<2048x2048xf32, #tpu.memory_space<vmem>>, vector<1x2048xf32>,
      %add3A_1883 = arith.constant 23 : i32
      %add3A_1884 = arith.addi %mul3A_6, %add3A_1883 : i32
      %get3A_1885 = arith.index_cast %add3A_1884 : i32 to index
      %get3A_1886 = memref.load %arg4[%get3A_1885] : memref<8192xi32, #tpu.memory_space<smem>>
      %jit3A_1887 = arith.constant 0 : i32
      %jit3A_1888 = arith.constant 2047 : i32
      %max3A_1889 = arith.maxsi %jit3A_1887, %get3A_1886 : i32
      %min3A_1890 = arith.minsi %jit3A_1888, %max3A_1889 : i32
      %add3A_1891 = arith.constant 23 : i32
      %add3A_1892 = arith.addi %mul3A_6, %add3A_1891 : i32
      %lt3A_1893 = arith.cmpi slt, %add3A_1892, %get3A_8 : i32
      %add3A_1894 = arith.constant 23 : i32
      %add3A_1895 = arith.addi %mul3A_6, %add3A_1894 : i32
      %get3A_1896 = arith.index_cast %add3A_1895 : i32 to index
      %get3A_1897 = memref.load %arg5[%get3A_1896] : memref<8192xf32, #tpu.memory_space<smem>>
      %jit3A_1898 = arith.constant 0.000000e+00 : f32
      %select_n3A_1899 = arith.select %lt3A_1893, %get3A_1897, %jit3A_1898 : f32
      %get3A_1900 = arith.index_cast %min3A_1890 : i32 to index
      %get3A_1901 = arith.constant 0 : index
      %get3A_1902 = vector.load %arg10[%get3A_1900, %get3A_1901] : memref<2048x2048xf32, #tpu.memory_space<vmem>>, vector<1x2048xf32>
      %get3A_1903 = vector.shape_cast %get3A_1902 : vector<1x2048xf32> to vector<2048xf32>
      %get3A_1904 = arith.constant 23 : index
      %get3A_1905 = arith.constant 0 : index
      %get3A_1906 = vector.load %arg12[%get3A_1904, %get3A_1905] : memref<64x2048xf32, #tpu.memory_space<vmem>>, vector<1x2048xf32>
      %get3A_1907 = vector.shape_cast %get3A_1906 : vector<1x2048xf32> to vector<2048xf32>
      %mul3A_1908 = vector.broadcast %select_n3A_1899 : f32 to vector<2048xf32>
      %mul3A_1909 = arith.mulf %mul3A_1908, %get3A_1907 : vector<2048xf32>
      %add3A_1910 = arith.addf %get3A_1903, %mul3A_1909 : vector<2048xf32>
      %swap3A_1911 = arith.index_cast %min3A_1890 : i32 to index
      %swap3A_1912 = arith.constant 0 : index
      %swap3A_1913 = vector.load %arg10[%swap3A_1911, %swap3A_1912] : memref<2048x2048xf32, #tpu.memory_space<vmem>>, vector<1x2048xf32>
      %swap3A_1914 = vector.shape_cast %swap3A_1913 : vector<1x2048xf32> to vector<2048xf32>
      %swap3A_1915 = vector.shape_cast %add3A_1910 : vector<2048xf32> to vector<1x2048xf32>
      tpu.vector_store %arg10[%swap3A_1911, %swap3A_1912], %swap3A_1915 {strides = array<i32>} : memref<2048x2048xf32, #tpu.memory_space<vmem>>, vector<1x2048xf32>,
      %add3A_1916 = arith.constant 24 : i32
      %add3A_1917 = arith.addi %mul3A_6, %add3A_1916 : i32
      %get3A_1918 = arith.index_cast %add3A_1917 : i32 to index
      %get3A_1919 = memref.load %arg4[%get3A_1918] : memref<8192xi32, #tpu.memory_space<smem>>
      %jit3A_1920 = arith.constant 0 : i32
      %jit3A_1921 = arith.constant 2047 : i32
      %max3A_1922 = arith.maxsi %jit3A_1920, %get3A_1919 : i32
      %min3A_1923 = arith.minsi %jit3A_1921, %max3A_1922 : i32
      %add3A_1924 = arith.constant 24 : i32
      %add3A_1925 = arith.addi %mul3A_6, %add3A_1924 : i32
      %lt3A_1926 = arith.cmpi slt, %add3A_1925, %get3A_8 : i32
      %add3A_1927 = arith.constant 24 : i32
      %add3A_1928 = arith.addi %mul3A_6, %add3A_1927 : i32
      %get3A_1929 = arith.index_cast %add3A_1928 : i32 to index
      %get3A_1930 = memref.load %arg5[%get3A_1929] : memref<8192xf32, #tpu.memory_space<smem>>
      %jit3A_1931 = arith.constant 0.000000e+00 : f32
      %select_n3A_1932 = arith.select %lt3A_1926, %get3A_1930, %jit3A_1931 : f32
      %get3A_1933 = arith.index_cast %min3A_1923 : i32 to index
      %get3A_1934 = arith.constant 0 : index
      %get3A_1935 = vector.load %arg10[%get3A_1933, %get3A_1934] : memref<2048x2048xf32, #tpu.memory_space<vmem>>, vector<1x2048xf32>
      %get3A_1936 = vector.shape_cast %get3A_1935 : vector<1x2048xf32> to vector<2048xf32>
      %get3A_1937 = arith.constant 24 : index
      %get3A_1938 = arith.constant 0 : index
      %get3A_1939 = vector.load %arg12[%get3A_1937, %get3A_1938] : memref<64x2048xf32, #tpu.memory_space<vmem>>, vector<1x2048xf32>
      %get3A_1940 = vector.shape_cast %get3A_1939 : vector<1x2048xf32> to vector<2048xf32>
      %mul3A_1941 = vector.broadcast %select_n3A_1932 : f32 to vector<2048xf32>
      %mul3A_1942 = arith.mulf %mul3A_1941, %get3A_1940 : vector<2048xf32>
      %add3A_1943 = arith.addf %get3A_1936, %mul3A_1942 : vector<2048xf32>
      %swap3A_1944 = arith.index_cast %min3A_1923 : i32 to index
      %swap3A_1945 = arith.constant 0 : index
      %swap3A_1946 = vector.load %arg10[%swap3A_1944, %swap3A_1945] : memref<2048x2048xf32, #tpu.memory_space<vmem>>, vector<1x2048xf32>
      %swap3A_1947 = vector.shape_cast %swap3A_1946 : vector<1x2048xf32> to vector<2048xf32>
      %swap3A_1948 = vector.shape_cast %add3A_1943 : vector<2048xf32> to vector<1x2048xf32>
      tpu.vector_store %arg10[%swap3A_1944, %swap3A_1945], %swap3A_1948 {strides = array<i32>} : memref<2048x2048xf32, #tpu.memory_space<vmem>>, vector<1x2048xf32>,
      %add3A_1949 = arith.constant 25 : i32
      %add3A_1950 = arith.addi %mul3A_6, %add3A_1949 : i32
      %get3A_1951 = arith.index_cast %add3A_1950 : i32 to index
      %get3A_1952 = memref.load %arg4[%get3A_1951] : memref<8192xi32, #tpu.memory_space<smem>>
      %jit3A_1953 = arith.constant 0 : i32
      %jit3A_1954 = arith.constant 2047 : i32
      %max3A_1955 = arith.maxsi %jit3A_1953, %get3A_1952 : i32
      %min3A_1956 = arith.minsi %jit3A_1954, %max3A_1955 : i32
      %add3A_1957 = arith.constant 25 : i32
      %add3A_1958 = arith.addi %mul3A_6, %add3A_1957 : i32
      %lt3A_1959 = arith.cmpi slt, %add3A_1958, %get3A_8 : i32
      %add3A_1960 = arith.constant 25 : i32
      %add3A_1961 = arith.addi %mul3A_6, %add3A_1960 : i32
      %get3A_1962 = arith.index_cast %add3A_1961 : i32 to index
      %get3A_1963 = memref.load %arg5[%get3A_1962] : memref<8192xf32, #tpu.memory_space<smem>>
      %jit3A_1964 = arith.constant 0.000000e+00 : f32
      %select_n3A_1965 = arith.select %lt3A_1959, %get3A_1963, %jit3A_1964 : f32
      %get3A_1966 = arith.index_cast %min3A_1956 : i32 to index
      %get3A_1967 = arith.constant 0 : index
      %get3A_1968 = vector.load %arg10[%get3A_1966, %get3A_1967] : memref<2048x2048xf32, #tpu.memory_space<vmem>>, vector<1x2048xf32>
      %get3A_1969 = vector.shape_cast %get3A_1968 : vector<1x2048xf32> to vector<2048xf32>
      %get3A_1970 = arith.constant 25 : index
      %get3A_1971 = arith.constant 0 : index
      %get3A_1972 = vector.load %arg12[%get3A_1970, %get3A_1971] : memref<64x2048xf32, #tpu.memory_space<vmem>>, vector<1x2048xf32>
      %get3A_1973 = vector.shape_cast %get3A_1972 : vector<1x2048xf32> to vector<2048xf32>
      %mul3A_1974 = vector.broadcast %select_n3A_1965 : f32 to vector<2048xf32>
      %mul3A_1975 = arith.mulf %mul3A_1974, %get3A_1973 : vector<2048xf32>
      %add3A_1976 = arith.addf %get3A_1969, %mul3A_1975 : vector<2048xf32>
      %swap3A_1977 = arith.index_cast %min3A_1956 : i32 to index
      %swap3A_1978 = arith.constant 0 : index
      %swap3A_1979 = vector.load %arg10[%swap3A_1977, %swap3A_1978] : memref<2048x2048xf32, #tpu.memory_space<vmem>>, vector<1x2048xf32>
      %swap3A_1980 = vector.shape_cast %swap3A_1979 : vector<1x2048xf32> to vector<2048xf32>
      %swap3A_1981 = vector.shape_cast %add3A_1976 : vector<2048xf32> to vector<1x2048xf32>
      tpu.vector_store %arg10[%swap3A_1977, %swap3A_1978], %swap3A_1981 {strides = array<i32>} : memref<2048x2048xf32, #tpu.memory_space<vmem>>, vector<1x2048xf32>,
      %add3A_1982 = arith.constant 26 : i32
      %add3A_1983 = arith.addi %mul3A_6, %add3A_1982 : i32
      %get3A_1984 = arith.index_cast %add3A_1983 : i32 to index
      %get3A_1985 = memref.load %arg4[%get3A_1984] : memref<8192xi32, #tpu.memory_space<smem>>
      %jit3A_1986 = arith.constant 0 : i32
      %jit3A_1987 = arith.constant 2047 : i32
      %max3A_1988 = arith.maxsi %jit3A_1986, %get3A_1985 : i32
      %min3A_1989 = arith.minsi %jit3A_1987, %max3A_1988 : i32
      %add3A_1990 = arith.constant 26 : i32
      %add3A_1991 = arith.addi %mul3A_6, %add3A_1990 : i32
      %lt3A_1992 = arith.cmpi slt, %add3A_1991, %get3A_8 : i32
      %add3A_1993 = arith.constant 26 : i32
      %add3A_1994 = arith.addi %mul3A_6, %add3A_1993 : i32
      %get3A_1995 = arith.index_cast %add3A_1994 : i32 to index
      %get3A_1996 = memref.load %arg5[%get3A_1995] : memref<8192xf32, #tpu.memory_space<smem>>
      %jit3A_1997 = arith.constant 0.000000e+00 : f32
      %select_n3A_1998 = arith.select %lt3A_1992, %get3A_1996, %jit3A_1997 : f32
      %get3A_1999 = arith.index_cast %min3A_1989 : i32 to index
      %get3A_2000 = arith.constant 0 : index
      %get3A_2001 = vector.load %arg10[%get3A_1999, %get3A_2000] : memref<2048x2048xf32, #tpu.memory_space<vmem>>, vector<1x2048xf32>
      %get3A_2002 = vector.shape_cast %get3A_2001 : vector<1x2048xf32> to vector<2048xf32>
      %get3A_2003 = arith.constant 26 : index
      %get3A_2004 = arith.constant 0 : index
      %get3A_2005 = vector.load %arg12[%get3A_2003, %get3A_2004] : memref<64x2048xf32, #tpu.memory_space<vmem>>, vector<1x2048xf32>
      %get3A_2006 = vector.shape_cast %get3A_2005 : vector<1x2048xf32> to vector<2048xf32>
      %mul3A_2007 = vector.broadcast %select_n3A_1998 : f32 to vector<2048xf32>
      %mul3A_2008 = arith.mulf %mul3A_2007, %get3A_2006 : vector<2048xf32>
      %add3A_2009 = arith.addf %get3A_2002, %mul3A_2008 : vector<2048xf32>
      %swap3A_2010 = arith.index_cast %min3A_1989 : i32 to index
      %swap3A_2011 = arith.constant 0 : index
      %swap3A_2012 = vector.load %arg10[%swap3A_2010, %swap3A_2011] : memref<2048x2048xf32, #tpu.memory_space<vmem>>, vector<1x2048xf32>
      %swap3A_2013 = vector.shape_cast %swap3A_2012 : vector<1x2048xf32> to vector<2048xf32>
      %swap3A_2014 = vector.shape_cast %add3A_2009 : vector<2048xf32> to vector<1x2048xf32>
      tpu.vector_store %arg10[%swap3A_2010, %swap3A_2011], %swap3A_2014 {strides = array<i32>} : memref<2048x2048xf32, #tpu.memory_space<vmem>>, vector<1x2048xf32>,
      %add3A_2015 = arith.constant 27 : i32
      %add3A_2016 = arith.addi %mul3A_6, %add3A_2015 : i32
      %get3A_2017 = arith.index_cast %add3A_2016 : i32 to index
      %get3A_2018 = memref.load %arg4[%get3A_2017] : memref<8192xi32, #tpu.memory_space<smem>>
      %jit3A_2019 = arith.constant 0 : i32
      %jit3A_2020 = arith.constant 2047 : i32
      %max3A_2021 = arith.maxsi %jit3A_2019, %get3A_2018 : i32
      %min3A_2022 = arith.minsi %jit3A_2020, %max3A_2021 : i32
      %add3A_2023 = arith.constant 27 : i32
      %add3A_2024 = arith.addi %mul3A_6, %add3A_2023 : i32
      %lt3A_2025 = arith.cmpi slt, %add3A_2024, %get3A_8 : i32
      %add3A_2026 = arith.constant 27 : i32
      %add3A_2027 = arith.addi %mul3A_6, %add3A_2026 : i32
      %get3A_2028 = arith.index_cast %add3A_2027 : i32 to index
      %get3A_2029 = memref.load %arg5[%get3A_2028] : memref<8192xf32, #tpu.memory_space<smem>>
      %jit3A_2030 = arith.constant 0.000000e+00 : f32
      %select_n3A_2031 = arith.select %lt3A_2025, %get3A_2029, %jit3A_2030 : f32
      %get3A_2032 = arith.index_cast %min3A_2022 : i32 to index
      %get3A_2033 = arith.constant 0 : index
      %get3A_2034 = vector.load %arg10[%get3A_2032, %get3A_2033] : memref<2048x2048xf32, #tpu.memory_space<vmem>>, vector<1x2048xf32>
      %get3A_2035 = vector.shape_cast %get3A_2034 : vector<1x2048xf32> to vector<2048xf32>
      %get3A_2036 = arith.constant 27 : index
      %get3A_2037 = arith.constant 0 : index
      %get3A_2038 = vector.load %arg12[%get3A_2036, %get3A_2037] : memref<64x2048xf32, #tpu.memory_space<vmem>>, vector<1x2048xf32>
      %get3A_2039 = vector.shape_cast %get3A_2038 : vector<1x2048xf32> to vector<2048xf32>
      %mul3A_2040 = vector.broadcast %select_n3A_2031 : f32 to vector<2048xf32>
      %mul3A_2041 = arith.mulf %mul3A_2040, %get3A_2039 : vector<2048xf32>
      %add3A_2042 = arith.addf %get3A_2035, %mul3A_2041 : vector<2048xf32>
      %swap3A_2043 = arith.index_cast %min3A_2022 : i32 to index
      %swap3A_2044 = arith.constant 0 : index
      %swap3A_2045 = vector.load %arg10[%swap3A_2043, %swap3A_2044] : memref<2048x2048xf32, #tpu.memory_space<vmem>>, vector<1x2048xf32>
      %swap3A_2046 = vector.shape_cast %swap3A_2045 : vector<1x2048xf32> to vector<2048xf32>
      %swap3A_2047 = vector.shape_cast %add3A_2042 : vector<2048xf32> to vector<1x2048xf32>
      tpu.vector_store %arg10[%swap3A_2043, %swap3A_2044], %swap3A_2047 {strides = array<i32>} : memref<2048x2048xf32, #tpu.memory_space<vmem>>, vector<1x2048xf32>,
      %add3A_2048 = arith.constant 28 : i32
      %add3A_2049 = arith.addi %mul3A_6, %add3A_2048 : i32
      %get3A_2050 = arith.index_cast %add3A_2049 : i32 to index
      %get3A_2051 = memref.load %arg4[%get3A_2050] : memref<8192xi32, #tpu.memory_space<smem>>
      %jit3A_2052 = arith.constant 0 : i32
      %jit3A_2053 = arith.constant 2047 : i32
      %max3A_2054 = arith.maxsi %jit3A_2052, %get3A_2051 : i32
      %min3A_2055 = arith.minsi %jit3A_2053, %max3A_2054 : i32
      %add3A_2056 = arith.constant 28 : i32
      %add3A_2057 = arith.addi %mul3A_6, %add3A_2056 : i32
      %lt3A_2058 = arith.cmpi slt, %add3A_2057, %get3A_8 : i32
      %add3A_2059 = arith.constant 28 : i32
      %add3A_2060 = arith.addi %mul3A_6, %add3A_2059 : i32
      %get3A_2061 = arith.index_cast %add3A_2060 : i32 to index
      %get3A_2062 = memref.load %arg5[%get3A_2061] : memref<8192xf32, #tpu.memory_space<smem>>
      %jit3A_2063 = arith.constant 0.000000e+00 : f32
      %select_n3A_2064 = arith.select %lt3A_2058, %get3A_2062, %jit3A_2063 : f32
      %get3A_2065 = arith.index_cast %min3A_2055 : i32 to index
      %get3A_2066 = arith.constant 0 : index
      %get3A_2067 = vector.load %arg10[%get3A_2065, %get3A_2066] : memref<2048x2048xf32, #tpu.memory_space<vmem>>, vector<1x2048xf32>
      %get3A_2068 = vector.shape_cast %get3A_2067 : vector<1x2048xf32> to vector<2048xf32>
      %get3A_2069 = arith.constant 28 : index
      %get3A_2070 = arith.constant 0 : index
      %get3A_2071 = vector.load %arg12[%get3A_2069, %get3A_2070] : memref<64x2048xf32, #tpu.memory_space<vmem>>, vector<1x2048xf32>
      %get3A_2072 = vector.shape_cast %get3A_2071 : vector<1x2048xf32> to vector<2048xf32>
      %mul3A_2073 = vector.broadcast %select_n3A_2064 : f32 to vector<2048xf32>
      %mul3A_2074 = arith.mulf %mul3A_2073, %get3A_2072 : vector<2048xf32>
      %add3A_2075 = arith.addf %get3A_2068, %mul3A_2074 : vector<2048xf32>
      %swap3A_2076 = arith.index_cast %min3A_2055 : i32 to index
      %swap3A_2077 = arith.constant 0 : index
      %swap3A_2078 = vector.load %arg10[%swap3A_2076, %swap3A_2077] : memref<2048x2048xf32, #tpu.memory_space<vmem>>, vector<1x2048xf32>
      %swap3A_2079 = vector.shape_cast %swap3A_2078 : vector<1x2048xf32> to vector<2048xf32>
      %swap3A_2080 = vector.shape_cast %add3A_2075 : vector<2048xf32> to vector<1x2048xf32>
      tpu.vector_store %arg10[%swap3A_2076, %swap3A_2077], %swap3A_2080 {strides = array<i32>} : memref<2048x2048xf32, #tpu.memory_space<vmem>>, vector<1x2048xf32>,
      %add3A_2081 = arith.constant 29 : i32
      %add3A_2082 = arith.addi %mul3A_6, %add3A_2081 : i32
      %get3A_2083 = arith.index_cast %add3A_2082 : i32 to index
      %get3A_2084 = memref.load %arg4[%get3A_2083] : memref<8192xi32, #tpu.memory_space<smem>>
      %jit3A_2085 = arith.constant 0 : i32
      %jit3A_2086 = arith.constant 2047 : i32
      %max3A_2087 = arith.maxsi %jit3A_2085, %get3A_2084 : i32
      %min3A_2088 = arith.minsi %jit3A_2086, %max3A_2087 : i32
      %add3A_2089 = arith.constant 29 : i32
      %add3A_2090 = arith.addi %mul3A_6, %add3A_2089 : i32
      %lt3A_2091 = arith.cmpi slt, %add3A_2090, %get3A_8 : i32
      %add3A_2092 = arith.constant 29 : i32
      %add3A_2093 = arith.addi %mul3A_6, %add3A_2092 : i32
      %get3A_2094 = arith.index_cast %add3A_2093 : i32 to index
      %get3A_2095 = memref.load %arg5[%get3A_2094] : memref<8192xf32, #tpu.memory_space<smem>>
      %jit3A_2096 = arith.constant 0.000000e+00 : f32
      %select_n3A_2097 = arith.select %lt3A_2091, %get3A_2095, %jit3A_2096 : f32
      %get3A_2098 = arith.index_cast %min3A_2088 : i32 to index
      %get3A_2099 = arith.constant 0 : index
      %get3A_2100 = vector.load %arg10[%get3A_2098, %get3A_2099] : memref<2048x2048xf32, #tpu.memory_space<vmem>>, vector<1x2048xf32>
      %get3A_2101 = vector.shape_cast %get3A_2100 : vector<1x2048xf32> to vector<2048xf32>
      %get3A_2102 = arith.constant 29 : index
      %get3A_2103 = arith.constant 0 : index
      %get3A_2104 = vector.load %arg12[%get3A_2102, %get3A_2103] : memref<64x2048xf32, #tpu.memory_space<vmem>>, vector<1x2048xf32>
      %get3A_2105 = vector.shape_cast %get3A_2104 : vector<1x2048xf32> to vector<2048xf32>
      %mul3A_2106 = vector.broadcast %select_n3A_2097 : f32 to vector<2048xf32>
      %mul3A_2107 = arith.mulf %mul3A_2106, %get3A_2105 : vector<2048xf32>
      %add3A_2108 = arith.addf %get3A_2101, %mul3A_2107 : vector<2048xf32>
      %swap3A_2109 = arith.index_cast %min3A_2088 : i32 to index
      %swap3A_2110 = arith.constant 0 : index
      %swap3A_2111 = vector.load %arg10[%swap3A_2109, %swap3A_2110] : memref<2048x2048xf32, #tpu.memory_space<vmem>>, vector<1x2048xf32>
      %swap3A_2112 = vector.shape_cast %swap3A_2111 : vector<1x2048xf32> to vector<2048xf32>
      %swap3A_2113 = vector.shape_cast %add3A_2108 : vector<2048xf32> to vector<1x2048xf32>
      tpu.vector_store %arg10[%swap3A_2109, %swap3A_2110], %swap3A_2113 {strides = array<i32>} : memref<2048x2048xf32, #tpu.memory_space<vmem>>, vector<1x2048xf32>,
      %add3A_2114 = arith.constant 30 : i32
      %add3A_2115 = arith.addi %mul3A_6, %add3A_2114 : i32
      %get3A_2116 = arith.index_cast %add3A_2115 : i32 to index
      %get3A_2117 = memref.load %arg4[%get3A_2116] : memref<8192xi32, #tpu.memory_space<smem>>
      %jit3A_2118 = arith.constant 0 : i32
      %jit3A_2119 = arith.constant 2047 : i32
      %max3A_2120 = arith.maxsi %jit3A_2118, %get3A_2117 : i32
      %min3A_2121 = arith.minsi %jit3A_2119, %max3A_2120 : i32
      %add3A_2122 = arith.constant 30 : i32
      %add3A_2123 = arith.addi %mul3A_6, %add3A_2122 : i32
      %lt3A_2124 = arith.cmpi slt, %add3A_2123, %get3A_8 : i32
      %add3A_2125 = arith.constant 30 : i32
      %add3A_2126 = arith.addi %mul3A_6, %add3A_2125 : i32
      %get3A_2127 = arith.index_cast %add3A_2126 : i32 to index
      %get3A_2128 = memref.load %arg5[%get3A_2127] : memref<8192xf32, #tpu.memory_space<smem>>
      %jit3A_2129 = arith.constant 0.000000e+00 : f32
      %select_n3A_2130 = arith.select %lt3A_2124, %get3A_2128, %jit3A_2129 : f32
      %get3A_2131 = arith.index_cast %min3A_2121 : i32 to index
      %get3A_2132 = arith.constant 0 : index
      %get3A_2133 = vector.load %arg10[%get3A_2131, %get3A_2132] : memref<2048x2048xf32, #tpu.memory_space<vmem>>, vector<1x2048xf32>
      %get3A_2134 = vector.shape_cast %get3A_2133 : vector<1x2048xf32> to vector<2048xf32>
      %get3A_2135 = arith.constant 30 : index
      %get3A_2136 = arith.constant 0 : index
      %get3A_2137 = vector.load %arg12[%get3A_2135, %get3A_2136] : memref<64x2048xf32, #tpu.memory_space<vmem>>, vector<1x2048xf32>
      %get3A_2138 = vector.shape_cast %get3A_2137 : vector<1x2048xf32> to vector<2048xf32>
      %mul3A_2139 = vector.broadcast %select_n3A_2130 : f32 to vector<2048xf32>
      %mul3A_2140 = arith.mulf %mul3A_2139, %get3A_2138 : vector<2048xf32>
      %add3A_2141 = arith.addf %get3A_2134, %mul3A_2140 : vector<2048xf32>
      %swap3A_2142 = arith.index_cast %min3A_2121 : i32 to index
      %swap3A_2143 = arith.constant 0 : index
      %swap3A_2144 = vector.load %arg10[%swap3A_2142, %swap3A_2143] : memref<2048x2048xf32, #tpu.memory_space<vmem>>, vector<1x2048xf32>
      %swap3A_2145 = vector.shape_cast %swap3A_2144 : vector<1x2048xf32> to vector<2048xf32>
      %swap3A_2146 = vector.shape_cast %add3A_2141 : vector<2048xf32> to vector<1x2048xf32>
      tpu.vector_store %arg10[%swap3A_2142, %swap3A_2143], %swap3A_2146 {strides = array<i32>} : memref<2048x2048xf32, #tpu.memory_space<vmem>>, vector<1x2048xf32>,
      %add3A_2147 = arith.constant 31 : i32
      %add3A_2148 = arith.addi %mul3A_6, %add3A_2147 : i32
      %get3A_2149 = arith.index_cast %add3A_2148 : i32 to index
      %get3A_2150 = memref.load %arg4[%get3A_2149] : memref<8192xi32, #tpu.memory_space<smem>>
      %jit3A_2151 = arith.constant 0 : i32
      %jit3A_2152 = arith.constant 2047 : i32
      %max3A_2153 = arith.maxsi %jit3A_2151, %get3A_2150 : i32
      %min3A_2154 = arith.minsi %jit3A_2152, %max3A_2153 : i32
      %add3A_2155 = arith.constant 31 : i32
      %add3A_2156 = arith.addi %mul3A_6, %add3A_2155 : i32
      %lt3A_2157 = arith.cmpi slt, %add3A_2156, %get3A_8 : i32
      %add3A_2158 = arith.constant 31 : i32
      %add3A_2159 = arith.addi %mul3A_6, %add3A_2158 : i32
      %get3A_2160 = arith.index_cast %add3A_2159 : i32 to index
      %get3A_2161 = memref.load %arg5[%get3A_2160] : memref<8192xf32, #tpu.memory_space<smem>>
      %jit3A_2162 = arith.constant 0.000000e+00 : f32
      %select_n3A_2163 = arith.select %lt3A_2157, %get3A_2161, %jit3A_2162 : f32
      %get3A_2164 = arith.index_cast %min3A_2154 : i32 to index
      %get3A_2165 = arith.constant 0 : index
      %get3A_2166 = vector.load %arg10[%get3A_2164, %get3A_2165] : memref<2048x2048xf32, #tpu.memory_space<vmem>>, vector<1x2048xf32>
      %get3A_2167 = vector.shape_cast %get3A_2166 : vector<1x2048xf32> to vector<2048xf32>
      %get3A_2168 = arith.constant 31 : index
      %get3A_2169 = arith.constant 0 : index
      %get3A_2170 = vector.load %arg12[%get3A_2168, %get3A_2169] : memref<64x2048xf32, #tpu.memory_space<vmem>>, vector<1x2048xf32>
      %get3A_2171 = vector.shape_cast %get3A_2170 : vector<1x2048xf32> to vector<2048xf32>
      %mul3A_2172 = vector.broadcast %select_n3A_2163 : f32 to vector<2048xf32>
      %mul3A_2173 = arith.mulf %mul3A_2172, %get3A_2171 : vector<2048xf32>
      %add3A_2174 = arith.addf %get3A_2167, %mul3A_2173 : vector<2048xf32>
      %swap3A_2175 = arith.index_cast %min3A_2154 : i32 to index
      %swap3A_2176 = arith.constant 0 : index
      %swap3A_2177 = vector.load %arg10[%swap3A_2175, %swap3A_2176] : memref<2048x2048xf32, #tpu.memory_space<vmem>>, vector<1x2048xf32>
      %swap3A_2178 = vector.shape_cast %swap3A_2177 : vector<1x2048xf32> to vector<2048xf32>
      %swap3A_2179 = vector.shape_cast %add3A_2174 : vector<2048xf32> to vector<1x2048xf32>
      tpu.vector_store %arg10[%swap3A_2175, %swap3A_2176], %swap3A_2179 {strides = array<i32>} : memref<2048x2048xf32, #tpu.memory_space<vmem>>, vector<1x2048xf32>,
      %add3A_2180 = arith.constant 32 : i32
      %add3A_2181 = arith.addi %mul3A_6, %add3A_2180 : i32
      %get3A_2182 = arith.index_cast %add3A_2181 : i32 to index
      %get3A_2183 = memref.load %arg4[%get3A_2182] : memref<8192xi32, #tpu.memory_space<smem>>
      %jit3A_2184 = arith.constant 0 : i32
      %jit3A_2185 = arith.constant 2047 : i32
      %max3A_2186 = arith.maxsi %jit3A_2184, %get3A_2183 : i32
      %min3A_2187 = arith.minsi %jit3A_2185, %max3A_2186 : i32
      %add3A_2188 = arith.constant 32 : i32
      %add3A_2189 = arith.addi %mul3A_6, %add3A_2188 : i32
      %lt3A_2190 = arith.cmpi slt, %add3A_2189, %get3A_8 : i32
      %add3A_2191 = arith.constant 32 : i32
      %add3A_2192 = arith.addi %mul3A_6, %add3A_2191 : i32
      %get3A_2193 = arith.index_cast %add3A_2192 : i32 to index
      %get3A_2194 = memref.load %arg5[%get3A_2193] : memref<8192xf32, #tpu.memory_space<smem>>
      %jit3A_2195 = arith.constant 0.000000e+00 : f32
      %select_n3A_2196 = arith.select %lt3A_2190, %get3A_2194, %jit3A_2195 : f32
      %get3A_2197 = arith.index_cast %min3A_2187 : i32 to index
      %get3A_2198 = arith.constant 0 : index
      %get3A_2199 = vector.load %arg10[%get3A_2197, %get3A_2198] : memref<2048x2048xf32, #tpu.memory_space<vmem>>, vector<1x2048xf32>
      %get3A_2200 = vector.shape_cast %get3A_2199 : vector<1x2048xf32> to vector<2048xf32>
      %get3A_2201 = arith.constant 32 : index
      %get3A_2202 = arith.constant 0 : index
      %get3A_2203 = vector.load %arg12[%get3A_2201, %get3A_2202] : memref<64x2048xf32, #tpu.memory_space<vmem>>, vector<1x2048xf32>
      %get3A_2204 = vector.shape_cast %get3A_2203 : vector<1x2048xf32> to vector<2048xf32>
      %mul3A_2205 = vector.broadcast %select_n3A_2196 : f32 to vector<2048xf32>
      %mul3A_2206 = arith.mulf %mul3A_2205, %get3A_2204 : vector<2048xf32>
      %add3A_2207 = arith.addf %get3A_2200, %mul3A_2206 : vector<2048xf32>
      %swap3A_2208 = arith.index_cast %min3A_2187 : i32 to index
      %swap3A_2209 = arith.constant 0 : index
      %swap3A_2210 = vector.load %arg10[%swap3A_2208, %swap3A_2209] : memref<2048x2048xf32, #tpu.memory_space<vmem>>, vector<1x2048xf32>
      %swap3A_2211 = vector.shape_cast %swap3A_2210 : vector<1x2048xf32> to vector<2048xf32>
      %swap3A_2212 = vector.shape_cast %add3A_2207 : vector<2048xf32> to vector<1x2048xf32>
      tpu.vector_store %arg10[%swap3A_2208, %swap3A_2209], %swap3A_2212 {strides = array<i32>} : memref<2048x2048xf32, #tpu.memory_space<vmem>>, vector<1x2048xf32>,
      %add3A_2213 = arith.constant 33 : i32
      %add3A_2214 = arith.addi %mul3A_6, %add3A_2213 : i32
      %get3A_2215 = arith.index_cast %add3A_2214 : i32 to index
      %get3A_2216 = memref.load %arg4[%get3A_2215] : memref<8192xi32, #tpu.memory_space<smem>>
      %jit3A_2217 = arith.constant 0 : i32
      %jit3A_2218 = arith.constant 2047 : i32
      %max3A_2219 = arith.maxsi %jit3A_2217, %get3A_2216 : i32
      %min3A_2220 = arith.minsi %jit3A_2218, %max3A_2219 : i32
      %add3A_2221 = arith.constant 33 : i32
      %add3A_2222 = arith.addi %mul3A_6, %add3A_2221 : i32
      %lt3A_2223 = arith.cmpi slt, %add3A_2222, %get3A_8 : i32
      %add3A_2224 = arith.constant 33 : i32
      %add3A_2225 = arith.addi %mul3A_6, %add3A_2224 : i32
      %get3A_2226 = arith.index_cast %add3A_2225 : i32 to index
      %get3A_2227 = memref.load %arg5[%get3A_2226] : memref<8192xf32, #tpu.memory_space<smem>>
      %jit3A_2228 = arith.constant 0.000000e+00 : f32
      %select_n3A_2229 = arith.select %lt3A_2223, %get3A_2227, %jit3A_2228 : f32
      %get3A_2230 = arith.index_cast %min3A_2220 : i32 to index
      %get3A_2231 = arith.constant 0 : index
      %get3A_2232 = vector.load %arg10[%get3A_2230, %get3A_2231] : memref<2048x2048xf32, #tpu.memory_space<vmem>>, vector<1x2048xf32>
      %get3A_2233 = vector.shape_cast %get3A_2232 : vector<1x2048xf32> to vector<2048xf32>
      %get3A_2234 = arith.constant 33 : index
      %get3A_2235 = arith.constant 0 : index
      %get3A_2236 = vector.load %arg12[%get3A_2234, %get3A_2235] : memref<64x2048xf32, #tpu.memory_space<vmem>>, vector<1x2048xf32>
      %get3A_2237 = vector.shape_cast %get3A_2236 : vector<1x2048xf32> to vector<2048xf32>
      %mul3A_2238 = vector.broadcast %select_n3A_2229 : f32 to vector<2048xf32>
      %mul3A_2239 = arith.mulf %mul3A_2238, %get3A_2237 : vector<2048xf32>
      %add3A_2240 = arith.addf %get3A_2233, %mul3A_2239 : vector<2048xf32>
      %swap3A_2241 = arith.index_cast %min3A_2220 : i32 to index
      %swap3A_2242 = arith.constant 0 : index
      %swap3A_2243 = vector.load %arg10[%swap3A_2241, %swap3A_2242] : memref<2048x2048xf32, #tpu.memory_space<vmem>>, vector<1x2048xf32>
      %swap3A_2244 = vector.shape_cast %swap3A_2243 : vector<1x2048xf32> to vector<2048xf32>
      %swap3A_2245 = vector.shape_cast %add3A_2240 : vector<2048xf32> to vector<1x2048xf32>
      tpu.vector_store %arg10[%swap3A_2241, %swap3A_2242], %swap3A_2245 {strides = array<i32>} : memref<2048x2048xf32, #tpu.memory_space<vmem>>, vector<1x2048xf32>,
      %add3A_2246 = arith.constant 34 : i32
      %add3A_2247 = arith.addi %mul3A_6, %add3A_2246 : i32
      %get3A_2248 = arith.index_cast %add3A_2247 : i32 to index
      %get3A_2249 = memref.load %arg4[%get3A_2248] : memref<8192xi32, #tpu.memory_space<smem>>
      %jit3A_2250 = arith.constant 0 : i32
      %jit3A_2251 = arith.constant 2047 : i32
      %max3A_2252 = arith.maxsi %jit3A_2250, %get3A_2249 : i32
      %min3A_2253 = arith.minsi %jit3A_2251, %max3A_2252 : i32
      %add3A_2254 = arith.constant 34 : i32
      %add3A_2255 = arith.addi %mul3A_6, %add3A_2254 : i32
      %lt3A_2256 = arith.cmpi slt, %add3A_2255, %get3A_8 : i32
      %add3A_2257 = arith.constant 34 : i32
      %add3A_2258 = arith.addi %mul3A_6, %add3A_2257 : i32
      %get3A_2259 = arith.index_cast %add3A_2258 : i32 to index
      %get3A_2260 = memref.load %arg5[%get3A_2259] : memref<8192xf32, #tpu.memory_space<smem>>
      %jit3A_2261 = arith.constant 0.000000e+00 : f32
      %select_n3A_2262 = arith.select %lt3A_2256, %get3A_2260, %jit3A_2261 : f32
      %get3A_2263 = arith.index_cast %min3A_2253 : i32 to index
      %get3A_2264 = arith.constant 0 : index
      %get3A_2265 = vector.load %arg10[%get3A_2263, %get3A_2264] : memref<2048x2048xf32, #tpu.memory_space<vmem>>, vector<1x2048xf32>
      %get3A_2266 = vector.shape_cast %get3A_2265 : vector<1x2048xf32> to vector<2048xf32>
      %get3A_2267 = arith.constant 34 : index
      %get3A_2268 = arith.constant 0 : index
      %get3A_2269 = vector.load %arg12[%get3A_2267, %get3A_2268] : memref<64x2048xf32, #tpu.memory_space<vmem>>, vector<1x2048xf32>
      %get3A_2270 = vector.shape_cast %get3A_2269 : vector<1x2048xf32> to vector<2048xf32>
      %mul3A_2271 = vector.broadcast %select_n3A_2262 : f32 to vector<2048xf32>
      %mul3A_2272 = arith.mulf %mul3A_2271, %get3A_2270 : vector<2048xf32>
      %add3A_2273 = arith.addf %get3A_2266, %mul3A_2272 : vector<2048xf32>
      %swap3A_2274 = arith.index_cast %min3A_2253 : i32 to index
      %swap3A_2275 = arith.constant 0 : index
      %swap3A_2276 = vector.load %arg10[%swap3A_2274, %swap3A_2275] : memref<2048x2048xf32, #tpu.memory_space<vmem>>, vector<1x2048xf32>
      %swap3A_2277 = vector.shape_cast %swap3A_2276 : vector<1x2048xf32> to vector<2048xf32>
      %swap3A_2278 = vector.shape_cast %add3A_2273 : vector<2048xf32> to vector<1x2048xf32>
      tpu.vector_store %arg10[%swap3A_2274, %swap3A_2275], %swap3A_2278 {strides = array<i32>} : memref<2048x2048xf32, #tpu.memory_space<vmem>>, vector<1x2048xf32>,
      %add3A_2279 = arith.constant 35 : i32
      %add3A_2280 = arith.addi %mul3A_6, %add3A_2279 : i32
      %get3A_2281 = arith.index_cast %add3A_2280 : i32 to index
      %get3A_2282 = memref.load %arg4[%get3A_2281] : memref<8192xi32, #tpu.memory_space<smem>>
      %jit3A_2283 = arith.constant 0 : i32
      %jit3A_2284 = arith.constant 2047 : i32
      %max3A_2285 = arith.maxsi %jit3A_2283, %get3A_2282 : i32
      %min3A_2286 = arith.minsi %jit3A_2284, %max3A_2285 : i32
      %add3A_2287 = arith.constant 35 : i32
      %add3A_2288 = arith.addi %mul3A_6, %add3A_2287 : i32
      %lt3A_2289 = arith.cmpi slt, %add3A_2288, %get3A_8 : i32
      %add3A_2290 = arith.constant 35 : i32
      %add3A_2291 = arith.addi %mul3A_6, %add3A_2290 : i32
      %get3A_2292 = arith.index_cast %add3A_2291 : i32 to index
      %get3A_2293 = memref.load %arg5[%get3A_2292] : memref<8192xf32, #tpu.memory_space<smem>>
      %jit3A_2294 = arith.constant 0.000000e+00 : f32
      %select_n3A_2295 = arith.select %lt3A_2289, %get3A_2293, %jit3A_2294 : f32
      %get3A_2296 = arith.index_cast %min3A_2286 : i32 to index
      %get3A_2297 = arith.constant 0 : index
      %get3A_2298 = vector.load %arg10[%get3A_2296, %get3A_2297] : memref<2048x2048xf32, #tpu.memory_space<vmem>>, vector<1x2048xf32>
      %get3A_2299 = vector.shape_cast %get3A_2298 : vector<1x2048xf32> to vector<2048xf32>
      %get3A_2300 = arith.constant 35 : index
      %get3A_2301 = arith.constant 0 : index
      %get3A_2302 = vector.load %arg12[%get3A_2300, %get3A_2301] : memref<64x2048xf32, #tpu.memory_space<vmem>>, vector<1x2048xf32>
      %get3A_2303 = vector.shape_cast %get3A_2302 : vector<1x2048xf32> to vector<2048xf32>
      %mul3A_2304 = vector.broadcast %select_n3A_2295 : f32 to vector<2048xf32>
      %mul3A_2305 = arith.mulf %mul3A_2304, %get3A_2303 : vector<2048xf32>
      %add3A_2306 = arith.addf %get3A_2299, %mul3A_2305 : vector<2048xf32>
      %swap3A_2307 = arith.index_cast %min3A_2286 : i32 to index
      %swap3A_2308 = arith.constant 0 : index
      %swap3A_2309 = vector.load %arg10[%swap3A_2307, %swap3A_2308] : memref<2048x2048xf32, #tpu.memory_space<vmem>>, vector<1x2048xf32>
      %swap3A_2310 = vector.shape_cast %swap3A_2309 : vector<1x2048xf32> to vector<2048xf32>
      %swap3A_2311 = vector.shape_cast %add3A_2306 : vector<2048xf32> to vector<1x2048xf32>
      tpu.vector_store %arg10[%swap3A_2307, %swap3A_2308], %swap3A_2311 {strides = array<i32>} : memref<2048x2048xf32, #tpu.memory_space<vmem>>, vector<1x2048xf32>,
      %add3A_2312 = arith.constant 36 : i32
      %add3A_2313 = arith.addi %mul3A_6, %add3A_2312 : i32
      %get3A_2314 = arith.index_cast %add3A_2313 : i32 to index
      %get3A_2315 = memref.load %arg4[%get3A_2314] : memref<8192xi32, #tpu.memory_space<smem>>
      %jit3A_2316 = arith.constant 0 : i32
      %jit3A_2317 = arith.constant 2047 : i32
      %max3A_2318 = arith.maxsi %jit3A_2316, %get3A_2315 : i32
      %min3A_2319 = arith.minsi %jit3A_2317, %max3A_2318 : i32
      %add3A_2320 = arith.constant 36 : i32
      %add3A_2321 = arith.addi %mul3A_6, %add3A_2320 : i32
      %lt3A_2322 = arith.cmpi slt, %add3A_2321, %get3A_8 : i32
      %add3A_2323 = arith.constant 36 : i32
      %add3A_2324 = arith.addi %mul3A_6, %add3A_2323 : i32
      %get3A_2325 = arith.index_cast %add3A_2324 : i32 to index
      %get3A_2326 = memref.load %arg5[%get3A_2325] : memref<8192xf32, #tpu.memory_space<smem>>
      %jit3A_2327 = arith.constant 0.000000e+00 : f32
      %select_n3A_2328 = arith.select %lt3A_2322, %get3A_2326, %jit3A_2327 : f32
      %get3A_2329 = arith.index_cast %min3A_2319 : i32 to index
      %get3A_2330 = arith.constant 0 : index
      %get3A_2331 = vector.load %arg10[%get3A_2329, %get3A_2330] : memref<2048x2048xf32, #tpu.memory_space<vmem>>, vector<1x2048xf32>
      %get3A_2332 = vector.shape_cast %get3A_2331 : vector<1x2048xf32> to vector<2048xf32>
      %get3A_2333 = arith.constant 36 : index
      %get3A_2334 = arith.constant 0 : index
      %get3A_2335 = vector.load %arg12[%get3A_2333, %get3A_2334] : memref<64x2048xf32, #tpu.memory_space<vmem>>, vector<1x2048xf32>
      %get3A_2336 = vector.shape_cast %get3A_2335 : vector<1x2048xf32> to vector<2048xf32>
      %mul3A_2337 = vector.broadcast %select_n3A_2328 : f32 to vector<2048xf32>
      %mul3A_2338 = arith.mulf %mul3A_2337, %get3A_2336 : vector<2048xf32>
      %add3A_2339 = arith.addf %get3A_2332, %mul3A_2338 : vector<2048xf32>
      %swap3A_2340 = arith.index_cast %min3A_2319 : i32 to index
      %swap3A_2341 = arith.constant 0 : index
      %swap3A_2342 = vector.load %arg10[%swap3A_2340, %swap3A_2341] : memref<2048x2048xf32, #tpu.memory_space<vmem>>, vector<1x2048xf32>
      %swap3A_2343 = vector.shape_cast %swap3A_2342 : vector<1x2048xf32> to vector<2048xf32>
      %swap3A_2344 = vector.shape_cast %add3A_2339 : vector<2048xf32> to vector<1x2048xf32>
      tpu.vector_store %arg10[%swap3A_2340, %swap3A_2341], %swap3A_2344 {strides = array<i32>} : memref<2048x2048xf32, #tpu.memory_space<vmem>>, vector<1x2048xf32>,
      %add3A_2345 = arith.constant 37 : i32
      %add3A_2346 = arith.addi %mul3A_6, %add3A_2345 : i32
      %get3A_2347 = arith.index_cast %add3A_2346 : i32 to index
      %get3A_2348 = memref.load %arg4[%get3A_2347] : memref<8192xi32, #tpu.memory_space<smem>>
      %jit3A_2349 = arith.constant 0 : i32
      %jit3A_2350 = arith.constant 2047 : i32
      %max3A_2351 = arith.maxsi %jit3A_2349, %get3A_2348 : i32
      %min3A_2352 = arith.minsi %jit3A_2350, %max3A_2351 : i32
      %add3A_2353 = arith.constant 37 : i32
      %add3A_2354 = arith.addi %mul3A_6, %add3A_2353 : i32
      %lt3A_2355 = arith.cmpi slt, %add3A_2354, %get3A_8 : i32
      %add3A_2356 = arith.constant 37 : i32
      %add3A_2357 = arith.addi %mul3A_6, %add3A_2356 : i32
      %get3A_2358 = arith.index_cast %add3A_2357 : i32 to index
      %get3A_2359 = memref.load %arg5[%get3A_2358] : memref<8192xf32, #tpu.memory_space<smem>>
      %jit3A_2360 = arith.constant 0.000000e+00 : f32
      %select_n3A_2361 = arith.select %lt3A_2355, %get3A_2359, %jit3A_2360 : f32
      %get3A_2362 = arith.index_cast %min3A_2352 : i32 to index
      %get3A_2363 = arith.constant 0 : index
      %get3A_2364 = vector.load %arg10[%get3A_2362, %get3A_2363] : memref<2048x2048xf32, #tpu.memory_space<vmem>>, vector<1x2048xf32>
      %get3A_2365 = vector.shape_cast %get3A_2364 : vector<1x2048xf32> to vector<2048xf32>
      %get3A_2366 = arith.constant 37 : index
      %get3A_2367 = arith.constant 0 : index
      %get3A_2368 = vector.load %arg12[%get3A_2366, %get3A_2367] : memref<64x2048xf32, #tpu.memory_space<vmem>>, vector<1x2048xf32>
      %get3A_2369 = vector.shape_cast %get3A_2368 : vector<1x2048xf32> to vector<2048xf32>
      %mul3A_2370 = vector.broadcast %select_n3A_2361 : f32 to vector<2048xf32>
      %mul3A_2371 = arith.mulf %mul3A_2370, %get3A_2369 : vector<2048xf32>
      %add3A_2372 = arith.addf %get3A_2365, %mul3A_2371 : vector<2048xf32>
      %swap3A_2373 = arith.index_cast %min3A_2352 : i32 to index
      %swap3A_2374 = arith.constant 0 : index
      %swap3A_2375 = vector.load %arg10[%swap3A_2373, %swap3A_2374] : memref<2048x2048xf32, #tpu.memory_space<vmem>>, vector<1x2048xf32>
      %swap3A_2376 = vector.shape_cast %swap3A_2375 : vector<1x2048xf32> to vector<2048xf32>
      %swap3A_2377 = vector.shape_cast %add3A_2372 : vector<2048xf32> to vector<1x2048xf32>
      tpu.vector_store %arg10[%swap3A_2373, %swap3A_2374], %swap3A_2377 {strides = array<i32>} : memref<2048x2048xf32, #tpu.memory_space<vmem>>, vector<1x2048xf32>,
      %add3A_2378 = arith.constant 38 : i32
      %add3A_2379 = arith.addi %mul3A_6, %add3A_2378 : i32
      %get3A_2380 = arith.index_cast %add3A_2379 : i32 to index
      %get3A_2381 = memref.load %arg4[%get3A_2380] : memref<8192xi32, #tpu.memory_space<smem>>
      %jit3A_2382 = arith.constant 0 : i32
      %jit3A_2383 = arith.constant 2047 : i32
      %max3A_2384 = arith.maxsi %jit3A_2382, %get3A_2381 : i32
      %min3A_2385 = arith.minsi %jit3A_2383, %max3A_2384 : i32
      %add3A_2386 = arith.constant 38 : i32
      %add3A_2387 = arith.addi %mul3A_6, %add3A_2386 : i32
      %lt3A_2388 = arith.cmpi slt, %add3A_2387, %get3A_8 : i32
      %add3A_2389 = arith.constant 38 : i32
      %add3A_2390 = arith.addi %mul3A_6, %add3A_2389 : i32
      %get3A_2391 = arith.index_cast %add3A_2390 : i32 to index
      %get3A_2392 = memref.load %arg5[%get3A_2391] : memref<8192xf32, #tpu.memory_space<smem>>
      %jit3A_2393 = arith.constant 0.000000e+00 : f32
      %select_n3A_2394 = arith.select %lt3A_2388, %get3A_2392, %jit3A_2393 : f32
      %get3A_2395 = arith.index_cast %min3A_2385 : i32 to index
      %get3A_2396 = arith.constant 0 : index
      %get3A_2397 = vector.load %arg10[%get3A_2395, %get3A_2396] : memref<2048x2048xf32, #tpu.memory_space<vmem>>, vector<1x2048xf32>
      %get3A_2398 = vector.shape_cast %get3A_2397 : vector<1x2048xf32> to vector<2048xf32>
      %get3A_2399 = arith.constant 38 : index
      %get3A_2400 = arith.constant 0 : index
      %get3A_2401 = vector.load %arg12[%get3A_2399, %get3A_2400] : memref<64x2048xf32, #tpu.memory_space<vmem>>, vector<1x2048xf32>
      %get3A_2402 = vector.shape_cast %get3A_2401 : vector<1x2048xf32> to vector<2048xf32>
      %mul3A_2403 = vector.broadcast %select_n3A_2394 : f32 to vector<2048xf32>
      %mul3A_2404 = arith.mulf %mul3A_2403, %get3A_2402 : vector<2048xf32>
      %add3A_2405 = arith.addf %get3A_2398, %mul3A_2404 : vector<2048xf32>
      %swap3A_2406 = arith.index_cast %min3A_2385 : i32 to index
      %swap3A_2407 = arith.constant 0 : index
      %swap3A_2408 = vector.load %arg10[%swap3A_2406, %swap3A_2407] : memref<2048x2048xf32, #tpu.memory_space<vmem>>, vector<1x2048xf32>
      %swap3A_2409 = vector.shape_cast %swap3A_2408 : vector<1x2048xf32> to vector<2048xf32>
      %swap3A_2410 = vector.shape_cast %add3A_2405 : vector<2048xf32> to vector<1x2048xf32>
      tpu.vector_store %arg10[%swap3A_2406, %swap3A_2407], %swap3A_2410 {strides = array<i32>} : memref<2048x2048xf32, #tpu.memory_space<vmem>>, vector<1x2048xf32>,
      %add3A_2411 = arith.constant 39 : i32
      %add3A_2412 = arith.addi %mul3A_6, %add3A_2411 : i32
      %get3A_2413 = arith.index_cast %add3A_2412 : i32 to index
      %get3A_2414 = memref.load %arg4[%get3A_2413] : memref<8192xi32, #tpu.memory_space<smem>>
      %jit3A_2415 = arith.constant 0 : i32
      %jit3A_2416 = arith.constant 2047 : i32
      %max3A_2417 = arith.maxsi %jit3A_2415, %get3A_2414 : i32
      %min3A_2418 = arith.minsi %jit3A_2416, %max3A_2417 : i32
      %add3A_2419 = arith.constant 39 : i32
      %add3A_2420 = arith.addi %mul3A_6, %add3A_2419 : i32
      %lt3A_2421 = arith.cmpi slt, %add3A_2420, %get3A_8 : i32
      %add3A_2422 = arith.constant 39 : i32
      %add3A_2423 = arith.addi %mul3A_6, %add3A_2422 : i32
      %get3A_2424 = arith.index_cast %add3A_2423 : i32 to index
      %get3A_2425 = memref.load %arg5[%get3A_2424] : memref<8192xf32, #tpu.memory_space<smem>>
      %jit3A_2426 = arith.constant 0.000000e+00 : f32
      %select_n3A_2427 = arith.select %lt3A_2421, %get3A_2425, %jit3A_2426 : f32
      %get3A_2428 = arith.index_cast %min3A_2418 : i32 to index
      %get3A_2429 = arith.constant 0 : index
      %get3A_2430 = vector.load %arg10[%get3A_2428, %get3A_2429] : memref<2048x2048xf32, #tpu.memory_space<vmem>>, vector<1x2048xf32>
      %get3A_2431 = vector.shape_cast %get3A_2430 : vector<1x2048xf32> to vector<2048xf32>
      %get3A_2432 = arith.constant 39 : index
      %get3A_2433 = arith.constant 0 : index
      %get3A_2434 = vector.load %arg12[%get3A_2432, %get3A_2433] : memref<64x2048xf32, #tpu.memory_space<vmem>>, vector<1x2048xf32>
      %get3A_2435 = vector.shape_cast %get3A_2434 : vector<1x2048xf32> to vector<2048xf32>
      %mul3A_2436 = vector.broadcast %select_n3A_2427 : f32 to vector<2048xf32>
      %mul3A_2437 = arith.mulf %mul3A_2436, %get3A_2435 : vector<2048xf32>
      %add3A_2438 = arith.addf %get3A_2431, %mul3A_2437 : vector<2048xf32>
      %swap3A_2439 = arith.index_cast %min3A_2418 : i32 to index
      %swap3A_2440 = arith.constant 0 : index
      %swap3A_2441 = vector.load %arg10[%swap3A_2439, %swap3A_2440] : memref<2048x2048xf32, #tpu.memory_space<vmem>>, vector<1x2048xf32>
      %swap3A_2442 = vector.shape_cast %swap3A_2441 : vector<1x2048xf32> to vector<2048xf32>
      %swap3A_2443 = vector.shape_cast %add3A_2438 : vector<2048xf32> to vector<1x2048xf32>
      tpu.vector_store %arg10[%swap3A_2439, %swap3A_2440], %swap3A_2443 {strides = array<i32>} : memref<2048x2048xf32, #tpu.memory_space<vmem>>, vector<1x2048xf32>,
      %add3A_2444 = arith.constant 40 : i32
      %add3A_2445 = arith.addi %mul3A_6, %add3A_2444 : i32
      %get3A_2446 = arith.index_cast %add3A_2445 : i32 to index
      %get3A_2447 = memref.load %arg4[%get3A_2446] : memref<8192xi32, #tpu.memory_space<smem>>
      %jit3A_2448 = arith.constant 0 : i32
      %jit3A_2449 = arith.constant 2047 : i32
      %max3A_2450 = arith.maxsi %jit3A_2448, %get3A_2447 : i32
      %min3A_2451 = arith.minsi %jit3A_2449, %max3A_2450 : i32
      %add3A_2452 = arith.constant 40 : i32
      %add3A_2453 = arith.addi %mul3A_6, %add3A_2452 : i32
      %lt3A_2454 = arith.cmpi slt, %add3A_2453, %get3A_8 : i32
      %add3A_2455 = arith.constant 40 : i32
      %add3A_2456 = arith.addi %mul3A_6, %add3A_2455 : i32
      %get3A_2457 = arith.index_cast %add3A_2456 : i32 to index
      %get3A_2458 = memref.load %arg5[%get3A_2457] : memref<8192xf32, #tpu.memory_space<smem>>
      %jit3A_2459 = arith.constant 0.000000e+00 : f32
      %select_n3A_2460 = arith.select %lt3A_2454, %get3A_2458, %jit3A_2459 : f32
      %get3A_2461 = arith.index_cast %min3A_2451 : i32 to index
      %get3A_2462 = arith.constant 0 : index
      %get3A_2463 = vector.load %arg10[%get3A_2461, %get3A_2462] : memref<2048x2048xf32, #tpu.memory_space<vmem>>, vector<1x2048xf32>
      %get3A_2464 = vector.shape_cast %get3A_2463 : vector<1x2048xf32> to vector<2048xf32>
      %get3A_2465 = arith.constant 40 : index
      %get3A_2466 = arith.constant 0 : index
      %get3A_2467 = vector.load %arg12[%get3A_2465, %get3A_2466] : memref<64x2048xf32, #tpu.memory_space<vmem>>, vector<1x2048xf32>
      %get3A_2468 = vector.shape_cast %get3A_2467 : vector<1x2048xf32> to vector<2048xf32>
      %mul3A_2469 = vector.broadcast %select_n3A_2460 : f32 to vector<2048xf32>
      %mul3A_2470 = arith.mulf %mul3A_2469, %get3A_2468 : vector<2048xf32>
      %add3A_2471 = arith.addf %get3A_2464, %mul3A_2470 : vector<2048xf32>
      %swap3A_2472 = arith.index_cast %min3A_2451 : i32 to index
      %swap3A_2473 = arith.constant 0 : index
      %swap3A_2474 = vector.load %arg10[%swap3A_2472, %swap3A_2473] : memref<2048x2048xf32, #tpu.memory_space<vmem>>, vector<1x2048xf32>
      %swap3A_2475 = vector.shape_cast %swap3A_2474 : vector<1x2048xf32> to vector<2048xf32>
      %swap3A_2476 = vector.shape_cast %add3A_2471 : vector<2048xf32> to vector<1x2048xf32>
      tpu.vector_store %arg10[%swap3A_2472, %swap3A_2473], %swap3A_2476 {strides = array<i32>} : memref<2048x2048xf32, #tpu.memory_space<vmem>>, vector<1x2048xf32>,
      %add3A_2477 = arith.constant 41 : i32
      %add3A_2478 = arith.addi %mul3A_6, %add3A_2477 : i32
      %get3A_2479 = arith.index_cast %add3A_2478 : i32 to index
      %get3A_2480 = memref.load %arg4[%get3A_2479] : memref<8192xi32, #tpu.memory_space<smem>>
      %jit3A_2481 = arith.constant 0 : i32
      %jit3A_2482 = arith.constant 2047 : i32
      %max3A_2483 = arith.maxsi %jit3A_2481, %get3A_2480 : i32
      %min3A_2484 = arith.minsi %jit3A_2482, %max3A_2483 : i32
      %add3A_2485 = arith.constant 41 : i32
      %add3A_2486 = arith.addi %mul3A_6, %add3A_2485 : i32
      %lt3A_2487 = arith.cmpi slt, %add3A_2486, %get3A_8 : i32
      %add3A_2488 = arith.constant 41 : i32
      %add3A_2489 = arith.addi %mul3A_6, %add3A_2488 : i32
      %get3A_2490 = arith.index_cast %add3A_2489 : i32 to index
      %get3A_2491 = memref.load %arg5[%get3A_2490] : memref<8192xf32, #tpu.memory_space<smem>>
      %jit3A_2492 = arith.constant 0.000000e+00 : f32
      %select_n3A_2493 = arith.select %lt3A_2487, %get3A_2491, %jit3A_2492 : f32
      %get3A_2494 = arith.index_cast %min3A_2484 : i32 to index
      %get3A_2495 = arith.constant 0 : index
      %get3A_2496 = vector.load %arg10[%get3A_2494, %get3A_2495] : memref<2048x2048xf32, #tpu.memory_space<vmem>>, vector<1x2048xf32>
      %get3A_2497 = vector.shape_cast %get3A_2496 : vector<1x2048xf32> to vector<2048xf32>
      %get3A_2498 = arith.constant 41 : index
      %get3A_2499 = arith.constant 0 : index
      %get3A_2500 = vector.load %arg12[%get3A_2498, %get3A_2499] : memref<64x2048xf32, #tpu.memory_space<vmem>>, vector<1x2048xf32>
      %get3A_2501 = vector.shape_cast %get3A_2500 : vector<1x2048xf32> to vector<2048xf32>
      %mul3A_2502 = vector.broadcast %select_n3A_2493 : f32 to vector<2048xf32>
      %mul3A_2503 = arith.mulf %mul3A_2502, %get3A_2501 : vector<2048xf32>
      %add3A_2504 = arith.addf %get3A_2497, %mul3A_2503 : vector<2048xf32>
      %swap3A_2505 = arith.index_cast %min3A_2484 : i32 to index
      %swap3A_2506 = arith.constant 0 : index
      %swap3A_2507 = vector.load %arg10[%swap3A_2505, %swap3A_2506] : memref<2048x2048xf32, #tpu.memory_space<vmem>>, vector<1x2048xf32>
      %swap3A_2508 = vector.shape_cast %swap3A_2507 : vector<1x2048xf32> to vector<2048xf32>
      %swap3A_2509 = vector.shape_cast %add3A_2504 : vector<2048xf32> to vector<1x2048xf32>
      tpu.vector_store %arg10[%swap3A_2505, %swap3A_2506], %swap3A_2509 {strides = array<i32>} : memref<2048x2048xf32, #tpu.memory_space<vmem>>, vector<1x2048xf32>,
      %add3A_2510 = arith.constant 42 : i32
      %add3A_2511 = arith.addi %mul3A_6, %add3A_2510 : i32
      %get3A_2512 = arith.index_cast %add3A_2511 : i32 to index
      %get3A_2513 = memref.load %arg4[%get3A_2512] : memref<8192xi32, #tpu.memory_space<smem>>
      %jit3A_2514 = arith.constant 0 : i32
      %jit3A_2515 = arith.constant 2047 : i32
      %max3A_2516 = arith.maxsi %jit3A_2514, %get3A_2513 : i32
      %min3A_2517 = arith.minsi %jit3A_2515, %max3A_2516 : i32
      %add3A_2518 = arith.constant 42 : i32
      %add3A_2519 = arith.addi %mul3A_6, %add3A_2518 : i32
      %lt3A_2520 = arith.cmpi slt, %add3A_2519, %get3A_8 : i32
      %add3A_2521 = arith.constant 42 : i32
      %add3A_2522 = arith.addi %mul3A_6, %add3A_2521 : i32
      %get3A_2523 = arith.index_cast %add3A_2522 : i32 to index
      %get3A_2524 = memref.load %arg5[%get3A_2523] : memref<8192xf32, #tpu.memory_space<smem>>
      %jit3A_2525 = arith.constant 0.000000e+00 : f32
      %select_n3A_2526 = arith.select %lt3A_2520, %get3A_2524, %jit3A_2525 : f32
      %get3A_2527 = arith.index_cast %min3A_2517 : i32 to index
      %get3A_2528 = arith.constant 0 : index
      %get3A_2529 = vector.load %arg10[%get3A_2527, %get3A_2528] : memref<2048x2048xf32, #tpu.memory_space<vmem>>, vector<1x2048xf32>
      %get3A_2530 = vector.shape_cast %get3A_2529 : vector<1x2048xf32> to vector<2048xf32>
      %get3A_2531 = arith.constant 42 : index
      %get3A_2532 = arith.constant 0 : index
      %get3A_2533 = vector.load %arg12[%get3A_2531, %get3A_2532] : memref<64x2048xf32, #tpu.memory_space<vmem>>, vector<1x2048xf32>
      %get3A_2534 = vector.shape_cast %get3A_2533 : vector<1x2048xf32> to vector<2048xf32>
      %mul3A_2535 = vector.broadcast %select_n3A_2526 : f32 to vector<2048xf32>
      %mul3A_2536 = arith.mulf %mul3A_2535, %get3A_2534 : vector<2048xf32>
      %add3A_2537 = arith.addf %get3A_2530, %mul3A_2536 : vector<2048xf32>
      %swap3A_2538 = arith.index_cast %min3A_2517 : i32 to index
      %swap3A_2539 = arith.constant 0 : index
      %swap3A_2540 = vector.load %arg10[%swap3A_2538, %swap3A_2539] : memref<2048x2048xf32, #tpu.memory_space<vmem>>, vector<1x2048xf32>
      %swap3A_2541 = vector.shape_cast %swap3A_2540 : vector<1x2048xf32> to vector<2048xf32>
      %swap3A_2542 = vector.shape_cast %add3A_2537 : vector<2048xf32> to vector<1x2048xf32>
      tpu.vector_store %arg10[%swap3A_2538, %swap3A_2539], %swap3A_2542 {strides = array<i32>} : memref<2048x2048xf32, #tpu.memory_space<vmem>>, vector<1x2048xf32>,
      %add3A_2543 = arith.constant 43 : i32
      %add3A_2544 = arith.addi %mul3A_6, %add3A_2543 : i32
      %get3A_2545 = arith.index_cast %add3A_2544 : i32 to index
      %get3A_2546 = memref.load %arg4[%get3A_2545] : memref<8192xi32, #tpu.memory_space<smem>>
      %jit3A_2547 = arith.constant 0 : i32
      %jit3A_2548 = arith.constant 2047 : i32
      %max3A_2549 = arith.maxsi %jit3A_2547, %get3A_2546 : i32
      %min3A_2550 = arith.minsi %jit3A_2548, %max3A_2549 : i32
      %add3A_2551 = arith.constant 43 : i32
      %add3A_2552 = arith.addi %mul3A_6, %add3A_2551 : i32
      %lt3A_2553 = arith.cmpi slt, %add3A_2552, %get3A_8 : i32
      %add3A_2554 = arith.constant 43 : i32
      %add3A_2555 = arith.addi %mul3A_6, %add3A_2554 : i32
      %get3A_2556 = arith.index_cast %add3A_2555 : i32 to index
      %get3A_2557 = memref.load %arg5[%get3A_2556] : memref<8192xf32, #tpu.memory_space<smem>>
      %jit3A_2558 = arith.constant 0.000000e+00 : f32
      %select_n3A_2559 = arith.select %lt3A_2553, %get3A_2557, %jit3A_2558 : f32
      %get3A_2560 = arith.index_cast %min3A_2550 : i32 to index
      %get3A_2561 = arith.constant 0 : index
      %get3A_2562 = vector.load %arg10[%get3A_2560, %get3A_2561] : memref<2048x2048xf32, #tpu.memory_space<vmem>>, vector<1x2048xf32>
      %get3A_2563 = vector.shape_cast %get3A_2562 : vector<1x2048xf32> to vector<2048xf32>
      %get3A_2564 = arith.constant 43 : index
      %get3A_2565 = arith.constant 0 : index
      %get3A_2566 = vector.load %arg12[%get3A_2564, %get3A_2565] : memref<64x2048xf32, #tpu.memory_space<vmem>>, vector<1x2048xf32>
      %get3A_2567 = vector.shape_cast %get3A_2566 : vector<1x2048xf32> to vector<2048xf32>
      %mul3A_2568 = vector.broadcast %select_n3A_2559 : f32 to vector<2048xf32>
      %mul3A_2569 = arith.mulf %mul3A_2568, %get3A_2567 : vector<2048xf32>
      %add3A_2570 = arith.addf %get3A_2563, %mul3A_2569 : vector<2048xf32>
      %swap3A_2571 = arith.index_cast %min3A_2550 : i32 to index
      %swap3A_2572 = arith.constant 0 : index
      %swap3A_2573 = vector.load %arg10[%swap3A_2571, %swap3A_2572] : memref<2048x2048xf32, #tpu.memory_space<vmem>>, vector<1x2048xf32>
      %swap3A_2574 = vector.shape_cast %swap3A_2573 : vector<1x2048xf32> to vector<2048xf32>
      %swap3A_2575 = vector.shape_cast %add3A_2570 : vector<2048xf32> to vector<1x2048xf32>
      tpu.vector_store %arg10[%swap3A_2571, %swap3A_2572], %swap3A_2575 {strides = array<i32>} : memref<2048x2048xf32, #tpu.memory_space<vmem>>, vector<1x2048xf32>,
      %add3A_2576 = arith.constant 44 : i32
      %add3A_2577 = arith.addi %mul3A_6, %add3A_2576 : i32
      %get3A_2578 = arith.index_cast %add3A_2577 : i32 to index
      %get3A_2579 = memref.load %arg4[%get3A_2578] : memref<8192xi32, #tpu.memory_space<smem>>
      %jit3A_2580 = arith.constant 0 : i32
      %jit3A_2581 = arith.constant 2047 : i32
      %max3A_2582 = arith.maxsi %jit3A_2580, %get3A_2579 : i32
      %min3A_2583 = arith.minsi %jit3A_2581, %max3A_2582 : i32
      %add3A_2584 = arith.constant 44 : i32
      %add3A_2585 = arith.addi %mul3A_6, %add3A_2584 : i32
      %lt3A_2586 = arith.cmpi slt, %add3A_2585, %get3A_8 : i32
      %add3A_2587 = arith.constant 44 : i32
      %add3A_2588 = arith.addi %mul3A_6, %add3A_2587 : i32
      %get3A_2589 = arith.index_cast %add3A_2588 : i32 to index
      %get3A_2590 = memref.load %arg5[%get3A_2589] : memref<8192xf32, #tpu.memory_space<smem>>
      %jit3A_2591 = arith.constant 0.000000e+00 : f32
      %select_n3A_2592 = arith.select %lt3A_2586, %get3A_2590, %jit3A_2591 : f32
      %get3A_2593 = arith.index_cast %min3A_2583 : i32 to index
      %get3A_2594 = arith.constant 0 : index
      %get3A_2595 = vector.load %arg10[%get3A_2593, %get3A_2594] : memref<2048x2048xf32, #tpu.memory_space<vmem>>, vector<1x2048xf32>
      %get3A_2596 = vector.shape_cast %get3A_2595 : vector<1x2048xf32> to vector<2048xf32>
      %get3A_2597 = arith.constant 44 : index
      %get3A_2598 = arith.constant 0 : index
      %get3A_2599 = vector.load %arg12[%get3A_2597, %get3A_2598] : memref<64x2048xf32, #tpu.memory_space<vmem>>, vector<1x2048xf32>
      %get3A_2600 = vector.shape_cast %get3A_2599 : vector<1x2048xf32> to vector<2048xf32>
      %mul3A_2601 = vector.broadcast %select_n3A_2592 : f32 to vector<2048xf32>
      %mul3A_2602 = arith.mulf %mul3A_2601, %get3A_2600 : vector<2048xf32>
      %add3A_2603 = arith.addf %get3A_2596, %mul3A_2602 : vector<2048xf32>
      %swap3A_2604 = arith.index_cast %min3A_2583 : i32 to index
      %swap3A_2605 = arith.constant 0 : index
      %swap3A_2606 = vector.load %arg10[%swap3A_2604, %swap3A_2605] : memref<2048x2048xf32, #tpu.memory_space<vmem>>, vector<1x2048xf32>
      %swap3A_2607 = vector.shape_cast %swap3A_2606 : vector<1x2048xf32> to vector<2048xf32>
      %swap3A_2608 = vector.shape_cast %add3A_2603 : vector<2048xf32> to vector<1x2048xf32>
      tpu.vector_store %arg10[%swap3A_2604, %swap3A_2605], %swap3A_2608 {strides = array<i32>} : memref<2048x2048xf32, #tpu.memory_space<vmem>>, vector<1x2048xf32>,
      %add3A_2609 = arith.constant 45 : i32
      %add3A_2610 = arith.addi %mul3A_6, %add3A_2609 : i32
      %get3A_2611 = arith.index_cast %add3A_2610 : i32 to index
      %get3A_2612 = memref.load %arg4[%get3A_2611] : memref<8192xi32, #tpu.memory_space<smem>>
      %jit3A_2613 = arith.constant 0 : i32
      %jit3A_2614 = arith.constant 2047 : i32
      %max3A_2615 = arith.maxsi %jit3A_2613, %get3A_2612 : i32
      %min3A_2616 = arith.minsi %jit3A_2614, %max3A_2615 : i32
      %add3A_2617 = arith.constant 45 : i32
      %add3A_2618 = arith.addi %mul3A_6, %add3A_2617 : i32
      %lt3A_2619 = arith.cmpi slt, %add3A_2618, %get3A_8 : i32
      %add3A_2620 = arith.constant 45 : i32
      %add3A_2621 = arith.addi %mul3A_6, %add3A_2620 : i32
      %get3A_2622 = arith.index_cast %add3A_2621 : i32 to index
      %get3A_2623 = memref.load %arg5[%get3A_2622] : memref<8192xf32, #tpu.memory_space<smem>>
      %jit3A_2624 = arith.constant 0.000000e+00 : f32
      %select_n3A_2625 = arith.select %lt3A_2619, %get3A_2623, %jit3A_2624 : f32
      %get3A_2626 = arith.index_cast %min3A_2616 : i32 to index
      %get3A_2627 = arith.constant 0 : index
      %get3A_2628 = vector.load %arg10[%get3A_2626, %get3A_2627] : memref<2048x2048xf32, #tpu.memory_space<vmem>>, vector<1x2048xf32>
      %get3A_2629 = vector.shape_cast %get3A_2628 : vector<1x2048xf32> to vector<2048xf32>
      %get3A_2630 = arith.constant 45 : index
      %get3A_2631 = arith.constant 0 : index
      %get3A_2632 = vector.load %arg12[%get3A_2630, %get3A_2631] : memref<64x2048xf32, #tpu.memory_space<vmem>>, vector<1x2048xf32>
      %get3A_2633 = vector.shape_cast %get3A_2632 : vector<1x2048xf32> to vector<2048xf32>
      %mul3A_2634 = vector.broadcast %select_n3A_2625 : f32 to vector<2048xf32>
      %mul3A_2635 = arith.mulf %mul3A_2634, %get3A_2633 : vector<2048xf32>
      %add3A_2636 = arith.addf %get3A_2629, %mul3A_2635 : vector<2048xf32>
      %swap3A_2637 = arith.index_cast %min3A_2616 : i32 to index
      %swap3A_2638 = arith.constant 0 : index
      %swap3A_2639 = vector.load %arg10[%swap3A_2637, %swap3A_2638] : memref<2048x2048xf32, #tpu.memory_space<vmem>>, vector<1x2048xf32>
      %swap3A_2640 = vector.shape_cast %swap3A_2639 : vector<1x2048xf32> to vector<2048xf32>
      %swap3A_2641 = vector.shape_cast %add3A_2636 : vector<2048xf32> to vector<1x2048xf32>
      tpu.vector_store %arg10[%swap3A_2637, %swap3A_2638], %swap3A_2641 {strides = array<i32>} : memref<2048x2048xf32, #tpu.memory_space<vmem>>, vector<1x2048xf32>,
      %add3A_2642 = arith.constant 46 : i32
      %add3A_2643 = arith.addi %mul3A_6, %add3A_2642 : i32
      %get3A_2644 = arith.index_cast %add3A_2643 : i32 to index
      %get3A_2645 = memref.load %arg4[%get3A_2644] : memref<8192xi32, #tpu.memory_space<smem>>
      %jit3A_2646 = arith.constant 0 : i32
      %jit3A_2647 = arith.constant 2047 : i32
      %max3A_2648 = arith.maxsi %jit3A_2646, %get3A_2645 : i32
      %min3A_2649 = arith.minsi %jit3A_2647, %max3A_2648 : i32
      %add3A_2650 = arith.constant 46 : i32
      %add3A_2651 = arith.addi %mul3A_6, %add3A_2650 : i32
      %lt3A_2652 = arith.cmpi slt, %add3A_2651, %get3A_8 : i32
      %add3A_2653 = arith.constant 46 : i32
      %add3A_2654 = arith.addi %mul3A_6, %add3A_2653 : i32
      %get3A_2655 = arith.index_cast %add3A_2654 : i32 to index
      %get3A_2656 = memref.load %arg5[%get3A_2655] : memref<8192xf32, #tpu.memory_space<smem>>
      %jit3A_2657 = arith.constant 0.000000e+00 : f32
      %select_n3A_2658 = arith.select %lt3A_2652, %get3A_2656, %jit3A_2657 : f32
      %get3A_2659 = arith.index_cast %min3A_2649 : i32 to index
      %get3A_2660 = arith.constant 0 : index
      %get3A_2661 = vector.load %arg10[%get3A_2659, %get3A_2660] : memref<2048x2048xf32, #tpu.memory_space<vmem>>, vector<1x2048xf32>
      %get3A_2662 = vector.shape_cast %get3A_2661 : vector<1x2048xf32> to vector<2048xf32>
      %get3A_2663 = arith.constant 46 : index
      %get3A_2664 = arith.constant 0 : index
      %get3A_2665 = vector.load %arg12[%get3A_2663, %get3A_2664] : memref<64x2048xf32, #tpu.memory_space<vmem>>, vector<1x2048xf32>
      %get3A_2666 = vector.shape_cast %get3A_2665 : vector<1x2048xf32> to vector<2048xf32>
      %mul3A_2667 = vector.broadcast %select_n3A_2658 : f32 to vector<2048xf32>
      %mul3A_2668 = arith.mulf %mul3A_2667, %get3A_2666 : vector<2048xf32>
      %add3A_2669 = arith.addf %get3A_2662, %mul3A_2668 : vector<2048xf32>
      %swap3A_2670 = arith.index_cast %min3A_2649 : i32 to index
      %swap3A_2671 = arith.constant 0 : index
      %swap3A_2672 = vector.load %arg10[%swap3A_2670, %swap3A_2671] : memref<2048x2048xf32, #tpu.memory_space<vmem>>, vector<1x2048xf32>
      %swap3A_2673 = vector.shape_cast %swap3A_2672 : vector<1x2048xf32> to vector<2048xf32>
      %swap3A_2674 = vector.shape_cast %add3A_2669 : vector<2048xf32> to vector<1x2048xf32>
      tpu.vector_store %arg10[%swap3A_2670, %swap3A_2671], %swap3A_2674 {strides = array<i32>} : memref<2048x2048xf32, #tpu.memory_space<vmem>>, vector<1x2048xf32>,
      %add3A_2675 = arith.constant 47 : i32
      %add3A_2676 = arith.addi %mul3A_6, %add3A_2675 : i32
      %get3A_2677 = arith.index_cast %add3A_2676 : i32 to index
      %get3A_2678 = memref.load %arg4[%get3A_2677] : memref<8192xi32, #tpu.memory_space<smem>>
      %jit3A_2679 = arith.constant 0 : i32
      %jit3A_2680 = arith.constant 2047 : i32
      %max3A_2681 = arith.maxsi %jit3A_2679, %get3A_2678 : i32
      %min3A_2682 = arith.minsi %jit3A_2680, %max3A_2681 : i32
      %add3A_2683 = arith.constant 47 : i32
      %add3A_2684 = arith.addi %mul3A_6, %add3A_2683 : i32
      %lt3A_2685 = arith.cmpi slt, %add3A_2684, %get3A_8 : i32
      %add3A_2686 = arith.constant 47 : i32
      %add3A_2687 = arith.addi %mul3A_6, %add3A_2686 : i32
      %get3A_2688 = arith.index_cast %add3A_2687 : i32 to index
      %get3A_2689 = memref.load %arg5[%get3A_2688] : memref<8192xf32, #tpu.memory_space<smem>>
      %jit3A_2690 = arith.constant 0.000000e+00 : f32
      %select_n3A_2691 = arith.select %lt3A_2685, %get3A_2689, %jit3A_2690 : f32
      %get3A_2692 = arith.index_cast %min3A_2682 : i32 to index
      %get3A_2693 = arith.constant 0 : index
      %get3A_2694 = vector.load %arg10[%get3A_2692, %get3A_2693] : memref<2048x2048xf32, #tpu.memory_space<vmem>>, vector<1x2048xf32>
      %get3A_2695 = vector.shape_cast %get3A_2694 : vector<1x2048xf32> to vector<2048xf32>
      %get3A_2696 = arith.constant 47 : index
      %get3A_2697 = arith.constant 0 : index
      %get3A_2698 = vector.load %arg12[%get3A_2696, %get3A_2697] : memref<64x2048xf32, #tpu.memory_space<vmem>>, vector<1x2048xf32>
      %get3A_2699 = vector.shape_cast %get3A_2698 : vector<1x2048xf32> to vector<2048xf32>
      %mul3A_2700 = vector.broadcast %select_n3A_2691 : f32 to vector<2048xf32>
      %mul3A_2701 = arith.mulf %mul3A_2700, %get3A_2699 : vector<2048xf32>
      %add3A_2702 = arith.addf %get3A_2695, %mul3A_2701 : vector<2048xf32>
      %swap3A_2703 = arith.index_cast %min3A_2682 : i32 to index
      %swap3A_2704 = arith.constant 0 : index
      %swap3A_2705 = vector.load %arg10[%swap3A_2703, %swap3A_2704] : memref<2048x2048xf32, #tpu.memory_space<vmem>>, vector<1x2048xf32>
      %swap3A_2706 = vector.shape_cast %swap3A_2705 : vector<1x2048xf32> to vector<2048xf32>
      %swap3A_2707 = vector.shape_cast %add3A_2702 : vector<2048xf32> to vector<1x2048xf32>
      tpu.vector_store %arg10[%swap3A_2703, %swap3A_2704], %swap3A_2707 {strides = array<i32>} : memref<2048x2048xf32, #tpu.memory_space<vmem>>, vector<1x2048xf32>,
      %add3A_2708 = arith.constant 48 : i32
      %add3A_2709 = arith.addi %mul3A_6, %add3A_2708 : i32
      %get3A_2710 = arith.index_cast %add3A_2709 : i32 to index
      %get3A_2711 = memref.load %arg4[%get3A_2710] : memref<8192xi32, #tpu.memory_space<smem>>
      %jit3A_2712 = arith.constant 0 : i32
      %jit3A_2713 = arith.constant 2047 : i32
      %max3A_2714 = arith.maxsi %jit3A_2712, %get3A_2711 : i32
      %min3A_2715 = arith.minsi %jit3A_2713, %max3A_2714 : i32
      %add3A_2716 = arith.constant 48 : i32
      %add3A_2717 = arith.addi %mul3A_6, %add3A_2716 : i32
      %lt3A_2718 = arith.cmpi slt, %add3A_2717, %get3A_8 : i32
      %add3A_2719 = arith.constant 48 : i32
      %add3A_2720 = arith.addi %mul3A_6, %add3A_2719 : i32
      %get3A_2721 = arith.index_cast %add3A_2720 : i32 to index
      %get3A_2722 = memref.load %arg5[%get3A_2721] : memref<8192xf32, #tpu.memory_space<smem>>
      %jit3A_2723 = arith.constant 0.000000e+00 : f32
      %select_n3A_2724 = arith.select %lt3A_2718, %get3A_2722, %jit3A_2723 : f32
      %get3A_2725 = arith.index_cast %min3A_2715 : i32 to index
      %get3A_2726 = arith.constant 0 : index
      %get3A_2727 = vector.load %arg10[%get3A_2725, %get3A_2726] : memref<2048x2048xf32, #tpu.memory_space<vmem>>, vector<1x2048xf32>
      %get3A_2728 = vector.shape_cast %get3A_2727 : vector<1x2048xf32> to vector<2048xf32>
      %get3A_2729 = arith.constant 48 : index
      %get3A_2730 = arith.constant 0 : index
      %get3A_2731 = vector.load %arg12[%get3A_2729, %get3A_2730] : memref<64x2048xf32, #tpu.memory_space<vmem>>, vector<1x2048xf32>
      %get3A_2732 = vector.shape_cast %get3A_2731 : vector<1x2048xf32> to vector<2048xf32>
      %mul3A_2733 = vector.broadcast %select_n3A_2724 : f32 to vector<2048xf32>
      %mul3A_2734 = arith.mulf %mul3A_2733, %get3A_2732 : vector<2048xf32>
      %add3A_2735 = arith.addf %get3A_2728, %mul3A_2734 : vector<2048xf32>
      %swap3A_2736 = arith.index_cast %min3A_2715 : i32 to index
      %swap3A_2737 = arith.constant 0 : index
      %swap3A_2738 = vector.load %arg10[%swap3A_2736, %swap3A_2737] : memref<2048x2048xf32, #tpu.memory_space<vmem>>, vector<1x2048xf32>
      %swap3A_2739 = vector.shape_cast %swap3A_2738 : vector<1x2048xf32> to vector<2048xf32>
      %swap3A_2740 = vector.shape_cast %add3A_2735 : vector<2048xf32> to vector<1x2048xf32>
      tpu.vector_store %arg10[%swap3A_2736, %swap3A_2737], %swap3A_2740 {strides = array<i32>} : memref<2048x2048xf32, #tpu.memory_space<vmem>>, vector<1x2048xf32>,
      %add3A_2741 = arith.constant 49 : i32
      %add3A_2742 = arith.addi %mul3A_6, %add3A_2741 : i32
      %get3A_2743 = arith.index_cast %add3A_2742 : i32 to index
      %get3A_2744 = memref.load %arg4[%get3A_2743] : memref<8192xi32, #tpu.memory_space<smem>>
      %jit3A_2745 = arith.constant 0 : i32
      %jit3A_2746 = arith.constant 2047 : i32
      %max3A_2747 = arith.maxsi %jit3A_2745, %get3A_2744 : i32
      %min3A_2748 = arith.minsi %jit3A_2746, %max3A_2747 : i32
      %add3A_2749 = arith.constant 49 : i32
      %add3A_2750 = arith.addi %mul3A_6, %add3A_2749 : i32
      %lt3A_2751 = arith.cmpi slt, %add3A_2750, %get3A_8 : i32
      %add3A_2752 = arith.constant 49 : i32
      %add3A_2753 = arith.addi %mul3A_6, %add3A_2752 : i32
      %get3A_2754 = arith.index_cast %add3A_2753 : i32 to index
      %get3A_2755 = memref.load %arg5[%get3A_2754] : memref<8192xf32, #tpu.memory_space<smem>>
      %jit3A_2756 = arith.constant 0.000000e+00 : f32
      %select_n3A_2757 = arith.select %lt3A_2751, %get3A_2755, %jit3A_2756 : f32
      %get3A_2758 = arith.index_cast %min3A_2748 : i32 to index
      %get3A_2759 = arith.constant 0 : index
      %get3A_2760 = vector.load %arg10[%get3A_2758, %get3A_2759] : memref<2048x2048xf32, #tpu.memory_space<vmem>>, vector<1x2048xf32>
      %get3A_2761 = vector.shape_cast %get3A_2760 : vector<1x2048xf32> to vector<2048xf32>
      %get3A_2762 = arith.constant 49 : index
      %get3A_2763 = arith.constant 0 : index
      %get3A_2764 = vector.load %arg12[%get3A_2762, %get3A_2763] : memref<64x2048xf32, #tpu.memory_space<vmem>>, vector<1x2048xf32>
      %get3A_2765 = vector.shape_cast %get3A_2764 : vector<1x2048xf32> to vector<2048xf32>
      %mul3A_2766 = vector.broadcast %select_n3A_2757 : f32 to vector<2048xf32>
      %mul3A_2767 = arith.mulf %mul3A_2766, %get3A_2765 : vector<2048xf32>
      %add3A_2768 = arith.addf %get3A_2761, %mul3A_2767 : vector<2048xf32>
      %swap3A_2769 = arith.index_cast %min3A_2748 : i32 to index
      %swap3A_2770 = arith.constant 0 : index
      %swap3A_2771 = vector.load %arg10[%swap3A_2769, %swap3A_2770] : memref<2048x2048xf32, #tpu.memory_space<vmem>>, vector<1x2048xf32>
      %swap3A_2772 = vector.shape_cast %swap3A_2771 : vector<1x2048xf32> to vector<2048xf32>
      %swap3A_2773 = vector.shape_cast %add3A_2768 : vector<2048xf32> to vector<1x2048xf32>
      tpu.vector_store %arg10[%swap3A_2769, %swap3A_2770], %swap3A_2773 {strides = array<i32>} : memref<2048x2048xf32, #tpu.memory_space<vmem>>, vector<1x2048xf32>,
      %add3A_2774 = arith.constant 50 : i32
      %add3A_2775 = arith.addi %mul3A_6, %add3A_2774 : i32
      %get3A_2776 = arith.index_cast %add3A_2775 : i32 to index
      %get3A_2777 = memref.load %arg4[%get3A_2776] : memref<8192xi32, #tpu.memory_space<smem>>
      %jit3A_2778 = arith.constant 0 : i32
      %jit3A_2779 = arith.constant 2047 : i32
      %max3A_2780 = arith.maxsi %jit3A_2778, %get3A_2777 : i32
      %min3A_2781 = arith.minsi %jit3A_2779, %max3A_2780 : i32
      %add3A_2782 = arith.constant 50 : i32
      %add3A_2783 = arith.addi %mul3A_6, %add3A_2782 : i32
      %lt3A_2784 = arith.cmpi slt, %add3A_2783, %get3A_8 : i32
      %add3A_2785 = arith.constant 50 : i32
      %add3A_2786 = arith.addi %mul3A_6, %add3A_2785 : i32
      %get3A_2787 = arith.index_cast %add3A_2786 : i32 to index
      %get3A_2788 = memref.load %arg5[%get3A_2787] : memref<8192xf32, #tpu.memory_space<smem>>
      %jit3A_2789 = arith.constant 0.000000e+00 : f32
      %select_n3A_2790 = arith.select %lt3A_2784, %get3A_2788, %jit3A_2789 : f32
      %get3A_2791 = arith.index_cast %min3A_2781 : i32 to index
      %get3A_2792 = arith.constant 0 : index
      %get3A_2793 = vector.load %arg10[%get3A_2791, %get3A_2792] : memref<2048x2048xf32, #tpu.memory_space<vmem>>, vector<1x2048xf32>
      %get3A_2794 = vector.shape_cast %get3A_2793 : vector<1x2048xf32> to vector<2048xf32>
      %get3A_2795 = arith.constant 50 : index
      %get3A_2796 = arith.constant 0 : index
      %get3A_2797 = vector.load %arg12[%get3A_2795, %get3A_2796] : memref<64x2048xf32, #tpu.memory_space<vmem>>, vector<1x2048xf32>
      %get3A_2798 = vector.shape_cast %get3A_2797 : vector<1x2048xf32> to vector<2048xf32>
      %mul3A_2799 = vector.broadcast %select_n3A_2790 : f32 to vector<2048xf32>
      %mul3A_2800 = arith.mulf %mul3A_2799, %get3A_2798 : vector<2048xf32>
      %add3A_2801 = arith.addf %get3A_2794, %mul3A_2800 : vector<2048xf32>
      %swap3A_2802 = arith.index_cast %min3A_2781 : i32 to index
      %swap3A_2803 = arith.constant 0 : index
      %swap3A_2804 = vector.load %arg10[%swap3A_2802, %swap3A_2803] : memref<2048x2048xf32, #tpu.memory_space<vmem>>, vector<1x2048xf32>
      %swap3A_2805 = vector.shape_cast %swap3A_2804 : vector<1x2048xf32> to vector<2048xf32>
      %swap3A_2806 = vector.shape_cast %add3A_2801 : vector<2048xf32> to vector<1x2048xf32>
      tpu.vector_store %arg10[%swap3A_2802, %swap3A_2803], %swap3A_2806 {strides = array<i32>} : memref<2048x2048xf32, #tpu.memory_space<vmem>>, vector<1x2048xf32>,
      %add3A_2807 = arith.constant 51 : i32
      %add3A_2808 = arith.addi %mul3A_6, %add3A_2807 : i32
      %get3A_2809 = arith.index_cast %add3A_2808 : i32 to index
      %get3A_2810 = memref.load %arg4[%get3A_2809] : memref<8192xi32, #tpu.memory_space<smem>>
      %jit3A_2811 = arith.constant 0 : i32
      %jit3A_2812 = arith.constant 2047 : i32
      %max3A_2813 = arith.maxsi %jit3A_2811, %get3A_2810 : i32
      %min3A_2814 = arith.minsi %jit3A_2812, %max3A_2813 : i32
      %add3A_2815 = arith.constant 51 : i32
      %add3A_2816 = arith.addi %mul3A_6, %add3A_2815 : i32
      %lt3A_2817 = arith.cmpi slt, %add3A_2816, %get3A_8 : i32
      %add3A_2818 = arith.constant 51 : i32
      %add3A_2819 = arith.addi %mul3A_6, %add3A_2818 : i32
      %get3A_2820 = arith.index_cast %add3A_2819 : i32 to index
      %get3A_2821 = memref.load %arg5[%get3A_2820] : memref<8192xf32, #tpu.memory_space<smem>>
      %jit3A_2822 = arith.constant 0.000000e+00 : f32
      %select_n3A_2823 = arith.select %lt3A_2817, %get3A_2821, %jit3A_2822 : f32
      %get3A_2824 = arith.index_cast %min3A_2814 : i32 to index
      %get3A_2825 = arith.constant 0 : index
      %get3A_2826 = vector.load %arg10[%get3A_2824, %get3A_2825] : memref<2048x2048xf32, #tpu.memory_space<vmem>>, vector<1x2048xf32>
      %get3A_2827 = vector.shape_cast %get3A_2826 : vector<1x2048xf32> to vector<2048xf32>
      %get3A_2828 = arith.constant 51 : index
      %get3A_2829 = arith.constant 0 : index
      %get3A_2830 = vector.load %arg12[%get3A_2828, %get3A_2829] : memref<64x2048xf32, #tpu.memory_space<vmem>>, vector<1x2048xf32>
      %get3A_2831 = vector.shape_cast %get3A_2830 : vector<1x2048xf32> to vector<2048xf32>
      %mul3A_2832 = vector.broadcast %select_n3A_2823 : f32 to vector<2048xf32>
      %mul3A_2833 = arith.mulf %mul3A_2832, %get3A_2831 : vector<2048xf32>
      %add3A_2834 = arith.addf %get3A_2827, %mul3A_2833 : vector<2048xf32>
      %swap3A_2835 = arith.index_cast %min3A_2814 : i32 to index
      %swap3A_2836 = arith.constant 0 : index
      %swap3A_2837 = vector.load %arg10[%swap3A_2835, %swap3A_2836] : memref<2048x2048xf32, #tpu.memory_space<vmem>>, vector<1x2048xf32>
      %swap3A_2838 = vector.shape_cast %swap3A_2837 : vector<1x2048xf32> to vector<2048xf32>
      %swap3A_2839 = vector.shape_cast %add3A_2834 : vector<2048xf32> to vector<1x2048xf32>
      tpu.vector_store %arg10[%swap3A_2835, %swap3A_2836], %swap3A_2839 {strides = array<i32>} : memref<2048x2048xf32, #tpu.memory_space<vmem>>, vector<1x2048xf32>,
      %add3A_2840 = arith.constant 52 : i32
      %add3A_2841 = arith.addi %mul3A_6, %add3A_2840 : i32
      %get3A_2842 = arith.index_cast %add3A_2841 : i32 to index
      %get3A_2843 = memref.load %arg4[%get3A_2842] : memref<8192xi32, #tpu.memory_space<smem>>
      %jit3A_2844 = arith.constant 0 : i32
      %jit3A_2845 = arith.constant 2047 : i32
      %max3A_2846 = arith.maxsi %jit3A_2844, %get3A_2843 : i32
      %min3A_2847 = arith.minsi %jit3A_2845, %max3A_2846 : i32
      %add3A_2848 = arith.constant 52 : i32
      %add3A_2849 = arith.addi %mul3A_6, %add3A_2848 : i32
      %lt3A_2850 = arith.cmpi slt, %add3A_2849, %get3A_8 : i32
      %add3A_2851 = arith.constant 52 : i32
      %add3A_2852 = arith.addi %mul3A_6, %add3A_2851 : i32
      %get3A_2853 = arith.index_cast %add3A_2852 : i32 to index
      %get3A_2854 = memref.load %arg5[%get3A_2853] : memref<8192xf32, #tpu.memory_space<smem>>
      %jit3A_2855 = arith.constant 0.000000e+00 : f32
      %select_n3A_2856 = arith.select %lt3A_2850, %get3A_2854, %jit3A_2855 : f32
      %get3A_2857 = arith.index_cast %min3A_2847 : i32 to index
      %get3A_2858 = arith.constant 0 : index
      %get3A_2859 = vector.load %arg10[%get3A_2857, %get3A_2858] : memref<2048x2048xf32, #tpu.memory_space<vmem>>, vector<1x2048xf32>
      %get3A_2860 = vector.shape_cast %get3A_2859 : vector<1x2048xf32> to vector<2048xf32>
      %get3A_2861 = arith.constant 52 : index
      %get3A_2862 = arith.constant 0 : index
      %get3A_2863 = vector.load %arg12[%get3A_2861, %get3A_2862] : memref<64x2048xf32, #tpu.memory_space<vmem>>, vector<1x2048xf32>
      %get3A_2864 = vector.shape_cast %get3A_2863 : vector<1x2048xf32> to vector<2048xf32>
      %mul3A_2865 = vector.broadcast %select_n3A_2856 : f32 to vector<2048xf32>
      %mul3A_2866 = arith.mulf %mul3A_2865, %get3A_2864 : vector<2048xf32>
      %add3A_2867 = arith.addf %get3A_2860, %mul3A_2866 : vector<2048xf32>
      %swap3A_2868 = arith.index_cast %min3A_2847 : i32 to index
      %swap3A_2869 = arith.constant 0 : index
      %swap3A_2870 = vector.load %arg10[%swap3A_2868, %swap3A_2869] : memref<2048x2048xf32, #tpu.memory_space<vmem>>, vector<1x2048xf32>
      %swap3A_2871 = vector.shape_cast %swap3A_2870 : vector<1x2048xf32> to vector<2048xf32>
      %swap3A_2872 = vector.shape_cast %add3A_2867 : vector<2048xf32> to vector<1x2048xf32>
      tpu.vector_store %arg10[%swap3A_2868, %swap3A_2869], %swap3A_2872 {strides = array<i32>} : memref<2048x2048xf32, #tpu.memory_space<vmem>>, vector<1x2048xf32>,
      %add3A_2873 = arith.constant 53 : i32
      %add3A_2874 = arith.addi %mul3A_6, %add3A_2873 : i32
      %get3A_2875 = arith.index_cast %add3A_2874 : i32 to index
      %get3A_2876 = memref.load %arg4[%get3A_2875] : memref<8192xi32, #tpu.memory_space<smem>>
      %jit3A_2877 = arith.constant 0 : i32
      %jit3A_2878 = arith.constant 2047 : i32
      %max3A_2879 = arith.maxsi %jit3A_2877, %get3A_2876 : i32
      %min3A_2880 = arith.minsi %jit3A_2878, %max3A_2879 : i32
      %add3A_2881 = arith.constant 53 : i32
      %add3A_2882 = arith.addi %mul3A_6, %add3A_2881 : i32
      %lt3A_2883 = arith.cmpi slt, %add3A_2882, %get3A_8 : i32
      %add3A_2884 = arith.constant 53 : i32
      %add3A_2885 = arith.addi %mul3A_6, %add3A_2884 : i32
      %get3A_2886 = arith.index_cast %add3A_2885 : i32 to index
      %get3A_2887 = memref.load %arg5[%get3A_2886] : memref<8192xf32, #tpu.memory_space<smem>>
      %jit3A_2888 = arith.constant 0.000000e+00 : f32
      %select_n3A_2889 = arith.select %lt3A_2883, %get3A_2887, %jit3A_2888 : f32
      %get3A_2890 = arith.index_cast %min3A_2880 : i32 to index
      %get3A_2891 = arith.constant 0 : index
      %get3A_2892 = vector.load %arg10[%get3A_2890, %get3A_2891] : memref<2048x2048xf32, #tpu.memory_space<vmem>>, vector<1x2048xf32>
      %get3A_2893 = vector.shape_cast %get3A_2892 : vector<1x2048xf32> to vector<2048xf32>
      %get3A_2894 = arith.constant 53 : index
      %get3A_2895 = arith.constant 0 : index
      %get3A_2896 = vector.load %arg12[%get3A_2894, %get3A_2895] : memref<64x2048xf32, #tpu.memory_space<vmem>>, vector<1x2048xf32>
      %get3A_2897 = vector.shape_cast %get3A_2896 : vector<1x2048xf32> to vector<2048xf32>
      %mul3A_2898 = vector.broadcast %select_n3A_2889 : f32 to vector<2048xf32>
      %mul3A_2899 = arith.mulf %mul3A_2898, %get3A_2897 : vector<2048xf32>
      %add3A_2900 = arith.addf %get3A_2893, %mul3A_2899 : vector<2048xf32>
      %swap3A_2901 = arith.index_cast %min3A_2880 : i32 to index
      %swap3A_2902 = arith.constant 0 : index
      %swap3A_2903 = vector.load %arg10[%swap3A_2901, %swap3A_2902] : memref<2048x2048xf32, #tpu.memory_space<vmem>>, vector<1x2048xf32>
      %swap3A_2904 = vector.shape_cast %swap3A_2903 : vector<1x2048xf32> to vector<2048xf32>
      %swap3A_2905 = vector.shape_cast %add3A_2900 : vector<2048xf32> to vector<1x2048xf32>
      tpu.vector_store %arg10[%swap3A_2901, %swap3A_2902], %swap3A_2905 {strides = array<i32>} : memref<2048x2048xf32, #tpu.memory_space<vmem>>, vector<1x2048xf32>,
      %add3A_2906 = arith.constant 54 : i32
      %add3A_2907 = arith.addi %mul3A_6, %add3A_2906 : i32
      %get3A_2908 = arith.index_cast %add3A_2907 : i32 to index
      %get3A_2909 = memref.load %arg4[%get3A_2908] : memref<8192xi32, #tpu.memory_space<smem>>
      %jit3A_2910 = arith.constant 0 : i32
      %jit3A_2911 = arith.constant 2047 : i32
      %max3A_2912 = arith.maxsi %jit3A_2910, %get3A_2909 : i32
      %min3A_2913 = arith.minsi %jit3A_2911, %max3A_2912 : i32
      %add3A_2914 = arith.constant 54 : i32
      %add3A_2915 = arith.addi %mul3A_6, %add3A_2914 : i32
      %lt3A_2916 = arith.cmpi slt, %add3A_2915, %get3A_8 : i32
      %add3A_2917 = arith.constant 54 : i32
      %add3A_2918 = arith.addi %mul3A_6, %add3A_2917 : i32
      %get3A_2919 = arith.index_cast %add3A_2918 : i32 to index
      %get3A_2920 = memref.load %arg5[%get3A_2919] : memref<8192xf32, #tpu.memory_space<smem>>
      %jit3A_2921 = arith.constant 0.000000e+00 : f32
      %select_n3A_2922 = arith.select %lt3A_2916, %get3A_2920, %jit3A_2921 : f32
      %get3A_2923 = arith.index_cast %min3A_2913 : i32 to index
      %get3A_2924 = arith.constant 0 : index
      %get3A_2925 = vector.load %arg10[%get3A_2923, %get3A_2924] : memref<2048x2048xf32, #tpu.memory_space<vmem>>, vector<1x2048xf32>
      %get3A_2926 = vector.shape_cast %get3A_2925 : vector<1x2048xf32> to vector<2048xf32>
      %get3A_2927 = arith.constant 54 : index
      %get3A_2928 = arith.constant 0 : index
      %get3A_2929 = vector.load %arg12[%get3A_2927, %get3A_2928] : memref<64x2048xf32, #tpu.memory_space<vmem>>, vector<1x2048xf32>
      %get3A_2930 = vector.shape_cast %get3A_2929 : vector<1x2048xf32> to vector<2048xf32>
      %mul3A_2931 = vector.broadcast %select_n3A_2922 : f32 to vector<2048xf32>
      %mul3A_2932 = arith.mulf %mul3A_2931, %get3A_2930 : vector<2048xf32>
      %add3A_2933 = arith.addf %get3A_2926, %mul3A_2932 : vector<2048xf32>
      %swap3A_2934 = arith.index_cast %min3A_2913 : i32 to index
      %swap3A_2935 = arith.constant 0 : index
      %swap3A_2936 = vector.load %arg10[%swap3A_2934, %swap3A_2935] : memref<2048x2048xf32, #tpu.memory_space<vmem>>, vector<1x2048xf32>
      %swap3A_2937 = vector.shape_cast %swap3A_2936 : vector<1x2048xf32> to vector<2048xf32>
      %swap3A_2938 = vector.shape_cast %add3A_2933 : vector<2048xf32> to vector<1x2048xf32>
      tpu.vector_store %arg10[%swap3A_2934, %swap3A_2935], %swap3A_2938 {strides = array<i32>} : memref<2048x2048xf32, #tpu.memory_space<vmem>>, vector<1x2048xf32>,
      %add3A_2939 = arith.constant 55 : i32
      %add3A_2940 = arith.addi %mul3A_6, %add3A_2939 : i32
      %get3A_2941 = arith.index_cast %add3A_2940 : i32 to index
      %get3A_2942 = memref.load %arg4[%get3A_2941] : memref<8192xi32, #tpu.memory_space<smem>>
      %jit3A_2943 = arith.constant 0 : i32
      %jit3A_2944 = arith.constant 2047 : i32
      %max3A_2945 = arith.maxsi %jit3A_2943, %get3A_2942 : i32
      %min3A_2946 = arith.minsi %jit3A_2944, %max3A_2945 : i32
      %add3A_2947 = arith.constant 55 : i32
      %add3A_2948 = arith.addi %mul3A_6, %add3A_2947 : i32
      %lt3A_2949 = arith.cmpi slt, %add3A_2948, %get3A_8 : i32
      %add3A_2950 = arith.constant 55 : i32
      %add3A_2951 = arith.addi %mul3A_6, %add3A_2950 : i32
      %get3A_2952 = arith.index_cast %add3A_2951 : i32 to index
      %get3A_2953 = memref.load %arg5[%get3A_2952] : memref<8192xf32, #tpu.memory_space<smem>>
      %jit3A_2954 = arith.constant 0.000000e+00 : f32
      %select_n3A_2955 = arith.select %lt3A_2949, %get3A_2953, %jit3A_2954 : f32
      %get3A_2956 = arith.index_cast %min3A_2946 : i32 to index
      %get3A_2957 = arith.constant 0 : index
      %get3A_2958 = vector.load %arg10[%get3A_2956, %get3A_2957] : memref<2048x2048xf32, #tpu.memory_space<vmem>>, vector<1x2048xf32>
      %get3A_2959 = vector.shape_cast %get3A_2958 : vector<1x2048xf32> to vector<2048xf32>
      %get3A_2960 = arith.constant 55 : index
      %get3A_2961 = arith.constant 0 : index
      %get3A_2962 = vector.load %arg12[%get3A_2960, %get3A_2961] : memref<64x2048xf32, #tpu.memory_space<vmem>>, vector<1x2048xf32>
      %get3A_2963 = vector.shape_cast %get3A_2962 : vector<1x2048xf32> to vector<2048xf32>
      %mul3A_2964 = vector.broadcast %select_n3A_2955 : f32 to vector<2048xf32>
      %mul3A_2965 = arith.mulf %mul3A_2964, %get3A_2963 : vector<2048xf32>
      %add3A_2966 = arith.addf %get3A_2959, %mul3A_2965 : vector<2048xf32>
      %swap3A_2967 = arith.index_cast %min3A_2946 : i32 to index
      %swap3A_2968 = arith.constant 0 : index
      %swap3A_2969 = vector.load %arg10[%swap3A_2967, %swap3A_2968] : memref<2048x2048xf32, #tpu.memory_space<vmem>>, vector<1x2048xf32>
      %swap3A_2970 = vector.shape_cast %swap3A_2969 : vector<1x2048xf32> to vector<2048xf32>
      %swap3A_2971 = vector.shape_cast %add3A_2966 : vector<2048xf32> to vector<1x2048xf32>
      tpu.vector_store %arg10[%swap3A_2967, %swap3A_2968], %swap3A_2971 {strides = array<i32>} : memref<2048x2048xf32, #tpu.memory_space<vmem>>, vector<1x2048xf32>,
      %add3A_2972 = arith.constant 56 : i32
      %add3A_2973 = arith.addi %mul3A_6, %add3A_2972 : i32
      %get3A_2974 = arith.index_cast %add3A_2973 : i32 to index
      %get3A_2975 = memref.load %arg4[%get3A_2974] : memref<8192xi32, #tpu.memory_space<smem>>
      %jit3A_2976 = arith.constant 0 : i32
      %jit3A_2977 = arith.constant 2047 : i32
      %max3A_2978 = arith.maxsi %jit3A_2976, %get3A_2975 : i32
      %min3A_2979 = arith.minsi %jit3A_2977, %max3A_2978 : i32
      %add3A_2980 = arith.constant 56 : i32
      %add3A_2981 = arith.addi %mul3A_6, %add3A_2980 : i32
      %lt3A_2982 = arith.cmpi slt, %add3A_2981, %get3A_8 : i32
      %add3A_2983 = arith.constant 56 : i32
      %add3A_2984 = arith.addi %mul3A_6, %add3A_2983 : i32
      %get3A_2985 = arith.index_cast %add3A_2984 : i32 to index
      %get3A_2986 = memref.load %arg5[%get3A_2985] : memref<8192xf32, #tpu.memory_space<smem>>
      %jit3A_2987 = arith.constant 0.000000e+00 : f32
      %select_n3A_2988 = arith.select %lt3A_2982, %get3A_2986, %jit3A_2987 : f32
      %get3A_2989 = arith.index_cast %min3A_2979 : i32 to index
      %get3A_2990 = arith.constant 0 : index
      %get3A_2991 = vector.load %arg10[%get3A_2989, %get3A_2990] : memref<2048x2048xf32, #tpu.memory_space<vmem>>, vector<1x2048xf32>
      %get3A_2992 = vector.shape_cast %get3A_2991 : vector<1x2048xf32> to vector<2048xf32>
      %get3A_2993 = arith.constant 56 : index
      %get3A_2994 = arith.constant 0 : index
      %get3A_2995 = vector.load %arg12[%get3A_2993, %get3A_2994] : memref<64x2048xf32, #tpu.memory_space<vmem>>, vector<1x2048xf32>
      %get3A_2996 = vector.shape_cast %get3A_2995 : vector<1x2048xf32> to vector<2048xf32>
      %mul3A_2997 = vector.broadcast %select_n3A_2988 : f32 to vector<2048xf32>
      %mul3A_2998 = arith.mulf %mul3A_2997, %get3A_2996 : vector<2048xf32>
      %add3A_2999 = arith.addf %get3A_2992, %mul3A_2998 : vector<2048xf32>
      %swap3A_3000 = arith.index_cast %min3A_2979 : i32 to index
      %swap3A_3001 = arith.constant 0 : index
      %swap3A_3002 = vector.load %arg10[%swap3A_3000, %swap3A_3001] : memref<2048x2048xf32, #tpu.memory_space<vmem>>, vector<1x2048xf32>
      %swap3A_3003 = vector.shape_cast %swap3A_3002 : vector<1x2048xf32> to vector<2048xf32>
      %swap3A_3004 = vector.shape_cast %add3A_2999 : vector<2048xf32> to vector<1x2048xf32>
      tpu.vector_store %arg10[%swap3A_3000, %swap3A_3001], %swap3A_3004 {strides = array<i32>} : memref<2048x2048xf32, #tpu.memory_space<vmem>>, vector<1x2048xf32>,
      %add3A_3005 = arith.constant 57 : i32
      %add3A_3006 = arith.addi %mul3A_6, %add3A_3005 : i32
      %get3A_3007 = arith.index_cast %add3A_3006 : i32 to index
      %get3A_3008 = memref.load %arg4[%get3A_3007] : memref<8192xi32, #tpu.memory_space<smem>>
      %jit3A_3009 = arith.constant 0 : i32
      %jit3A_3010 = arith.constant 2047 : i32
      %max3A_3011 = arith.maxsi %jit3A_3009, %get3A_3008 : i32
      %min3A_3012 = arith.minsi %jit3A_3010, %max3A_3011 : i32
      %add3A_3013 = arith.constant 57 : i32
      %add3A_3014 = arith.addi %mul3A_6, %add3A_3013 : i32
      %lt3A_3015 = arith.cmpi slt, %add3A_3014, %get3A_8 : i32
      %add3A_3016 = arith.constant 57 : i32
      %add3A_3017 = arith.addi %mul3A_6, %add3A_3016 : i32
      %get3A_3018 = arith.index_cast %add3A_3017 : i32 to index
      %get3A_3019 = memref.load %arg5[%get3A_3018] : memref<8192xf32, #tpu.memory_space<smem>>
      %jit3A_3020 = arith.constant 0.000000e+00 : f32
      %select_n3A_3021 = arith.select %lt3A_3015, %get3A_3019, %jit3A_3020 : f32
      %get3A_3022 = arith.index_cast %min3A_3012 : i32 to index
      %get3A_3023 = arith.constant 0 : index
      %get3A_3024 = vector.load %arg10[%get3A_3022, %get3A_3023] : memref<2048x2048xf32, #tpu.memory_space<vmem>>, vector<1x2048xf32>
      %get3A_3025 = vector.shape_cast %get3A_3024 : vector<1x2048xf32> to vector<2048xf32>
      %get3A_3026 = arith.constant 57 : index
      %get3A_3027 = arith.constant 0 : index
      %get3A_3028 = vector.load %arg12[%get3A_3026, %get3A_3027] : memref<64x2048xf32, #tpu.memory_space<vmem>>, vector<1x2048xf32>
      %get3A_3029 = vector.shape_cast %get3A_3028 : vector<1x2048xf32> to vector<2048xf32>
      %mul3A_3030 = vector.broadcast %select_n3A_3021 : f32 to vector<2048xf32>
      %mul3A_3031 = arith.mulf %mul3A_3030, %get3A_3029 : vector<2048xf32>
      %add3A_3032 = arith.addf %get3A_3025, %mul3A_3031 : vector<2048xf32>
      %swap3A_3033 = arith.index_cast %min3A_3012 : i32 to index
      %swap3A_3034 = arith.constant 0 : index
      %swap3A_3035 = vector.load %arg10[%swap3A_3033, %swap3A_3034] : memref<2048x2048xf32, #tpu.memory_space<vmem>>, vector<1x2048xf32>
      %swap3A_3036 = vector.shape_cast %swap3A_3035 : vector<1x2048xf32> to vector<2048xf32>
      %swap3A_3037 = vector.shape_cast %add3A_3032 : vector<2048xf32> to vector<1x2048xf32>
      tpu.vector_store %arg10[%swap3A_3033, %swap3A_3034], %swap3A_3037 {strides = array<i32>} : memref<2048x2048xf32, #tpu.memory_space<vmem>>, vector<1x2048xf32>,
      %add3A_3038 = arith.constant 58 : i32
      %add3A_3039 = arith.addi %mul3A_6, %add3A_3038 : i32
      %get3A_3040 = arith.index_cast %add3A_3039 : i32 to index
      %get3A_3041 = memref.load %arg4[%get3A_3040] : memref<8192xi32, #tpu.memory_space<smem>>
      %jit3A_3042 = arith.constant 0 : i32
      %jit3A_3043 = arith.constant 2047 : i32
      %max3A_3044 = arith.maxsi %jit3A_3042, %get3A_3041 : i32
      %min3A_3045 = arith.minsi %jit3A_3043, %max3A_3044 : i32
      %add3A_3046 = arith.constant 58 : i32
      %add3A_3047 = arith.addi %mul3A_6, %add3A_3046 : i32
      %lt3A_3048 = arith.cmpi slt, %add3A_3047, %get3A_8 : i32
      %add3A_3049 = arith.constant 58 : i32
      %add3A_3050 = arith.addi %mul3A_6, %add3A_3049 : i32
      %get3A_3051 = arith.index_cast %add3A_3050 : i32 to index
      %get3A_3052 = memref.load %arg5[%get3A_3051] : memref<8192xf32, #tpu.memory_space<smem>>
      %jit3A_3053 = arith.constant 0.000000e+00 : f32
      %select_n3A_3054 = arith.select %lt3A_3048, %get3A_3052, %jit3A_3053 : f32
      %get3A_3055 = arith.index_cast %min3A_3045 : i32 to index
      %get3A_3056 = arith.constant 0 : index
      %get3A_3057 = vector.load %arg10[%get3A_3055, %get3A_3056] : memref<2048x2048xf32, #tpu.memory_space<vmem>>, vector<1x2048xf32>
      %get3A_3058 = vector.shape_cast %get3A_3057 : vector<1x2048xf32> to vector<2048xf32>
      %get3A_3059 = arith.constant 58 : index
      %get3A_3060 = arith.constant 0 : index
      %get3A_3061 = vector.load %arg12[%get3A_3059, %get3A_3060] : memref<64x2048xf32, #tpu.memory_space<vmem>>, vector<1x2048xf32>
      %get3A_3062 = vector.shape_cast %get3A_3061 : vector<1x2048xf32> to vector<2048xf32>
      %mul3A_3063 = vector.broadcast %select_n3A_3054 : f32 to vector<2048xf32>
      %mul3A_3064 = arith.mulf %mul3A_3063, %get3A_3062 : vector<2048xf32>
      %add3A_3065 = arith.addf %get3A_3058, %mul3A_3064 : vector<2048xf32>
      %swap3A_3066 = arith.index_cast %min3A_3045 : i32 to index
      %swap3A_3067 = arith.constant 0 : index
      %swap3A_3068 = vector.load %arg10[%swap3A_3066, %swap3A_3067] : memref<2048x2048xf32, #tpu.memory_space<vmem>>, vector<1x2048xf32>
      %swap3A_3069 = vector.shape_cast %swap3A_3068 : vector<1x2048xf32> to vector<2048xf32>
      %swap3A_3070 = vector.shape_cast %add3A_3065 : vector<2048xf32> to vector<1x2048xf32>
      tpu.vector_store %arg10[%swap3A_3066, %swap3A_3067], %swap3A_3070 {strides = array<i32>} : memref<2048x2048xf32, #tpu.memory_space<vmem>>, vector<1x2048xf32>,
      %add3A_3071 = arith.constant 59 : i32
      %add3A_3072 = arith.addi %mul3A_6, %add3A_3071 : i32
      %get3A_3073 = arith.index_cast %add3A_3072 : i32 to index
      %get3A_3074 = memref.load %arg4[%get3A_3073] : memref<8192xi32, #tpu.memory_space<smem>>
      %jit3A_3075 = arith.constant 0 : i32
      %jit3A_3076 = arith.constant 2047 : i32
      %max3A_3077 = arith.maxsi %jit3A_3075, %get3A_3074 : i32
      %min3A_3078 = arith.minsi %jit3A_3076, %max3A_3077 : i32
      %add3A_3079 = arith.constant 59 : i32
      %add3A_3080 = arith.addi %mul3A_6, %add3A_3079 : i32
      %lt3A_3081 = arith.cmpi slt, %add3A_3080, %get3A_8 : i32
      %add3A_3082 = arith.constant 59 : i32
      %add3A_3083 = arith.addi %mul3A_6, %add3A_3082 : i32
      %get3A_3084 = arith.index_cast %add3A_3083 : i32 to index
      %get3A_3085 = memref.load %arg5[%get3A_3084] : memref<8192xf32, #tpu.memory_space<smem>>
      %jit3A_3086 = arith.constant 0.000000e+00 : f32
      %select_n3A_3087 = arith.select %lt3A_3081, %get3A_3085, %jit3A_3086 : f32
      %get3A_3088 = arith.index_cast %min3A_3078 : i32 to index
      %get3A_3089 = arith.constant 0 : index
      %get3A_3090 = vector.load %arg10[%get3A_3088, %get3A_3089] : memref<2048x2048xf32, #tpu.memory_space<vmem>>, vector<1x2048xf32>
      %get3A_3091 = vector.shape_cast %get3A_3090 : vector<1x2048xf32> to vector<2048xf32>
      %get3A_3092 = arith.constant 59 : index
      %get3A_3093 = arith.constant 0 : index
      %get3A_3094 = vector.load %arg12[%get3A_3092, %get3A_3093] : memref<64x2048xf32, #tpu.memory_space<vmem>>, vector<1x2048xf32>
      %get3A_3095 = vector.shape_cast %get3A_3094 : vector<1x2048xf32> to vector<2048xf32>
      %mul3A_3096 = vector.broadcast %select_n3A_3087 : f32 to vector<2048xf32>
      %mul3A_3097 = arith.mulf %mul3A_3096, %get3A_3095 : vector<2048xf32>
      %add3A_3098 = arith.addf %get3A_3091, %mul3A_3097 : vector<2048xf32>
      %swap3A_3099 = arith.index_cast %min3A_3078 : i32 to index
      %swap3A_3100 = arith.constant 0 : index
      %swap3A_3101 = vector.load %arg10[%swap3A_3099, %swap3A_3100] : memref<2048x2048xf32, #tpu.memory_space<vmem>>, vector<1x2048xf32>
      %swap3A_3102 = vector.shape_cast %swap3A_3101 : vector<1x2048xf32> to vector<2048xf32>
      %swap3A_3103 = vector.shape_cast %add3A_3098 : vector<2048xf32> to vector<1x2048xf32>
      tpu.vector_store %arg10[%swap3A_3099, %swap3A_3100], %swap3A_3103 {strides = array<i32>} : memref<2048x2048xf32, #tpu.memory_space<vmem>>, vector<1x2048xf32>,
      %add3A_3104 = arith.constant 60 : i32
      %add3A_3105 = arith.addi %mul3A_6, %add3A_3104 : i32
      %get3A_3106 = arith.index_cast %add3A_3105 : i32 to index
      %get3A_3107 = memref.load %arg4[%get3A_3106] : memref<8192xi32, #tpu.memory_space<smem>>
      %jit3A_3108 = arith.constant 0 : i32
      %jit3A_3109 = arith.constant 2047 : i32
      %max3A_3110 = arith.maxsi %jit3A_3108, %get3A_3107 : i32
      %min3A_3111 = arith.minsi %jit3A_3109, %max3A_3110 : i32
      %add3A_3112 = arith.constant 60 : i32
      %add3A_3113 = arith.addi %mul3A_6, %add3A_3112 : i32
      %lt3A_3114 = arith.cmpi slt, %add3A_3113, %get3A_8 : i32
      %add3A_3115 = arith.constant 60 : i32
      %add3A_3116 = arith.addi %mul3A_6, %add3A_3115 : i32
      %get3A_3117 = arith.index_cast %add3A_3116 : i32 to index
      %get3A_3118 = memref.load %arg5[%get3A_3117] : memref<8192xf32, #tpu.memory_space<smem>>
      %jit3A_3119 = arith.constant 0.000000e+00 : f32
      %select_n3A_3120 = arith.select %lt3A_3114, %get3A_3118, %jit3A_3119 : f32
      %get3A_3121 = arith.index_cast %min3A_3111 : i32 to index
      %get3A_3122 = arith.constant 0 : index
      %get3A_3123 = vector.load %arg10[%get3A_3121, %get3A_3122] : memref<2048x2048xf32, #tpu.memory_space<vmem>>, vector<1x2048xf32>
      %get3A_3124 = vector.shape_cast %get3A_3123 : vector<1x2048xf32> to vector<2048xf32>
      %get3A_3125 = arith.constant 60 : index
      %get3A_3126 = arith.constant 0 : index
      %get3A_3127 = vector.load %arg12[%get3A_3125, %get3A_3126] : memref<64x2048xf32, #tpu.memory_space<vmem>>, vector<1x2048xf32>
      %get3A_3128 = vector.shape_cast %get3A_3127 : vector<1x2048xf32> to vector<2048xf32>
      %mul3A_3129 = vector.broadcast %select_n3A_3120 : f32 to vector<2048xf32>
      %mul3A_3130 = arith.mulf %mul3A_3129, %get3A_3128 : vector<2048xf32>
      %add3A_3131 = arith.addf %get3A_3124, %mul3A_3130 : vector<2048xf32>
      %swap3A_3132 = arith.index_cast %min3A_3111 : i32 to index
      %swap3A_3133 = arith.constant 0 : index
      %swap3A_3134 = vector.load %arg10[%swap3A_3132, %swap3A_3133] : memref<2048x2048xf32, #tpu.memory_space<vmem>>, vector<1x2048xf32>
      %swap3A_3135 = vector.shape_cast %swap3A_3134 : vector<1x2048xf32> to vector<2048xf32>
      %swap3A_3136 = vector.shape_cast %add3A_3131 : vector<2048xf32> to vector<1x2048xf32>
      tpu.vector_store %arg10[%swap3A_3132, %swap3A_3133], %swap3A_3136 {strides = array<i32>} : memref<2048x2048xf32, #tpu.memory_space<vmem>>, vector<1x2048xf32>,
      %add3A_3137 = arith.constant 61 : i32
      %add3A_3138 = arith.addi %mul3A_6, %add3A_3137 : i32
      %get3A_3139 = arith.index_cast %add3A_3138 : i32 to index
      %get3A_3140 = memref.load %arg4[%get3A_3139] : memref<8192xi32, #tpu.memory_space<smem>>
      %jit3A_3141 = arith.constant 0 : i32
      %jit3A_3142 = arith.constant 2047 : i32
      %max3A_3143 = arith.maxsi %jit3A_3141, %get3A_3140 : i32
      %min3A_3144 = arith.minsi %jit3A_3142, %max3A_3143 : i32
      %add3A_3145 = arith.constant 61 : i32
      %add3A_3146 = arith.addi %mul3A_6, %add3A_3145 : i32
      %lt3A_3147 = arith.cmpi slt, %add3A_3146, %get3A_8 : i32
      %add3A_3148 = arith.constant 61 : i32
      %add3A_3149 = arith.addi %mul3A_6, %add3A_3148 : i32
      %get3A_3150 = arith.index_cast %add3A_3149 : i32 to index
      %get3A_3151 = memref.load %arg5[%get3A_3150] : memref<8192xf32, #tpu.memory_space<smem>>
      %jit3A_3152 = arith.constant 0.000000e+00 : f32
      %select_n3A_3153 = arith.select %lt3A_3147, %get3A_3151, %jit3A_3152 : f32
      %get3A_3154 = arith.index_cast %min3A_3144 : i32 to index
      %get3A_3155 = arith.constant 0 : index
      %get3A_3156 = vector.load %arg10[%get3A_3154, %get3A_3155] : memref<2048x2048xf32, #tpu.memory_space<vmem>>, vector<1x2048xf32>
      %get3A_3157 = vector.shape_cast %get3A_3156 : vector<1x2048xf32> to vector<2048xf32>
      %get3A_3158 = arith.constant 61 : index
      %get3A_3159 = arith.constant 0 : index
      %get3A_3160 = vector.load %arg12[%get3A_3158, %get3A_3159] : memref<64x2048xf32, #tpu.memory_space<vmem>>, vector<1x2048xf32>
      %get3A_3161 = vector.shape_cast %get3A_3160 : vector<1x2048xf32> to vector<2048xf32>
      %mul3A_3162 = vector.broadcast %select_n3A_3153 : f32 to vector<2048xf32>
      %mul3A_3163 = arith.mulf %mul3A_3162, %get3A_3161 : vector<2048xf32>
      %add3A_3164 = arith.addf %get3A_3157, %mul3A_3163 : vector<2048xf32>
      %swap3A_3165 = arith.index_cast %min3A_3144 : i32 to index
      %swap3A_3166 = arith.constant 0 : index
      %swap3A_3167 = vector.load %arg10[%swap3A_3165, %swap3A_3166] : memref<2048x2048xf32, #tpu.memory_space<vmem>>, vector<1x2048xf32>
      %swap3A_3168 = vector.shape_cast %swap3A_3167 : vector<1x2048xf32> to vector<2048xf32>
      %swap3A_3169 = vector.shape_cast %add3A_3164 : vector<2048xf32> to vector<1x2048xf32>
      tpu.vector_store %arg10[%swap3A_3165, %swap3A_3166], %swap3A_3169 {strides = array<i32>} : memref<2048x2048xf32, #tpu.memory_space<vmem>>, vector<1x2048xf32>,
      %add3A_3170 = arith.constant 62 : i32
      %add3A_3171 = arith.addi %mul3A_6, %add3A_3170 : i32
      %get3A_3172 = arith.index_cast %add3A_3171 : i32 to index
      %get3A_3173 = memref.load %arg4[%get3A_3172] : memref<8192xi32, #tpu.memory_space<smem>>
      %jit3A_3174 = arith.constant 0 : i32
      %jit3A_3175 = arith.constant 2047 : i32
      %max3A_3176 = arith.maxsi %jit3A_3174, %get3A_3173 : i32
      %min3A_3177 = arith.minsi %jit3A_3175, %max3A_3176 : i32
      %add3A_3178 = arith.constant 62 : i32
      %add3A_3179 = arith.addi %mul3A_6, %add3A_3178 : i32
      %lt3A_3180 = arith.cmpi slt, %add3A_3179, %get3A_8 : i32
      %add3A_3181 = arith.constant 62 : i32
      %add3A_3182 = arith.addi %mul3A_6, %add3A_3181 : i32
      %get3A_3183 = arith.index_cast %add3A_3182 : i32 to index
      %get3A_3184 = memref.load %arg5[%get3A_3183] : memref<8192xf32, #tpu.memory_space<smem>>
      %jit3A_3185 = arith.constant 0.000000e+00 : f32
      %select_n3A_3186 = arith.select %lt3A_3180, %get3A_3184, %jit3A_3185 : f32
      %get3A_3187 = arith.index_cast %min3A_3177 : i32 to index
      %get3A_3188 = arith.constant 0 : index
      %get3A_3189 = vector.load %arg10[%get3A_3187, %get3A_3188] : memref<2048x2048xf32, #tpu.memory_space<vmem>>, vector<1x2048xf32>
      %get3A_3190 = vector.shape_cast %get3A_3189 : vector<1x2048xf32> to vector<2048xf32>
      %get3A_3191 = arith.constant 62 : index
      %get3A_3192 = arith.constant 0 : index
      %get3A_3193 = vector.load %arg12[%get3A_3191, %get3A_3192] : memref<64x2048xf32, #tpu.memory_space<vmem>>, vector<1x2048xf32>
      %get3A_3194 = vector.shape_cast %get3A_3193 : vector<1x2048xf32> to vector<2048xf32>
      %mul3A_3195 = vector.broadcast %select_n3A_3186 : f32 to vector<2048xf32>
      %mul3A_3196 = arith.mulf %mul3A_3195, %get3A_3194 : vector<2048xf32>
      %add3A_3197 = arith.addf %get3A_3190, %mul3A_3196 : vector<2048xf32>
      %swap3A_3198 = arith.index_cast %min3A_3177 : i32 to index
      %swap3A_3199 = arith.constant 0 : index
      %swap3A_3200 = vector.load %arg10[%swap3A_3198, %swap3A_3199] : memref<2048x2048xf32, #tpu.memory_space<vmem>>, vector<1x2048xf32>
      %swap3A_3201 = vector.shape_cast %swap3A_3200 : vector<1x2048xf32> to vector<2048xf32>
      %swap3A_3202 = vector.shape_cast %add3A_3197 : vector<2048xf32> to vector<1x2048xf32>
      tpu.vector_store %arg10[%swap3A_3198, %swap3A_3199], %swap3A_3202 {strides = array<i32>} : memref<2048x2048xf32, #tpu.memory_space<vmem>>, vector<1x2048xf32>,
      %add3A_3203 = arith.constant 63 : i32
      %add3A_3204 = arith.addi %mul3A_6, %add3A_3203 : i32
      %get3A_3205 = arith.index_cast %add3A_3204 : i32 to index
      %get3A_3206 = memref.load %arg4[%get3A_3205] : memref<8192xi32, #tpu.memory_space<smem>>
      %jit3A_3207 = arith.constant 0 : i32
      %jit3A_3208 = arith.constant 2047 : i32
      %max3A_3209 = arith.maxsi %jit3A_3207, %get3A_3206 : i32
      %min3A_3210 = arith.minsi %jit3A_3208, %max3A_3209 : i32
      %add3A_3211 = arith.constant 63 : i32
      %add3A_3212 = arith.addi %mul3A_6, %add3A_3211 : i32
      %lt3A_3213 = arith.cmpi slt, %add3A_3212, %get3A_8 : i32
      %add3A_3214 = arith.constant 63 : i32
      %add3A_3215 = arith.addi %mul3A_6, %add3A_3214 : i32
      %get3A_3216 = arith.index_cast %add3A_3215 : i32 to index
      %get3A_3217 = memref.load %arg5[%get3A_3216] : memref<8192xf32, #tpu.memory_space<smem>>
      %jit3A_3218 = arith.constant 0.000000e+00 : f32
      %select_n3A_3219 = arith.select %lt3A_3213, %get3A_3217, %jit3A_3218 : f32
      %get3A_3220 = arith.index_cast %min3A_3210 : i32 to index
      %get3A_3221 = arith.constant 0 : index
      %get3A_3222 = vector.load %arg10[%get3A_3220, %get3A_3221] : memref<2048x2048xf32, #tpu.memory_space<vmem>>, vector<1x2048xf32>
      %get3A_3223 = vector.shape_cast %get3A_3222 : vector<1x2048xf32> to vector<2048xf32>
      %get3A_3224 = arith.constant 63 : index
      %get3A_3225 = arith.constant 0 : index
      %get3A_3226 = vector.load %arg12[%get3A_3224, %get3A_3225] : memref<64x2048xf32, #tpu.memory_space<vmem>>, vector<1x2048xf32>
      %get3A_3227 = vector.shape_cast %get3A_3226 : vector<1x2048xf32> to vector<2048xf32>
      %mul3A_3228 = vector.broadcast %select_n3A_3219 : f32 to vector<2048xf32>
      %mul3A_3229 = arith.mulf %mul3A_3228, %get3A_3227 : vector<2048xf32>
      %add3A_3230 = arith.addf %get3A_3223, %mul3A_3229 : vector<2048xf32>
      %swap3A_3231 = arith.index_cast %min3A_3210 : i32 to index
      %swap3A_3232 = arith.constant 0 : index
      %swap3A_3233 = vector.load %arg10[%swap3A_3231, %swap3A_3232] : memref<2048x2048xf32, #tpu.memory_space<vmem>>, vector<1x2048xf32>
      %swap3A_3234 = vector.shape_cast %swap3A_3233 : vector<1x2048xf32> to vector<2048xf32>
      %swap3A_3235 = vector.shape_cast %add3A_3230 : vector<2048xf32> to vector<1x2048xf32>
      tpu.vector_store %arg10[%swap3A_3231, %swap3A_3232], %swap3A_3235 {strides = array<i32>} : memref<2048x2048xf32, #tpu.memory_space<vmem>>, vector<1x2048xf32>,
    } else {
    }
    return
  }
  func.func @transform_0(%arg0: i32, %arg1: memref<1xi32, #tpu.memory_space<smem>>, %arg2: memref<128xi32, #tpu.memory_space<smem>>, %arg3: memref<128xi32, #tpu.memory_space<smem>>, %arg4: memref<8192xi32, #tpu.memory_space<smem>>, %arg5: memref<8192xf32, #tpu.memory_space<smem>>) -> (i32, i32) {
    %c0_i32 = arith.constant 0 : i32
    %c0_i32_0 = arith.constant 0 : i32
    %c0_i32_1 = arith.constant 0 : i32
    return %c0_i32, %c0_i32_0 : i32, i32
  }
  func.func @transform_1(%arg0: i32, %arg1: memref<1xi32, #tpu.memory_space<smem>>, %arg2: memref<128xi32, #tpu.memory_space<smem>>, %arg3: memref<128xi32, #tpu.memory_space<smem>>, %arg4: memref<8192xi32, #tpu.memory_space<smem>>, %arg5: memref<8192xf32, #tpu.memory_space<smem>>) -> (i32, i32, i32) {
    %get3A = arith.index_cast %arg0 : i32 to index
    %get3A_0 = memref.load %arg2[%get3A] : memref<128xi32, #tpu.memory_space<smem>>
    %c0_i32 = arith.constant 0 : i32
    %c0_i32_1 = arith.constant 0 : i32
    %c0_i32_2 = arith.constant 0 : i32
    return %get3A_0, %c0_i32, %c0_i32_1 : i32, i32, i32
  }
  func.func @transform_2(%arg0: i32, %arg1: memref<1xi32, #tpu.memory_space<smem>>, %arg2: memref<128xi32, #tpu.memory_space<smem>>, %arg3: memref<128xi32, #tpu.memory_space<smem>>, %arg4: memref<8192xi32, #tpu.memory_space<smem>>, %arg5: memref<8192xf32, #tpu.memory_space<smem>>) -> (i32, i32, i32) {
    %get3A = arith.index_cast %arg0 : i32 to index
    %get3A_0 = memref.load %arg2[%get3A] : memref<128xi32, #tpu.memory_space<smem>>
    %c0_i32 = arith.constant 0 : i32
    %c0_i32_1 = arith.constant 0 : i32
    %c0_i32_2 = arith.constant 0 : i32
    return %get3A_0, %c0_i32, %c0_i32_1 : i32, i32, i32
  }
  func.func @transform_3(%arg0: i32, %arg1: memref<1xi32, #tpu.memory_space<smem>>, %arg2: memref<128xi32, #tpu.memory_space<smem>>, %arg3: memref<128xi32, #tpu.memory_space<smem>>, %arg4: memref<8192xi32, #tpu.memory_space<smem>>, %arg5: memref<8192xf32, #tpu.memory_space<smem>>) -> (i32, i32, i32) {
    %get3A = arith.index_cast %arg0 : i32 to index
    %get3A_0 = memref.load %arg2[%get3A] : memref<128xi32, #tpu.memory_space<smem>>
    %c0_i32 = arith.constant 0 : i32
    %c0_i32_1 = arith.constant 0 : i32
    %c0_i32_2 = arith.constant 0 : i32
    return %get3A_0, %c0_i32, %c0_i32_1 : i32, i32, i32
  }
  func.func @transform_4(%arg0: i32, %arg1: memref<1xi32, #tpu.memory_space<smem>>, %arg2: memref<128xi32, #tpu.memory_space<smem>>, %arg3: memref<128xi32, #tpu.memory_space<smem>>, %arg4: memref<8192xi32, #tpu.memory_space<smem>>, %arg5: memref<8192xf32, #tpu.memory_space<smem>>) -> (i32, i32) {
    %c0_i32 = arith.constant 0 : i32
    %c0_i32_0 = arith.constant 0 : i32
    %c0_i32_1 = arith.constant 0 : i32
    return %c0_i32, %c0_i32_0 : i32, i32
  }
}

module attributes {stable_mosaic.version = 14 : i64} {
  func.func @_shared_down_kernel(%arg0: i32, %arg1: memref<256x1024xf32, #tpu.memory_space<vmem>>, %arg2: memref<256x2048xf32, #tpu.memory_space<vmem>>, %arg3: memref<2048x1024xf32, #tpu.memory_space<vmem>>, %arg4: memref<256x2048xf32, #tpu.memory_space<vmem>>) attributes {dimension_semantics = [#tpu.dimension_semantics<arbitrary>], iteration_bounds = array<i64: 8>, scalar_prefetch = 0 : i64, scratch_operands = 0 : i64, tpu.core_type = #tpu.core_type<tc>, window_params = [{transform_indices = @transform_0, window_bounds = array<i64: 256, 1024>}, {transform_indices = @transform_1, window_bounds = array<i64: 256, 2048>}, {pipeline_mode = #tpu.pipeline_mode<synchronous>, transform_indices = @transform_2, window_bounds = array<i64: 2048, 1024>}, {transform_indices = @transform_3, window_bounds = array<i64: 256, 2048>}]} {
    %get3A = arith.constant 0 : index
    %get3A_0 = arith.constant 0 : index
    %get3A_1 = vector.load %arg2[%get3A, %get3A_0] : memref<256x2048xf32, #tpu.memory_space<vmem>>, vector<256x2048xf32>
    %get3A_2 = arith.constant 0 : index
    %get3A_3 = arith.constant 0 : index
    %get3A_4 = vector.load %arg1[%get3A_2, %get3A_3] : memref<256x1024xf32, #tpu.memory_space<vmem>>, vector<256x1024xf32>
    %get3A_5 = arith.constant 0 : index
    %get3A_6 = arith.constant 0 : index
    %get3A_7 = vector.load %arg3[%get3A_5, %get3A_6] : memref<2048x1024xf32, #tpu.memory_space<vmem>>, vector<2048x1024xf32>
    %dot_general3A = arith.constant dense<0.000000e+00> : vector<256x2048xf32>
    %dot_general3A_8 = tpu.matmul %get3A_4, %get3A_7, %dot_general3A {dimension_numbers = #tpu.dot_dimension_numbers<[1], [1], [0], [0], [0, 0, 1, 0], [], []>, transpose_lhs_hint = false} : vector<256x1024xf32>, vector<2048x1024xf32>, vector<256x2048xf32> -> vector<256x2048xf32>
    %add3A = arith.addf %get3A_1, %dot_general3A_8 : vector<256x2048xf32>
    %swap3A = arith.constant 0 : index
    %swap3A_9 = arith.constant 0 : index
    %swap3A_10 = vector.load %arg4[%swap3A, %swap3A_9] : memref<256x2048xf32, #tpu.memory_space<vmem>>, vector<256x2048xf32>
    tpu.vector_store %arg4[%swap3A, %swap3A_9], %add3A {strides = array<i32>} : memref<256x2048xf32, #tpu.memory_space<vmem>>, vector<256x2048xf32>,
    return
  }
  func.func @transform_0(%arg0: i32) -> (i32, i32) {
    %c0_i32 = arith.constant 0 : i32
    %c0_i32_0 = arith.constant 0 : i32
    return %arg0, %c0_i32 : i32, i32
  }
  func.func @transform_1(%arg0: i32) -> (i32, i32) {
    %c0_i32 = arith.constant 0 : i32
    %c0_i32_0 = arith.constant 0 : i32
    return %arg0, %c0_i32 : i32, i32
  }
  func.func @transform_2(%arg0: i32) -> (i32, i32) {
    %c0_i32 = arith.constant 0 : i32
    %c0_i32_0 = arith.constant 0 : i32
    %c0_i32_1 = arith.constant 0 : i32
    return %c0_i32, %c0_i32_0 : i32, i32
  }
  func.func @transform_3(%arg0: i32) -> (i32, i32) {
    %c0_i32 = arith.constant 0 : i32
    %c0_i32_0 = arith.constant 0 : i32
    return %arg0, %c0_i32 : i32, i32
  }
}

</mosaic_0001>

<sc_bundles>
// kernel: gather_offload_async_start
scs
__scs_entry_jumppad:
0x0: {  	(pc) =	sbr.rel $0x88, $3  }
0x1: {  	(tag) =	ssettag $0x0;
	lr =	simm.s32 $0x1  }
0x2: {  	[smem:$0x3F99] =	sst lr;
	_ =	strace $0xD0000000  }
0x3: {  	_ = 	snop  }
0x4: {  	_ = 	snop  }
0x5: {  	_ = 	snop  }
0x6: {  	_ = 	snop  }
0x7: {  	_ = 	snop  }
__scs_overlays_trampoline_lowered:
0x8: {  	[smem:$0x3FA8] =	sst s0  }
0x9: {  	[smem:$0x3FA9] =	sst s1  }
0xa: {  	[smem:$0x3FAA] =	sst s2  }
0xb: {  	[smem:$0x3FAB] =	sst s3  }
0xc: {  	[smem:$0x3FAC] =	sst s4  }
0xd: {  	[smem:$0x3FAD] =	sst s5  }
0xe: {  	[smem:$0x3FAE] =	sst s6  }
0xf: {  	[smem:$0x3FAF] =	sst s7  }
0x10: {  	[smem:$0x3FB0] =	sst s8  }
0x11: {  	[smem:$0x3FB1] =	sst s9;
	s0 =	simm.s32 @!p0 $0x0  }
0x12: {  	s1 =	sld [smem:$0x3F97];
	s0 =	simm.s32 @p0 $0x1  }
0x13: {  	[smem:$0x3FB2] =	sst s0;
	s0 =	simm.s32 @!p1 $0x0  }
0x14: {  	s2 =	sld [smem:$0x3F96];
	s0 =	simm.s32 @p1 $0x1  }
0x15: {  	[smem:$0x3FB3] =	sst s0;
	s0 =	simm.s32 @!p2 $0x0  }
0x16: {  	s3 =	sld [smem:$0x3FDB];
	s0 =	simm.s32 @p2 $0x1  }
0x17: {  	s4 =	simm.s32 $0x1BF5;
	[smem:$0x3FB5] =	sst s0  }
0x18: {  	s0 =	sld [smem:$0x3F98];
	_ =	swait.ge [sflag:s4], $0x0  }
0x19: {  	s7 =	sld [smem:$0x3F99]  }
0x1a: {  	s8 =	sadd.s32 $0xFFFFE003, lr  }
0x1b: {  	s9 =	sadd.s32 $0xFFFFFEF7, lr;
	s5 =	simm.s32 $0xFFFFFFFF;
	p2 =	slt.u32 s8, $0xFFFFF086  }
0x1c: {  	p1 =	slt.u32 s9, $0xF7A;
	s5 =	simm.s32 @!p2 $0x0  }
0x1d: {  	s5 =	simm.s32 @p1 $0x1;
	p0 =	seq.s32 s7, s2  }
0x1e: {  	s7 =	smul.u32 @!p0 $0xF7A, s2;
	p2 =	seq.s32 @!p0 s5, $0x0  }
0x1f: {  	s9 =	smul.u32 $0xF7A, s1;
	s8 =	simm.s32 @!p0 $0x1BF5;
	p2 =	por !p2, p0  }
0x20: {  	[sflag:s8] =	ssyncset.s32 @!p0 $0xFFFFF086;
	s6 =	sadd.s32 @!p0 s3, s7;
	s7 =	simm.s32 @!p0 $0x108  }
0x21: {  	s3 =	sadd.s32 s3, s9;
	s6 =	sadd.s32 @!p0 $0x88, s6;
	s7 =	simm.s32 @p2 $0x1082  }
0x22: {  	[simem:s7], [sflag:s8] =	dma.local @!p0 [hbm:s6], $0xF7A  }
0x23: {  	s9 =	sor.u32 $0xD0000000, s2;
	s6 =	simm.s32 $0x108;
	_ =	swait.ge @!p0 [sflag:s8], $0x0  }
0x24: {  	s3 =	sadd.s32 $0x88, s3;
	s6 =	simm.s32 @!p1 $0x1082;
	[sflag:s4] =	ssyncset.s32 $0xFFFFF086  }
0x25: {  	[simem:s6], [sflag:s4] =	dma.local [hbm:s3], $0xF7A  }
0x26: {  	[smem:$0x3F99] =	sst s1;
	(tag) =	ssettag s2;
	_ =	strace s9  }
0x27: {  	s1 =	sld [smem:$0x3FA9]  }
0x28: {  	s2 =	sld [smem:$0x3FAA]  }
0x29: {  	s4 =	sld [smem:$0x3FAC]  }
0x2a: {  	p0 =	seq.s32 s5, $0x0;
	s5 =	sld [smem:$0x3FAD]  }
0x2b: {  	s6 =	sld [smem:$0x3FAE]  }
0x2c: {  	s7 =	sld [smem:$0x3FAF]  }
0x2d: {  	s3 =	simm.s32 $0x108;
	s8 =	sld [smem:$0x3FB0]  }
0x2e: {  	s3 =	simm.s32 @!p0 $0x1082;
	s9 =	sld [smem:$0x3FB1]  }
0x2f: {  	lr =	sadd.s32 s0, s3;
	s0 =	sld [smem:$0x3FA8]  }
0x30: {  	s3 =	sld [smem:$0x3FAB]  }
0x31: {  	[smem:$0x3FB4] =	sst s10  }
0x32: {  	s10 =	sld [smem:$0x3FB2];
	_ =	sdelay $0x3  }
0x33: {  	p0 =	seq.s32 s10, $0x1;
	s10 =	sld [smem:$0x3FB4];
	_ =	sdelay $0x3  }
0x34: {  	[smem:$0x3FB4] =	sst s10  }
0x35: {  	s10 =	sld [smem:$0x3FB3];
	_ =	sdelay $0x3  }
0x36: {  	p1 =	seq.s32 s10, $0x1;
	s10 =	sld [smem:$0x3FB4];
	_ =	sdelay $0x3  }
0x37: {  	[smem:$0x3FB4] =	sst s10  }
0x38: {  	s10 =	sld [smem:$0x3FB5]  }
0x39: {  	_ = 	snop;
	(pc) =	sbr.ind lr, $3  }
0x3a: {  	_ = 	snop  }
0x3b: {  	_ = 	snop  }
0x3c: {  	p2 =	seq.s32 s10, $0x1;
	s10 =	sld [smem:$0x3FB4]  }
0x3d: {  	_ =	shalt  }
0x3e: {  	_ =	shalt  }
0x3f: {  	_ =	shalt  }
0x40: {  	_ =	shalt  }
0x41: {  	_ =	shalt  }
0x42: {  	_ =	shalt  }
0x43: {  	_ =	shalt  }
0x44: {  	_ =	shalt  }
0x45: {  	_ =	shalt  }
0x46: {  	_ =	shalt  }
0x47: {  	_ =	shalt  }
0x48: {  	_ =	shalt  }
0x49: {  	_ =	shalt  }
0x4a: {  	_ =	shalt  }
0x4b: {  	_ =	shalt  }
0x4c: {  	_ =	shalt  }
0x4d: {  	_ =	shalt  }
0x4e: {  	_ =	shalt  }
0x4f: {  	_ =	shalt  }
0x50: {  	_ =	shalt  }
0x51: {  	_ =	shalt  }
0x52: {  	_ =	shalt  }
0x53: {  	_ =	shalt  }
0x54: {  	_ =	shalt  }
0x55: {  	_ =	shalt  }
0x56: {  	_ =	shalt  }
0x57: {  	_ =	shalt  }
0x58: {  	_ =	shalt  }
0x59: {  	_ =	shalt  }
0x5a: {  	_ =	shalt  }
0x5b: {  	_ =	shalt  }
0x5c: {  	_ =	shalt  }
0x5d: {  	_ =	shalt  }
0x5e: {  	_ =	shalt  }
0x5f: {  	_ =	shalt  }
0x60: {  	_ =	shalt  }
0x61: {  	_ =	shalt  }
0x62: {  	_ =	shalt  }
0x63: {  	_ =	shalt  }
0x64: {  	_ =	shalt  }
0x65: {  	_ =	shalt  }
0x66: {  	_ =	shalt  }
0x67: {  	_ =	shalt  }
0x68: {  	_ =	shalt  }
0x69: {  	_ =	shalt  }
0x6a: {  	_ =	shalt  }
0x6b: {  	_ =	shalt  }
0x6c: {  	_ =	shalt  }
0x6d: {  	_ =	shalt  }
0x6e: {  	_ =	shalt  }
0x6f: {  	_ =	shalt  }
0x70: {  	_ =	shalt  }
0x71: {  	_ =	shalt  }
0x72: {  	_ =	shalt  }
0x73: {  	_ =	shalt  }
0x74: {  	_ =	shalt  }
0x75: {  	_ =	shalt  }
0x76: {  	_ =	shalt  }
0x77: {  	_ =	shalt  }
0x78: {  	_ =	shalt  }
0x79: {  	_ =	shalt  }
0x7a: {  	_ =	shalt  }
0x7b: {  	_ =	shalt  }
0x7c: {  	_ =	shalt  }
0x7d: {  	_ =	shalt  }
0x7e: {  	_ =	shalt  }
0x7f: {  	_ =	shalt  }
0x80: {  	_ =	shalt  }
0x81: {  	_ =	shalt  }
0x82: {  	_ =	shalt  }
0x83: {  	_ =	shalt  }
0x84: {  	_ =	shalt  }
0x85: {  	_ =	shalt  }
0x86: {  	_ =	shalt  }
0x87: {  	_ =	shalt  }
.Lfunc_end0:
.L_simem_size_0:
called_computation.1_lowered:
.L_overlay_start_0:
0x88: {  	s2 =	sld [smem:$0x3FD9]  }
0x89: {  	s3 =	sld [smem:$0x3FFE];
	_ =	sdelay $0x1  }
0x8a: {  	s1 =	srdreg.scid  }
0x8b: {  	s0 =	sand.u32 $0x1, s1  }
0x8c: {  	s16 =	sshll.u32 s0, $0xA;
	s2 =	sadd.s32 s3, s2  }
0x8d: {  	s2 =	sadd.s32 s2, s16  }
0x8e: {  	[smem:$0x3FC0] =	sst s2  }
0x8f: {  	_ = 	snop  }
0x90: {  	(tm) =	ssettm $0x1  }
0x91: {  	s17 =	sld [smem:$0x3FFB];
	_ =	sdelay $0x3  }
0x92: {  	_ =	strace s17  }
0x93: {  	s2 =	sld [smem:$0x3FFC];
	_ =	sdelay $0x3  }
0x94: {  	_ =	strace s2  }
0x95: {  	s2 =	sld [smem:$0x3FFD];
	_ =	sdelay $0x3  }
0x96: {  	_ =	strace s2  }
0x97: {  	_ =	strace $0x8FFFFFFF  }
0x98: {  	s18 =	sld [smem:$0x3FDB];
	_ =	sdelay $0x1  }
0x99: {  	s19 =	simm.s32 $_scs_section_size  }
0x9a: {  	s4 =	simm.s32 $_size__tile_overlayer_lowered;
	s5 =	simm.s32 $_tile_overlayer_lowered  }
0x9b: {  	s22 =	simm.s32 $0x1BFF;
	s21 =	sshll.u32 s5, $0x1;
	s2 =	sadd.s32 s19, s18  }
0x9c: {  	s6 =	simm.s32 $0x0;
	s20 =	sshll.u32 s4, $0x1;
	s4 =	sadd.s32 s21, s2  }
0x9d: {  	[timem:s6], [sflag:s22] =	dma.local [hbm:s4], s20  }
0x9e: {  	_ =	swait.ge [sflag:s22], s20  }
0x9f: {  	s3 =	ssub.s32 $0x0, s20;
	[sflag:s22] =	ssyncset.done $0x0  }
0xa0: {  	[sflag:s22] =	ssyncadd.s32 s3;
	_ =	sdelay $0x1  }
0xa1: {  	s23 =	simm.s32 $0x1B8B  }
0xa2: {  	_ =	swait.ge [sflag:s23], $0x1  }
0xa3: {  	[sflag:s23] =	ssyncset.done $0x0  }
0xa4: {  	s25 =	simm.s32 $0x1B8E;
	s24 =	sld [smem:$0x3FFE];
	[sflag:s23] =	ssyncadd.s32 $0xFFFFFFFF  }
0xa5: {  	s26 =	simm.s32 $execute0_lowered;
	[smem:$0x3FD2] =	sst s25  }
0xa6: {  	s4 =	sshll.u32 s26, $0x1;
	_ =	strace $0x80000049;
	[dreg:$0x1] =	wrdreg $0xFFFFFFFF  }
0xa7: {  	s28 =	simm.s32 $_size_execute0_lowered;
	s2 =	sadd.s32 s2, s4;
	[dreg:$0x0] =	wrdreg $0x0  }
0xa8: {  	s4 =	sshll.u32 s28, $0x1;
	[dreg:$0x2] =	wrdreg s2  }
0xa9: {  	[dreg:$0x3] =	wrdreg s4  }
0xaa: {  	[dreg:$0x4] =	wrdreg $0xC0  }
0xab: {  	_ =	task [dreg:s6], $0x5FFFF  }
0xac: {  	[dreg:$0x1] =	wrdreg $0xFFFFFFFF  }
0xad: {  	[dreg:$0x0] =	wrdreg $0x60  }
0xae: {  	[dreg:$0x2] =	wrdreg s24  }
0xaf: {  	[dreg:$0x3] =	wrdreg $0x9  }
0xb0: {  	_ =	task.clear_ibuf [dreg:s6], $0x4FFFF;
	_ =	strace $0x90000049  }
0xb1: {  	s29 =	simm.s32 $0x9;
	_ =	strace $0x8000004B  }
0xb2: {  	_ =	swait.ge [sflag:s29], $0x1  }
0xb3: {  	[sflag:s29] =	ssyncadd.s32 $0xFFFFFFFF  }
0xb4: {  	_ =	strace $0x9000004B  }
0xb5: {  	_ =	sfence  }
0xb6: {  	s30 =	sld [smem:$0x0];
	_ =	sdelay $0x2  }
0xb7: {  	s31 =	sshll.u32 s1, $0xD;
	s1 =	sshrl.u32 s1, $0x2  }
0xb8: {  	s3 =	sand.u32 $0x4000, s31;
	s1 =	sadd.s32 s1, s30  }
0xb9: {  	s0 =	sor.u32 s3, s0;
	s1 =	sshll.u32 s1, $0x11  }
0xba: {  	s0 =	sor.u32 s1, s0  }
0xbb: {  	s0 =	sadd.s32 $0x8F2B, s0  }
0xbc: {  	[sflag:s0] =	ssyncadd.remote.s32 $0x1  }
0xbd: {  	_ =	sfence.sel $0xFFFF  }
0xbe: {  	[dreg:$0x0] =	wrdreg $0xFFFFFFFF;
	(pc) =	sbr.abs _section_cstart, $3  }
0xbf: {  	[dreg:$0x1] =	wrdreg $0xFFFFFFFF  }
0xc0: {  	_ =	task.clear_ibuf [dreg:s6], $0x2FFFF;
	_ =	strace $0x9FFFFFFF  }
0xc1: {  	(tm) =	ssettm $0x7FFFFFFF  }
tec
execute0_lowered:
.L_overlay_start_1:
0x0: {  	(tag) =	ssettag $0x1  }
0x1: {  	s1 =	srdreg.scid  }
0x2: {  	s0 =	stileid.u32;
	s2 =	rddreg [dreg:$0x0];
	s6 =	simm.s32 $0x1  }
0x3: {  	s9 =	simm.s32 $0x1;
	s10 =	simm.s32 $0x3;
	s1 =	sshll.u32 s1, $0x6  }
0x4: {  	s13 =	simm.s32 $0x0;
	s3 =	sshll.u32 s0, $0x7;
	s4 =	sand.u32 $0x40, s1  }
0x5: {  	s12 =	simm.s32 $0x0;
	s5 =	sadd.s32 $0xA00, s2;
	s3 =	sor.u32 s3, s4  }
0x6: {  	s1 =	rddreg [dreg:$0x1];
	_ =	strace $0x8000004A;
	s8 =	ssub.s32 $0x1000, s3  }
.Ltmp0:
0x7: {  	s4 =	sadd.s32 $0x600, s2;
	s7 =	sand.u32 $0x7C0, s8;
	(pc) =	sbr.rel .LBB2_1-.Ltmp0, $4  }
0x8: {  	[sflag:s6] =	ssyncpa.u1 $0x0;
	s11 =	smov.u32 s3;
	p0 =	sne.s32 s7, $0x0  }
0x9: {  	s8 =	sshrl.u32 s8, $0xB;
	s7 =	simm.s32 $0x2;
	s9 =	simm.s32 @!p0 $0x0  }
0xa: {  	[sflag:s7] =	ssyncpa.u1 $0x0;
	p0 =	por $0x0, $0x0;
	s8 =	sadd.s32 s9, s8  }
0xb: {  	vm0 =	vmmov $0xffff;
	[sflag:s10] =	ssyncpa.u1 $0x0;
	s10 =	simm.s32 $0x0;
	s9 =	sadd.s32 $0x1, s8  }
.LBB2_4:
0xc: {  	v2 =	vnsel vm1, $0x0, v2  }
0xd: {  	vm1 =	vgt.s32 v0, $0x0;
	v2 =	vmin.u32 v2, $0xFFF  }
0xe: {  	v0 =	vnsel vm1, $0x0, v0  }
0xf: {  	v0 =	vmin.u32 v0, $0xFFF  }
0x10: {  	[tilespmem:s15], [sflag:$0x1] =	stream.indirect_vreg.gather [hbm4b:s2+s10], $0x1, v1, vm0, $0x4038;
	[tilespmem:$0x100] =	vst v63  }
0x11: {  	(ifvalue) =	ssetifvalue $0x7FFFFFFF  }
0x12: {  	[tilespmem:s16], [sflag:$0x1] =	stream.indirect_vreg.gather [hbm4b:s2+s10], $0x1, v2, vm0, $0x4038;
	[tilespmem:$0x100] =	vst v63  }
0x13: {  	s29 =	sadd.s32 $0x10, s16;
	(ifvalue) =	ssetifvalue $0x7FFFFFFF  }
0x14: {  	[tilespmem:s29], [sflag:$0x1] =	stream.indirect_vreg.gather [hbm4b:s2+s10], $0x1, v0, vm0, $0x4038;
	[tilespmem:$0x100] =	vst v63  }
0x15: {  	_ =	swait.ge [sflag:s6], $0x40  }
0x16: {  	s30 =	sshrl.u32 s13, $0x3;
	[sflag:s6] =	ssyncset.done $0x0  }
0x17: {  	s31 =	sand.u32 $0x7, s13;
	s15 =	sadd.s32 s5, s30;
	[sflag:s6] =	ssyncadd.s32 $0xFFFFFFC0  }
0x18: {  	[hbm4b:s15+s31] =	stream.linear.scatter [tilespmem:s14], [sflag:$0x3], $0x40, $0x38;
	[tilespmem:$0x100] =	vst v63  }
.LBB2_5:
0x19: {  	s15 =	sadd.s32 $0x800, s11  }
0x1a: {  	p2 =	sgt.s32 s15, $0xFFF  }
0x1b: {  	s15 =	smov.u32 @p2 s3;
	p2 =	sne.s32 s12, s9  }
.Ltmp1:
0x1c: {  	p1 =	slt.u32 s12, $0x2;
	(pc) =	sbr.rel @!p2 .LBB2_6-.Ltmp1, $4  }
0x1d: {  	s14 =	simm.s32 @!p1 $0x3  }
0x1e: {  	s16 =	sadd.s32 $0x1, s12;
	_ =	swait.ge @!p1 [sflag:s14], $0x40  }
0x1f: {  	s13 =	smov.u32 s11;
	p0 =	por !p0, !p0;
	[sflag:s14] =	ssyncset.done @!p1 $0x0  }
0x20: {  	s12 =	smov.u32 s16;
	s11 =	smov.u32 s15;
	[sflag:s14] =	ssyncadd.s32 @!p1 $0xFFFFFFC0  }
.LBB2_1:
0x21: {  	p1 =	sge.u32 s12, s8  }
0x22: {  	s14 =	sxor.u32 @!p1 $0xFFFFFFFF, s12  }
0x23: {  	s31 =	sadd.s32 $0xFFFFFFFF, s12;
	s15 =	sshrl.u32 @!p1 s11, $0x3;
	s14 =	sshll.u32 @!p1 s14, $0x6  }
0x24: {  	s16 =	sand.u32 @!p1 $0x7, s11;
	s15 =	sadd.s32 @!p1 s4, s15;
	s14 =	sand.u32 @!p1 $0x40, s14  }
0x25: {  	[tilespmem:s14], [sflag:$0x2] =	stream.linear.gather @!p1 [hbm4b:s15+s16], $0x40, $0x38;
	[tilespmem:$0x100] =	vst v63  }
0x26: {  	p1 =	sge.u32 s31, s8  }
.Ltmp2:
0x27: {  	_ = 	snop;
	(pc) =	sbr.rel @p1 .LBB2_5-.Ltmp2, $1  }
0x28: {  	_ =	sdelay $0x3  }
0x29: {  	s14 =	simm.s32 $0x1  }
0x2a: {  	_ =	swait.ge [sflag:s7], $0x40;
	s14 =	simm.s32 @!p0 $0x0  }
0x2b: {  	[sflag:s7] =	ssyncset.done $0x0;
	s14 =	sshll.u32 s14, $0x6  }
0x2c: {  	[sflag:s7] =	ssyncadd.s32 $0xFFFFFFC0;
	(ifvalue) =	ssetifvalue $0x7FFFFFFF;
	v0 =	vld.msk [tilespmem:s14+$0x0 ss:$0x1], $0xffff;
	_ =	sdelay $0x4  }
0x2d: {  	s15 =	sadd.s32 $0x10, s14;
	vm1 =	vgt.s32 v0, $0x0  }
0x2e: {  	v2 =	vld.msk [tilespmem:s15+$0x0 ss:$0x1], $0xffff;
	v1 =	vnsel vm1, $0x0, v0  }
0x2f: {  	v1 =	vmin.u32 v1, $0xFFF;
	_ =	sdelay $0x1  }
0x30: {  	s16 =	sshll.u32 s12, $0x6;
	s18 =	simm.s32 $0x20  }
0x31: {  	s16 =	sand.u32 $0x40, s16;
	s17 =	sadd.s32 $0x10, s15;
	s15 =	sor.u32 $0x80, s14  }
0x32: {  	s14 =	sor.u32 $0x80, s16;
	s16 =	sadd.s32 $0x10, s15;
	v0 =	vld.msk [tilespmem:s17+$0x0 ss:$0x1], $0xffff;
	vm1 =	vgt.s32 v2, $0x0;
	(ifvalue) =	ssetifvalue $0x7FFFFFFF  }
.LBB2_3:
0x33: {  	[tilespmem:s15], [sflag:$0x1] =	stream.indirect_vreg.gather [hbm4b:s2+s10], $0x1, v1, vm0, $0x4038;
	[tilespmem:$0x100] =	vst v63  }
0x34: {  	s18 =	sadd.s32 $0x10, s18  }
0x35: {  	v2 =	vnsel vm1, $0x0, v2;
	p1 =	slt.u32 s18, $0x30  }
.Ltmp3:
0x36: {  	s15 =	smov.u32 s16;
	v1 =	vmin.u32 v2, $0xFFF;
	(pc) =	sbr.rel @p1 .LBB2_3-.Ltmp3, $3  }
0x37: {  	_ =	sdelay $0x1  }
0x38: {  	s17 =	sadd.s32 $0x10, s17  }
0x39: {  	vm1 =	vgt.s32 v0, $0x0;
	s16 =	sadd.s32 $0x10, s16;
	v2 =	vmov v0;
	(ifvalue) =	ssetifvalue $0x7FFFFFFF;
	v0 =	vld.msk [tilespmem:s17+$0x0 ss:$0x1], $0xffff  }
.Ltmp4:
0x3a: {  	_ = 	snop;
	(pc) =	sbr.rel .LBB2_4-.Ltmp4, $1  }
0x3b: {  	_ =	sdelay $0x3  }
.LBB2_6:
0x3c: {  	_ =	sfence.sel $0x180000  }
0x3d: {  	s2 =	simm.s32 $0x2;
	[bflag:$0x0] =	sbarrier.arrive $0xFFFF  }
0x3e: {  	s30 =	simm.s32 $0x3;
	[sflag:s2] =	ssyncpa.u1 $0x1  }
0x3f: {  	s31 =	simm.s32 $0x1;
	[sflag:s30] =	ssyncpa.u1 $0x1  }
0x40: {  	[sflag:s31] =	ssyncpa.u1 $0x1  }
0x41: {  	p0 =	sne.s32 s0, $0x0;
	_ =	strace $0x9000004A  }
0x42: {  	s0 =	sadd.s32 @!p0 $0x100000, s1;
	[bflag:$0x2] =	sbarrier.arrive $0xFFFF  }
0x43: {  	[sflag:s0] =	ssyncadd.tile.s32 @!p0 $0x1;
	_ =	shalt  }
.Lfunc_end2:
_tile_overlayer_lowered:
.L_overlay_start_2:
0x44: {  	(tag) =	ssettag $0x2  }
0x45: {  	s0 =	rddreg [dreg:$0x0];
	s2 =	stileid.u32  }
0x46: {  	s1 =	rddreg [dreg:$0x1];
	p0 =	sne.s32 s2, $0x0  }
0x47: {  	s3 =	rddreg [dreg:$0x2];
	[bflag:$0x3] =	sbarrier.arrive $0xFFFF;
	s2 =	simm.s32 @!p0 $0x1C01  }
0x48: {  	[timem:s3], [sflag:s2] =	dma.local @!p0 [hbm:s0], s1  }
0x49: {  	s0 =	simm.s32 @!p0 $0x1  }
0x4a: {  	_ =	swait.ge @!p0 [sflag:s0], s1  }
0x4b: {  	s1 =	ssub.s32 @!p0 $0x0, s1;
	[sflag:s0] =	ssyncset.done @!p0 $0x0  }
0x4c: {  	[sflag:s0] =	ssyncadd.s32 @!p0 s1  }
0x4d: {  	[bflag:$0x3] =	sbarrier.arrive $0xFFFF  }
0x4e: {  	_ =	shalt  }

// kernel: kernel.7.cloned.1.call-start
scs
__scs_entry_jumppad:
0x0: {  	(pc) =	sbr.rel $0x88, $3  }
0x1: {  	(tag) =	ssettag $0x0;
	lr =	simm.s32 $0x1  }
0x2: {  	[smem:$0x3F99] =	sst lr;
	_ =	strace $0xD0000000  }
0x3: {  	_ = 	snop  }
0x4: {  	_ = 	snop  }
0x5: {  	_ = 	snop  }
0x6: {  	_ = 	snop  }
0x7: {  	_ = 	snop  }
__scs_overlays_trampoline_lowered:
0x8: {  	[smem:$0x3FA8] =	sst s0  }
0x9: {  	[smem:$0x3FA9] =	sst s1  }
0xa: {  	[smem:$0x3FAA] =	sst s2  }
0xb: {  	[smem:$0x3FAB] =	sst s3  }
0xc: {  	[smem:$0x3FAC] =	sst s4  }
0xd: {  	[smem:$0x3FAD] =	sst s5  }
0xe: {  	[smem:$0x3FAE] =	sst s6  }
0xf: {  	[smem:$0x3FAF] =	sst s7  }
0x10: {  	[smem:$0x3FB0] =	sst s8  }
0x11: {  	[smem:$0x3FB1] =	sst s9;
	s0 =	simm.s32 @!p0 $0x0  }
0x12: {  	s1 =	sld [smem:$0x3F97];
	s0 =	simm.s32 @p0 $0x1  }
0x13: {  	[smem:$0x3FB2] =	sst s0;
	s0 =	simm.s32 @!p1 $0x0  }
0x14: {  	s2 =	sld [smem:$0x3F96];
	s0 =	simm.s32 @p1 $0x1  }
0x15: {  	[smem:$0x3FB3] =	sst s0;
	s0 =	simm.s32 @!p2 $0x0  }
0x16: {  	s3 =	sld [smem:$0x3FDB];
	s0 =	simm.s32 @p2 $0x1  }
0x17: {  	s4 =	simm.s32 $0x1BF5;
	[smem:$0x3FB5] =	sst s0  }
0x18: {  	s0 =	sld [smem:$0x3F98];
	_ =	swait.ge [sflag:s4], $0x0  }
0x19: {  	s7 =	sld [smem:$0x3F99]  }
0x1a: {  	s8 =	sadd.s32 $0xFFFFE003, lr  }
0x1b: {  	s9 =	sadd.s32 $0xFFFFFEF7, lr;
	s5 =	simm.s32 $0xFFFFFFFF;
	p2 =	slt.u32 s8, $0xFFFFF086  }
0x1c: {  	p1 =	slt.u32 s9, $0xF7A;
	s5 =	simm.s32 @!p2 $0x0  }
0x1d: {  	s5 =	simm.s32 @p1 $0x1;
	p0 =	seq.s32 s7, s2  }
0x1e: {  	s7 =	smul.u32 @!p0 $0xF7A, s2;
	p2 =	seq.s32 @!p0 s5, $0x0  }
0x1f: {  	s9 =	smul.u32 $0xF7A, s1;
	s8 =	simm.s32 @!p0 $0x1BF5;
	p2 =	por !p2, p0  }
0x20: {  	[sflag:s8] =	ssyncset.s32 @!p0 $0xFFFFF086;
	s6 =	sadd.s32 @!p0 s3, s7;
	s7 =	simm.s32 @!p0 $0x108  }
0x21: {  	s3 =	sadd.s32 s3, s9;
	s6 =	sadd.s32 @!p0 $0x88, s6;
	s7 =	simm.s32 @p2 $0x1082  }
0x22: {  	[simem:s7], [sflag:s8] =	dma.local @!p0 [hbm:s6], $0xF7A  }
0x23: {  	s9 =	sor.u32 $0xD0000000, s2;
	s6 =	simm.s32 $0x108;
	_ =	swait.ge @!p0 [sflag:s8], $0x0  }
0x24: {  	s3 =	sadd.s32 $0x88, s3;
	s6 =	simm.s32 @!p1 $0x1082;
	[sflag:s4] =	ssyncset.s32 $0xFFFFF086  }
0x25: {  	[simem:s6], [sflag:s4] =	dma.local [hbm:s3], $0xF7A  }
0x26: {  	[smem:$0x3F99] =	sst s1;
	(tag) =	ssettag s2;
	_ =	strace s9  }
0x27: {  	s1 =	sld [smem:$0x3FA9]  }
0x28: {  	s2 =	sld [smem:$0x3FAA]  }
0x29: {  	s4 =	sld [smem:$0x3FAC]  }
0x2a: {  	p0 =	seq.s32 s5, $0x0;
	s5 =	sld [smem:$0x3FAD]  }
0x2b: {  	s6 =	sld [smem:$0x3FAE]  }
0x2c: {  	s7 =	sld [smem:$0x3FAF]  }
0x2d: {  	s3 =	simm.s32 $0x108;
	s8 =	sld [smem:$0x3FB0]  }
0x2e: {  	s3 =	simm.s32 @!p0 $0x1082;
	s9 =	sld [smem:$0x3FB1]  }
0x2f: {  	lr =	sadd.s32 s0, s3;
	s0 =	sld [smem:$0x3FA8]  }
0x30: {  	s3 =	sld [smem:$0x3FAB]  }
0x31: {  	[smem:$0x3FB4] =	sst s10  }
0x32: {  	s10 =	sld [smem:$0x3FB2];
	_ =	sdelay $0x3  }
0x33: {  	p0 =	seq.s32 s10, $0x1;
	s10 =	sld [smem:$0x3FB4];
	_ =	sdelay $0x3  }
0x34: {  	[smem:$0x3FB4] =	sst s10  }
0x35: {  	s10 =	sld [smem:$0x3FB3];
	_ =	sdelay $0x3  }
0x36: {  	p1 =	seq.s32 s10, $0x1;
	s10 =	sld [smem:$0x3FB4];
	_ =	sdelay $0x3  }
0x37: {  	[smem:$0x3FB4] =	sst s10  }
0x38: {  	s10 =	sld [smem:$0x3FB5]  }
0x39: {  	_ = 	snop;
	(pc) =	sbr.ind lr, $3  }
0x3a: {  	_ = 	snop  }
0x3b: {  	_ = 	snop  }
0x3c: {  	p2 =	seq.s32 s10, $0x1;
	s10 =	sld [smem:$0x3FB4]  }
0x3d: {  	_ =	shalt  }
0x3e: {  	_ =	shalt  }
0x3f: {  	_ =	shalt  }
0x40: {  	_ =	shalt  }
0x41: {  	_ =	shalt  }
0x42: {  	_ =	shalt  }
0x43: {  	_ =	shalt  }
0x44: {  	_ =	shalt  }
0x45: {  	_ =	shalt  }
0x46: {  	_ =	shalt  }
0x47: {  	_ =	shalt  }
0x48: {  	_ =	shalt  }
0x49: {  	_ =	shalt  }
0x4a: {  	_ =	shalt  }
0x4b: {  	_ =	shalt  }
0x4c: {  	_ =	shalt  }
0x4d: {  	_ =	shalt  }
0x4e: {  	_ =	shalt  }
0x4f: {  	_ =	shalt  }
0x50: {  	_ =	shalt  }
0x51: {  	_ =	shalt  }
0x52: {  	_ =	shalt  }
0x53: {  	_ =	shalt  }
0x54: {  	_ =	shalt  }
0x55: {  	_ =	shalt  }
0x56: {  	_ =	shalt  }
0x57: {  	_ =	shalt  }
0x58: {  	_ =	shalt  }
0x59: {  	_ =	shalt  }
0x5a: {  	_ =	shalt  }
0x5b: {  	_ =	shalt  }
0x5c: {  	_ =	shalt  }
0x5d: {  	_ =	shalt  }
0x5e: {  	_ =	shalt  }
0x5f: {  	_ =	shalt  }
0x60: {  	_ =	shalt  }
0x61: {  	_ =	shalt  }
0x62: {  	_ =	shalt  }
0x63: {  	_ =	shalt  }
0x64: {  	_ =	shalt  }
0x65: {  	_ =	shalt  }
0x66: {  	_ =	shalt  }
0x67: {  	_ =	shalt  }
0x68: {  	_ =	shalt  }
0x69: {  	_ =	shalt  }
0x6a: {  	_ =	shalt  }
0x6b: {  	_ =	shalt  }
0x6c: {  	_ =	shalt  }
0x6d: {  	_ =	shalt  }
0x6e: {  	_ =	shalt  }
0x6f: {  	_ =	shalt  }
0x70: {  	_ =	shalt  }
0x71: {  	_ =	shalt  }
0x72: {  	_ =	shalt  }
0x73: {  	_ =	shalt  }
0x74: {  	_ =	shalt  }
0x75: {  	_ =	shalt  }
0x76: {  	_ =	shalt  }
0x77: {  	_ =	shalt  }
0x78: {  	_ =	shalt  }
0x79: {  	_ =	shalt  }
0x7a: {  	_ =	shalt  }
0x7b: {  	_ =	shalt  }
0x7c: {  	_ =	shalt  }
0x7d: {  	_ =	shalt  }
0x7e: {  	_ =	shalt  }
0x7f: {  	_ =	shalt  }
0x80: {  	_ =	shalt  }
0x81: {  	_ =	shalt  }
0x82: {  	_ =	shalt  }
0x83: {  	_ =	shalt  }
0x84: {  	_ =	shalt  }
0x85: {  	_ =	shalt  }
0x86: {  	_ =	shalt  }
0x87: {  	_ =	shalt  }
.Lfunc_end0:
.L_simem_size_0:
called_computation.2_lowered:
.L_overlay_start_0:
0x88: {  	s2 =	sld [smem:$0x3FD9]  }
0x89: {  	s3 =	sld [smem:$0x3FFE];
	_ =	sdelay $0x1  }
0x8a: {  	s1 =	srdreg.scid  }
0x8b: {  	s0 =	sand.u32 $0x1, s1  }
0x8c: {  	s17 =	sshll.u32 s0, $0xA;
	s2 =	sadd.s32 s3, s2  }
0x8d: {  	s2 =	sadd.s32 s2, s17  }
0x8e: {  	[smem:$0x3FC0] =	sst s2  }
0x8f: {  	_ = 	snop  }
0x90: {  	s2 =	sld [smem:$0x3FD0];
	(tm) =	ssettm $0x1  }
0x91: {  	s18 =	sld [smem:$0x3FFB];
	_ =	sdelay $0x3  }
0x92: {  	_ =	strace s18  }
0x93: {  	s3 =	sld [smem:$0x3FFC];
	_ =	sdelay $0x3  }
0x94: {  	_ =	strace s3  }
0x95: {  	s3 =	sld [smem:$0x3FFD];
	_ =	sdelay $0x3  }
0x96: {  	_ =	strace s3  }
0x97: {  	_ =	strace $0x8FFFFFFF  }
0x98: {  	s19 =	sld [smem:$0x3FDB];
	_ =	sdelay $0x1  }
0x99: {  	s4 =	simm.s32 $_scs_section_size  }
0x9a: {  	s5 =	simm.s32 $_size__tile_overlayer_lowered;
	s6 =	simm.s32 $_tile_overlayer_lowered  }
0x9b: {  	s22 =	simm.s32 $0x1BFF;
	s21 =	sshll.u32 s6, $0x1;
	s3 =	sadd.s32 s4, s19  }
0x9c: {  	s7 =	simm.s32 $0x0;
	s20 =	sshll.u32 s5, $0x1;
	s5 =	sadd.s32 s21, s3  }
0x9d: {  	[timem:s7], [sflag:s22] =	dma.local [hbm:s5], s20  }
0x9e: {  	_ =	swait.ge [sflag:s22], s20  }
0x9f: {  	s4 =	ssub.s32 $0x0, s20;
	[sflag:s22] =	ssyncset.done $0x0  }
0xa0: {  	[sflag:s22] =	ssyncadd.s32 s4;
	_ =	sdelay $0x1  }
0xa1: {  	s23 =	simm.s32 $0x1B8B  }
0xa2: {  	_ =	swait.ge [sflag:s23], $0x1  }
0xa3: {  	[sflag:s23] =	ssyncset.done $0x0  }
0xa4: {  	s25 =	simm.s32 $0x1B8E;
	s24 =	sld [smem:$0x3FFE];
	[sflag:s23] =	ssyncadd.s32 $0xFFFFFFFF  }
0xa5: {  	s26 =	simm.s32 $execute0_lowered;
	[smem:$0x3FD2] =	sst s25  }
0xa6: {  	s5 =	sshll.u32 s26, $0x1;
	_ =	strace $0x8000004C;
	[dreg:$0x1] =	wrdreg $0xFFFFFFFF  }
0xa7: {  	s28 =	simm.s32 $_size_execute0_lowered;
	s3 =	sadd.s32 s3, s5;
	[dreg:$0x0] =	wrdreg $0x0  }
0xa8: {  	s5 =	sshll.u32 s28, $0x1;
	[dreg:$0x2] =	wrdreg s3  }
0xa9: {  	[dreg:$0x3] =	wrdreg s5  }
0xaa: {  	[dreg:$0x4] =	wrdreg $0xC0  }
0xab: {  	_ =	task [dreg:s7], $0x5FFFF  }
0xac: {  	[dreg:$0x1] =	wrdreg $0xFFFFFFFF  }
0xad: {  	[dreg:$0x0] =	wrdreg $0x60  }
0xae: {  	[dreg:$0x2] =	wrdreg s24  }
0xaf: {  	[dreg:$0x3] =	wrdreg s2  }
0xb0: {  	[dreg:$0x4] =	wrdreg $0x9  }
0xb1: {  	_ =	task.clear_ibuf [dreg:s7], $0x5FFFF;
	_ =	strace $0x9000004C  }
0xb2: {  	s29 =	simm.s32 $0x9;
	_ =	strace $0x8000004E  }
0xb3: {  	_ =	swait.ge [sflag:s29], $0x1  }
0xb4: {  	[sflag:s29] =	ssyncadd.s32 $0xFFFFFFFF  }
0xb5: {  	_ =	strace $0x9000004E  }
0xb6: {  	_ =	sfence  }
0xb7: {  	s30 =	sld [smem:$0x0];
	_ =	sdelay $0x2  }
0xb8: {  	s31 =	sshll.u32 s1, $0xD;
	s1 =	sshrl.u32 s1, $0x2  }
0xb9: {  	s3 =	sand.u32 $0x4000, s31;
	s1 =	sadd.s32 s1, s30  }
0xba: {  	s0 =	sor.u32 s3, s0;
	s1 =	sshll.u32 s1, $0x11  }
0xbb: {  	s0 =	sor.u32 s1, s0  }
0xbc: {  	s0 =	sadd.s32 $0x8F2B, s0  }
0xbd: {  	[sflag:s0] =	ssyncadd.remote.s32 $0x1  }
0xbe: {  	_ =	sfence.sel $0xFFFF  }
0xbf: {  	[dreg:$0x0] =	wrdreg $0xFFFFFFFF;
	(pc) =	sbr.abs _section_cstart, $3  }
0xc0: {  	[dreg:$0x1] =	wrdreg $0xFFFFFFFF  }
0xc1: {  	_ =	task.clear_ibuf [dreg:s7], $0x2FFFF;
	_ =	strace $0x9FFFFFFF  }
0xc2: {  	(tm) =	ssettm $0x7FFFFFFF  }
0xc3: {  	_ =	shalt  }
tec
execute0_lowered:
.L_overlay_start_1:
0x0: {  	(tag) =	ssettag $0x1  }
0x1: {  	s0 =	srdreg.scid  }
0x2: {  	s5 =	sand.u32 $0x1, s0;
	s0 =	stileid.u32  }
0x3: {  	s3 =	sor.u32 s0, s5  }
0x4: {  	p0 =	sne.s32 s3, $0x0  }
.Ltmp0:
0x5: {  	_ = 	snop;
	(pc) =	sbr.rel @!p0 .LBB2_1-.Ltmp0, $3  }
0x6: {  	_ =	sdelay $0x1  }
0x7: {  	s1 =	rddreg [dreg:$0x0]  }
0x8: {  	s2 =	rddreg [dreg:$0x1];
	_ =	strace $0x8000004D  }
.LBB2_16:
0x9: {  	_ =	sfence.sel $0x180000  }
0xa: {  	[bflag:$0x0] =	sbarrier.arrive $0xFFFF  }
0xb: {  	_ =	strace $0x9000004D  }
0xc: {  	[bflag:$0x2] =	sbarrier.arrive $0xFFFF  }
0xd: {  	p0 =	sne.s32 s0, $0x0;
	s0 =	rddreg [dreg:$0x2]  }
0xe: {  	s0 =	sadd.s32 @!p0 $0x100000, s0  }
0xf: {  	[sflag:s0] =	ssyncadd.tile.s32 @!p0 $0x1;
	_ =	shalt  }
.LBB2_1:
0x10: {  	s3 =	sadd.s32 $0x800, s1  }
0x11: {  	s4 =	sadd.s32 $0xA00, s1;
	s9 =	ssub.s32 $0x2, s5;
	s5 =	sadd.s32 $0x200, s1  }
.Ltmp1:
0x12: {  	s6 =	sadd.s32 $0xC00, s1;
	s7 =	sadd.s32 $0xE00, s1;
	(pc) =	sbr.rel .LBB2_2-.Ltmp1, $4  }
0x13: {  	s8 =	sadd.s32 $0x1000, s1;
	s11 =	simm.s32 $0x1;
	s12 =	simm.s32 $0x1080  }
0x14: {  	s13 =	simm.s32 $0x6200;
	s14 =	simm.s32 $0x6280;
	s15 =	simm.s32 $0x6300  }
0x15: {  	s16 =	simm.s32 $0x2100;
	s17 =	simm.s32 $0x4180;
	s10 =	sshrl.u32 s9, $0x1  }
0x16: {  	s18 =	simm.s32 $0x0;
	s9 =	ssub.s32 s9, s10;
	s10 =	simm.s32 $0x0  }
.LBB2_15:
0x17: {  	[hbm4b:s2+s10] =	stream.linear.scatter [tilespmem:s16], [sflag:$0x1], $0x2000, $0x38;
	[tilespmem:$0x6380] =	vst v63  }
0x18: {  	s18 =	sadd.s32 $0x1, s18;
	_ =	swait.ge [sflag:s11], $0x2000  }
0x19: {  	p0 =	sne.s32 s18, s9;
	[sflag:s11] =	ssyncset.done $0x0  }
.Ltmp2:
0x1a: {  	[sflag:s11] =	ssyncadd.s32 $0xFFFFE000;
	(pc) =	sbr.rel @!p0 .LBB2_16-.Ltmp2, $4  }
0x1b: {  	[hbm4b:s8+s10] =	stream.linear.scatter [tilespmem:s17], [sflag:$0x1], $0x2000, $0x38;
	[tilespmem:$0x6380] =	vst v63  }
0x1c: {  	_ =	swait.ge [sflag:s11], $0x2000  }
0x1d: {  	[sflag:s11] =	ssyncset.done $0x0  }
0x1e: {  	[sflag:s11] =	ssyncadd.s32 $0xFFFFE000  }
.LBB2_2:
0x1f: {  	[tilespmem:s10], [sflag:$0x1] =	stream.linear.gather [hbm4b:s3+s10], $0x1000, $0x38;
	[tilespmem:$0x6380] =	vst v63  }
0x20: {  	_ =	swait.ge [sflag:s11], $0x1000  }
0x21: {  	[sflag:s11] =	ssyncset.done $0x0  }
0x22: {  	[sflag:s11] =	ssyncadd.s32 $0xFFFFF000  }
0x23: {  	[tilespmem:s12], [sflag:$0x1] =	stream.linear.gather [hbm4b:s4+s10], $0x1000, $0x38;
	[tilespmem:$0x6380] =	vst v63  }
0x24: {  	_ =	swait.ge [sflag:s11], $0x1000  }
0x25: {  	[sflag:s11] =	ssyncset.done $0x0  }
0x26: {  	[sflag:s11] =	ssyncadd.s32 $0xFFFFF000  }
0x27: {  	[tilespmem:s13], [sflag:$0x1] =	stream.linear.gather [hbm4b:s5+s10], $0x40, $0x38;
	[tilespmem:$0x6380] =	vst v63  }
0x28: {  	_ =	swait.ge [sflag:s11], $0x40  }
0x29: {  	[sflag:s11] =	ssyncset.done $0x0  }
0x2a: {  	[sflag:s11] =	ssyncadd.s32 $0xFFFFFFC0  }
0x2b: {  	[tilespmem:s14], [sflag:$0x1] =	stream.linear.gather [hbm4b:s6+s10], $0x40, $0x38;
	[tilespmem:$0x6380] =	vst v63  }
0x2c: {  	_ =	swait.ge [sflag:s11], $0x40  }
0x2d: {  	[sflag:s11] =	ssyncset.done $0x0  }
.Ltmp3:
0x2e: {  	[sflag:s11] =	ssyncadd.s32 $0xFFFFFFC0;
	(pc) =	sbr.rel .LBB2_3-.Ltmp3, $4  }
0x2f: {  	[tilespmem:s15], [sflag:$0x1] =	stream.linear.gather [hbm4b:s7+s10], $0x40, $0x38;
	[tilespmem:$0x6380] =	vst v63  }
0x30: {  	_ =	swait.ge [sflag:s11], $0x40  }
0x31: {  	[sflag:s11] =	ssyncset.done $0x0  }
0x32: {  	s19 =	simm.s32 $0x0;
	[sflag:s11] =	ssyncadd.s32 $0xFFFFFFC0  }
.LBB2_11:
0x33: {  	s1 =	sadd.s32 $0xFFFFFFF0, s20  }
0x34: {  	s21 =	sadd.s32 s1, s21;
	s22 =	sadd.s32 s1, s22  }
.LBB2_13:
0x35: {  	v0 =	vld [tilespmem:s21+$0x0];
	_ =	sdelay $0x4  }
0x36: {  	[tilespmem:s22+$0x2100] =	vst v0  }
0x37: {  	v0 =	vld [tilespmem:s21+$0x1080];
	_ =	sdelay $0x4  }
0x38: {  	[tilespmem:s22+$0x4180] =	vst v0  }
.LBB2_14:
0x39: {  	s19 =	sadd.s32 $0x1, s19  }
0x3a: {  	p0 =	sne.s32 s19, $0x40  }
.Ltmp4:
0x3b: {  	_ = 	snop;
	(pc) =	sbr.rel @!p0 .LBB2_15-.Ltmp4, $1  }
0x3c: {  	_ =	sdelay $0x3  }
.LBB2_3:
0x3d: {  	v0 =	vld [tilespmem:s19+$0x6200];
	_ =	sdelay $0x4  }
0x3e: {  	(v2sf) =	vpush v0, $0x0;
	_ =	sdelay $0x5  }
0x3f: {  	v63 =	vld [tilespmem:s19+$0x6280]  }
0x40: {  	v1 =	vld [tilespmem:s19+$0x6300];
	_ =	sdelay $0x3  }
0x41: {  	(v2sf) =	vpush v63, $0x0  }
0x42: {  	(v2sf) =	vpush v1, $0x0;
	_ =	sdelay $0x2  }
0x43: {  	s20 =	spop (v2sf)  }
0x44: {  	s1 =	sand.u32 $0xF, s20  }
0x45: {  	s21 =	sshra.s32 s20, $0x1F;
	p0 =	slt.s32 s20, $0x1;
	p1 =	sne.s32 s1, $0x0  }
0x46: {  	s31 =	sshrl.u32 s21, $0x1C;
	p0 =	por !p0, !p1  }
0x47: {  	s21 =	simm.s32 $0x1;
	s1 =	sadd.s32 s31, s20;
	p0 =	por !p0, !p0  }
0x48: {  	s1 =	sshra.s32 s1, $0x4;
	s21 =	simm.s32 @!p0 $0x0  }
0x49: {  	s23 =	ssub.s32 s1, s21  }
0x4a: {  	p0 =	slt.s32 s23, $0x1  }
.Ltmp5:
0x4b: {  	_ = 	snop;
	(pc) =	sbr.rel @p0 .LBB2_10-.Ltmp5, $3  }
0x4c: {  	_ =	sdelay $0x1  }
0x4d: {  	s21 =	spop (v2sf)  }
0x4e: {  	s22 =	spop (v2sf)  }
0x4f: {  	p1 =	sne.s32 s23, $0x1  }
.Ltmp6:
0x50: {  	_ = 	snop;
	(pc) =	sbr.rel @!p1 .LBB2_5-.Ltmp6, $4  }
0x51: {  	_ = 	snop  }
0x52: {  	s1 =	sshll.u32 s21, $0x2;
	s24 =	sshll.u32 s22, $0x2;
	s28 =	sadd.s32 $0xFFFFFFFF, s23  }
0x53: {  	p0 =	por $0x0, $0x0;
	s1 =	sshra.s32 s1, $0x2;
	s25 =	sshra.s32 s24, $0x2  }
0x54: {  	s24 =	sadd.s32 $0x1080, s1;
	s26 =	sadd.s32 $0x2100, s25;
	s25 =	sadd.s32 $0x4180, s25;
	v0 =	vld [tilespmem:s1+$0x0]  }
0x55: {  	_ =	sdelay $0x3  }
0x56: {  	[tilespmem:s26+$0x0] =	vst v0  }
0x57: {  	v0 =	vld [tilespmem:s24+$0x0]  }
0x58: {  	p1 =	sne.s32 s28, $0x1  }
.Ltmp7:
0x59: {  	_ = 	snop;
	(pc) =	sbr.rel @!p1 .LBB2_7-.Ltmp7, $3  }
0x5a: {  	_ =	sdelay $0x1  }
0x5b: {  	s31 =	sadd.s32 $0x10, s1;
	s1 =	sadd.s32 $0xFFFFFFFF, s28;
	p0 =	por $0x1, $0x1;
	[tilespmem:s25+$0x0] =	vst v0  }
0x5c: {  	s28 =	smov.u32 s26;
	s30 =	smov.u32 s24;
	s29 =	smov.u32 s25;
	v0 =	vld [tilespmem:s31+$0x0]  }
.LBB2_8:
0x5d: {  	p1 =	sne.s32 s1, $0x1;
	_ =	sdelay $0x2  }
0x5e: {  	s28 =	sadd.s32 $0x10, s28  }
0x5f: {  	s30 =	sadd.s32 $0x10, s30;
	[tilespmem:s28+$0x0] =	vst v0  }
0x60: {  	v0 =	vld [tilespmem:s30+$0x0];
	_ =	sdelay $0x1  }
.Ltmp8:
0x61: {  	(pc) =	sbr.rel @p1 .LBB2_8-.Ltmp8, $4  }
0x62: {  	_ = 	snop  }
0x63: {  	s29 =	sadd.s32 $0x10, s29  }
0x64: {  	s31 =	sadd.s32 $0x10, s31;
	[tilespmem:s29+$0x0] =	vst v0  }
0x65: {  	s1 =	sadd.s32 $0xFFFFFFFF, s1;
	v0 =	vld [tilespmem:s31+$0x0]  }
.LBB2_9:
0x66: {  	_ =	sdelay $0x1  }
0x67: {  	s1 =	sadd.s32 @p0 $0x10, s28  }
0x68: {  	s26 =	smov.u32 @p0 s1;
	s1 =	sadd.s32 @p0 $0x10, s30  }
0x69: {  	s24 =	smov.u32 @p0 s1;
	[tilespmem:s26+$0x0] =	vst v0  }
0x6a: {  	v0 =	vld [tilespmem:s24+$0x0];
	_ =	sdelay $0x2  }
0x6b: {  	s1 =	sadd.s32 @p0 $0x10, s29  }
0x6c: {  	s25 =	smov.u32 @p0 s1  }
0x6d: {  	[tilespmem:s25+$0x0] =	vst v0  }
.LBB2_10:
0x6e: {  	s1 =	sshll.u32 s23, $0x4  }
0x6f: {  	p0 =	slt.s32 s20, $0x10;
	s1 =	ssub.s32 s20, s1  }
0x70: {  	p1 =	slt.s32 @!p0 s1, $0x1  }
0x71: {  	p0 =	por p0, p1  }
.Ltmp9:
0x72: {  	_ = 	snop;
	(pc) =	sbr.rel @!p0 .LBB2_11-.Ltmp9, $1  }
0x73: {  	_ =	sdelay $0x3  }
0x74: {  	p0 =	sgt.s32 s20, $0xF  }
0x75: {  	p1 =	slt.s32 @!p0 s1, $0x1  }
0x76: {  	p0 =	por p0, p1  }
.Ltmp10:
0x77: {  	_ = 	snop;
	(pc) =	sbr.rel @!p0 .LBB2_13-.Ltmp10, $4  }
.Ltmp11:
0x78: {  	_ = 	snop;
	(pc) =	sbr.rel @p0 .LBB2_14-.Ltmp11, $4  }
0x79: {  	_ = 	snop  }
0x7a: {  	_ = 	snop  }
0x7b: {  	_ = 	snop  }
0x7c: {  	_ = 	snop  }
.LBB2_5:
.Ltmp12:
0x7d: {  	(pc) =	sbr.rel .LBB2_9-.Ltmp12, $2  }
0x7e: {  	_ =	sdelay $0x2  }
0x7f: {  	s28 =	smov.u32 s26;
	s30 =	smov.u32 s24;
	s29 =	smov.u32 s25  }
.LBB2_7:
.Ltmp13:
0x80: {  	(pc) =	sbr.rel .LBB2_9-.Ltmp13, $2  }
0x81: {  	_ =	sdelay $0x2  }
0x82: {  	s28 =	smov.u32 s26;
	s30 =	smov.u32 s24;
	s29 =	smov.u32 s25  }
.Lfunc_end2:
_tile_overlayer_lowered:
.L_overlay_start_2:
0x83: {  	(tag) =	ssettag $0x2  }
0x84: {  	s0 =	rddreg [dreg:$0x0];
	s2 =	stileid.u32  }
0x85: {  	s1 =	rddreg [dreg:$0x1];
	p0 =	sne.s32 s2, $0x0  }
0x86: {  	s3 =	rddreg [dreg:$0x2];
	[bflag:$0x3] =	sbarrier.arrive $0xFFFF;
	s2 =	simm.s32 @!p0 $0x1C01  }
0x87: {  	[timem:s3], [sflag:s2] =	dma.local @!p0 [hbm:s0], s1  }
0x88: {  	s0 =	simm.s32 @!p0 $0x1  }
0x89: {  	_ =	swait.ge @!p0 [sflag:s0], s1  }
0x8a: {  	s1 =	ssub.s32 @!p0 $0x0, s1;
	[sflag:s0] =	ssyncset.done @!p0 $0x0  }
0x8b: {  	[sflag:s0] =	ssyncadd.s32 @!p0 s1  }
0x8c: {  	[bflag:$0x3] =	sbarrier.arrive $0xFFFF  }
0x8d: {  	_ =	shalt  }

// kernel: scatter_offload_async_start
scs
__scs_entry_jumppad:
0x0: {  	(pc) =	sbr.rel $0x88, $3  }
0x1: {  	(tag) =	ssettag $0x0;
	lr =	simm.s32 $0x1  }
0x2: {  	[smem:$0x3F99] =	sst lr;
	_ =	strace $0xD0000000  }
0x3: {  	_ = 	snop  }
0x4: {  	_ = 	snop  }
0x5: {  	_ = 	snop  }
0x6: {  	_ = 	snop  }
0x7: {  	_ = 	snop  }
__scs_overlays_trampoline_lowered:
0x8: {  	[smem:$0x3FA8] =	sst s0  }
0x9: {  	[smem:$0x3FA9] =	sst s1  }
0xa: {  	[smem:$0x3FAA] =	sst s2  }
0xb: {  	[smem:$0x3FAB] =	sst s3  }
0xc: {  	[smem:$0x3FAC] =	sst s4  }
0xd: {  	[smem:$0x3FAD] =	sst s5  }
0xe: {  	[smem:$0x3FAE] =	sst s6  }
0xf: {  	[smem:$0x3FAF] =	sst s7  }
0x10: {  	[smem:$0x3FB0] =	sst s8  }
0x11: {  	[smem:$0x3FB1] =	sst s9;
	s0 =	simm.s32 @!p0 $0x0  }
0x12: {  	s1 =	sld [smem:$0x3F97];
	s0 =	simm.s32 @p0 $0x1  }
0x13: {  	[smem:$0x3FB2] =	sst s0;
	s0 =	simm.s32 @!p1 $0x0  }
0x14: {  	s2 =	sld [smem:$0x3F96];
	s0 =	simm.s32 @p1 $0x1  }
0x15: {  	[smem:$0x3FB3] =	sst s0;
	s0 =	simm.s32 @!p2 $0x0  }
0x16: {  	s3 =	sld [smem:$0x3FDB];
	s0 =	simm.s32 @p2 $0x1  }
0x17: {  	s4 =	simm.s32 $0x1BF5;
	[smem:$0x3FB5] =	sst s0  }
0x18: {  	s0 =	sld [smem:$0x3F98];
	_ =	swait.ge [sflag:s4], $0x0  }
0x19: {  	s7 =	sld [smem:$0x3F99]  }
0x1a: {  	s8 =	sadd.s32 $0xFFFFE003, lr  }
0x1b: {  	s9 =	sadd.s32 $0xFFFFFEF7, lr;
	s5 =	simm.s32 $0xFFFFFFFF;
	p2 =	slt.u32 s8, $0xFFFFF086  }
0x1c: {  	p1 =	slt.u32 s9, $0xF7A;
	s5 =	simm.s32 @!p2 $0x0  }
0x1d: {  	s5 =	simm.s32 @p1 $0x1;
	p0 =	seq.s32 s7, s2  }
0x1e: {  	s7 =	smul.u32 @!p0 $0xF7A, s2;
	p2 =	seq.s32 @!p0 s5, $0x0  }
0x1f: {  	s9 =	smul.u32 $0xF7A, s1;
	s8 =	simm.s32 @!p0 $0x1BF5;
	p2 =	por !p2, p0  }
0x20: {  	[sflag:s8] =	ssyncset.s32 @!p0 $0xFFFFF086;
	s6 =	sadd.s32 @!p0 s3, s7;
	s7 =	simm.s32 @!p0 $0x108  }
0x21: {  	s3 =	sadd.s32 s3, s9;
	s6 =	sadd.s32 @!p0 $0x88, s6;
	s7 =	simm.s32 @p2 $0x1082  }
0x22: {  	[simem:s7], [sflag:s8] =	dma.local @!p0 [hbm:s6], $0xF7A  }
0x23: {  	s9 =	sor.u32 $0xD0000000, s2;
	s6 =	simm.s32 $0x108;
	_ =	swait.ge @!p0 [sflag:s8], $0x0  }
0x24: {  	s3 =	sadd.s32 $0x88, s3;
	s6 =	simm.s32 @!p1 $0x1082;
	[sflag:s4] =	ssyncset.s32 $0xFFFFF086  }
0x25: {  	[simem:s6], [sflag:s4] =	dma.local [hbm:s3], $0xF7A  }
0x26: {  	[smem:$0x3F99] =	sst s1;
	(tag) =	ssettag s2;
	_ =	strace s9  }
0x27: {  	s1 =	sld [smem:$0x3FA9]  }
0x28: {  	s2 =	sld [smem:$0x3FAA]  }
0x29: {  	s4 =	sld [smem:$0x3FAC]  }
0x2a: {  	p0 =	seq.s32 s5, $0x0;
	s5 =	sld [smem:$0x3FAD]  }
0x2b: {  	s6 =	sld [smem:$0x3FAE]  }
0x2c: {  	s7 =	sld [smem:$0x3FAF]  }
0x2d: {  	s3 =	simm.s32 $0x108;
	s8 =	sld [smem:$0x3FB0]  }
0x2e: {  	s3 =	simm.s32 @!p0 $0x1082;
	s9 =	sld [smem:$0x3FB1]  }
0x2f: {  	lr =	sadd.s32 s0, s3;
	s0 =	sld [smem:$0x3FA8]  }
0x30: {  	s3 =	sld [smem:$0x3FAB]  }
0x31: {  	[smem:$0x3FB4] =	sst s10  }
0x32: {  	s10 =	sld [smem:$0x3FB2];
	_ =	sdelay $0x3  }
0x33: {  	p0 =	seq.s32 s10, $0x1;
	s10 =	sld [smem:$0x3FB4];
	_ =	sdelay $0x3  }
0x34: {  	[smem:$0x3FB4] =	sst s10  }
0x35: {  	s10 =	sld [smem:$0x3FB3];
	_ =	sdelay $0x3  }
0x36: {  	p1 =	seq.s32 s10, $0x1;
	s10 =	sld [smem:$0x3FB4];
	_ =	sdelay $0x3  }
0x37: {  	[smem:$0x3FB4] =	sst s10  }
0x38: {  	s10 =	sld [smem:$0x3FB5]  }
0x39: {  	_ = 	snop;
	(pc) =	sbr.ind lr, $3  }
0x3a: {  	_ = 	snop  }
0x3b: {  	_ = 	snop  }
0x3c: {  	p2 =	seq.s32 s10, $0x1;
	s10 =	sld [smem:$0x3FB4]  }
0x3d: {  	_ =	shalt  }
0x3e: {  	_ =	shalt  }
0x3f: {  	_ =	shalt  }
0x40: {  	_ =	shalt  }
0x41: {  	_ =	shalt  }
0x42: {  	_ =	shalt  }
0x43: {  	_ =	shalt  }
0x44: {  	_ =	shalt  }
0x45: {  	_ =	shalt  }
0x46: {  	_ =	shalt  }
0x47: {  	_ =	shalt  }
0x48: {  	_ =	shalt  }
0x49: {  	_ =	shalt  }
0x4a: {  	_ =	shalt  }
0x4b: {  	_ =	shalt  }
0x4c: {  	_ =	shalt  }
0x4d: {  	_ =	shalt  }
0x4e: {  	_ =	shalt  }
0x4f: {  	_ =	shalt  }
0x50: {  	_ =	shalt  }
0x51: {  	_ =	shalt  }
0x52: {  	_ =	shalt  }
0x53: {  	_ =	shalt  }
0x54: {  	_ =	shalt  }
0x55: {  	_ =	shalt  }
0x56: {  	_ =	shalt  }
0x57: {  	_ =	shalt  }
0x58: {  	_ =	shalt  }
0x59: {  	_ =	shalt  }
0x5a: {  	_ =	shalt  }
0x5b: {  	_ =	shalt  }
0x5c: {  	_ =	shalt  }
0x5d: {  	_ =	shalt  }
0x5e: {  	_ =	shalt  }
0x5f: {  	_ =	shalt  }
0x60: {  	_ =	shalt  }
0x61: {  	_ =	shalt  }
0x62: {  	_ =	shalt  }
0x63: {  	_ =	shalt  }
0x64: {  	_ =	shalt  }
0x65: {  	_ =	shalt  }
0x66: {  	_ =	shalt  }
0x67: {  	_ =	shalt  }
0x68: {  	_ =	shalt  }
0x69: {  	_ =	shalt  }
0x6a: {  	_ =	shalt  }
0x6b: {  	_ =	shalt  }
0x6c: {  	_ =	shalt  }
0x6d: {  	_ =	shalt  }
0x6e: {  	_ =	shalt  }
0x6f: {  	_ =	shalt  }
0x70: {  	_ =	shalt  }
0x71: {  	_ =	shalt  }
0x72: {  	_ =	shalt  }
0x73: {  	_ =	shalt  }
0x74: {  	_ =	shalt  }
0x75: {  	_ =	shalt  }
0x76: {  	_ =	shalt  }
0x77: {  	_ =	shalt  }
0x78: {  	_ =	shalt  }
0x79: {  	_ =	shalt  }
0x7a: {  	_ =	shalt  }
0x7b: {  	_ =	shalt  }
0x7c: {  	_ =	shalt  }
0x7d: {  	_ =	shalt  }
0x7e: {  	_ =	shalt  }
0x7f: {  	_ =	shalt  }
0x80: {  	_ =	shalt  }
0x81: {  	_ =	shalt  }
0x82: {  	_ =	shalt  }
0x83: {  	_ =	shalt  }
0x84: {  	_ =	shalt  }
0x85: {  	_ =	shalt  }
0x86: {  	_ =	shalt  }
0x87: {  	_ =	shalt  }
.Lfunc_end0:
.L_simem_size_0:
called_computation_lowered:
.L_overlay_start_0:
0x88: {  	s0 =	sld [smem:$0x3FD9]  }
0x89: {  	s1 =	sld [smem:$0x3FFE];
	_ =	sdelay $0x3  }
0x8a: {  	s0 =	sadd.s32 s1, s0  }
0x8b: {  	[smem:$0x3FC0] =	sst s0  }
0x8c: {  	_ = 	snop  }
0x8d: {  	s0 =	sld [smem:$0x3FD0];
	(tm) =	ssettm $0x1  }
0x8e: {  	s16 =	sld [smem:$0x3FFB];
	_ =	sdelay $0x3  }
0x8f: {  	_ =	strace s16  }
0x90: {  	s1 =	sld [smem:$0x3FFC];
	_ =	sdelay $0x3  }
0x91: {  	_ =	strace s1  }
0x92: {  	s1 =	sld [smem:$0x3FFD];
	_ =	sdelay $0x3  }
0x93: {  	_ =	strace s1  }
0x94: {  	_ =	strace $0x8FFFFFFF  }
0x95: {  	s17 =	sld [smem:$0x3FDB];
	_ =	sdelay $0x1  }
0x96: {  	s2 =	simm.s32 $_scs_section_size  }
0x97: {  	s3 =	simm.s32 $_size__tile_overlayer_lowered;
	s4 =	simm.s32 $_tile_overlayer_lowered  }
0x98: {  	s20 =	simm.s32 $0x1BFF;
	s19 =	sshll.u32 s4, $0x1;
	s1 =	sadd.s32 s2, s17  }
0x99: {  	s5 =	simm.s32 $0x0;
	s18 =	sshll.u32 s3, $0x1;
	s3 =	sadd.s32 s19, s1  }
0x9a: {  	[timem:s5], [sflag:s20] =	dma.local [hbm:s3], s18  }
0x9b: {  	_ =	swait.ge [sflag:s20], s18  }
0x9c: {  	s2 =	ssub.s32 $0x0, s18;
	[sflag:s20] =	ssyncset.done $0x0  }
0x9d: {  	[sflag:s20] =	ssyncadd.s32 s2;
	_ =	sdelay $0x1  }
0x9e: {  	s21 =	simm.s32 $0x1B8B  }
0x9f: {  	_ =	swait.ge [sflag:s21], $0x1  }
0xa0: {  	[sflag:s21] =	ssyncset.done $0x0  }
0xa1: {  	s23 =	simm.s32 $0x1B8E;
	s22 =	sld [smem:$0x3FFE];
	[sflag:s21] =	ssyncadd.s32 $0xFFFFFFFF  }
0xa2: {  	s24 =	simm.s32 $execute0_lowered;
	[smem:$0x3FD2] =	sst s23  }
0xa3: {  	s3 =	sshll.u32 s24, $0x1;
	_ =	strace $0x80000046;
	[dreg:$0x1] =	wrdreg $0xFFFFFFFF  }
0xa4: {  	s25 =	simm.s32 $_size_execute0_lowered;
	s1 =	sadd.s32 s1, s3;
	[dreg:$0x0] =	wrdreg $0x0  }
0xa5: {  	s3 =	sshll.u32 s25, $0x1;
	[dreg:$0x2] =	wrdreg s1  }
0xa6: {  	[dreg:$0x3] =	wrdreg s3  }
0xa7: {  	[dreg:$0x4] =	wrdreg $0xC0  }
0xa8: {  	_ =	task [dreg:s5], $0x5FFFF  }
0xa9: {  	[dreg:$0x1] =	wrdreg $0xFFFFFFFF  }
0xaa: {  	[dreg:$0x0] =	wrdreg $0x60  }
0xab: {  	[dreg:$0x2] =	wrdreg s22  }
0xac: {  	[dreg:$0x3] =	wrdreg s0  }
0xad: {  	[dreg:$0x4] =	wrdreg $0x9  }
0xae: {  	_ =	task.clear_ibuf [dreg:s5], $0x5FFFF;
	_ =	strace $0x90000046  }
0xaf: {  	s26 =	simm.s32 $0x9;
	_ =	strace $0x80000048  }
0xb0: {  	_ =	swait.ge [sflag:s26], $0x1  }
0xb1: {  	[sflag:s26] =	ssyncadd.s32 $0xFFFFFFFF  }
0xb2: {  	_ =	strace $0x90000048  }
0xb3: {  	_ =	sfence  }
0xb4: {  	s28 =	sld [smem:$0x0];
	_ =	sdelay $0x1  }
0xb5: {  	s29 =	srdreg.scid  }
0xb6: {  	s30 =	sshll.u32 s29, $0xD;
	s31 =	sshrl.u32 s29, $0x2  }
0xb7: {  	s2 =	sand.u32 $0x4000, s30;
	s1 =	sand.u32 $0x1, s29;
	s0 =	sadd.s32 s31, s28  }
0xb8: {  	s1 =	sor.u32 s2, s1;
	s0 =	sshll.u32 s0, $0x11  }
0xb9: {  	s0 =	sor.u32 s0, s1  }
0xba: {  	s0 =	sadd.s32 $0x8F2B, s0  }
0xbb: {  	[sflag:s0] =	ssyncadd.remote.s32 $0x1  }
0xbc: {  	_ =	sfence.sel $0xFFFF  }
0xbd: {  	[dreg:$0x0] =	wrdreg $0xFFFFFFFF;
	(pc) =	sbr.abs _section_cstart, $3  }
0xbe: {  	[dreg:$0x1] =	wrdreg $0xFFFFFFFF  }
0xbf: {  	_ =	task.clear_ibuf [dreg:s5], $0x2FFFF;
	_ =	strace $0x9FFFFFFF  }
0xc0: {  	(tm) =	ssettm $0x7FFFFFFF  }
0xc1: {  	_ =	shalt  }
tec
execute0_lowered:
.L_overlay_start_1:
0x0: {  	(tag) =	ssettag $0x1  }
0x1: {  	s5 =	rddreg [dreg:$0x0]  }
0x2: {  	s6 =	rddreg [dreg:$0x1]  }
0x3: {  	s0 =	rddreg [dreg:$0x2];
	_ =	strace $0x80000047;
	s7 =	stileid.u32  }
0x4: {  	s3 =	simm.s32 $0x3E;
	s1 =	sadd.s32 $0x200, s5;
	p0 =	sne.s32 s7, $0x0  }
0x5: {  	[sflag:s3] =	ssyncpa.u1 $0x0;
	s4 =	simm.s32 @!p0 $0x1C3E;
	s2 =	simm.s32 @!p0 $0x0  }
0x6: {  	[spmem:s2], [sflag:s4] =	dma.local @!p0 [hbm:s1], $0x10  }
0x7: {  	s4 =	simm.s32 @!p0 $0x3E  }
0x8: {  	_ =	swait.ge @!p0 [sflag:s4], $0x10  }
0x9: {  	[sflag:s4] =	ssyncset.done @!p0 $0x0  }
0xa: {  	[sflag:s4] =	ssyncadd.s32 @!p0 $0xFFFFFFF0  }
0xb: {  	s9 =	simm.s32 $0x108;
	s8 =	sadd.s32 $0x400, s5;
	[bflag:$0x0] =	sbarrier.arrive $0xFFFF  }
0xc: {  	s7 =	sshll.u32 s7, $0x5;
	[sflag:s3] =	ssyncpa.u1 $0x1;
	s3 =	simm.s32 $0x1  }
0xd: {  	s5 =	simm.s32 $0x0;
	s4 =	simm.s32 $0x2;
	[sflag:s3] =	ssyncpa.u1 $0x0  }
0xe: {  	s6 =	sadd.s32 s6, s7;
	(ifvalue) =	ssetifvalue $0x80;
	[sflag:s4] =	ssyncpa.u1 $0x0  }
0xf: {  	[tilespmem:s9], [sflag:$0x2] =	stream.linear.gather [hbm4b:s6+s5], $0x100, $0x38;
	[tilespmem:$0x408] =	vst v63  }
0x10: {  	s23 =	simm.s32 $0x308;
	s22 =	sadd.s32 s8, s7  }
0x11: {  	[tilespmem:s23], [sflag:$0x2] =	stream.linear.gather [hbm4b:s22+s5], $0x100, $0x38;
	[tilespmem:$0x408] =	vst v63  }
0x12: {  	_ =	swait.ge [sflag:s4], $0x200  }
0x13: {  	[sflag:s4] =	ssyncset.done $0x0  }
0x14: {  	[sflag:s4] =	ssyncadd.s32 $0xFFFFFE00  }
0x15: {  	v0 =	vld.msk [tilespmem:s9+$0x0 ss:$0x1], $0xffff;
	_ =	sdelay $0x4  }
0x16: {  	v0 =	vmin.u32 v0, $0x80;
	_ =	sdelay $0x3  }
0x17: {  	vm0 =	vmmov $0xffff;
	s24 =	simm.s32 $0x118  }
0x18: {  	[spmem:s5] =	stream.indirect_vreg.scatter.add.s32 [tilespmem:s23], [sflag:$0x1], $0x1, v0, vm0, $0x4038;
	[tilespmem:$0x408] =	vst v63  }
0x19: {  	v0 =	vld.msk [tilespmem:s24+$0x0 ss:$0x1], $0xffff;
	_ =	sdelay $0x4  }
0x1a: {  	v0 =	vmin.u32 v0, $0x80;
	_ =	sdelay $0x3  }
0x1b: {  	s25 =	simm.s32 $0x318;
	s26 =	simm.s32 $0x128  }
0x1c: {  	[spmem:s5] =	stream.indirect_vreg.scatter.add.s32 [tilespmem:s25], [sflag:$0x1], $0x1, v0, vm0, $0x4038;
	[tilespmem:$0x408] =	vst v63  }
0x1d: {  	v0 =	vld.msk [tilespmem:s26+$0x0 ss:$0x1], $0xffff;
	_ =	sdelay $0x4  }
0x1e: {  	v0 =	vmin.u32 v0, $0x80;
	_ =	sdelay $0x3  }
0x1f: {  	s28 =	simm.s32 $0x328;
	s29 =	simm.s32 $0x138  }
0x20: {  	[spmem:s5] =	stream.indirect_vreg.scatter.add.s32 [tilespmem:s28], [sflag:$0x1], $0x1, v0, vm0, $0x4038;
	[tilespmem:$0x408] =	vst v63  }
0x21: {  	v0 =	vld.msk [tilespmem:s29+$0x0 ss:$0x1], $0xffff;
	_ =	sdelay $0x4  }
0x22: {  	v0 =	vmin.u32 v0, $0x80;
	_ =	sdelay $0x3  }
0x23: {  	s30 =	simm.s32 $0x338;
	s31 =	simm.s32 $0x148  }
0x24: {  	[spmem:s5] =	stream.indirect_vreg.scatter.add.s32 [tilespmem:s30], [sflag:$0x1], $0x1, v0, vm0, $0x4038;
	[tilespmem:$0x408] =	vst v63  }
0x25: {  	v0 =	vld.msk [tilespmem:s31+$0x0 ss:$0x1], $0xffff;
	_ =	sdelay $0x4  }
0x26: {  	v0 =	vmin.u32 v0, $0x80;
	_ =	sdelay $0x3  }
0x27: {  	s7 =	simm.s32 $0x348;
	s8 =	simm.s32 $0x158  }
0x28: {  	[spmem:s5] =	stream.indirect_vreg.scatter.add.s32 [tilespmem:s7], [sflag:$0x1], $0x1, v0, vm0, $0x4038;
	[tilespmem:$0x408] =	vst v63  }
0x29: {  	v0 =	vld.msk [tilespmem:s8+$0x0 ss:$0x1], $0xffff;
	_ =	sdelay $0x4  }
0x2a: {  	v0 =	vmin.u32 v0, $0x80;
	_ =	sdelay $0x3  }
0x2b: {  	s10 =	simm.s32 $0x168;
	s9 =	simm.s32 $0x358  }
0x2c: {  	[spmem:s5] =	stream.indirect_vreg.scatter.add.s32 [tilespmem:s9], [sflag:$0x1], $0x1, v0, vm0, $0x4038;
	[tilespmem:$0x408] =	vst v63  }
0x2d: {  	v0 =	vld.msk [tilespmem:s10+$0x0 ss:$0x1], $0xffff;
	_ =	sdelay $0x4  }
0x2e: {  	v0 =	vmin.u32 v0, $0x80;
	_ =	sdelay $0x3  }
0x2f: {  	s11 =	simm.s32 $0x368;
	s12 =	simm.s32 $0x178  }
0x30: {  	[spmem:s5] =	stream.indirect_vreg.scatter.add.s32 [tilespmem:s11], [sflag:$0x1], $0x1, v0, vm0, $0x4038;
	[tilespmem:$0x408] =	vst v63  }
0x31: {  	v0 =	vld.msk [tilespmem:s12+$0x0 ss:$0x1], $0xffff;
	_ =	sdelay $0x4  }
0x32: {  	v0 =	vmin.u32 v0, $0x80;
	_ =	sdelay $0x3  }
0x33: {  	s13 =	simm.s32 $0x378;
	s14 =	simm.s32 $0x188  }
0x34: {  	[spmem:s5] =	stream.indirect_vreg.scatter.add.s32 [tilespmem:s13], [sflag:$0x1], $0x1, v0, vm0, $0x4038;
	[tilespmem:$0x408] =	vst v63  }
0x35: {  	v0 =	vld.msk [tilespmem:s14+$0x0 ss:$0x1], $0xffff;
	_ =	sdelay $0x4  }
0x36: {  	v0 =	vmin.u32 v0, $0x80;
	_ =	sdelay $0x3  }
0x37: {  	s15 =	simm.s32 $0x388;
	s16 =	simm.s32 $0x198  }
0x38: {  	[spmem:s5] =	stream.indirect_vreg.scatter.add.s32 [tilespmem:s15], [sflag:$0x1], $0x1, v0, vm0, $0x4038;
	[tilespmem:$0x408] =	vst v63  }
0x39: {  	v0 =	vld.msk [tilespmem:s16+$0x0 ss:$0x1], $0xffff;
	_ =	sdelay $0x4  }
0x3a: {  	v0 =	vmin.u32 v0, $0x80;
	_ =	sdelay $0x3  }
0x3b: {  	s17 =	simm.s32 $0x398;
	s18 =	simm.s32 $0x1A8  }
0x3c: {  	[spmem:s5] =	stream.indirect_vreg.scatter.add.s32 [tilespmem:s17], [sflag:$0x1], $0x1, v0, vm0, $0x4038;
	[tilespmem:$0x408] =	vst v63  }
0x3d: {  	v0 =	vld.msk [tilespmem:s18+$0x0 ss:$0x1], $0xffff;
	_ =	sdelay $0x4  }
0x3e: {  	v0 =	vmin.u32 v0, $0x80;
	_ =	sdelay $0x3  }
0x3f: {  	s19 =	simm.s32 $0x3A8;
	s20 =	simm.s32 $0x1B8  }
0x40: {  	[spmem:s5] =	stream.indirect_vreg.scatter.add.s32 [tilespmem:s19], [sflag:$0x1], $0x1, v0, vm0, $0x4038;
	[tilespmem:$0x408] =	vst v63  }
0x41: {  	v0 =	vld.msk [tilespmem:s20+$0x0 ss:$0x1], $0xffff;
	_ =	sdelay $0x4  }
0x42: {  	v0 =	vmin.u32 v0, $0x80;
	_ =	sdelay $0x3  }
0x43: {  	s21 =	simm.s32 $0x3B8;
	s22 =	simm.s32 $0x1C8  }
0x44: {  	[spmem:s5] =	stream.indirect_vreg.scatter.add.s32 [tilespmem:s21], [sflag:$0x1], $0x1, v0, vm0, $0x4038;
	[tilespmem:$0x408] =	vst v63  }
0x45: {  	v0 =	vld.msk [tilespmem:s22+$0x0 ss:$0x1], $0xffff;
	_ =	sdelay $0x4  }
0x46: {  	v0 =	vmin.u32 v0, $0x80;
	_ =	sdelay $0x3  }
0x47: {  	s23 =	simm.s32 $0x3C8;
	s24 =	simm.s32 $0x1D8  }
0x48: {  	[spmem:s5] =	stream.indirect_vreg.scatter.add.s32 [tilespmem:s23], [sflag:$0x1], $0x1, v0, vm0, $0x4038;
	[tilespmem:$0x408] =	vst v63  }
0x49: {  	v0 =	vld.msk [tilespmem:s24+$0x0 ss:$0x1], $0xffff;
	_ =	sdelay $0x4  }
0x4a: {  	v0 =	vmin.u32 v0, $0x80;
	_ =	sdelay $0x3  }
0x4b: {  	s25 =	simm.s32 $0x3D8;
	s26 =	simm.s32 $0x1E8  }
0x4c: {  	[spmem:s5] =	stream.indirect_vreg.scatter.add.s32 [tilespmem:s25], [sflag:$0x1], $0x1, v0, vm0, $0x4038;
	[tilespmem:$0x408] =	vst v63  }
0x4d: {  	v0 =	vld.msk [tilespmem:s26+$0x0 ss:$0x1], $0xffff;
	_ =	sdelay $0x4  }
0x4e: {  	v0 =	vmin.u32 v0, $0x80;
	_ =	sdelay $0x3  }
0x4f: {  	s28 =	simm.s32 $0x3E8;
	s29 =	simm.s32 $0x1F8  }
0x50: {  	[spmem:s5] =	stream.indirect_vreg.scatter.add.s32 [tilespmem:s28], [sflag:$0x1], $0x1, v0, vm0, $0x4038;
	[tilespmem:$0x408] =	vst v63  }
0x51: {  	v0 =	vld.msk [tilespmem:s29+$0x0 ss:$0x1], $0xffff;
	_ =	sdelay $0x4  }
0x52: {  	v0 =	vmin.u32 v0, $0x80;
	_ =	sdelay $0x3  }
0x53: {  	s30 =	simm.s32 $0x3F8  }
0x54: {  	[spmem:s5] =	stream.indirect_vreg.scatter.add.s32 [tilespmem:s30], [sflag:$0x1], $0x1, v0, vm0, $0x4038;
	[tilespmem:$0x408] =	vst v63  }
0x55: {  	_ =	swait.ge [sflag:s3], $0x100  }
0x56: {  	[sflag:s3] =	ssyncset.done $0x0  }
0x57: {  	[sflag:s3] =	ssyncadd.s32 $0xFFFFFF00  }
0x58: {  	_ =	sfence.sel $0x180000  }
0x59: {  	[bflag:$0x0] =	sbarrier.arrive $0xFFFF  }
0x5a: {  	[sflag:s4] =	ssyncpa.u1 $0x1  }
0x5b: {  	[sflag:s3] =	ssyncpa.u1 $0x1  }
0x5c: {  	_ =	sfence.stream.spmem  }
0x5d: {  	s31 =	simm.s32 $0x3D;
	[bflag:$0x0] =	sbarrier.arrive $0xFFFF  }
0x5e: {  	s3 =	simm.s32 @p0 $0x3D;
	[sflag:s31] =	ssyncpa.u1 $0x0  }
0x5f: {  	[sflag:s3] =	ssyncpa.u1 @p0 $0x1  }
0x60: {  	[bflag:$0x0] =	sbarrier.arrive @p0 $0xFFFF  }
0x61: {  	_ =	strace @p0 $0x90000047  }
0x62: {  	s3 =	simm.s32 @!p0 $0x1C3D;
	[bflag:$0x2] =	sbarrier.arrive @p0 $0xFFFF  }
0x63: {  	[hbm:s1], [sflag:s3] =	dma.local @!p0 [spmem:s2], $0x10  }
0x64: {  	s1 =	simm.s32 @!p0 $0x3D  }
0x65: {  	_ =	swait.ge @!p0 [sflag:s1], $0x10  }
0x66: {  	[sflag:s1] =	ssyncset.done @!p0 $0x0  }
0x67: {  	[sflag:s1] =	ssyncadd.s32 @!p0 $0xFFFFFFF0  }
0x68: {  	[sflag:s1] =	ssyncpa.u1 @!p0 $0x1  }
0x69: {  	[bflag:$0x0] =	sbarrier.arrive @!p0 $0xFFFF  }
0x6a: {  	_ =	strace @!p0 $0x90000047  }
0x6b: {  	s0 =	sadd.s32 @!p0 $0x100000, s0;
	[bflag:$0x2] =	sbarrier.arrive @!p0 $0xFFFF  }
0x6c: {  	[sflag:s0] =	ssyncadd.tile.s32 @!p0 $0x1;
	_ =	shalt  }
.Lfunc_end2:
_tile_overlayer_lowered:
.L_overlay_start_2:
0x6d: {  	(tag) =	ssettag $0x2  }
0x6e: {  	s0 =	rddreg [dreg:$0x0];
	s2 =	stileid.u32  }
0x6f: {  	s1 =	rddreg [dreg:$0x1];
	p0 =	sne.s32 s2, $0x0  }
0x70: {  	s3 =	rddreg [dreg:$0x2];
	[bflag:$0x3] =	sbarrier.arrive $0xFFFF;
	s2 =	simm.s32 @!p0 $0x1C01  }
0x71: {  	[timem:s3], [sflag:s2] =	dma.local @!p0 [hbm:s0], s1  }
0x72: {  	s0 =	simm.s32 @!p0 $0x1  }
0x73: {  	_ =	swait.ge @!p0 [sflag:s0], s1  }
0x74: {  	s1 =	ssub.s32 @!p0 $0x0, s1;
	[sflag:s0] =	ssyncset.done @!p0 $0x0  }
0x75: {  	[sflag:s0] =	ssyncadd.s32 @!p0 s1  }
0x76: {  	[bflag:$0x3] =	sbarrier.arrive $0xFFFF  }
0x77: {  	_ =	shalt  }

</sc_bundles>
